<compile_context>
chip_gen: v7x
topology: tpu7x:2x2x1
jax: 0.10.2.dev20260603
libtpu: 0.0.44.dev20260713+nightly
codegen_flags: <defaults>
</compile_context>

<pallas_src>
import functools

import jax
import jax.numpy as jnp
from jax import lax
from jax.experimental import pallas as pl
from jax.experimental.pallas import tpu as pltpu
from jax.experimental.pallas import tpu_sc as plsc

N = 10000
E = 320000
D = 128
Q = 16384
ALPHA = 0.1

NC = 2
NS = 16
NW = NC * NS
EPT = E // NW
CHUNK = 80
NQ = EPT // CHUNK
NBUF = 4
RPT = 640
RPT_LAST = N - RPT * (NS - 1)
N_PAD = RPT * NS

_MESH = plsc.VectorSubcoreMesh(
    core_axis_name="c", subcore_axis_name="s", num_cores=NC, num_subcores=NS)


@functools.partial(
    pl.kernel,
    out_type=jax.ShapeDtypeStruct((NC * N_PAD,), jnp.float32),
    mesh=_MESH,
    scratch_types=[
        pltpu.VMEM((NQ, CHUNK), jnp.int32),
        pltpu.VMEM((CHUNK,), jnp.float32),
        pltpu.VMEM((RPT,), jnp.float32),
        pltpu.VMEM_SHARED((N_PAD,), jnp.float32),
    ],
)
def _sc_degree(ei3_hbm, out_hbm, cbuf_v, ones_v, zero_v, hist_sh):
    c = lax.axis_index("c")
    s = lax.axis_index("s")
    wid = s * NC + c
    for i in range(CHUNK // 16):
        ones_v[pl.ds(i * 16, 16)] = jnp.ones((16,), jnp.float32)
    for i in range(RPT // 16):
        zero_v[pl.ds(i * 16, 16)] = jnp.zeros((16,), jnp.float32)
    pltpu.sync_copy(zero_v, hist_sh.at[pl.ds(s * RPT, RPT)])
    pltpu.sync_copy(ei3_hbm.at[NW + wid], cbuf_v)
    plsc.subcore_barrier()

    def body(q, carry):
        pltpu.sync_copy(ones_v, hist_sh.at[cbuf_v.at[q]], add=True)
        return carry

    lax.fori_loop(0, NQ, body, 0)
    plsc.subcore_barrier()
    pltpu.sync_copy(hist_sh.at[pl.ds(s * RPT, RPT)],
                    out_hbm.at[pl.ds(c * N_PAD + s * RPT, RPT)])


M8 = 2 * NBUF


@functools.partial(
    pl.kernel,
    out_type=jax.ShapeDtypeStruct((NC * N, D), jnp.float32),
    mesh=_MESH,
    scratch_types=[
        pltpu.VMEM((M8, CHUNK), jnp.int32),
        pltpu.VMEM((M8, CHUNK), jnp.int32),
        pltpu.VMEM((NBUF, CHUNK, D), jnp.float32),
        pltpu.VMEM_SHARED((N_PAD, D), jnp.float32),
    ] + [pltpu.SemaphoreType.DMA] * (2 * M8 + 2 * NBUF),
)
def _sc_scatter(hs_hbm, ei1_hbm, out_hbm,
                ridx_v, cidx_v, rows_v, agg_sh, *sems):
    sem_r = sems[0:M8]
    sem_c = sems[M8:2 * M8]
    sem_g = sems[2 * M8:2 * M8 + NBUF]
    sem_s = sems[2 * M8 + NBUF:2 * M8 + 2 * NBUF]
    c = lax.axis_index("c")
    s = lax.axis_index("s")
    wid = s * NC + c
    r0 = s * RPT
    e0 = wid * EPT
    @pl.when(s < NS - 1)
    def _():
        pltpu.sync_copy(hs_hbm.at[pl.ds(r0, RPT)], agg_sh.at[pl.ds(r0, RPT)])

    @pl.when(s == NS - 1)
    def _():
        pltpu.sync_copy(hs_hbm.at[pl.ds((NS - 1) * RPT, RPT_LAST)],
                        agg_sh.at[pl.ds((NS - 1) * RPT, RPT_LAST)])

    plsc.subcore_barrier()

    def idx_load(q, b8):
        pltpu.async_copy(ei1_hbm.at[pl.ds(e0 + q * CHUNK, CHUNK)],
                         ridx_v.at[b8], sem_r[b8])
        pltpu.async_copy(ei1_hbm.at[pl.ds(E + e0 + q * CHUNK, CHUNK)],
                         cidx_v.at[b8], sem_c[b8])

    def idx_wait_row(q, b8):
        pltpu.make_async_copy(ei1_hbm.at[pl.ds(e0 + q * CHUNK, CHUNK)],
                              ridx_v.at[b8], sem_r[b8]).wait()

    def idx_wait_col(q, b8):
        pltpu.make_async_copy(ei1_hbm.at[pl.ds(E + e0 + q * CHUNK, CHUNK)],
                              cidx_v.at[b8], sem_c[b8]).wait()

    def gather(b8, b4):
        pltpu.async_copy(hs_hbm.at[ridx_v.at[b8]], rows_v.at[b4], sem_g[b4])

    def gather_wait(b8, b4):
        pltpu.make_async_copy(hs_hbm.at[ridx_v.at[b8]],
                              rows_v.at[b4], sem_g[b4]).wait()

    def scat(b8, b4):
        pltpu.async_copy(rows_v.at[b4], agg_sh.at[cidx_v.at[b8]],
                         sem_s[b4], add=True)

    def scat_wait(b8, b4):
        pltpu.make_async_copy(rows_v.at[b4], agg_sh.at[cidx_v.at[b8]],
                              sem_s[b4]).wait()

    for b in range(NBUF - 1):
        idx_load(b, b)
    idx_wait_row(0, 0)
    gather(0, 0)

    def body(q, carry):
        par = lax.rem(q, M8)
        for b8 in range(M8):
            b4 = b8 % NBUF
            n8 = (b8 + 1) % M8
            n4 = (b8 + 1) % NBUF
            p8 = (b8 + NBUF - 1) % M8

            @pl.when((par == b8) & (q + NBUF - 1 < NQ))
            def _(p8=p8):
                idx_load(q + NBUF - 1, p8)

            @pl.when((par == b8) & (q + 1 < NQ))
            def _(n8=n8, n4=n4):
                @pl.when(q + 1 >= NBUF)
                def _():
                    scat_wait((n8 + NBUF) % M8, n4)
                idx_wait_row(q + 1, n8)
                gather(n8, n4)

            @pl.when(par == b8)
            def _(b8=b8, b4=b4):
                gather_wait(b8, b4)
                idx_wait_col(q, b8)
                scat(b8, b4)
        return carry

    lax.fori_loop(0, NQ, body, 0)
    for qq in range(NQ - NBUF, NQ):
        scat_wait(qq % M8, qq % NBUF)
    plsc.subcore_barrier()

    @pl.when(s < NS - 1)
    def _():
        pltpu.sync_copy(agg_sh.at[pl.ds(r0, RPT)],
                        out_hbm.at[pl.ds(c * N + r0, RPT)])

    @pl.when(s == NS - 1)
    def _():
        pltpu.sync_copy(agg_sh.at[pl.ds((NS - 1) * RPT, RPT_LAST)],
                        out_hbm.at[pl.ds(c * N + (NS - 1) * RPT, RPT_LAST)])


QPT = 2 * Q // NW
GCHUNK = 128


@functools.partial(
    pl.kernel,
    out_type=jax.ShapeDtypeStruct((2 * Q, D), jnp.float32),
    mesh=_MESH,
    scratch_types=[
        pltpu.VMEM((QPT,), jnp.int32),
        pltpu.VMEM((2, GCHUNK, D), jnp.float32),
        pltpu.SemaphoreType.DMA,
        pltpu.SemaphoreType.DMA,
    ],
)
def _sc_link(tab_hbm, idx_hbm, out_hbm, idx_v, rows_v, sem0, sem1):
    c = lax.axis_index("c")
    s = lax.axis_index("s")
    wid = s * NC + c
    base0 = wid * QPT
    pltpu.sync_copy(idx_hbm.at[pl.ds(base0, QPT)], idx_v)
    sems = (sem0, sem1)

    def gather(q, b):
        pltpu.async_copy(tab_hbm.at[idx_v.at[pl.ds(q * GCHUNK, GCHUNK)]],
                         rows_v.at[b], sems[b])

    def drain(q, b):
        pltpu.make_async_copy(tab_hbm.at[idx_v.at[pl.ds(q * GCHUNK, GCHUNK)]],
                              rows_v.at[b], sems[b]).wait()
        pltpu.sync_copy(rows_v.at[b],
                        out_hbm.at[pl.ds(base0 + q * GCHUNK, GCHUNK)])

    gather(0, 0)

    def body(q, carry):
        for b in range(2):
            @pl.when(lax.rem(q, 2) == b)
            def _(b=b):
                @pl.when(q + 1 < QPT // GCHUNK)
                def _():
                    gather(q + 1, 1 - b)
                drain(q, b)
        return carry

    lax.fori_loop(0, QPT // GCHUNK, body, 0)


BR = 1000


def _scales(dg):
    d = dg[:, 0:1] + dg[:, 1:2] + 1.0
    dis = lax.rsqrt(d)
    return (1.0 - ALPHA) * dis, ALPHA * lax.sqrt(d) - (1.0 - ALPHA) * dis, dis


def _tc_stage1_body(x_ref, w_ref, b_ref, dg_ref, hs_ref):
    h = lax.dot_general(x_ref[...], w_ref[...], (((1,), (1,)), ((), ())),
                        preferred_element_type=jnp.float32) + b_ref[...]
    d = dg_ref[:, 0:1] + dg_ref[:, 1:2] + 1.0
    hs_ref[...] = h * lax.rsqrt(d)


def _tc_stage1(x, w1, b1r, degcols):
    return pl.pallas_call(
        _tc_stage1_body,
        grid=(N // BR,),
        in_specs=[
            pl.BlockSpec((BR, D), lambda i: (i, 0)),
            pl.BlockSpec((D, D), lambda i: (0, 0)),
            pl.BlockSpec((1, D), lambda i: (0, 0)),
            pl.BlockSpec((BR, 2), lambda i: (i, 0)),
        ],
        out_specs=pl.BlockSpec((BR, D), lambda i: (i, 0)),
        out_shape=jax.ShapeDtypeStruct((N, D), jnp.float32),
    )(x, w1, b1r, degcols)


def _tc_stage2_body(hs_ref, s0_ref, s1_ref, w_ref, b_ref, dg_ref, h2s_ref):
    ca, cb, dis = _scales(dg_ref[...])
    out1 = jnp.maximum(ca * (s0_ref[...] + s1_ref[...]) + cb * hs_ref[...],
                       0.0)
    h2 = lax.dot_general(out1, w_ref[...], (((1,), (1,)), ((), ())),
                         preferred_element_type=jnp.float32) + b_ref[...]
    h2s_ref[...] = h2 * dis


def _tc_stage2(h1s, s2n, w2, b2r, degcols):
    return pl.pallas_call(
        _tc_stage2_body,
        grid=(N // BR,),
        in_specs=[
            pl.BlockSpec((BR, D), lambda i: (i, 0)),
            pl.BlockSpec((BR, D), lambda i: (i, 0)),
            pl.BlockSpec((BR, D), lambda i: (i + N // BR, 0)),
            pl.BlockSpec((D, D), lambda i: (0, 0)),
            pl.BlockSpec((1, D), lambda i: (0, 0)),
            pl.BlockSpec((BR, 2), lambda i: (i, 0)),
        ],
        out_specs=pl.BlockSpec((BR, D), lambda i: (i, 0)),
        out_shape=jax.ShapeDtypeStruct((N, D), jnp.float32),
    )(h1s, s2n, s2n, w2, b2r, degcols)


def _tc_stage3_body(hs_ref, s0_ref, s1_ref, dg_ref, o_ref):
    ca, cb, _ = _scales(dg_ref[...])
    o_ref[...] = jnp.maximum(
        ca * (s0_ref[...] + s1_ref[...]) + cb * hs_ref[...], 0.0)


def _tc_stage3(h2s, s2n, degcols):
    return pl.pallas_call(
        _tc_stage3_body,
        grid=(N // BR,),
        in_specs=[
            pl.BlockSpec((BR, D), lambda i: (i, 0)),
            pl.BlockSpec((BR, D), lambda i: (i, 0)),
            pl.BlockSpec((BR, D), lambda i: (i + N // BR, 0)),
            pl.BlockSpec((BR, 2), lambda i: (i, 0)),
        ],
        out_specs=pl.BlockSpec((BR, D), lambda i: (i, 0)),
        out_shape=jax.ShapeDtypeStruct((N, D), jnp.float32),
    )(h2s, s2n, s2n, degcols)


def _tc_head_body(g0_ref, g1_ref, wa_ref, wb_ref, b3_ref, o_ref):
    logits = (
        lax.dot_general(g0_ref[...], wa_ref[...], (((1,), (1,)), ((), ())),
                        preferred_element_type=jnp.float32)
        + lax.dot_general(g1_ref[...], wb_ref[...], (((1,), (1,)), ((), ())),
                          preferred_element_type=jnp.float32)
        + b3_ref[...])
    m = jnp.max(logits, axis=1, keepdims=True)
    lse = m + jnp.log(jnp.sum(jnp.exp(logits - m), axis=1, keepdims=True))
    o_ref[...] = logits - lse


BQ = 2048


def _tc_head(g, w3a, w3b, b3r):
    return pl.pallas_call(
        _tc_head_body,
        grid=(Q // BQ,),
        in_specs=[
            pl.BlockSpec((BQ, D), lambda i: (i, 0)),
            pl.BlockSpec((BQ, D), lambda i: (i + Q // BQ, 0)),
            pl.BlockSpec((2, D), lambda i: (0, 0)),
            pl.BlockSpec((2, D), lambda i: (0, 0)),
            pl.BlockSpec((1, 2), lambda i: (0, 0)),
        ],
        out_specs=pl.BlockSpec((BQ, 2), lambda i: (i, 0)),
        out_shape=jax.ShapeDtypeStruct((Q, 2), jnp.float32),
    )(g, g, w3a, w3b, b3r)


def kernel(x, edge_index, index, W1, b1, W2, b2, W3, b3):
    ei = edge_index.astype(jnp.int32)
    ei1 = ei.reshape(2 * E)
    ei3 = ei1.reshape(2 * NW, NQ, CHUNK)
    idx_all = index.astype(jnp.int32).T.reshape(2 * Q)
    b1r = b1.reshape(1, D)
    b2r = b2.reshape(1, D)
    b3r = b3.reshape(1, 2)
    w3a = W3[:, :D]
    w3b = W3[:, D:]

    deg_flat = _sc_degree(ei3)
    degcols = deg_flat.reshape(NC, N_PAD).T[:N]

    h1s = _tc_stage1(x, W1, b1r, degcols)
    s = _sc_scatter(h1s, ei1)
    h2s = _tc_stage2(h1s, s, W2, b2r, degcols)
    s2 = _sc_scatter(h2s, ei1)
    out2 = _tc_stage3(h2s, s2, degcols)
    g = _sc_link(out2, idx_all)
    return _tc_head(g, w3a, w3b, b3r)

# --- scband reference (transcript-rebuilt; emitter-appended) ---
"""Pipeline reference for scband-appnp-link-27152783245328 (READ-ONLY COPY).

The authoritative reference and input builder live on the scoring server;
editing this copy changes nothing except your own understanding.
"""

import jax, jax.numpy as jnp
import numpy as np

N = 10000
E = 320000
D_IN = 128
F_NUM = 128
D_OUT = 2
Q = 16384
ALPHA = 0.1
K_PROP = 1


def _appnp(x, row, col, alpha, k_iters, n_nodes):
    # add self loops (PyG APPNP default: add_self_loops=True, GCN symmetric norm)
    loop = jnp.arange(n_nodes, dtype=row.dtype)
    row_f = jnp.concatenate([row, loop])
    col_f = jnp.concatenate([col, loop])
    ones = jnp.ones(row_f.shape[0], dtype=x.dtype)
    deg = jnp.zeros((n_nodes,), dtype=x.dtype).at[col_f].add(ones)
    deg_inv_sqrt = jnp.where(deg > 0, deg ** -0.5, 0.0)
    norm = deg_inv_sqrt[row_f] * deg_inv_sqrt[col_f]
    h = x
    out = x
    for _ in range(k_iters):
        msg = out[row_f] * norm[:, None]
        agg = jnp.zeros_like(out).at[col_f].add(msg)
        out = (1.0 - alpha) * agg + alpha * h
    return out


def setup_inputs(seed: int = 0) -> dict:
    key = jax.random.key(seed)
    ks = jax.random.split(key, 12)
    x = jax.random.normal(ks[0], (N, D_IN), dtype=jnp.float32)
    edge_index = jax.random.randint(ks[1], (2, E), 0, N, dtype=jnp.int64)
    index = jax.random.randint(ks[2], (Q, 2), 0, N, dtype=jnp.int64)
    # learned parameters (Linear layers, torch convention: W [out, in])
    s1 = 1.0 / np.sqrt(D_IN)
    W1 = jax.random.uniform(ks[3], (F_NUM, D_IN), jnp.float32, -s1, s1)
    b1 = jax.random.uniform(ks[4], (F_NUM,), jnp.float32, -s1, s1)
    s2 = 1.0 / np.sqrt(F_NUM)
    W2 = jax.random.uniform(ks[5], (F_NUM, F_NUM), jnp.float32, -s2, s2)
    b2 = jax.random.uniform(ks[6], (F_NUM,), jnp.float32, -s2, s2)
    s3 = 1.0 / np.sqrt(2 * F_NUM)
    W3 = jax.random.uniform(ks[7], (D_OUT, 2 * F_NUM), jnp.float32, -s3, s3)
    b3 = jax.random.uniform(ks[8], (D_OUT,), jnp.float32, -s3, s3)
    return {"x": x, "edge_index": edge_index, "index": index,
            "W1": W1, "b1": b1, "W2": W2, "b2": b2, "W3": W3, "b3": b3}


def reference(x, edge_index, index, W1, b1, W2, b2, W3, b3):
    row, col = edge_index[0], edge_index[1]
    h = x @ W1.T + b1
    h = _appnp(h, row, col, ALPHA, K_PROP, N)
    h = jax.nn.relu(h)
    h = h @ W2.T + b2
    h = _appnp(h, row, col, ALPHA, K_PROP, N)
    h = jax.nn.relu(h)
    cat = jnp.concatenate([h[index[:, 0]], h[index[:, 1]]], axis=-1)
    # dropout=False -> (False > 0) is False -> no dropout applied
    out = cat @ W3.T + b3
    return jax.nn.log_softmax(out, axis=1)

if __name__ == "__main__":
    import jax
    _d = setup_inputs()
    print(jax.jit(kernel)(*tuple(_d.values())))

</pallas_src>

<mosaic_0001>
#map = affine_map<(d0, d1) -> (0, 0, 0)>
#map1 = affine_map<(d0, d1) -> (0)>
module attributes {stable_mosaic.version = 14 : i64} {
  func.func @_sc_degree(%arg0: i32, %arg1: i32, %arg2: memref<64x125x80xi32, #tpu.memory_space<hbm>>, %arg3: memref<20480xf32, #tpu.memory_space<hbm>>, %arg4: memref<125x80xi32, #tpu.memory_space<vmem>>, %arg5: memref<80xf32, #tpu.memory_space<vmem>>, %arg6: memref<640xf32, #tpu.memory_space<vmem>>, %arg7: memref<10240xf32, #tpu.memory_space<vmem_shared>>) attributes {dimension_semantics = [#tpu.dimension_semantics<core_parallel>, #tpu.dimension_semantics<subcore_parallel>], iteration_bounds = array<i64: 2, 16>, scalar_prefetch = 0 : i64, scratch_operands = 4 : i64, tpu.core_type = #tpu.core_type<sc_vector_subcore>, window_params = [{transform_indices = #map}, {transform_indices = #map1}]} {
    %mul3A = arith.constant 2 : i32
    %mul3A_0 = arith.muli %arg1, %mul3A : i32
    %add3A = arith.addi %mul3A_0, %arg0 : i32
    %broadcast_in_dim3A = arith.constant 1.000000e+00 : f32
    %broadcast_in_dim3A_1 = vector.broadcast %broadcast_in_dim3A : f32 to vector<16xf32>
    %swap3A = arith.constant 0 : index
    %swap3A_2 = tpu.vector_load %arg5[%swap3A] {strides = array<i32>} : memref<80xf32, #tpu.memory_space<vmem>>, vector<16xf32>,
    %swap3A_3 = vector.shape_cast %swap3A_2 : vector<16xf32> to vector<16xf32>
    %swap3A_4 = vector.shape_cast %broadcast_in_dim3A_1 : vector<16xf32> to vector<16xf32>
    tpu.vector_store %arg5[%swap3A], %swap3A_4 {strides = array<i32>} : memref<80xf32, #tpu.memory_space<vmem>>, vector<16xf32>,
    %broadcast_in_dim3A_5 = arith.constant 1.000000e+00 : f32
    %broadcast_in_dim3A_6 = vector.broadcast %broadcast_in_dim3A_5 : f32 to vector<16xf32>
    %swap3A_7 = arith.constant 16 : index
    %swap3A_8 = tpu.vector_load %arg5[%swap3A_7] {strides = array<i32>} : memref<80xf32, #tpu.memory_space<vmem>>, vector<16xf32>,
    %swap3A_9 = vector.shape_cast %swap3A_8 : vector<16xf32> to vector<16xf32>
    %swap3A_10 = vector.shape_cast %broadcast_in_dim3A_6 : vector<16xf32> to vector<16xf32>
    tpu.vector_store %arg5[%swap3A_7], %swap3A_10 {strides = array<i32>} : memref<80xf32, #tpu.memory_space<vmem>>, vector<16xf32>,
    %broadcast_in_dim3A_11 = arith.constant 1.000000e+00 : f32
    %broadcast_in_dim3A_12 = vector.broadcast %broadcast_in_dim3A_11 : f32 to vector<16xf32>
    %swap3A_13 = arith.constant 32 : index
    %swap3A_14 = tpu.vector_load %arg5[%swap3A_13] {strides = array<i32>} : memref<80xf32, #tpu.memory_space<vmem>>, vector<16xf32>,
    %swap3A_15 = vector.shape_cast %swap3A_14 : vector<16xf32> to vector<16xf32>
    %swap3A_16 = vector.shape_cast %broadcast_in_dim3A_12 : vector<16xf32> to vector<16xf32>
    tpu.vector_store %arg5[%swap3A_13], %swap3A_16 {strides = array<i32>} : memref<80xf32, #tpu.memory_space<vmem>>, vector<16xf32>,
    %broadcast_in_dim3A_17 = arith.constant 1.000000e+00 : f32
    %broadcast_in_dim3A_18 = vector.broadcast %broadcast_in_dim3A_17 : f32 to vector<16xf32>
    %swap3A_19 = arith.constant 48 : index
    %swap3A_20 = tpu.vector_load %arg5[%swap3A_19] {strides = array<i32>} : memref<80xf32, #tpu.memory_space<vmem>>, vector<16xf32>,
    %swap3A_21 = vector.shape_cast %swap3A_20 : vector<16xf32> to vector<16xf32>
    %swap3A_22 = vector.shape_cast %broadcast_in_dim3A_18 : vector<16xf32> to vector<16xf32>
    tpu.vector_store %arg5[%swap3A_19], %swap3A_22 {strides = array<i32>} : memref<80xf32, #tpu.memory_space<vmem>>, vector<16xf32>,
    %broadcast_in_dim3A_23 = arith.constant 1.000000e+00 : f32
    %broadcast_in_dim3A_24 = vector.broadcast %broadcast_in_dim3A_23 : f32 to vector<16xf32>
    %swap3A_25 = arith.constant 64 : index
    %swap3A_26 = tpu.vector_load %arg5[%swap3A_25] {strides = array<i32>} : memref<80xf32, #tpu.memory_space<vmem>>, vector<16xf32>,
    %swap3A_27 = vector.shape_cast %swap3A_26 : vector<16xf32> to vector<16xf32>
    %swap3A_28 = vector.shape_cast %broadcast_in_dim3A_24 : vector<16xf32> to vector<16xf32>
    tpu.vector_store %arg5[%swap3A_25], %swap3A_28 {strides = array<i32>} : memref<80xf32, #tpu.memory_space<vmem>>, vector<16xf32>,
    %broadcast_in_dim3A_29 = arith.constant 0.000000e+00 : f32
    %broadcast_in_dim3A_30 = vector.broadcast %broadcast_in_dim3A_29 : f32 to vector<16xf32>
    %swap3A_31 = arith.constant 0 : index
    %swap3A_32 = tpu.vector_load %arg6[%swap3A_31] {strides = array<i32>} : memref<640xf32, #tpu.memory_space<vmem>>, vector<16xf32>,
    %swap3A_33 = vector.shape_cast %swap3A_32 : vector<16xf32> to vector<16xf32>
    %swap3A_34 = vector.shape_cast %broadcast_in_dim3A_30 : vector<16xf32> to vector<16xf32>
    tpu.vector_store %arg6[%swap3A_31], %swap3A_34 {strides = array<i32>} : memref<640xf32, #tpu.memory_space<vmem>>, vector<16xf32>,
    %broadcast_in_dim3A_35 = arith.constant 0.000000e+00 : f32
    %broadcast_in_dim3A_36 = vector.broadcast %broadcast_in_dim3A_35 : f32 to vector<16xf32>
    %swap3A_37 = arith.constant 16 : index
    %swap3A_38 = tpu.vector_load %arg6[%swap3A_37] {strides = array<i32>} : memref<640xf32, #tpu.memory_space<vmem>>, vector<16xf32>,
    %swap3A_39 = vector.shape_cast %swap3A_38 : vector<16xf32> to vector<16xf32>
    %swap3A_40 = vector.shape_cast %broadcast_in_dim3A_36 : vector<16xf32> to vector<16xf32>
    tpu.vector_store %arg6[%swap3A_37], %swap3A_40 {strides = array<i32>} : memref<640xf32, #tpu.memory_space<vmem>>, vector<16xf32>,
    %broadcast_in_dim3A_41 = arith.constant 0.000000e+00 : f32
    %broadcast_in_dim3A_42 = vector.broadcast %broadcast_in_dim3A_41 : f32 to vector<16xf32>
    %swap3A_43 = arith.constant 32 : index
    %swap3A_44 = tpu.vector_load %arg6[%swap3A_43] {strides = array<i32>} : memref<640xf32, #tpu.memory_space<vmem>>, vector<16xf32>,
    %swap3A_45 = vector.shape_cast %swap3A_44 : vector<16xf32> to vector<16xf32>
    %swap3A_46 = vector.shape_cast %broadcast_in_dim3A_42 : vector<16xf32> to vector<16xf32>
    tpu.vector_store %arg6[%swap3A_43], %swap3A_46 {strides = array<i32>} : memref<640xf32, #tpu.memory_space<vmem>>, vector<16xf32>,
    %broadcast_in_dim3A_47 = arith.constant 0.000000e+00 : f32
    %broadcast_in_dim3A_48 = vector.broadcast %broadcast_in_dim3A_47 : f32 to vector<16xf32>
    %swap3A_49 = arith.constant 48 : index
    %swap3A_50 = tpu.vector_load %arg6[%swap3A_49] {strides = array<i32>} : memref<640xf32, #tpu.memory_space<vmem>>, vector<16xf32>,
    %swap3A_51 = vector.shape_cast %swap3A_50 : vector<16xf32> to vector<16xf32>
    %swap3A_52 = vector.shape_cast %broadcast_in_dim3A_48 : vector<16xf32> to vector<16xf32>
    tpu.vector_store %arg6[%swap3A_49], %swap3A_52 {strides = array<i32>} : memref<640xf32, #tpu.memory_space<vmem>>, vector<16xf32>,
    %broadcast_in_dim3A_53 = arith.constant 0.000000e+00 : f32
    %broadcast_in_dim3A_54 = vector.broadcast %broadcast_in_dim3A_53 : f32 to vector<16xf32>
    %swap3A_55 = arith.constant 64 : index
    %swap3A_56 = tpu.vector_load %arg6[%swap3A_55] {strides = array<i32>} : memref<640xf32, #tpu.memory_space<vmem>>, vector<16xf32>,
    %swap3A_57 = vector.shape_cast %swap3A_56 : vector<16xf32> to vector<16xf32>
    %swap3A_58 = vector.shape_cast %broadcast_in_dim3A_54 : vector<16xf32> to vector<16xf32>
    tpu.vector_store %arg6[%swap3A_55], %swap3A_58 {strides = array<i32>} : memref<640xf32, #tpu.memory_space<vmem>>, vector<16xf32>,
    %broadcast_in_dim3A_59 = arith.constant 0.000000e+00 : f32
    %broadcast_in_dim3A_60 = vector.broadcast %broadcast_in_dim3A_59 : f32 to vector<16xf32>
    %swap3A_61 = arith.constant 80 : index
    %swap3A_62 = tpu.vector_load %arg6[%swap3A_61] {strides = array<i32>} : memref<640xf32, #tpu.memory_space<vmem>>, vector<16xf32>,
    %swap3A_63 = vector.shape_cast %swap3A_62 : vector<16xf32> to vector<16xf32>
    %swap3A_64 = vector.shape_cast %broadcast_in_dim3A_60 : vector<16xf32> to vector<16xf32>
    tpu.vector_store %arg6[%swap3A_61], %swap3A_64 {strides = array<i32>} : memref<640xf32, #tpu.memory_space<vmem>>, vector<16xf32>,
    %broadcast_in_dim3A_65 = arith.constant 0.000000e+00 : f32
    %broadcast_in_dim3A_66 = vector.broadcast %broadcast_in_dim3A_65 : f32 to vector<16xf32>
    %swap3A_67 = arith.constant 96 : index
    %swap3A_68 = tpu.vector_load %arg6[%swap3A_67] {strides = array<i32>} : memref<640xf32, #tpu.memory_space<vmem>>, vector<16xf32>,
    %swap3A_69 = vector.shape_cast %swap3A_68 : vector<16xf32> to vector<16xf32>
    %swap3A_70 = vector.shape_cast %broadcast_in_dim3A_66 : vector<16xf32> to vector<16xf32>
    tpu.vector_store %arg6[%swap3A_67], %swap3A_70 {strides = array<i32>} : memref<640xf32, #tpu.memory_space<vmem>>, vector<16xf32>,
    %broadcast_in_dim3A_71 = arith.constant 0.000000e+00 : f32
    %broadcast_in_dim3A_72 = vector.broadcast %broadcast_in_dim3A_71 : f32 to vector<16xf32>
    %swap3A_73 = arith.constant 112 : index
    %swap3A_74 = tpu.vector_load %arg6[%swap3A_73] {strides = array<i32>} : memref<640xf32, #tpu.memory_space<vmem>>, vector<16xf32>,
    %swap3A_75 = vector.shape_cast %swap3A_74 : vector<16xf32> to vector<16xf32>
    %swap3A_76 = vector.shape_cast %broadcast_in_dim3A_72 : vector<16xf32> to vector<16xf32>
    tpu.vector_store %arg6[%swap3A_73], %swap3A_76 {strides = array<i32>} : memref<640xf32, #tpu.memory_space<vmem>>, vector<16xf32>,
    %broadcast_in_dim3A_77 = arith.constant 0.000000e+00 : f32
    %broadcast_in_dim3A_78 = vector.broadcast %broadcast_in_dim3A_77 : f32 to vector<16xf32>
    %swap3A_79 = arith.constant 128 : index
    %swap3A_80 = tpu.vector_load %arg6[%swap3A_79] {strides = array<i32>} : memref<640xf32, #tpu.memory_space<vmem>>, vector<16xf32>,
    %swap3A_81 = vector.shape_cast %swap3A_80 : vector<16xf32> to vector<16xf32>
    %swap3A_82 = vector.shape_cast %broadcast_in_dim3A_78 : vector<16xf32> to vector<16xf32>
    tpu.vector_store %arg6[%swap3A_79], %swap3A_82 {strides = array<i32>} : memref<640xf32, #tpu.memory_space<vmem>>, vector<16xf32>,
    %broadcast_in_dim3A_83 = arith.constant 0.000000e+00 : f32
    %broadcast_in_dim3A_84 = vector.broadcast %broadcast_in_dim3A_83 : f32 to vector<16xf32>
    %swap3A_85 = arith.constant 144 : index
    %swap3A_86 = tpu.vector_load %arg6[%swap3A_85] {strides = array<i32>} : memref<640xf32, #tpu.memory_space<vmem>>, vector<16xf32>,
    %swap3A_87 = vector.shape_cast %swap3A_86 : vector<16xf32> to vector<16xf32>
    %swap3A_88 = vector.shape_cast %broadcast_in_dim3A_84 : vector<16xf32> to vector<16xf32>
    tpu.vector_store %arg6[%swap3A_85], %swap3A_88 {strides = array<i32>} : memref<640xf32, #tpu.memory_space<vmem>>, vector<16xf32>,
    %broadcast_in_dim3A_89 = arith.constant 0.000000e+00 : f32
    %broadcast_in_dim3A_90 = vector.broadcast %broadcast_in_dim3A_89 : f32 to vector<16xf32>
    %swap3A_91 = arith.constant 160 : index
    %swap3A_92 = tpu.vector_load %arg6[%swap3A_91] {strides = array<i32>} : memref<640xf32, #tpu.memory_space<vmem>>, vector<16xf32>,
    %swap3A_93 = vector.shape_cast %swap3A_92 : vector<16xf32> to vector<16xf32>
    %swap3A_94 = vector.shape_cast %broadcast_in_dim3A_90 : vector<16xf32> to vector<16xf32>
    tpu.vector_store %arg6[%swap3A_91], %swap3A_94 {strides = array<i32>} : memref<640xf32, #tpu.memory_space<vmem>>, vector<16xf32>,
    %broadcast_in_dim3A_95 = arith.constant 0.000000e+00 : f32
    %broadcast_in_dim3A_96 = vector.broadcast %broadcast_in_dim3A_95 : f32 to vector<16xf32>
    %swap3A_97 = arith.constant 176 : index
    %swap3A_98 = tpu.vector_load %arg6[%swap3A_97] {strides = array<i32>} : memref<640xf32, #tpu.memory_space<vmem>>, vector<16xf32>,
    %swap3A_99 = vector.shape_cast %swap3A_98 : vector<16xf32> to vector<16xf32>
    %swap3A_100 = vector.shape_cast %broadcast_in_dim3A_96 : vector<16xf32> to vector<16xf32>
    tpu.vector_store %arg6[%swap3A_97], %swap3A_100 {strides = array<i32>} : memref<640xf32, #tpu.memory_space<vmem>>, vector<16xf32>,
    %broadcast_in_dim3A_101 = arith.constant 0.000000e+00 : f32
    %broadcast_in_dim3A_102 = vector.broadcast %broadcast_in_dim3A_101 : f32 to vector<16xf32>
    %swap3A_103 = arith.constant 192 : index
    %swap3A_104 = tpu.vector_load %arg6[%swap3A_103] {strides = array<i32>} : memref<640xf32, #tpu.memory_space<vmem>>, vector<16xf32>,
    %swap3A_105 = vector.shape_cast %swap3A_104 : vector<16xf32> to vector<16xf32>
    %swap3A_106 = vector.shape_cast %broadcast_in_dim3A_102 : vector<16xf32> to vector<16xf32>
    tpu.vector_store %arg6[%swap3A_103], %swap3A_106 {strides = array<i32>} : memref<640xf32, #tpu.memory_space<vmem>>, vector<16xf32>,
    %broadcast_in_dim3A_107 = arith.constant 0.000000e+00 : f32
    %broadcast_in_dim3A_108 = vector.broadcast %broadcast_in_dim3A_107 : f32 to vector<16xf32>
    %swap3A_109 = arith.constant 208 : index
    %swap3A_110 = tpu.vector_load %arg6[%swap3A_109] {strides = array<i32>} : memref<640xf32, #tpu.memory_space<vmem>>, vector<16xf32>,
    %swap3A_111 = vector.shape_cast %swap3A_110 : vector<16xf32> to vector<16xf32>
    %swap3A_112 = vector.shape_cast %broadcast_in_dim3A_108 : vector<16xf32> to vector<16xf32>
    tpu.vector_store %arg6[%swap3A_109], %swap3A_112 {strides = array<i32>} : memref<640xf32, #tpu.memory_space<vmem>>, vector<16xf32>,
    %broadcast_in_dim3A_113 = arith.constant 0.000000e+00 : f32
    %broadcast_in_dim3A_114 = vector.broadcast %broadcast_in_dim3A_113 : f32 to vector<16xf32>
    %swap3A_115 = arith.constant 224 : index
    %swap3A_116 = tpu.vector_load %arg6[%swap3A_115] {strides = array<i32>} : memref<640xf32, #tpu.memory_space<vmem>>, vector<16xf32>,
    %swap3A_117 = vector.shape_cast %swap3A_116 : vector<16xf32> to vector<16xf32>
    %swap3A_118 = vector.shape_cast %broadcast_in_dim3A_114 : vector<16xf32> to vector<16xf32>
    tpu.vector_store %arg6[%swap3A_115], %swap3A_118 {strides = array<i32>} : memref<640xf32, #tpu.memory_space<vmem>>, vector<16xf32>,
    %broadcast_in_dim3A_119 = arith.constant 0.000000e+00 : f32
    %broadcast_in_dim3A_120 = vector.broadcast %broadcast_in_dim3A_119 : f32 to vector<16xf32>
    %swap3A_121 = arith.constant 240 : index
    %swap3A_122 = tpu.vector_load %arg6[%swap3A_121] {strides = array<i32>} : memref<640xf32, #tpu.memory_space<vmem>>, vector<16xf32>,
    %swap3A_123 = vector.shape_cast %swap3A_122 : vector<16xf32> to vector<16xf32>
    %swap3A_124 = vector.shape_cast %broadcast_in_dim3A_120 : vector<16xf32> to vector<16xf32>
    tpu.vector_store %arg6[%swap3A_121], %swap3A_124 {strides = array<i32>} : memref<640xf32, #tpu.memory_space<vmem>>, vector<16xf32>,
    %broadcast_in_dim3A_125 = arith.constant 0.000000e+00 : f32
    %broadcast_in_dim3A_126 = vector.broadcast %broadcast_in_dim3A_125 : f32 to vector<16xf32>
    %swap3A_127 = arith.constant 256 : index
    %swap3A_128 = tpu.vector_load %arg6[%swap3A_127] {strides = array<i32>} : memref<640xf32, #tpu.memory_space<vmem>>, vector<16xf32>,
    %swap3A_129 = vector.shape_cast %swap3A_128 : vector<16xf32> to vector<16xf32>
    %swap3A_130 = vector.shape_cast %broadcast_in_dim3A_126 : vector<16xf32> to vector<16xf32>
    tpu.vector_store %arg6[%swap3A_127], %swap3A_130 {strides = array<i32>} : memref<640xf32, #tpu.memory_space<vmem>>, vector<16xf32>,
    %broadcast_in_dim3A_131 = arith.constant 0.000000e+00 : f32
    %broadcast_in_dim3A_132 = vector.broadcast %broadcast_in_dim3A_131 : f32 to vector<16xf32>
    %swap3A_133 = arith.constant 272 : index
    %swap3A_134 = tpu.vector_load %arg6[%swap3A_133] {strides = array<i32>} : memref<640xf32, #tpu.memory_space<vmem>>, vector<16xf32>,
    %swap3A_135 = vector.shape_cast %swap3A_134 : vector<16xf32> to vector<16xf32>
    %swap3A_136 = vector.shape_cast %broadcast_in_dim3A_132 : vector<16xf32> to vector<16xf32>
    tpu.vector_store %arg6[%swap3A_133], %swap3A_136 {strides = array<i32>} : memref<640xf32, #tpu.memory_space<vmem>>, vector<16xf32>,
    %broadcast_in_dim3A_137 = arith.constant 0.000000e+00 : f32
    %broadcast_in_dim3A_138 = vector.broadcast %broadcast_in_dim3A_137 : f32 to vector<16xf32>
    %swap3A_139 = arith.constant 288 : index
    %swap3A_140 = tpu.vector_load %arg6[%swap3A_139] {strides = array<i32>} : memref<640xf32, #tpu.memory_space<vmem>>, vector<16xf32>,
    %swap3A_141 = vector.shape_cast %swap3A_140 : vector<16xf32> to vector<16xf32>
    %swap3A_142 = vector.shape_cast %broadcast_in_dim3A_138 : vector<16xf32> to vector<16xf32>
    tpu.vector_store %arg6[%swap3A_139], %swap3A_142 {strides = array<i32>} : memref<640xf32, #tpu.memory_space<vmem>>, vector<16xf32>,
    %broadcast_in_dim3A_143 = arith.constant 0.000000e+00 : f32
    %broadcast_in_dim3A_144 = vector.broadcast %broadcast_in_dim3A_143 : f32 to vector<16xf32>
    %swap3A_145 = arith.constant 304 : index
    %swap3A_146 = tpu.vector_load %arg6[%swap3A_145] {strides = array<i32>} : memref<640xf32, #tpu.memory_space<vmem>>, vector<16xf32>,
    %swap3A_147 = vector.shape_cast %swap3A_146 : vector<16xf32> to vector<16xf32>
    %swap3A_148 = vector.shape_cast %broadcast_in_dim3A_144 : vector<16xf32> to vector<16xf32>
    tpu.vector_store %arg6[%swap3A_145], %swap3A_148 {strides = array<i32>} : memref<640xf32, #tpu.memory_space<vmem>>, vector<16xf32>,
    %broadcast_in_dim3A_149 = arith.constant 0.000000e+00 : f32
    %broadcast_in_dim3A_150 = vector.broadcast %broadcast_in_dim3A_149 : f32 to vector<16xf32>
    %swap3A_151 = arith.constant 320 : index
    %swap3A_152 = tpu.vector_load %arg6[%swap3A_151] {strides = array<i32>} : memref<640xf32, #tpu.memory_space<vmem>>, vector<16xf32>,
    %swap3A_153 = vector.shape_cast %swap3A_152 : vector<16xf32> to vector<16xf32>
    %swap3A_154 = vector.shape_cast %broadcast_in_dim3A_150 : vector<16xf32> to vector<16xf32>
    tpu.vector_store %arg6[%swap3A_151], %swap3A_154 {strides = array<i32>} : memref<640xf32, #tpu.memory_space<vmem>>, vector<16xf32>,
    %broadcast_in_dim3A_155 = arith.constant 0.000000e+00 : f32
    %broadcast_in_dim3A_156 = vector.broadcast %broadcast_in_dim3A_155 : f32 to vector<16xf32>
    %swap3A_157 = arith.constant 336 : index
    %swap3A_158 = tpu.vector_load %arg6[%swap3A_157] {strides = array<i32>} : memref<640xf32, #tpu.memory_space<vmem>>, vector<16xf32>,
    %swap3A_159 = vector.shape_cast %swap3A_158 : vector<16xf32> to vector<16xf32>
    %swap3A_160 = vector.shape_cast %broadcast_in_dim3A_156 : vector<16xf32> to vector<16xf32>
    tpu.vector_store %arg6[%swap3A_157], %swap3A_160 {strides = array<i32>} : memref<640xf32, #tpu.memory_space<vmem>>, vector<16xf32>,
    %broadcast_in_dim3A_161 = arith.constant 0.000000e+00 : f32
    %broadcast_in_dim3A_162 = vector.broadcast %broadcast_in_dim3A_161 : f32 to vector<16xf32>
    %swap3A_163 = arith.constant 352 : index
    %swap3A_164 = tpu.vector_load %arg6[%swap3A_163] {strides = array<i32>} : memref<640xf32, #tpu.memory_space<vmem>>, vector<16xf32>,
    %swap3A_165 = vector.shape_cast %swap3A_164 : vector<16xf32> to vector<16xf32>
    %swap3A_166 = vector.shape_cast %broadcast_in_dim3A_162 : vector<16xf32> to vector<16xf32>
    tpu.vector_store %arg6[%swap3A_163], %swap3A_166 {strides = array<i32>} : memref<640xf32, #tpu.memory_space<vmem>>, vector<16xf32>,
    %broadcast_in_dim3A_167 = arith.constant 0.000000e+00 : f32
    %broadcast_in_dim3A_168 = vector.broadcast %broadcast_in_dim3A_167 : f32 to vector<16xf32>
    %swap3A_169 = arith.constant 368 : index
    %swap3A_170 = tpu.vector_load %arg6[%swap3A_169] {strides = array<i32>} : memref<640xf32, #tpu.memory_space<vmem>>, vector<16xf32>,
    %swap3A_171 = vector.shape_cast %swap3A_170 : vector<16xf32> to vector<16xf32>
    %swap3A_172 = vector.shape_cast %broadcast_in_dim3A_168 : vector<16xf32> to vector<16xf32>
    tpu.vector_store %arg6[%swap3A_169], %swap3A_172 {strides = array<i32>} : memref<640xf32, #tpu.memory_space<vmem>>, vector<16xf32>,
    %broadcast_in_dim3A_173 = arith.constant 0.000000e+00 : f32
    %broadcast_in_dim3A_174 = vector.broadcast %broadcast_in_dim3A_173 : f32 to vector<16xf32>
    %swap3A_175 = arith.constant 384 : index
    %swap3A_176 = tpu.vector_load %arg6[%swap3A_175] {strides = array<i32>} : memref<640xf32, #tpu.memory_space<vmem>>, vector<16xf32>,
    %swap3A_177 = vector.shape_cast %swap3A_176 : vector<16xf32> to vector<16xf32>
    %swap3A_178 = vector.shape_cast %broadcast_in_dim3A_174 : vector<16xf32> to vector<16xf32>
    tpu.vector_store %arg6[%swap3A_175], %swap3A_178 {strides = array<i32>} : memref<640xf32, #tpu.memory_space<vmem>>, vector<16xf32>,
    %broadcast_in_dim3A_179 = arith.constant 0.000000e+00 : f32
    %broadcast_in_dim3A_180 = vector.broadcast %broadcast_in_dim3A_179 : f32 to vector<16xf32>
    %swap3A_181 = arith.constant 400 : index
    %swap3A_182 = tpu.vector_load %arg6[%swap3A_181] {strides = array<i32>} : memref<640xf32, #tpu.memory_space<vmem>>, vector<16xf32>,
    %swap3A_183 = vector.shape_cast %swap3A_182 : vector<16xf32> to vector<16xf32>
    %swap3A_184 = vector.shape_cast %broadcast_in_dim3A_180 : vector<16xf32> to vector<16xf32>
    tpu.vector_store %arg6[%swap3A_181], %swap3A_184 {strides = array<i32>} : memref<640xf32, #tpu.memory_space<vmem>>, vector<16xf32>,
    %broadcast_in_dim3A_185 = arith.constant 0.000000e+00 : f32
    %broadcast_in_dim3A_186 = vector.broadcast %broadcast_in_dim3A_185 : f32 to vector<16xf32>
    %swap3A_187 = arith.constant 416 : index
    %swap3A_188 = tpu.vector_load %arg6[%swap3A_187] {strides = array<i32>} : memref<640xf32, #tpu.memory_space<vmem>>, vector<16xf32>,
    %swap3A_189 = vector.shape_cast %swap3A_188 : vector<16xf32> to vector<16xf32>
    %swap3A_190 = vector.shape_cast %broadcast_in_dim3A_186 : vector<16xf32> to vector<16xf32>
    tpu.vector_store %arg6[%swap3A_187], %swap3A_190 {strides = array<i32>} : memref<640xf32, #tpu.memory_space<vmem>>, vector<16xf32>,
    %broadcast_in_dim3A_191 = arith.constant 0.000000e+00 : f32
    %broadcast_in_dim3A_192 = vector.broadcast %broadcast_in_dim3A_191 : f32 to vector<16xf32>
    %swap3A_193 = arith.constant 432 : index
    %swap3A_194 = tpu.vector_load %arg6[%swap3A_193] {strides = array<i32>} : memref<640xf32, #tpu.memory_space<vmem>>, vector<16xf32>,
    %swap3A_195 = vector.shape_cast %swap3A_194 : vector<16xf32> to vector<16xf32>
    %swap3A_196 = vector.shape_cast %broadcast_in_dim3A_192 : vector<16xf32> to vector<16xf32>
    tpu.vector_store %arg6[%swap3A_193], %swap3A_196 {strides = array<i32>} : memref<640xf32, #tpu.memory_space<vmem>>, vector<16xf32>,
    %broadcast_in_dim3A_197 = arith.constant 0.000000e+00 : f32
    %broadcast_in_dim3A_198 = vector.broadcast %broadcast_in_dim3A_197 : f32 to vector<16xf32>
    %swap3A_199 = arith.constant 448 : index
    %swap3A_200 = tpu.vector_load %arg6[%swap3A_199] {strides = array<i32>} : memref<640xf32, #tpu.memory_space<vmem>>, vector<16xf32>,
    %swap3A_201 = vector.shape_cast %swap3A_200 : vector<16xf32> to vector<16xf32>
    %swap3A_202 = vector.shape_cast %broadcast_in_dim3A_198 : vector<16xf32> to vector<16xf32>
    tpu.vector_store %arg6[%swap3A_199], %swap3A_202 {strides = array<i32>} : memref<640xf32, #tpu.memory_space<vmem>>, vector<16xf32>,
    %broadcast_in_dim3A_203 = arith.constant 0.000000e+00 : f32
    %broadcast_in_dim3A_204 = vector.broadcast %broadcast_in_dim3A_203 : f32 to vector<16xf32>
    %swap3A_205 = arith.constant 464 : index
    %swap3A_206 = tpu.vector_load %arg6[%swap3A_205] {strides = array<i32>} : memref<640xf32, #tpu.memory_space<vmem>>, vector<16xf32>,
    %swap3A_207 = vector.shape_cast %swap3A_206 : vector<16xf32> to vector<16xf32>
    %swap3A_208 = vector.shape_cast %broadcast_in_dim3A_204 : vector<16xf32> to vector<16xf32>
    tpu.vector_store %arg6[%swap3A_205], %swap3A_208 {strides = array<i32>} : memref<640xf32, #tpu.memory_space<vmem>>, vector<16xf32>,
    %broadcast_in_dim3A_209 = arith.constant 0.000000e+00 : f32
    %broadcast_in_dim3A_210 = vector.broadcast %broadcast_in_dim3A_209 : f32 to vector<16xf32>
    %swap3A_211 = arith.constant 480 : index
    %swap3A_212 = tpu.vector_load %arg6[%swap3A_211] {strides = array<i32>} : memref<640xf32, #tpu.memory_space<vmem>>, vector<16xf32>,
    %swap3A_213 = vector.shape_cast %swap3A_212 : vector<16xf32> to vector<16xf32>
    %swap3A_214 = vector.shape_cast %broadcast_in_dim3A_210 : vector<16xf32> to vector<16xf32>
    tpu.vector_store %arg6[%swap3A_211], %swap3A_214 {strides = array<i32>} : memref<640xf32, #tpu.memory_space<vmem>>, vector<16xf32>,
    %broadcast_in_dim3A_215 = arith.constant 0.000000e+00 : f32
    %broadcast_in_dim3A_216 = vector.broadcast %broadcast_in_dim3A_215 : f32 to vector<16xf32>
    %swap3A_217 = arith.constant 496 : index
    %swap3A_218 = tpu.vector_load %arg6[%swap3A_217] {strides = array<i32>} : memref<640xf32, #tpu.memory_space<vmem>>, vector<16xf32>,
    %swap3A_219 = vector.shape_cast %swap3A_218 : vector<16xf32> to vector<16xf32>
    %swap3A_220 = vector.shape_cast %broadcast_in_dim3A_216 : vector<16xf32> to vector<16xf32>
    tpu.vector_store %arg6[%swap3A_217], %swap3A_220 {strides = array<i32>} : memref<640xf32, #tpu.memory_space<vmem>>, vector<16xf32>,
    %broadcast_in_dim3A_221 = arith.constant 0.000000e+00 : f32
    %broadcast_in_dim3A_222 = vector.broadcast %broadcast_in_dim3A_221 : f32 to vector<16xf32>
    %swap3A_223 = arith.constant 512 : index
    %swap3A_224 = tpu.vector_load %arg6[%swap3A_223] {strides = array<i32>} : memref<640xf32, #tpu.memory_space<vmem>>, vector<16xf32>,
    %swap3A_225 = vector.shape_cast %swap3A_224 : vector<16xf32> to vector<16xf32>
    %swap3A_226 = vector.shape_cast %broadcast_in_dim3A_222 : vector<16xf32> to vector<16xf32>
    tpu.vector_store %arg6[%swap3A_223], %swap3A_226 {strides = array<i32>} : memref<640xf32, #tpu.memory_space<vmem>>, vector<16xf32>,
    %broadcast_in_dim3A_227 = arith.constant 0.000000e+00 : f32
    %broadcast_in_dim3A_228 = vector.broadcast %broadcast_in_dim3A_227 : f32 to vector<16xf32>
    %swap3A_229 = arith.constant 528 : index
    %swap3A_230 = tpu.vector_load %arg6[%swap3A_229] {strides = array<i32>} : memref<640xf32, #tpu.memory_space<vmem>>, vector<16xf32>,
    %swap3A_231 = vector.shape_cast %swap3A_230 : vector<16xf32> to vector<16xf32>
    %swap3A_232 = vector.shape_cast %broadcast_in_dim3A_228 : vector<16xf32> to vector<16xf32>
    tpu.vector_store %arg6[%swap3A_229], %swap3A_232 {strides = array<i32>} : memref<640xf32, #tpu.memory_space<vmem>>, vector<16xf32>,
    %broadcast_in_dim3A_233 = arith.constant 0.000000e+00 : f32
    %broadcast_in_dim3A_234 = vector.broadcast %broadcast_in_dim3A_233 : f32 to vector<16xf32>
    %swap3A_235 = arith.constant 544 : index
    %swap3A_236 = tpu.vector_load %arg6[%swap3A_235] {strides = array<i32>} : memref<640xf32, #tpu.memory_space<vmem>>, vector<16xf32>,
    %swap3A_237 = vector.shape_cast %swap3A_236 : vector<16xf32> to vector<16xf32>
    %swap3A_238 = vector.shape_cast %broadcast_in_dim3A_234 : vector<16xf32> to vector<16xf32>
    tpu.vector_store %arg6[%swap3A_235], %swap3A_238 {strides = array<i32>} : memref<640xf32, #tpu.memory_space<vmem>>, vector<16xf32>,
    %broadcast_in_dim3A_239 = arith.constant 0.000000e+00 : f32
    %broadcast_in_dim3A_240 = vector.broadcast %broadcast_in_dim3A_239 : f32 to vector<16xf32>
    %swap3A_241 = arith.constant 560 : index
    %swap3A_242 = tpu.vector_load %arg6[%swap3A_241] {strides = array<i32>} : memref<640xf32, #tpu.memory_space<vmem>>, vector<16xf32>,
    %swap3A_243 = vector.shape_cast %swap3A_242 : vector<16xf32> to vector<16xf32>
    %swap3A_244 = vector.shape_cast %broadcast_in_dim3A_240 : vector<16xf32> to vector<16xf32>
    tpu.vector_store %arg6[%swap3A_241], %swap3A_244 {strides = array<i32>} : memref<640xf32, #tpu.memory_space<vmem>>, vector<16xf32>,
    %broadcast_in_dim3A_245 = arith.constant 0.000000e+00 : f32
    %broadcast_in_dim3A_246 = vector.broadcast %broadcast_in_dim3A_245 : f32 to vector<16xf32>
    %swap3A_247 = arith.constant 576 : index
    %swap3A_248 = tpu.vector_load %arg6[%swap3A_247] {strides = array<i32>} : memref<640xf32, #tpu.memory_space<vmem>>, vector<16xf32>,
    %swap3A_249 = vector.shape_cast %swap3A_248 : vector<16xf32> to vector<16xf32>
    %swap3A_250 = vector.shape_cast %broadcast_in_dim3A_246 : vector<16xf32> to vector<16xf32>
    tpu.vector_store %arg6[%swap3A_247], %swap3A_250 {strides = array<i32>} : memref<640xf32, #tpu.memory_space<vmem>>, vector<16xf32>,
    %broadcast_in_dim3A_251 = arith.constant 0.000000e+00 : f32
    %broadcast_in_dim3A_252 = vector.broadcast %broadcast_in_dim3A_251 : f32 to vector<16xf32>
    %swap3A_253 = arith.constant 592 : index
    %swap3A_254 = tpu.vector_load %arg6[%swap3A_253] {strides = array<i32>} : memref<640xf32, #tpu.memory_space<vmem>>, vector<16xf32>,
    %swap3A_255 = vector.shape_cast %swap3A_254 : vector<16xf32> to vector<16xf32>
    %swap3A_256 = vector.shape_cast %broadcast_in_dim3A_252 : vector<16xf32> to vector<16xf32>
    tpu.vector_store %arg6[%swap3A_253], %swap3A_256 {strides = array<i32>} : memref<640xf32, #tpu.memory_space<vmem>>, vector<16xf32>,
    %broadcast_in_dim3A_257 = arith.constant 0.000000e+00 : f32
    %broadcast_in_dim3A_258 = vector.broadcast %broadcast_in_dim3A_257 : f32 to vector<16xf32>
    %swap3A_259 = arith.constant 608 : index
    %swap3A_260 = tpu.vector_load %arg6[%swap3A_259] {strides = array<i32>} : memref<640xf32, #tpu.memory_space<vmem>>, vector<16xf32>,
    %swap3A_261 = vector.shape_cast %swap3A_260 : vector<16xf32> to vector<16xf32>
    %swap3A_262 = vector.shape_cast %broadcast_in_dim3A_258 : vector<16xf32> to vector<16xf32>
    tpu.vector_store %arg6[%swap3A_259], %swap3A_262 {strides = array<i32>} : memref<640xf32, #tpu.memory_space<vmem>>, vector<16xf32>,
    %broadcast_in_dim3A_263 = arith.constant 0.000000e+00 : f32
    %broadcast_in_dim3A_264 = vector.broadcast %broadcast_in_dim3A_263 : f32 to vector<16xf32>
    %swap3A_265 = arith.constant 624 : index
    %swap3A_266 = tpu.vector_load %arg6[%swap3A_265] {strides = array<i32>} : memref<640xf32, #tpu.memory_space<vmem>>, vector<16xf32>,
    %swap3A_267 = vector.shape_cast %swap3A_266 : vector<16xf32> to vector<16xf32>
    %swap3A_268 = vector.shape_cast %broadcast_in_dim3A_264 : vector<16xf32> to vector<16xf32>
    tpu.vector_store %arg6[%swap3A_265], %swap3A_268 {strides = array<i32>} : memref<640xf32, #tpu.memory_space<vmem>>, vector<16xf32>,
    %mul3A_269 = arith.constant 640 : i32
    %mul3A_270 = arith.muli %arg1, %mul3A_269 : i32
    "tpu.region"() ({
      %run_scoped3A = tpu.sem_alloc : memref<!tpu.dma_semaphore, #tpu.memory_space<semaphore_mem>>
      %dma_start3A = tpu.memref_slice %arg7[%mul3A_270] : memref<10240xf32, #tpu.memory_space<vmem_shared>> -> memref<640xf32, #tpu.memory_space<vmem_shared>>
      %dma_start3A_286 = tpu.memref_slice %arg7[%mul3A_270] : memref<10240xf32, #tpu.memory_space<vmem_shared>> -> memref<640xf32, #tpu.memory_space<vmem_shared>>
      tpu.enqueue_dma source(%arg6 : memref<640xf32, #tpu.memory_space<vmem>>) target(%dma_start3A_286 : memref<640xf32, #tpu.memory_space<vmem_shared>>) target_semaphore(%run_scoped3A : memref<!tpu.dma_semaphore, #tpu.memory_space<semaphore_mem>>)
      %dma_wait3A = tpu.memref_slice %arg7[%mul3A_270] : memref<10240xf32, #tpu.memory_space<vmem_shared>> -> memref<640xf32, #tpu.memory_space<vmem_shared>>
      %dma_wait3A_287 = tpu.memref_slice %arg7[%mul3A_270] : memref<10240xf32, #tpu.memory_space<vmem_shared>> -> memref<640xf32, #tpu.memory_space<vmem_shared>>
      tpu.wait_dma2 semaphore(%run_scoped3A : memref<!tpu.dma_semaphore, #tpu.memory_space<semaphore_mem>>) src(%arg6 : memref<640xf32, #tpu.memory_space<vmem>>) dst(%dma_wait3A_287 : memref<640xf32, #tpu.memory_space<vmem_shared>>)
      tpu.yield
    }) : () -> ()
    %add3A_271 = arith.constant 32 : i32
    %add3A_272 = arith.addi %add3A_271, %add3A : i32
    "tpu.region"() ({
      %run_scoped3A = tpu.sem_alloc : memref<!tpu.dma_semaphore, #tpu.memory_space<semaphore_mem>>
      %dma_start3A = arith.constant 0 : i32
      %dma_start3A_286 = arith.constant 0 : i32
      %dma_start3A_287 = tpu.memref_slice %arg2[%add3A_272, %dma_start3A, %dma_start3A_286] : memref<64x125x80xi32, #tpu.memory_space<hbm>> -> memref<1x125x80xi32, #tpu.memory_space<hbm>>
      %dma_start3A_288 = tpu.memref_squeeze %dma_start3A_287 : memref<1x125x80xi32, #tpu.memory_space<hbm>> -> memref<125x80xi32, #tpu.memory_space<hbm>>
      %dma_start3A_289 = arith.constant 0 : i32
      %dma_start3A_290 = arith.constant 0 : i32
      %dma_start3A_291 = tpu.memref_slice %arg2[%add3A_272, %dma_start3A_289, %dma_start3A_290] : memref<64x125x80xi32, #tpu.memory_space<hbm>> -> memref<1x125x80xi32, #tpu.memory_space<hbm>>
      %dma_start3A_292 = tpu.memref_squeeze %dma_start3A_291 : memref<1x125x80xi32, #tpu.memory_space<hbm>> -> memref<125x80xi32, #tpu.memory_space<hbm>>
      tpu.enqueue_dma source(%dma_start3A_292 : memref<125x80xi32, #tpu.memory_space<hbm>>) target(%arg4 : memref<125x80xi32, #tpu.memory_space<vmem>>) target_semaphore(%run_scoped3A : memref<!tpu.dma_semaphore, #tpu.memory_space<semaphore_mem>>)
      %dma_wait3A = arith.constant 0 : i32
      %dma_wait3A_293 = arith.constant 0 : i32
      %dma_wait3A_294 = tpu.memref_slice %arg2[%add3A_272, %dma_wait3A, %dma_wait3A_293] : memref<64x125x80xi32, #tpu.memory_space<hbm>> -> memref<1x125x80xi32, #tpu.memory_space<hbm>>
      %dma_wait3A_295 = tpu.memref_squeeze %dma_wait3A_294 : memref<1x125x80xi32, #tpu.memory_space<hbm>> -> memref<125x80xi32, #tpu.memory_space<hbm>>
      %dma_wait3A_296 = arith.constant 0 : i32
      %dma_wait3A_297 = arith.constant 0 : i32
      %dma_wait3A_298 = tpu.memref_slice %arg2[%add3A_272, %dma_wait3A_296, %dma_wait3A_297] : memref<64x125x80xi32, #tpu.memory_space<hbm>> -> memref<1x125x80xi32, #tpu.memory_space<hbm>>
      %dma_wait3A_299 = tpu.memref_squeeze %dma_wait3A_298 : memref<1x125x80xi32, #tpu.memory_space<hbm>> -> memref<125x80xi32, #tpu.memory_space<hbm>>
      tpu.wait_dma2 semaphore(%run_scoped3A : memref<!tpu.dma_semaphore, #tpu.memory_space<semaphore_mem>>) src(%dma_wait3A_299 : memref<125x80xi32, #tpu.memory_space<hbm>>) dst(%arg4 : memref<125x80xi32, #tpu.memory_space<vmem>>)
      tpu.yield
    }) : () -> ()
    %barrier3A = arith.constant 0 : index
    tpu.barrier barrier_id(%barrier3A)
    %scan3A = arith.constant 0 : i32
    %scan3A_273 = arith.constant 0 : i32
    %scan3A_274 = arith.constant 125 : i32
    %scan3A_275 = arith.addi %scan3A_273, %scan3A_274 : i32
    %scan3A_276 = arith.constant 1 : i32
    scf.for %scan3A_286 = %scan3A_273 to %scan3A_275 step %scan3A_276  : i32 {
      "tpu.region"() ({
        %run_scoped3A = tpu.sem_alloc : memref<!tpu.dma_semaphore, #tpu.memory_space<semaphore_mem>>
        %dma_start3A = arith.constant 0 : i32
        %dma_start3A_287 = tpu.memref_slice %arg4[%scan3A_286, %dma_start3A] : memref<125x80xi32, #tpu.memory_space<vmem>> -> memref<1x80xi32, #tpu.memory_space<vmem>>
        %dma_start3A_288 = tpu.memref_squeeze %dma_start3A_287 : memref<1x80xi32, #tpu.memory_space<vmem>> -> memref<80xi32, #tpu.memory_space<vmem>>
        %dma_start3A_289 = arith.constant 0 : i32
        %dma_start3A_290 = tpu.memref_slice %arg7[%dma_start3A_289] : memref<10240xf32, #tpu.memory_space<vmem_shared>> -> memref<10240xf32, #tpu.memory_space<vmem_shared>>
        tpu.enqueue_indirect_dma source(%arg5 : memref<80xf32, #tpu.memory_space<vmem>>) target(%dma_start3A_290 : memref<10240xf32, #tpu.memory_space<vmem_shared>>) offsets(%dma_start3A_288 : memref<80xi32, #tpu.memory_space<vmem>>) semaphore(%run_scoped3A : memref<!tpu.dma_semaphore, #tpu.memory_space<semaphore_mem>>) {add = true}
        %dma_wait3A = arith.constant 0 : i32
        %dma_wait3A_291 = tpu.memref_slice %arg4[%scan3A_286, %dma_wait3A] : memref<125x80xi32, #tpu.memory_space<vmem>> -> memref<1x80xi32, #tpu.memory_space<vmem>>
        %dma_wait3A_292 = tpu.memref_squeeze %dma_wait3A_291 : memref<1x80xi32, #tpu.memory_space<vmem>> -> memref<80xi32, #tpu.memory_space<vmem>>
        %dma_wait3A_293 = arith.constant 0 : i32
        %dma_wait3A_294 = tpu.memref_slice %arg7[%dma_wait3A_293] : memref<10240xf32, #tpu.memory_space<vmem_shared>> -> memref<10240xf32, #tpu.memory_space<vmem_shared>>
        tpu.wait_indirect_dma semaphore(%run_scoped3A : memref<!tpu.dma_semaphore, #tpu.memory_space<semaphore_mem>>) src(%arg5 : memref<80xf32, #tpu.memory_space<vmem>>) dst(%dma_wait3A_294 : memref<10240xf32, #tpu.memory_space<vmem_shared>>)
        tpu.yield
      }) : () -> ()
    }
    %scan3A_277 = arith.constant 125 : i32
    %barrier3A_278 = arith.constant 0 : index
    tpu.barrier barrier_id(%barrier3A_278)
    %mul3A_279 = arith.constant 640 : i32
    %mul3A_280 = arith.muli %arg1, %mul3A_279 : i32
    %mul3A_281 = arith.constant 10240 : i32
    %mul3A_282 = arith.muli %arg0, %mul3A_281 : i32
    %mul3A_283 = arith.constant 640 : i32
    %mul3A_284 = arith.muli %arg1, %mul3A_283 : i32
    %add3A_285 = arith.addi %mul3A_282, %mul3A_284 : i32
    "tpu.region"() ({
      %run_scoped3A = tpu.sem_alloc : memref<!tpu.dma_semaphore, #tpu.memory_space<semaphore_mem>>
      %dma_start3A = tpu.memref_slice %arg3[%add3A_285] : memref<20480xf32, #tpu.memory_space<hbm>> -> memref<640xf32, #tpu.memory_space<hbm>>
      %dma_start3A_286 = tpu.memref_slice %arg7[%mul3A_280] : memref<10240xf32, #tpu.memory_space<vmem_shared>> -> memref<640xf32, #tpu.memory_space<vmem_shared>>
      tpu.enqueue_dma source(%dma_start3A_286 : memref<640xf32, #tpu.memory_space<vmem_shared>>) target(%dma_start3A : memref<640xf32, #tpu.memory_space<hbm>>) target_semaphore(%run_scoped3A : memref<!tpu.dma_semaphore, #tpu.memory_space<semaphore_mem>>)
      %dma_wait3A = tpu.memref_slice %arg3[%add3A_285] : memref<20480xf32, #tpu.memory_space<hbm>> -> memref<640xf32, #tpu.memory_space<hbm>>
      %dma_wait3A_287 = tpu.memref_slice %arg7[%mul3A_280] : memref<10240xf32, #tpu.memory_space<vmem_shared>> -> memref<640xf32, #tpu.memory_space<vmem_shared>>
      tpu.wait_dma2 semaphore(%run_scoped3A : memref<!tpu.dma_semaphore, #tpu.memory_space<semaphore_mem>>) src(%dma_wait3A_287 : memref<640xf32, #tpu.memory_space<vmem_shared>>) dst(%dma_wait3A : memref<640xf32, #tpu.memory_space<hbm>>)
      tpu.yield
    }) : () -> ()
    return
  }
}

#map = affine_map<(d0, d1) -> (0, 0)>
#map1 = affine_map<(d0, d1) -> (0)>
module attributes {stable_mosaic.version = 14 : i64} {
  func.func @_sc_link(%arg0: i32, %arg1: i32, %arg2: memref<10000x128xf32, #tpu.memory_space<hbm>>, %arg3: memref<32768xi32, #tpu.memory_space<hbm>>, %arg4: memref<32768x128xf32, #tpu.memory_space<hbm>>, %arg5: memref<1024xi32, #tpu.memory_space<vmem>>, %arg6: memref<2x128x128xf32, #tpu.memory_space<vmem>>, %arg7: memref<!tpu.dma_semaphore, #tpu.memory_space<semaphore_mem>>, %arg8: memref<!tpu.dma_semaphore, #tpu.memory_space<semaphore_mem>>) attributes {dimension_semantics = [#tpu.dimension_semantics<core_parallel>, #tpu.dimension_semantics<subcore_parallel>], iteration_bounds = array<i64: 2, 16>, scalar_prefetch = 0 : i64, scratch_operands = 4 : i64, tpu.core_type = #tpu.core_type<sc_vector_subcore>, window_params = [{transform_indices = #map}, {transform_indices = #map1}, {transform_indices = #map}]} {
    %mul3A = arith.constant 2 : i32
    %mul3A_0 = arith.muli %arg1, %mul3A : i32
    %add3A = arith.addi %mul3A_0, %arg0 : i32
    %mul3A_1 = arith.constant 1024 : i32
    %mul3A_2 = arith.muli %add3A, %mul3A_1 : i32
    "tpu.region"() ({
      %run_scoped3A = tpu.sem_alloc : memref<!tpu.dma_semaphore, #tpu.memory_space<semaphore_mem>>
      %dma_start3A_17 = tpu.memref_slice %arg3[%mul3A_2] : memref<32768xi32, #tpu.memory_space<hbm>> -> memref<1024xi32, #tpu.memory_space<hbm>>
      %dma_start3A_18 = tpu.memref_slice %arg3[%mul3A_2] : memref<32768xi32, #tpu.memory_space<hbm>> -> memref<1024xi32, #tpu.memory_space<hbm>>
      tpu.enqueue_dma source(%dma_start3A_18 : memref<1024xi32, #tpu.memory_space<hbm>>) target(%arg5 : memref<1024xi32, #tpu.memory_space<vmem>>) target_semaphore(%run_scoped3A : memref<!tpu.dma_semaphore, #tpu.memory_space<semaphore_mem>>)
      %dma_wait3A = tpu.memref_slice %arg3[%mul3A_2] : memref<32768xi32, #tpu.memory_space<hbm>> -> memref<1024xi32, #tpu.memory_space<hbm>>
      %dma_wait3A_19 = tpu.memref_slice %arg3[%mul3A_2] : memref<32768xi32, #tpu.memory_space<hbm>> -> memref<1024xi32, #tpu.memory_space<hbm>>
      tpu.wait_dma2 semaphore(%run_scoped3A : memref<!tpu.dma_semaphore, #tpu.memory_space<semaphore_mem>>) src(%dma_wait3A_19 : memref<1024xi32, #tpu.memory_space<hbm>>) dst(%arg5 : memref<1024xi32, #tpu.memory_space<vmem>>)
      tpu.yield
    }) : () -> ()
    %dma_start3A = arith.constant 0 : i32
    %dma_start3A_3 = arith.constant 0 : i32
    %dma_start3A_4 = arith.constant 0 : i32
    %dma_start3A_5 = tpu.memref_slice %arg6[%dma_start3A, %dma_start3A_3, %dma_start3A_4] : memref<2x128x128xf32, #tpu.memory_space<vmem>> -> memref<1x128x128xf32, #tpu.memory_space<vmem>>
    %dma_start3A_6 = tpu.memref_squeeze %dma_start3A_5 : memref<1x128x128xf32, #tpu.memory_space<vmem>> -> memref<128x128xf32, #tpu.memory_space<vmem>>
    %dma_start3A_7 = arith.constant 0 : i32
    %dma_start3A_8 = tpu.memref_slice %arg5[%dma_start3A_7] : memref<1024xi32, #tpu.memory_space<vmem>> -> memref<128xi32, #tpu.memory_space<vmem>>
    %dma_start3A_9 = arith.constant 0 : i32
    %dma_start3A_10 = arith.constant 0 : i32
    %dma_start3A_11 = tpu.memref_slice %arg2[%dma_start3A_9, %dma_start3A_10] : memref<10000x128xf32, #tpu.memory_space<hbm>> -> memref<10000x128xf32, #tpu.memory_space<hbm>>
    tpu.enqueue_indirect_dma source(%dma_start3A_11 : memref<10000x128xf32, #tpu.memory_space<hbm>>) target(%dma_start3A_6 : memref<128x128xf32, #tpu.memory_space<vmem>>) offsets(%dma_start3A_8 : memref<128xi32, #tpu.memory_space<vmem>>) semaphore(%arg7 : memref<!tpu.dma_semaphore, #tpu.memory_space<semaphore_mem>>)
    %scan3A = arith.constant 0 : i32
    %scan3A_12 = arith.constant 0 : i32
    %scan3A_13 = arith.constant 8 : i32
    %scan3A_14 = arith.addi %scan3A_12, %scan3A_13 : i32
    %scan3A_15 = arith.constant 1 : i32
    scf.for %scan3A_17 = %scan3A_12 to %scan3A_14 step %scan3A_15  : i32 {
      %rem3A = arith.constant 2 : i32
      %rem3A_18 = arith.remsi %scan3A_17, %rem3A : i32
      %eq3A = arith.constant 0 : i32
      %eq3A_19 = arith.cmpi eq, %rem3A_18, %eq3A : i32
      %convert_element_type3A = arith.extui %eq3A_19 : i1 to i32
      %cond3A = arith.constant 0 : i32
      %cond3A_20 = arith.cmpi ne, %convert_element_type3A, %cond3A : i32
      scf.if %cond3A_20 {
        %add3A_28 = arith.constant 1 : i32
        %add3A_29 = arith.addi %scan3A_17, %add3A_28 : i32
        %lt3A = arith.constant 8 : i32
        %lt3A_30 = arith.cmpi slt, %add3A_29, %lt3A : i32
        %convert_element_type3A_31 = arith.extui %lt3A_30 : i1 to i32
        %cond3A_32 = arith.constant 0 : i32
        %cond3A_33 = arith.cmpi ne, %convert_element_type3A_31, %cond3A_32 : i32
        scf.if %cond3A_33 {
          %add3A_47 = arith.constant 1 : i32
          %add3A_48 = arith.addi %scan3A_17, %add3A_47 : i32
          %mul3A_49 = arith.constant 128 : i32
          %mul3A_50 = arith.muli %add3A_48, %mul3A_49 : i32
          %dma_start3A_51 = arith.constant 1 : i32
          %dma_start3A_52 = arith.constant 0 : i32
          %dma_start3A_53 = arith.constant 0 : i32
          %dma_start3A_54 = tpu.memref_slice %arg6[%dma_start3A_51, %dma_start3A_52, %dma_start3A_53] : memref<2x128x128xf32, #tpu.memory_space<vmem>> -> memref<1x128x128xf32, #tpu.memory_space<vmem>>
          %dma_start3A_55 = tpu.memref_squeeze %dma_start3A_54 : memref<1x128x128xf32, #tpu.memory_space<vmem>> -> memref<128x128xf32, #tpu.memory_space<vmem>>
          %dma_start3A_56 = tpu.memref_slice %arg5[%mul3A_50] : memref<1024xi32, #tpu.memory_space<vmem>> -> memref<128xi32, #tpu.memory_space<vmem>>
          %dma_start3A_57 = arith.constant 0 : i32
          %dma_start3A_58 = arith.constant 0 : i32
          %dma_start3A_59 = tpu.memref_slice %arg2[%dma_start3A_57, %dma_start3A_58] : memref<10000x128xf32, #tpu.memory_space<hbm>> -> memref<10000x128xf32, #tpu.memory_space<hbm>>
          tpu.enqueue_indirect_dma source(%dma_start3A_59 : memref<10000x128xf32, #tpu.memory_space<hbm>>) target(%dma_start3A_55 : memref<128x128xf32, #tpu.memory_space<vmem>>) offsets(%dma_start3A_56 : memref<128xi32, #tpu.memory_space<vmem>>) semaphore(%arg8 : memref<!tpu.dma_semaphore, #tpu.memory_space<semaphore_mem>>)
        } else {
        }
        %mul3A_34 = arith.constant 128 : i32
        %mul3A_35 = arith.muli %scan3A_17, %mul3A_34 : i32
        %dma_wait3A = arith.constant 0 : i32
        %dma_wait3A_36 = arith.constant 0 : i32
        %dma_wait3A_37 = arith.constant 0 : i32
        %dma_wait3A_38 = tpu.memref_slice %arg6[%dma_wait3A, %dma_wait3A_36, %dma_wait3A_37] : memref<2x128x128xf32, #tpu.memory_space<vmem>> -> memref<1x128x128xf32, #tpu.memory_space<vmem>>
        %dma_wait3A_39 = tpu.memref_squeeze %dma_wait3A_38 : memref<1x128x128xf32, #tpu.memory_space<vmem>> -> memref<128x128xf32, #tpu.memory_space<vmem>>
        %dma_wait3A_40 = tpu.memref_slice %arg5[%mul3A_35] : memref<1024xi32, #tpu.memory_space<vmem>> -> memref<128xi32, #tpu.memory_space<vmem>>
        %dma_wait3A_41 = arith.constant 0 : i32
        %dma_wait3A_42 = arith.constant 0 : i32
        %dma_wait3A_43 = tpu.memref_slice %arg2[%dma_wait3A_41, %dma_wait3A_42] : memref<10000x128xf32, #tpu.memory_space<hbm>> -> memref<10000x128xf32, #tpu.memory_space<hbm>>
        tpu.wait_indirect_dma semaphore(%arg7 : memref<!tpu.dma_semaphore, #tpu.memory_space<semaphore_mem>>) src(%dma_wait3A_43 : memref<10000x128xf32, #tpu.memory_space<hbm>>) dst(%dma_wait3A_39 : memref<128x128xf32, #tpu.memory_space<vmem>>)
        %mul3A_44 = arith.constant 128 : i32
        %mul3A_45 = arith.muli %scan3A_17, %mul3A_44 : i32
        %add3A_46 = arith.addi %mul3A_2, %mul3A_45 : i32
        %run_scoped3A = arith.constant 0 : i32
        "tpu.region"() ({
          %run_scoped3A_47 = tpu.sem_alloc : memref<!tpu.dma_semaphore, #tpu.memory_space<semaphore_mem>>
          %dma_start3A_48 = arith.constant 0 : i32
          %dma_start3A_49 = arith.constant 0 : i32
          %dma_start3A_50 = tpu.memref_slice %arg6[%run_scoped3A, %dma_start3A_48, %dma_start3A_49] : memref<2x128x128xf32, #tpu.memory_space<vmem>> -> memref<1x128x128xf32, #tpu.memory_space<vmem>>
          %dma_start3A_51 = tpu.memref_squeeze %dma_start3A_50 : memref<1x128x128xf32, #tpu.memory_space<vmem>> -> memref<128x128xf32, #tpu.memory_space<vmem>>
          %dma_start3A_52 = arith.constant 0 : i32
          %dma_start3A_53 = tpu.memref_slice %arg4[%add3A_46, %dma_start3A_52] : memref<32768x128xf32, #tpu.memory_space<hbm>> -> memref<128x128xf32, #tpu.memory_space<hbm>>
          %dma_start3A_54 = arith.constant 0 : i32
          %dma_start3A_55 = tpu.memref_slice %arg4[%add3A_46, %dma_start3A_54] : memref<32768x128xf32, #tpu.memory_space<hbm>> -> memref<128x128xf32, #tpu.memory_space<hbm>>
          %dma_start3A_56 = arith.constant 0 : i32
          %dma_start3A_57 = arith.constant 0 : i32
          %dma_start3A_58 = tpu.memref_slice %arg6[%run_scoped3A, %dma_start3A_56, %dma_start3A_57] : memref<2x128x128xf32, #tpu.memory_space<vmem>> -> memref<1x128x128xf32, #tpu.memory_space<vmem>>
          %dma_start3A_59 = tpu.memref_squeeze %dma_start3A_58 : memref<1x128x128xf32, #tpu.memory_space<vmem>> -> memref<128x128xf32, #tpu.memory_space<vmem>>
          tpu.enqueue_dma source(%dma_start3A_59 : memref<128x128xf32, #tpu.memory_space<vmem>>) target(%dma_start3A_55 : memref<128x128xf32, #tpu.memory_space<hbm>>) target_semaphore(%run_scoped3A_47 : memref<!tpu.dma_semaphore, #tpu.memory_space<semaphore_mem>>)
          %dma_wait3A_60 = arith.constant 0 : i32
          %dma_wait3A_61 = arith.constant 0 : i32
          %dma_wait3A_62 = tpu.memref_slice %arg6[%run_scoped3A, %dma_wait3A_60, %dma_wait3A_61] : memref<2x128x128xf32, #tpu.memory_space<vmem>> -> memref<1x128x128xf32, #tpu.memory_space<vmem>>
          %dma_wait3A_63 = tpu.memref_squeeze %dma_wait3A_62 : memref<1x128x128xf32, #tpu.memory_space<vmem>> -> memref<128x128xf32, #tpu.memory_space<vmem>>
          %dma_wait3A_64 = arith.constant 0 : i32
          %dma_wait3A_65 = tpu.memref_slice %arg4[%add3A_46, %dma_wait3A_64] : memref<32768x128xf32, #tpu.memory_space<hbm>> -> memref<128x128xf32, #tpu.memory_space<hbm>>
          %dma_wait3A_66 = arith.constant 0 : i32
          %dma_wait3A_67 = tpu.memref_slice %arg4[%add3A_46, %dma_wait3A_66] : memref<32768x128xf32, #tpu.memory_space<hbm>> -> memref<128x128xf32, #tpu.memory_space<hbm>>
          %dma_wait3A_68 = arith.constant 0 : i32
          %dma_wait3A_69 = arith.constant 0 : i32
          %dma_wait3A_70 = tpu.memref_slice %arg6[%run_scoped3A, %dma_wait3A_68, %dma_wait3A_69] : memref<2x128x128xf32, #tpu.memory_space<vmem>> -> memref<1x128x128xf32, #tpu.memory_space<vmem>>
          %dma_wait3A_71 = tpu.memref_squeeze %dma_wait3A_70 : memref<1x128x128xf32, #tpu.memory_space<vmem>> -> memref<128x128xf32, #tpu.memory_space<vmem>>
          tpu.wait_dma2 semaphore(%run_scoped3A_47 : memref<!tpu.dma_semaphore, #tpu.memory_space<semaphore_mem>>) src(%dma_wait3A_71 : memref<128x128xf32, #tpu.memory_space<vmem>>) dst(%dma_wait3A_67 : memref<128x128xf32, #tpu.memory_space<hbm>>)
          tpu.yield
        }) : () -> ()
      } else {
      }
      %rem3A_21 = arith.constant 2 : i32
      %rem3A_22 = arith.remsi %scan3A_17, %rem3A_21 : i32
      %eq3A_23 = arith.constant 1 : i32
      %eq3A_24 = arith.cmpi eq, %rem3A_22, %eq3A_23 : i32
      %convert_element_type3A_25 = arith.extui %eq3A_24 : i1 to i32
      %cond3A_26 = arith.constant 0 : i32
      %cond3A_27 = arith.cmpi ne, %convert_element_type3A_25, %cond3A_26 : i32
      scf.if %cond3A_27 {
        %add3A_28 = arith.constant 1 : i32
        %add3A_29 = arith.addi %scan3A_17, %add3A_28 : i32
        %lt3A = arith.constant 8 : i32
        %lt3A_30 = arith.cmpi slt, %add3A_29, %lt3A : i32
        %convert_element_type3A_31 = arith.extui %lt3A_30 : i1 to i32
        %cond3A_32 = arith.constant 0 : i32
        %cond3A_33 = arith.cmpi ne, %convert_element_type3A_31, %cond3A_32 : i32
        scf.if %cond3A_33 {
          %add3A_47 = arith.constant 1 : i32
          %add3A_48 = arith.addi %scan3A_17, %add3A_47 : i32
          %mul3A_49 = arith.constant 128 : i32
          %mul3A_50 = arith.muli %add3A_48, %mul3A_49 : i32
          %dma_start3A_51 = arith.constant 0 : i32
          %dma_start3A_52 = arith.constant 0 : i32
          %dma_start3A_53 = arith.constant 0 : i32
          %dma_start3A_54 = tpu.memref_slice %arg6[%dma_start3A_51, %dma_start3A_52, %dma_start3A_53] : memref<2x128x128xf32, #tpu.memory_space<vmem>> -> memref<1x128x128xf32, #tpu.memory_space<vmem>>
          %dma_start3A_55 = tpu.memref_squeeze %dma_start3A_54 : memref<1x128x128xf32, #tpu.memory_space<vmem>> -> memref<128x128xf32, #tpu.memory_space<vmem>>
          %dma_start3A_56 = tpu.memref_slice %arg5[%mul3A_50] : memref<1024xi32, #tpu.memory_space<vmem>> -> memref<128xi32, #tpu.memory_space<vmem>>
          %dma_start3A_57 = arith.constant 0 : i32
          %dma_start3A_58 = arith.constant 0 : i32
          %dma_start3A_59 = tpu.memref_slice %arg2[%dma_start3A_57, %dma_start3A_58] : memref<10000x128xf32, #tpu.memory_space<hbm>> -> memref<10000x128xf32, #tpu.memory_space<hbm>>
          tpu.enqueue_indirect_dma source(%dma_start3A_59 : memref<10000x128xf32, #tpu.memory_space<hbm>>) target(%dma_start3A_55 : memref<128x128xf32, #tpu.memory_space<vmem>>) offsets(%dma_start3A_56 : memref<128xi32, #tpu.memory_space<vmem>>) semaphore(%arg7 : memref<!tpu.dma_semaphore, #tpu.memory_space<semaphore_mem>>)
        } else {
        }
        %mul3A_34 = arith.constant 128 : i32
        %mul3A_35 = arith.muli %scan3A_17, %mul3A_34 : i32
        %dma_wait3A = arith.constant 1 : i32
        %dma_wait3A_36 = arith.constant 0 : i32
        %dma_wait3A_37 = arith.constant 0 : i32
        %dma_wait3A_38 = tpu.memref_slice %arg6[%dma_wait3A, %dma_wait3A_36, %dma_wait3A_37] : memref<2x128x128xf32, #tpu.memory_space<vmem>> -> memref<1x128x128xf32, #tpu.memory_space<vmem>>
        %dma_wait3A_39 = tpu.memref_squeeze %dma_wait3A_38 : memref<1x128x128xf32, #tpu.memory_space<vmem>> -> memref<128x128xf32, #tpu.memory_space<vmem>>
        %dma_wait3A_40 = tpu.memref_slice %arg5[%mul3A_35] : memref<1024xi32, #tpu.memory_space<vmem>> -> memref<128xi32, #tpu.memory_space<vmem>>
        %dma_wait3A_41 = arith.constant 0 : i32
        %dma_wait3A_42 = arith.constant 0 : i32
        %dma_wait3A_43 = tpu.memref_slice %arg2[%dma_wait3A_41, %dma_wait3A_42] : memref<10000x128xf32, #tpu.memory_space<hbm>> -> memref<10000x128xf32, #tpu.memory_space<hbm>>
        tpu.wait_indirect_dma semaphore(%arg8 : memref<!tpu.dma_semaphore, #tpu.memory_space<semaphore_mem>>) src(%dma_wait3A_43 : memref<10000x128xf32, #tpu.memory_space<hbm>>) dst(%dma_wait3A_39 : memref<128x128xf32, #tpu.memory_space<vmem>>)
        %mul3A_44 = arith.constant 128 : i32
        %mul3A_45 = arith.muli %scan3A_17, %mul3A_44 : i32
        %add3A_46 = arith.addi %mul3A_2, %mul3A_45 : i32
        %run_scoped3A = arith.constant 1 : i32
        "tpu.region"() ({
          %run_scoped3A_47 = tpu.sem_alloc : memref<!tpu.dma_semaphore, #tpu.memory_space<semaphore_mem>>
          %dma_start3A_48 = arith.constant 0 : i32
          %dma_start3A_49 = arith.constant 0 : i32
          %dma_start3A_50 = tpu.memref_slice %arg6[%run_scoped3A, %dma_start3A_48, %dma_start3A_49] : memref<2x128x128xf32, #tpu.memory_space<vmem>> -> memref<1x128x128xf32, #tpu.memory_space<vmem>>
          %dma_start3A_51 = tpu.memref_squeeze %dma_start3A_50 : memref<1x128x128xf32, #tpu.memory_space<vmem>> -> memref<128x128xf32, #tpu.memory_space<vmem>>
          %dma_start3A_52 = arith.constant 0 : i32
          %dma_start3A_53 = tpu.memref_slice %arg4[%add3A_46, %dma_start3A_52] : memref<32768x128xf32, #tpu.memory_space<hbm>> -> memref<128x128xf32, #tpu.memory_space<hbm>>
          %dma_start3A_54 = arith.constant 0 : i32
          %dma_start3A_55 = tpu.memref_slice %arg4[%add3A_46, %dma_start3A_54] : memref<32768x128xf32, #tpu.memory_space<hbm>> -> memref<128x128xf32, #tpu.memory_space<hbm>>
          %dma_start3A_56 = arith.constant 0 : i32
          %dma_start3A_57 = arith.constant 0 : i32
          %dma_start3A_58 = tpu.memref_slice %arg6[%run_scoped3A, %dma_start3A_56, %dma_start3A_57] : memref<2x128x128xf32, #tpu.memory_space<vmem>> -> memref<1x128x128xf32, #tpu.memory_space<vmem>>
          %dma_start3A_59 = tpu.memref_squeeze %dma_start3A_58 : memref<1x128x128xf32, #tpu.memory_space<vmem>> -> memref<128x128xf32, #tpu.memory_space<vmem>>
          tpu.enqueue_dma source(%dma_start3A_59 : memref<128x128xf32, #tpu.memory_space<vmem>>) target(%dma_start3A_55 : memref<128x128xf32, #tpu.memory_space<hbm>>) target_semaphore(%run_scoped3A_47 : memref<!tpu.dma_semaphore, #tpu.memory_space<semaphore_mem>>)
          %dma_wait3A_60 = arith.constant 0 : i32
          %dma_wait3A_61 = arith.constant 0 : i32
          %dma_wait3A_62 = tpu.memref_slice %arg6[%run_scoped3A, %dma_wait3A_60, %dma_wait3A_61] : memref<2x128x128xf32, #tpu.memory_space<vmem>> -> memref<1x128x128xf32, #tpu.memory_space<vmem>>
          %dma_wait3A_63 = tpu.memref_squeeze %dma_wait3A_62 : memref<1x128x128xf32, #tpu.memory_space<vmem>> -> memref<128x128xf32, #tpu.memory_space<vmem>>
          %dma_wait3A_64 = arith.constant 0 : i32
          %dma_wait3A_65 = tpu.memref_slice %arg4[%add3A_46, %dma_wait3A_64] : memref<32768x128xf32, #tpu.memory_space<hbm>> -> memref<128x128xf32, #tpu.memory_space<hbm>>
          %dma_wait3A_66 = arith.constant 0 : i32
          %dma_wait3A_67 = tpu.memref_slice %arg4[%add3A_46, %dma_wait3A_66] : memref<32768x128xf32, #tpu.memory_space<hbm>> -> memref<128x128xf32, #tpu.memory_space<hbm>>
          %dma_wait3A_68 = arith.constant 0 : i32
          %dma_wait3A_69 = arith.constant 0 : i32
          %dma_wait3A_70 = tpu.memref_slice %arg6[%run_scoped3A, %dma_wait3A_68, %dma_wait3A_69] : memref<2x128x128xf32, #tpu.memory_space<vmem>> -> memref<1x128x128xf32, #tpu.memory_space<vmem>>
          %dma_wait3A_71 = tpu.memref_squeeze %dma_wait3A_70 : memref<1x128x128xf32, #tpu.memory_space<vmem>> -> memref<128x128xf32, #tpu.memory_space<vmem>>
          tpu.wait_dma2 semaphore(%run_scoped3A_47 : memref<!tpu.dma_semaphore, #tpu.memory_space<semaphore_mem>>) src(%dma_wait3A_71 : memref<128x128xf32, #tpu.memory_space<vmem>>) dst(%dma_wait3A_67 : memref<128x128xf32, #tpu.memory_space<hbm>>)
          tpu.yield
        }) : () -> ()
      } else {
      }
    }
    %scan3A_16 = arith.constant 8 : i32
    return
  }
}

#map = affine_map<(d0, d1) -> (0, 0)>
#map1 = affine_map<(d0, d1) -> (0)>
module attributes {stable_mosaic.version = 14 : i64} {
  func.func @_sc_scatter(%arg0: i32, %arg1: i32, %arg2: memref<10000x128xf32, #tpu.memory_space<hbm>>, %arg3: memref<640000xi32, #tpu.memory_space<hbm>>, %arg4: memref<20000x128xf32, #tpu.memory_space<hbm>>, %arg5: memref<8x80xi32, #tpu.memory_space<vmem>>, %arg6: memref<8x80xi32, #tpu.memory_space<vmem>>, %arg7: memref<4x80x128xf32, #tpu.memory_space<vmem>>, %arg8: memref<10240x128xf32, #tpu.memory_space<vmem_shared>>, %arg9: memref<!tpu.dma_semaphore, #tpu.memory_space<semaphore_mem>>, %arg10: memref<!tpu.dma_semaphore, #tpu.memory_space<semaphore_mem>>, %arg11: memref<!tpu.dma_semaphore, #tpu.memory_space<semaphore_mem>>, %arg12: memref<!tpu.dma_semaphore, #tpu.memory_space<semaphore_mem>>, %arg13: memref<!tpu.dma_semaphore, #tpu.memory_space<semaphore_mem>>, %arg14: memref<!tpu.dma_semaphore, #tpu.memory_space<semaphore_mem>>, %arg15: memref<!tpu.dma_semaphore, #tpu.memory_space<semaphore_mem>>, %arg16: memref<!tpu.dma_semaphore, #tpu.memory_space<semaphore_mem>>, %arg17: memref<!tpu.dma_semaphore, #tpu.memory_space<semaphore_mem>>, %arg18: memref<!tpu.dma_semaphore, #tpu.memory_space<semaphore_mem>>, %arg19: memref<!tpu.dma_semaphore, #tpu.memory_space<semaphore_mem>>, %arg20: memref<!tpu.dma_semaphore, #tpu.memory_space<semaphore_mem>>, %arg21: memref<!tpu.dma_semaphore, #tpu.memory_space<semaphore_mem>>, %arg22: memref<!tpu.dma_semaphore, #tpu.memory_space<semaphore_mem>>, %arg23: memref<!tpu.dma_semaphore, #tpu.memory_space<semaphore_mem>>, %arg24: memref<!tpu.dma_semaphore, #tpu.memory_space<semaphore_mem>>, %arg25: memref<!tpu.dma_semaphore, #tpu.memory_space<semaphore_mem>>, %arg26: memref<!tpu.dma_semaphore, #tpu.memory_space<semaphore_mem>>, %arg27: memref<!tpu.dma_semaphore, #tpu.memory_space<semaphore_mem>>, %arg28: memref<!tpu.dma_semaphore, #tpu.memory_space<semaphore_mem>>, %arg29: memref<!tpu.dma_semaphore, #tpu.memory_space<semaphore_mem>>, %arg30: memref<!tpu.dma_semaphore, #tpu.memory_space<semaphore_mem>>, %arg31: memref<!tpu.dma_semaphore, #tpu.memory_space<semaphore_mem>>, %arg32: memref<!tpu.dma_semaphore, #tpu.memory_space<semaphore_mem>>) attributes {dimension_semantics = [#tpu.dimension_semantics<core_parallel>, #tpu.dimension_semantics<subcore_parallel>], iteration_bounds = array<i64: 2, 16>, scalar_prefetch = 0 : i64, scratch_operands = 28 : i64, tpu.core_type = #tpu.core_type<sc_vector_subcore>, window_params = [{transform_indices = #map}, {transform_indices = #map1}, {transform_indices = #map}]} {
    %mul3A = arith.constant 2 : i32
    %mul3A_0 = arith.muli %arg1, %mul3A : i32
    %add3A = arith.addi %mul3A_0, %arg0 : i32
    %mul3A_1 = arith.constant 640 : i32
    %mul3A_2 = arith.muli %arg1, %mul3A_1 : i32
    %mul3A_3 = arith.constant 10000 : i32
    %mul3A_4 = arith.muli %add3A, %mul3A_3 : i32
    %lt3A = arith.constant 15 : i32
    %lt3A_5 = arith.cmpi slt, %arg1, %lt3A : i32
    %convert_element_type3A = arith.extui %lt3A_5 : i1 to i32
    %cond3A = arith.constant 0 : i32
    %cond3A_6 = arith.cmpi ne, %convert_element_type3A, %cond3A : i32
    scf.if %cond3A_6 {
      "tpu.region"() ({
        %run_scoped3A = tpu.sem_alloc : memref<!tpu.dma_semaphore, #tpu.memory_space<semaphore_mem>>
        %dma_start3A_168 = arith.constant 0 : i32
        %dma_start3A_169 = tpu.memref_slice %arg8[%mul3A_2, %dma_start3A_168] : memref<10240x128xf32, #tpu.memory_space<vmem_shared>> -> memref<640x128xf32, #tpu.memory_space<vmem_shared>>
        %dma_start3A_170 = arith.constant 0 : i32
        %dma_start3A_171 = tpu.memref_slice %arg2[%mul3A_2, %dma_start3A_170] : memref<10000x128xf32, #tpu.memory_space<hbm>> -> memref<640x128xf32, #tpu.memory_space<hbm>>
        tpu.enqueue_dma source(%dma_start3A_171 : memref<640x128xf32, #tpu.memory_space<hbm>>) target(%dma_start3A_169 : memref<640x128xf32, #tpu.memory_space<vmem_shared>>) target_semaphore(%run_scoped3A : memref<!tpu.dma_semaphore, #tpu.memory_space<semaphore_mem>>)
        %dma_wait3A_172 = arith.constant 0 : i32
        %dma_wait3A_173 = tpu.memref_slice %arg8[%mul3A_2, %dma_wait3A_172] : memref<10240x128xf32, #tpu.memory_space<vmem_shared>> -> memref<640x128xf32, #tpu.memory_space<vmem_shared>>
        %dma_wait3A_174 = arith.constant 0 : i32
        %dma_wait3A_175 = tpu.memref_slice %arg2[%mul3A_2, %dma_wait3A_174] : memref<10000x128xf32, #tpu.memory_space<hbm>> -> memref<640x128xf32, #tpu.memory_space<hbm>>
        tpu.wait_dma2 semaphore(%run_scoped3A : memref<!tpu.dma_semaphore, #tpu.memory_space<semaphore_mem>>) src(%dma_wait3A_175 : memref<640x128xf32, #tpu.memory_space<hbm>>) dst(%dma_wait3A_173 : memref<640x128xf32, #tpu.memory_space<vmem_shared>>)
        tpu.yield
      }) : () -> ()
    } else {
    }
    %eq3A = arith.constant 15 : i32
    %eq3A_7 = arith.cmpi eq, %arg1, %eq3A : i32
    %convert_element_type3A_8 = arith.extui %eq3A_7 : i1 to i32
    %cond3A_9 = arith.constant 0 : i32
    %cond3A_10 = arith.cmpi ne, %convert_element_type3A_8, %cond3A_9 : i32
    scf.if %cond3A_10 {
      "tpu.region"() ({
        %run_scoped3A = tpu.sem_alloc : memref<!tpu.dma_semaphore, #tpu.memory_space<semaphore_mem>>
        %dma_start3A_168 = arith.constant 9600 : i32
        %dma_start3A_169 = arith.constant 0 : i32
        %dma_start3A_170 = tpu.memref_slice %arg8[%dma_start3A_168, %dma_start3A_169] : memref<10240x128xf32, #tpu.memory_space<vmem_shared>> -> memref<400x128xf32, #tpu.memory_space<vmem_shared>>
        %dma_start3A_171 = arith.constant 9600 : i32
        %dma_start3A_172 = arith.constant 0 : i32
        %dma_start3A_173 = tpu.memref_slice %arg2[%dma_start3A_171, %dma_start3A_172] : memref<10000x128xf32, #tpu.memory_space<hbm>> -> memref<400x128xf32, #tpu.memory_space<hbm>>
        tpu.enqueue_dma source(%dma_start3A_173 : memref<400x128xf32, #tpu.memory_space<hbm>>) target(%dma_start3A_170 : memref<400x128xf32, #tpu.memory_space<vmem_shared>>) target_semaphore(%run_scoped3A : memref<!tpu.dma_semaphore, #tpu.memory_space<semaphore_mem>>)
        %dma_wait3A_174 = arith.constant 9600 : i32
        %dma_wait3A_175 = arith.constant 0 : i32
        %dma_wait3A_176 = tpu.memref_slice %arg8[%dma_wait3A_174, %dma_wait3A_175] : memref<10240x128xf32, #tpu.memory_space<vmem_shared>> -> memref<400x128xf32, #tpu.memory_space<vmem_shared>>
        %dma_wait3A_177 = arith.constant 9600 : i32
        %dma_wait3A_178 = arith.constant 0 : i32
        %dma_wait3A_179 = tpu.memref_slice %arg2[%dma_wait3A_177, %dma_wait3A_178] : memref<10000x128xf32, #tpu.memory_space<hbm>> -> memref<400x128xf32, #tpu.memory_space<hbm>>
        tpu.wait_dma2 semaphore(%run_scoped3A : memref<!tpu.dma_semaphore, #tpu.memory_space<semaphore_mem>>) src(%dma_wait3A_179 : memref<400x128xf32, #tpu.memory_space<hbm>>) dst(%dma_wait3A_176 : memref<400x128xf32, #tpu.memory_space<vmem_shared>>)
        tpu.yield
      }) : () -> ()
    } else {
    }
    %barrier3A = arith.constant 0 : index
    tpu.barrier barrier_id(%barrier3A)
    %add3A_11 = arith.constant 0 : i32
    %add3A_12 = arith.addi %mul3A_4, %add3A_11 : i32
    %dma_start3A = arith.constant 0 : i32
    %dma_start3A_13 = arith.constant 0 : i32
    %dma_start3A_14 = tpu.memref_slice %arg5[%dma_start3A, %dma_start3A_13] : memref<8x80xi32, #tpu.memory_space<vmem>> -> memref<1x80xi32, #tpu.memory_space<vmem>>
    %dma_start3A_15 = tpu.memref_squeeze %dma_start3A_14 : memref<1x80xi32, #tpu.memory_space<vmem>> -> memref<80xi32, #tpu.memory_space<vmem>>
    %dma_start3A_16 = tpu.memref_slice %arg3[%add3A_12] : memref<640000xi32, #tpu.memory_space<hbm>> -> memref<80xi32, #tpu.memory_space<hbm>>
    %dma_start3A_17 = arith.constant 0 : i32
    %dma_start3A_18 = tpu.memref_slice %arg5[%dma_start3A, %dma_start3A_17] : memref<8x80xi32, #tpu.memory_space<vmem>> -> memref<1x80xi32, #tpu.memory_space<vmem>>
    %dma_start3A_19 = tpu.memref_squeeze %dma_start3A_18 : memref<1x80xi32, #tpu.memory_space<vmem>> -> memref<80xi32, #tpu.memory_space<vmem>>
    %dma_start3A_20 = tpu.memref_slice %arg3[%add3A_12] : memref<640000xi32, #tpu.memory_space<hbm>> -> memref<80xi32, #tpu.memory_space<hbm>>
    tpu.enqueue_dma source(%dma_start3A_20 : memref<80xi32, #tpu.memory_space<hbm>>) target(%dma_start3A_19 : memref<80xi32, #tpu.memory_space<vmem>>) target_semaphore(%arg9 : memref<!tpu.dma_semaphore, #tpu.memory_space<semaphore_mem>>)
    %add3A_21 = arith.constant 320000 : i32
    %add3A_22 = arith.addi %add3A_21, %mul3A_4 : i32
    %add3A_23 = arith.constant 0 : i32
    %add3A_24 = arith.addi %add3A_22, %add3A_23 : i32
    %dma_start3A_25 = arith.constant 0 : i32
    %dma_start3A_26 = arith.constant 0 : i32
    %dma_start3A_27 = tpu.memref_slice %arg6[%dma_start3A_25, %dma_start3A_26] : memref<8x80xi32, #tpu.memory_space<vmem>> -> memref<1x80xi32, #tpu.memory_space<vmem>>
    %dma_start3A_28 = tpu.memref_squeeze %dma_start3A_27 : memref<1x80xi32, #tpu.memory_space<vmem>> -> memref<80xi32, #tpu.memory_space<vmem>>
    %dma_start3A_29 = tpu.memref_slice %arg3[%add3A_24] : memref<640000xi32, #tpu.memory_space<hbm>> -> memref<80xi32, #tpu.memory_space<hbm>>
    %dma_start3A_30 = arith.constant 0 : i32
    %dma_start3A_31 = tpu.memref_slice %arg6[%dma_start3A_25, %dma_start3A_30] : memref<8x80xi32, #tpu.memory_space<vmem>> -> memref<1x80xi32, #tpu.memory_space<vmem>>
    %dma_start3A_32 = tpu.memref_squeeze %dma_start3A_31 : memref<1x80xi32, #tpu.memory_space<vmem>> -> memref<80xi32, #tpu.memory_space<vmem>>
    %dma_start3A_33 = tpu.memref_slice %arg3[%add3A_24] : memref<640000xi32, #tpu.memory_space<hbm>> -> memref<80xi32, #tpu.memory_space<hbm>>
    tpu.enqueue_dma source(%dma_start3A_33 : memref<80xi32, #tpu.memory_space<hbm>>) target(%dma_start3A_32 : memref<80xi32, #tpu.memory_space<vmem>>) target_semaphore(%arg17 : memref<!tpu.dma_semaphore, #tpu.memory_space<semaphore_mem>>)
    %add3A_34 = arith.constant 80 : i32
    %add3A_35 = arith.addi %mul3A_4, %add3A_34 : i32
    %dma_start3A_36 = arith.constant 1 : i32
    %dma_start3A_37 = arith.constant 0 : i32
    %dma_start3A_38 = tpu.memref_slice %arg5[%dma_start3A_36, %dma_start3A_37] : memref<8x80xi32, #tpu.memory_space<vmem>> -> memref<1x80xi32, #tpu.memory_space<vmem>>
    %dma_start3A_39 = tpu.memref_squeeze %dma_start3A_38 : memref<1x80xi32, #tpu.memory_space<vmem>> -> memref<80xi32, #tpu.memory_space<vmem>>
    %dma_start3A_40 = tpu.memref_slice %arg3[%add3A_35] : memref<640000xi32, #tpu.memory_space<hbm>> -> memref<80xi32, #tpu.memory_space<hbm>>
    %dma_start3A_41 = arith.constant 0 : i32
    %dma_start3A_42 = tpu.memref_slice %arg5[%dma_start3A_36, %dma_start3A_41] : memref<8x80xi32, #tpu.memory_space<vmem>> -> memref<1x80xi32, #tpu.memory_space<vmem>>
    %dma_start3A_43 = tpu.memref_squeeze %dma_start3A_42 : memref<1x80xi32, #tpu.memory_space<vmem>> -> memref<80xi32, #tpu.memory_space<vmem>>
    %dma_start3A_44 = tpu.memref_slice %arg3[%add3A_35] : memref<640000xi32, #tpu.memory_space<hbm>> -> memref<80xi32, #tpu.memory_space<hbm>>
    tpu.enqueue_dma source(%dma_start3A_44 : memref<80xi32, #tpu.memory_space<hbm>>) target(%dma_start3A_43 : memref<80xi32, #tpu.memory_space<vmem>>) target_semaphore(%arg10 : memref<!tpu.dma_semaphore, #tpu.memory_space<semaphore_mem>>)
    %add3A_45 = arith.constant 320000 : i32
    %add3A_46 = arith.addi %add3A_45, %mul3A_4 : i32
    %add3A_47 = arith.constant 80 : i32
    %add3A_48 = arith.addi %add3A_46, %add3A_47 : i32
    %dma_start3A_49 = arith.constant 1 : i32
    %dma_start3A_50 = arith.constant 0 : i32
    %dma_start3A_51 = tpu.memref_slice %arg6[%dma_start3A_49, %dma_start3A_50] : memref<8x80xi32, #tpu.memory_space<vmem>> -> memref<1x80xi32, #tpu.memory_space<vmem>>
    %dma_start3A_52 = tpu.memref_squeeze %dma_start3A_51 : memref<1x80xi32, #tpu.memory_space<vmem>> -> memref<80xi32, #tpu.memory_space<vmem>>
    %dma_start3A_53 = tpu.memref_slice %arg3[%add3A_48] : memref<640000xi32, #tpu.memory_space<hbm>> -> memref<80xi32, #tpu.memory_space<hbm>>
    %dma_start3A_54 = arith.constant 0 : i32
    %dma_start3A_55 = tpu.memref_slice %arg6[%dma_start3A_49, %dma_start3A_54] : memref<8x80xi32, #tpu.memory_space<vmem>> -> memref<1x80xi32, #tpu.memory_space<vmem>>
    %dma_start3A_56 = tpu.memref_squeeze %dma_start3A_55 : memref<1x80xi32, #tpu.memory_space<vmem>> -> memref<80xi32, #tpu.memory_space<vmem>>
    %dma_start3A_57 = tpu.memref_slice %arg3[%add3A_48] : memref<640000xi32, #tpu.memory_space<hbm>> -> memref<80xi32, #tpu.memory_space<hbm>>
    tpu.enqueue_dma source(%dma_start3A_57 : memref<80xi32, #tpu.memory_space<hbm>>) target(%dma_start3A_56 : memref<80xi32, #tpu.memory_space<vmem>>) target_semaphore(%arg18 : memref<!tpu.dma_semaphore, #tpu.memory_space<semaphore_mem>>)
    %add3A_58 = arith.constant 160 : i32
    %add3A_59 = arith.addi %mul3A_4, %add3A_58 : i32
    %dma_start3A_60 = arith.constant 2 : i32
    %dma_start3A_61 = arith.constant 0 : i32
    %dma_start3A_62 = tpu.memref_slice %arg5[%dma_start3A_60, %dma_start3A_61] : memref<8x80xi32, #tpu.memory_space<vmem>> -> memref<1x80xi32, #tpu.memory_space<vmem>>
    %dma_start3A_63 = tpu.memref_squeeze %dma_start3A_62 : memref<1x80xi32, #tpu.memory_space<vmem>> -> memref<80xi32, #tpu.memory_space<vmem>>
    %dma_start3A_64 = tpu.memref_slice %arg3[%add3A_59] : memref<640000xi32, #tpu.memory_space<hbm>> -> memref<80xi32, #tpu.memory_space<hbm>>
    %dma_start3A_65 = arith.constant 0 : i32
    %dma_start3A_66 = tpu.memref_slice %arg5[%dma_start3A_60, %dma_start3A_65] : memref<8x80xi32, #tpu.memory_space<vmem>> -> memref<1x80xi32, #tpu.memory_space<vmem>>
    %dma_start3A_67 = tpu.memref_squeeze %dma_start3A_66 : memref<1x80xi32, #tpu.memory_space<vmem>> -> memref<80xi32, #tpu.memory_space<vmem>>
    %dma_start3A_68 = tpu.memref_slice %arg3[%add3A_59] : memref<640000xi32, #tpu.memory_space<hbm>> -> memref<80xi32, #tpu.memory_space<hbm>>
    tpu.enqueue_dma source(%dma_start3A_68 : memref<80xi32, #tpu.memory_space<hbm>>) target(%dma_start3A_67 : memref<80xi32, #tpu.memory_space<vmem>>) target_semaphore(%arg11 : memref<!tpu.dma_semaphore, #tpu.memory_space<semaphore_mem>>)
    %add3A_69 = arith.constant 320000 : i32
    %add3A_70 = arith.addi %add3A_69, %mul3A_4 : i32
    %add3A_71 = arith.constant 160 : i32
    %add3A_72 = arith.addi %add3A_70, %add3A_71 : i32
    %dma_start3A_73 = arith.constant 2 : i32
    %dma_start3A_74 = arith.constant 0 : i32
    %dma_start3A_75 = tpu.memref_slice %arg6[%dma_start3A_73, %dma_start3A_74] : memref<8x80xi32, #tpu.memory_space<vmem>> -> memref<1x80xi32, #tpu.memory_space<vmem>>
    %dma_start3A_76 = tpu.memref_squeeze %dma_start3A_75 : memref<1x80xi32, #tpu.memory_space<vmem>> -> memref<80xi32, #tpu.memory_space<vmem>>
    %dma_start3A_77 = tpu.memref_slice %arg3[%add3A_72] : memref<640000xi32, #tpu.memory_space<hbm>> -> memref<80xi32, #tpu.memory_space<hbm>>
    %dma_start3A_78 = arith.constant 0 : i32
    %dma_start3A_79 = tpu.memref_slice %arg6[%dma_start3A_73, %dma_start3A_78] : memref<8x80xi32, #tpu.memory_space<vmem>> -> memref<1x80xi32, #tpu.memory_space<vmem>>
    %dma_start3A_80 = tpu.memref_squeeze %dma_start3A_79 : memref<1x80xi32, #tpu.memory_space<vmem>> -> memref<80xi32, #tpu.memory_space<vmem>>
    %dma_start3A_81 = tpu.memref_slice %arg3[%add3A_72] : memref<640000xi32, #tpu.memory_space<hbm>> -> memref<80xi32, #tpu.memory_space<hbm>>
    tpu.enqueue_dma source(%dma_start3A_81 : memref<80xi32, #tpu.memory_space<hbm>>) target(%dma_start3A_80 : memref<80xi32, #tpu.memory_space<vmem>>) target_semaphore(%arg19 : memref<!tpu.dma_semaphore, #tpu.memory_space<semaphore_mem>>)
    %add3A_82 = arith.constant 0 : i32
    %add3A_83 = arith.addi %mul3A_4, %add3A_82 : i32
    %dma_wait3A = arith.constant 0 : i32
    %dma_wait3A_84 = arith.constant 0 : i32
    %dma_wait3A_85 = tpu.memref_slice %arg5[%dma_wait3A, %dma_wait3A_84] : memref<8x80xi32, #tpu.memory_space<vmem>> -> memref<1x80xi32, #tpu.memory_space<vmem>>
    %dma_wait3A_86 = tpu.memref_squeeze %dma_wait3A_85 : memref<1x80xi32, #tpu.memory_space<vmem>> -> memref<80xi32, #tpu.memory_space<vmem>>
    %dma_wait3A_87 = tpu.memref_slice %arg3[%add3A_83] : memref<640000xi32, #tpu.memory_space<hbm>> -> memref<80xi32, #tpu.memory_space<hbm>>
    %dma_wait3A_88 = arith.constant 0 : i32
    %dma_wait3A_89 = tpu.memref_slice %arg5[%dma_wait3A, %dma_wait3A_88] : memref<8x80xi32, #tpu.memory_space<vmem>> -> memref<1x80xi32, #tpu.memory_space<vmem>>
    %dma_wait3A_90 = tpu.memref_squeeze %dma_wait3A_89 : memref<1x80xi32, #tpu.memory_space<vmem>> -> memref<80xi32, #tpu.memory_space<vmem>>
    %dma_wait3A_91 = tpu.memref_slice %arg3[%add3A_83] : memref<640000xi32, #tpu.memory_space<hbm>> -> memref<80xi32, #tpu.memory_space<hbm>>
    tpu.wait_dma2 semaphore(%arg9 : memref<!tpu.dma_semaphore, #tpu.memory_space<semaphore_mem>>) src(%dma_wait3A_91 : memref<80xi32, #tpu.memory_space<hbm>>) dst(%dma_wait3A_90 : memref<80xi32, #tpu.memory_space<vmem>>)
    %dma_start3A_92 = arith.constant 0 : i32
    %dma_start3A_93 = arith.constant 0 : i32
    %dma_start3A_94 = arith.constant 0 : i32
    %dma_start3A_95 = arith.constant 0 : i32
    %dma_start3A_96 = tpu.memref_slice %arg7[%dma_start3A_93, %dma_start3A_94, %dma_start3A_95] : memref<4x80x128xf32, #tpu.memory_space<vmem>> -> memref<1x80x128xf32, #tpu.memory_space<vmem>>
    %dma_start3A_97 = tpu.memref_squeeze %dma_start3A_96 : memref<1x80x128xf32, #tpu.memory_space<vmem>> -> memref<80x128xf32, #tpu.memory_space<vmem>>
    %dma_start3A_98 = arith.constant 0 : i32
    %dma_start3A_99 = tpu.memref_slice %arg5[%dma_start3A_92, %dma_start3A_98] : memref<8x80xi32, #tpu.memory_space<vmem>> -> memref<1x80xi32, #tpu.memory_space<vmem>>
    %dma_start3A_100 = tpu.memref_squeeze %dma_start3A_99 : memref<1x80xi32, #tpu.memory_space<vmem>> -> memref<80xi32, #tpu.memory_space<vmem>>
    %dma_start3A_101 = arith.constant 0 : i32
    %dma_start3A_102 = arith.constant 0 : i32
    %dma_start3A_103 = tpu.memref_slice %arg2[%dma_start3A_101, %dma_start3A_102] : memref<10000x128xf32, #tpu.memory_space<hbm>> -> memref<10000x128xf32, #tpu.memory_space<hbm>>
    tpu.enqueue_indirect_dma source(%dma_start3A_103 : memref<10000x128xf32, #tpu.memory_space<hbm>>) target(%dma_start3A_97 : memref<80x128xf32, #tpu.memory_space<vmem>>) offsets(%dma_start3A_100 : memref<80xi32, #tpu.memory_space<vmem>>) semaphore(%arg25 : memref<!tpu.dma_semaphore, #tpu.memory_space<semaphore_mem>>)
    %scan3A = arith.constant 0 : i32
    %scan3A_104 = arith.constant 0 : i32
    %scan3A_105 = arith.constant 125 : i32
    %scan3A_106 = arith.addi %scan3A_104, %scan3A_105 : i32
    %scan3A_107 = arith.constant 1 : i32
    scf.for %scan3A_168 = %scan3A_104 to %scan3A_106 step %scan3A_107  : i32 {
      %rem3A = arith.constant 8 : i32
      %rem3A_169 = arith.remsi %scan3A_168, %rem3A : i32
      %eq3A_170 = arith.constant 0 : i32
      %eq3A_171 = arith.cmpi eq, %rem3A_169, %eq3A_170 : i32
      %add3A_172 = arith.constant 4 : i32
      %add3A_173 = arith.addi %scan3A_168, %add3A_172 : i32
      %sub3A = arith.constant 1 : i32
      %sub3A_174 = arith.subi %add3A_173, %sub3A : i32
      %lt3A_175 = arith.constant 125 : i32
      %lt3A_176 = arith.cmpi slt, %sub3A_174, %lt3A_175 : i32
      %and3A = arith.andi %eq3A_171, %lt3A_176 : i1
      %convert_element_type3A_177 = arith.extui %and3A : i1 to i32
      %cond3A_178 = arith.constant 0 : i32
      %cond3A_179 = arith.cmpi ne, %convert_element_type3A_177, %cond3A_178 : i32
      scf.if %cond3A_179 {
        %add3A_384 = arith.constant 4 : i32
        %add3A_385 = arith.addi %scan3A_168, %add3A_384 : i32
        %sub3A_386 = arith.constant 1 : i32
        %sub3A_387 = arith.subi %add3A_385, %sub3A_386 : i32
        %mul3A_388 = arith.constant 80 : i32
        %mul3A_389 = arith.muli %sub3A_387, %mul3A_388 : i32
        %add3A_390 = arith.addi %mul3A_4, %mul3A_389 : i32
        %dma_start3A_391 = arith.constant 3 : i32
        %dma_start3A_392 = arith.constant 0 : i32
        %dma_start3A_393 = tpu.memref_slice %arg5[%dma_start3A_391, %dma_start3A_392] : memref<8x80xi32, #tpu.memory_space<vmem>> -> memref<1x80xi32, #tpu.memory_space<vmem>>
        %dma_start3A_394 = tpu.memref_squeeze %dma_start3A_393 : memref<1x80xi32, #tpu.memory_space<vmem>> -> memref<80xi32, #tpu.memory_space<vmem>>
        %dma_start3A_395 = tpu.memref_slice %arg3[%add3A_390] : memref<640000xi32, #tpu.memory_space<hbm>> -> memref<80xi32, #tpu.memory_space<hbm>>
        %dma_start3A_396 = arith.constant 0 : i32
        %dma_start3A_397 = tpu.memref_slice %arg5[%dma_start3A_391, %dma_start3A_396] : memref<8x80xi32, #tpu.memory_space<vmem>> -> memref<1x80xi32, #tpu.memory_space<vmem>>
        %dma_start3A_398 = tpu.memref_squeeze %dma_start3A_397 : memref<1x80xi32, #tpu.memory_space<vmem>> -> memref<80xi32, #tpu.memory_space<vmem>>
        %dma_start3A_399 = tpu.memref_slice %arg3[%add3A_390] : memref<640000xi32, #tpu.memory_space<hbm>> -> memref<80xi32, #tpu.memory_space<hbm>>
        tpu.enqueue_dma source(%dma_start3A_399 : memref<80xi32, #tpu.memory_space<hbm>>) target(%dma_start3A_398 : memref<80xi32, #tpu.memory_space<vmem>>) target_semaphore(%arg12 : memref<!tpu.dma_semaphore, #tpu.memory_space<semaphore_mem>>)
        %add3A_400 = arith.constant 320000 : i32
        %add3A_401 = arith.addi %add3A_400, %mul3A_4 : i32
        %mul3A_402 = arith.constant 80 : i32
        %mul3A_403 = arith.muli %sub3A_387, %mul3A_402 : i32
        %add3A_404 = arith.addi %add3A_401, %mul3A_403 : i32
        %dma_start3A_405 = arith.constant 3 : i32
        %dma_start3A_406 = arith.constant 0 : i32
        %dma_start3A_407 = tpu.memref_slice %arg6[%dma_start3A_405, %dma_start3A_406] : memref<8x80xi32, #tpu.memory_space<vmem>> -> memref<1x80xi32, #tpu.memory_space<vmem>>
        %dma_start3A_408 = tpu.memref_squeeze %dma_start3A_407 : memref<1x80xi32, #tpu.memory_space<vmem>> -> memref<80xi32, #tpu.memory_space<vmem>>
        %dma_start3A_409 = tpu.memref_slice %arg3[%add3A_404] : memref<640000xi32, #tpu.memory_space<hbm>> -> memref<80xi32, #tpu.memory_space<hbm>>
        %dma_start3A_410 = arith.constant 0 : i32
        %dma_start3A_411 = tpu.memref_slice %arg6[%dma_start3A_405, %dma_start3A_410] : memref<8x80xi32, #tpu.memory_space<vmem>> -> memref<1x80xi32, #tpu.memory_space<vmem>>
        %dma_start3A_412 = tpu.memref_squeeze %dma_start3A_411 : memref<1x80xi32, #tpu.memory_space<vmem>> -> memref<80xi32, #tpu.memory_space<vmem>>
        %dma_start3A_413 = tpu.memref_slice %arg3[%add3A_404] : memref<640000xi32, #tpu.memory_space<hbm>> -> memref<80xi32, #tpu.memory_space<hbm>>
        tpu.enqueue_dma source(%dma_start3A_413 : memref<80xi32, #tpu.memory_space<hbm>>) target(%dma_start3A_412 : memref<80xi32, #tpu.memory_space<vmem>>) target_semaphore(%arg20 : memref<!tpu.dma_semaphore, #tpu.memory_space<semaphore_mem>>)
      } else {
      }
      %eq3A_180 = arith.constant 0 : i32
      %eq3A_181 = arith.cmpi eq, %rem3A_169, %eq3A_180 : i32
      %add3A_182 = arith.constant 1 : i32
      %add3A_183 = arith.addi %scan3A_168, %add3A_182 : i32
      %lt3A_184 = arith.constant 125 : i32
      %lt3A_185 = arith.cmpi slt, %add3A_183, %lt3A_184 : i32
      %and3A_186 = arith.andi %eq3A_181, %lt3A_185 : i1
      %convert_element_type3A_187 = arith.extui %and3A_186 : i1 to i32
      %cond3A_188 = arith.constant 0 : i32
      %cond3A_189 = arith.cmpi ne, %convert_element_type3A_187, %cond3A_188 : i32
      scf.if %cond3A_189 {
        %add3A_384 = arith.constant 1 : i32
        %add3A_385 = arith.addi %scan3A_168, %add3A_384 : i32
        %ge3A = arith.constant 4 : i32
        %ge3A_386 = arith.cmpi sge, %add3A_385, %ge3A : i32
        %convert_element_type3A_387 = arith.extui %ge3A_386 : i1 to i32
        %cond3A_388 = arith.constant 0 : i32
        %cond3A_389 = arith.cmpi ne, %convert_element_type3A_387, %cond3A_388 : i32
        scf.if %cond3A_389 {
          %dma_wait3A_416 = arith.constant 1 : i32
          %dma_wait3A_417 = arith.constant 5 : i32
          %dma_wait3A_418 = arith.constant 0 : i32
          %dma_wait3A_419 = arith.constant 0 : i32
          %dma_wait3A_420 = tpu.memref_slice %arg7[%dma_wait3A_416, %dma_wait3A_418, %dma_wait3A_419] : memref<4x80x128xf32, #tpu.memory_space<vmem>> -> memref<1x80x128xf32, #tpu.memory_space<vmem>>
          %dma_wait3A_421 = tpu.memref_squeeze %dma_wait3A_420 : memref<1x80x128xf32, #tpu.memory_space<vmem>> -> memref<80x128xf32, #tpu.memory_space<vmem>>
          %dma_wait3A_422 = arith.constant 0 : i32
          %dma_wait3A_423 = tpu.memref_slice %arg6[%dma_wait3A_417, %dma_wait3A_422] : memref<8x80xi32, #tpu.memory_space<vmem>> -> memref<1x80xi32, #tpu.memory_space<vmem>>
          %dma_wait3A_424 = tpu.memref_squeeze %dma_wait3A_423 : memref<1x80xi32, #tpu.memory_space<vmem>> -> memref<80xi32, #tpu.memory_space<vmem>>
          %dma_wait3A_425 = arith.constant 0 : i32
          %dma_wait3A_426 = arith.constant 0 : i32
          %dma_wait3A_427 = tpu.memref_slice %arg8[%dma_wait3A_425, %dma_wait3A_426] : memref<10240x128xf32, #tpu.memory_space<vmem_shared>> -> memref<10240x128xf32, #tpu.memory_space<vmem_shared>>
          tpu.wait_indirect_dma semaphore(%arg30 : memref<!tpu.dma_semaphore, #tpu.memory_space<semaphore_mem>>) src(%dma_wait3A_421 : memref<80x128xf32, #tpu.memory_space<vmem>>) dst(%dma_wait3A_427 : memref<10240x128xf32, #tpu.memory_space<vmem_shared>>)
        } else {
        }
        %add3A_390 = arith.constant 1 : i32
        %add3A_391 = arith.addi %scan3A_168, %add3A_390 : i32
        %mul3A_392 = arith.constant 80 : i32
        %mul3A_393 = arith.muli %add3A_391, %mul3A_392 : i32
        %add3A_394 = arith.addi %mul3A_4, %mul3A_393 : i32
        %dma_wait3A_395 = arith.constant 1 : i32
        %dma_wait3A_396 = arith.constant 0 : i32
        %dma_wait3A_397 = tpu.memref_slice %arg5[%dma_wait3A_395, %dma_wait3A_396] : memref<8x80xi32, #tpu.memory_space<vmem>> -> memref<1x80xi32, #tpu.memory_space<vmem>>
        %dma_wait3A_398 = tpu.memref_squeeze %dma_wait3A_397 : memref<1x80xi32, #tpu.memory_space<vmem>> -> memref<80xi32, #tpu.memory_space<vmem>>
        %dma_wait3A_399 = tpu.memref_slice %arg3[%add3A_394] : memref<640000xi32, #tpu.memory_space<hbm>> -> memref<80xi32, #tpu.memory_space<hbm>>
        %dma_wait3A_400 = arith.constant 0 : i32
        %dma_wait3A_401 = tpu.memref_slice %arg5[%dma_wait3A_395, %dma_wait3A_400] : memref<8x80xi32, #tpu.memory_space<vmem>> -> memref<1x80xi32, #tpu.memory_space<vmem>>
        %dma_wait3A_402 = tpu.memref_squeeze %dma_wait3A_401 : memref<1x80xi32, #tpu.memory_space<vmem>> -> memref<80xi32, #tpu.memory_space<vmem>>
        %dma_wait3A_403 = tpu.memref_slice %arg3[%add3A_394] : memref<640000xi32, #tpu.memory_space<hbm>> -> memref<80xi32, #tpu.memory_space<hbm>>
        tpu.wait_dma2 semaphore(%arg10 : memref<!tpu.dma_semaphore, #tpu.memory_space<semaphore_mem>>) src(%dma_wait3A_403 : memref<80xi32, #tpu.memory_space<hbm>>) dst(%dma_wait3A_402 : memref<80xi32, #tpu.memory_space<vmem>>)
        %dma_start3A_404 = arith.constant 1 : i32
        %dma_start3A_405 = arith.constant 1 : i32
        %dma_start3A_406 = arith.constant 0 : i32
        %dma_start3A_407 = arith.constant 0 : i32
        %dma_start3A_408 = tpu.memref_slice %arg7[%dma_start3A_405, %dma_start3A_406, %dma_start3A_407] : memref<4x80x128xf32, #tpu.memory_space<vmem>> -> memref<1x80x128xf32, #tpu.memory_space<vmem>>
        %dma_start3A_409 = tpu.memref_squeeze %dma_start3A_408 : memref<1x80x128xf32, #tpu.memory_space<vmem>> -> memref<80x128xf32, #tpu.memory_space<vmem>>
        %dma_start3A_410 = arith.constant 0 : i32
        %dma_start3A_411 = tpu.memref_slice %arg5[%dma_start3A_404, %dma_start3A_410] : memref<8x80xi32, #tpu.memory_space<vmem>> -> memref<1x80xi32, #tpu.memory_space<vmem>>
        %dma_start3A_412 = tpu.memref_squeeze %dma_start3A_411 : memref<1x80xi32, #tpu.memory_space<vmem>> -> memref<80xi32, #tpu.memory_space<vmem>>
        %dma_start3A_413 = arith.constant 0 : i32
        %dma_start3A_414 = arith.constant 0 : i32
        %dma_start3A_415 = tpu.memref_slice %arg2[%dma_start3A_413, %dma_start3A_414] : memref<10000x128xf32, #tpu.memory_space<hbm>> -> memref<10000x128xf32, #tpu.memory_space<hbm>>
        tpu.enqueue_indirect_dma source(%dma_start3A_415 : memref<10000x128xf32, #tpu.memory_space<hbm>>) target(%dma_start3A_409 : memref<80x128xf32, #tpu.memory_space<vmem>>) offsets(%dma_start3A_412 : memref<80xi32, #tpu.memory_space<vmem>>) semaphore(%arg26 : memref<!tpu.dma_semaphore, #tpu.memory_space<semaphore_mem>>)
      } else {
      }
      %eq3A_190 = arith.constant 0 : i32
      %eq3A_191 = arith.cmpi eq, %rem3A_169, %eq3A_190 : i32
      %convert_element_type3A_192 = arith.extui %eq3A_191 : i1 to i32
      %cond3A_193 = arith.constant 0 : i32
      %cond3A_194 = arith.cmpi ne, %convert_element_type3A_192, %cond3A_193 : i32
      scf.if %cond3A_194 {
        %dma_wait3A_384 = arith.constant 0 : i32
        %dma_wait3A_385 = arith.constant 0 : i32
        %dma_wait3A_386 = arith.constant 0 : i32
        %dma_wait3A_387 = arith.constant 0 : i32
        %dma_wait3A_388 = tpu.memref_slice %arg7[%dma_wait3A_385, %dma_wait3A_386, %dma_wait3A_387] : memref<4x80x128xf32, #tpu.memory_space<vmem>> -> memref<1x80x128xf32, #tpu.memory_space<vmem>>
        %dma_wait3A_389 = tpu.memref_squeeze %dma_wait3A_388 : memref<1x80x128xf32, #tpu.memory_space<vmem>> -> memref<80x128xf32, #tpu.memory_space<vmem>>
        %dma_wait3A_390 = arith.constant 0 : i32
        %dma_wait3A_391 = tpu.memref_slice %arg5[%dma_wait3A_384, %dma_wait3A_390] : memref<8x80xi32, #tpu.memory_space<vmem>> -> memref<1x80xi32, #tpu.memory_space<vmem>>
        %dma_wait3A_392 = tpu.memref_squeeze %dma_wait3A_391 : memref<1x80xi32, #tpu.memory_space<vmem>> -> memref<80xi32, #tpu.memory_space<vmem>>
        %dma_wait3A_393 = arith.constant 0 : i32
        %dma_wait3A_394 = arith.constant 0 : i32
        %dma_wait3A_395 = tpu.memref_slice %arg2[%dma_wait3A_393, %dma_wait3A_394] : memref<10000x128xf32, #tpu.memory_space<hbm>> -> memref<10000x128xf32, #tpu.memory_space<hbm>>
        tpu.wait_indirect_dma semaphore(%arg25 : memref<!tpu.dma_semaphore, #tpu.memory_space<semaphore_mem>>) src(%dma_wait3A_395 : memref<10000x128xf32, #tpu.memory_space<hbm>>) dst(%dma_wait3A_389 : memref<80x128xf32, #tpu.memory_space<vmem>>)
        %add3A_396 = arith.constant 320000 : i32
        %add3A_397 = arith.addi %add3A_396, %mul3A_4 : i32
        %mul3A_398 = arith.constant 80 : i32
        %mul3A_399 = arith.muli %scan3A_168, %mul3A_398 : i32
        %add3A_400 = arith.addi %add3A_397, %mul3A_399 : i32
        %dma_wait3A_401 = arith.constant 0 : i32
        %dma_wait3A_402 = arith.constant 0 : i32
        %dma_wait3A_403 = tpu.memref_slice %arg6[%dma_wait3A_401, %dma_wait3A_402] : memref<8x80xi32, #tpu.memory_space<vmem>> -> memref<1x80xi32, #tpu.memory_space<vmem>>
        %dma_wait3A_404 = tpu.memref_squeeze %dma_wait3A_403 : memref<1x80xi32, #tpu.memory_space<vmem>> -> memref<80xi32, #tpu.memory_space<vmem>>
        %dma_wait3A_405 = tpu.memref_slice %arg3[%add3A_400] : memref<640000xi32, #tpu.memory_space<hbm>> -> memref<80xi32, #tpu.memory_space<hbm>>
        %dma_wait3A_406 = arith.constant 0 : i32
        %dma_wait3A_407 = tpu.memref_slice %arg6[%dma_wait3A_401, %dma_wait3A_406] : memref<8x80xi32, #tpu.memory_space<vmem>> -> memref<1x80xi32, #tpu.memory_space<vmem>>
        %dma_wait3A_408 = tpu.memref_squeeze %dma_wait3A_407 : memref<1x80xi32, #tpu.memory_space<vmem>> -> memref<80xi32, #tpu.memory_space<vmem>>
        %dma_wait3A_409 = tpu.memref_slice %arg3[%add3A_400] : memref<640000xi32, #tpu.memory_space<hbm>> -> memref<80xi32, #tpu.memory_space<hbm>>
        tpu.wait_dma2 semaphore(%arg17 : memref<!tpu.dma_semaphore, #tpu.memory_space<semaphore_mem>>) src(%dma_wait3A_409 : memref<80xi32, #tpu.memory_space<hbm>>) dst(%dma_wait3A_408 : memref<80xi32, #tpu.memory_space<vmem>>)
        %dma_start3A_410 = arith.constant 0 : i32
        %dma_start3A_411 = arith.constant 0 : i32
        %dma_start3A_412 = arith.constant 0 : i32
        %dma_start3A_413 = arith.constant 0 : i32
        %dma_start3A_414 = tpu.memref_slice %arg7[%dma_start3A_410, %dma_start3A_412, %dma_start3A_413] : memref<4x80x128xf32, #tpu.memory_space<vmem>> -> memref<1x80x128xf32, #tpu.memory_space<vmem>>
        %dma_start3A_415 = tpu.memref_squeeze %dma_start3A_414 : memref<1x80x128xf32, #tpu.memory_space<vmem>> -> memref<80x128xf32, #tpu.memory_space<vmem>>
        %dma_start3A_416 = arith.constant 0 : i32
        %dma_start3A_417 = tpu.memref_slice %arg6[%dma_start3A_411, %dma_start3A_416] : memref<8x80xi32, #tpu.memory_space<vmem>> -> memref<1x80xi32, #tpu.memory_space<vmem>>
        %dma_start3A_418 = tpu.memref_squeeze %dma_start3A_417 : memref<1x80xi32, #tpu.memory_space<vmem>> -> memref<80xi32, #tpu.memory_space<vmem>>
        %dma_start3A_419 = arith.constant 0 : i32
        %dma_start3A_420 = arith.constant 0 : i32
        %dma_start3A_421 = tpu.memref_slice %arg8[%dma_start3A_419, %dma_start3A_420] : memref<10240x128xf32, #tpu.memory_space<vmem_shared>> -> memref<10240x128xf32, #tpu.memory_space<vmem_shared>>
        tpu.enqueue_indirect_dma source(%dma_start3A_415 : memref<80x128xf32, #tpu.memory_space<vmem>>) target(%dma_start3A_421 : memref<10240x128xf32, #tpu.memory_space<vmem_shared>>) offsets(%dma_start3A_418 : memref<80xi32, #tpu.memory_space<vmem>>) semaphore(%arg29 : memref<!tpu.dma_semaphore, #tpu.memory_space<semaphore_mem>>) {add = true}
      } else {
      }
      %eq3A_195 = arith.constant 1 : i32
      %eq3A_196 = arith.cmpi eq, %rem3A_169, %eq3A_195 : i32
      %add3A_197 = arith.constant 4 : i32
      %add3A_198 = arith.addi %scan3A_168, %add3A_197 : i32
      %sub3A_199 = arith.constant 1 : i32
      %sub3A_200 = arith.subi %add3A_198, %sub3A_199 : i32
      %lt3A_201 = arith.constant 125 : i32
      %lt3A_202 = arith.cmpi slt, %sub3A_200, %lt3A_201 : i32
      %and3A_203 = arith.andi %eq3A_196, %lt3A_202 : i1
      %convert_element_type3A_204 = arith.extui %and3A_203 : i1 to i32
      %cond3A_205 = arith.constant 0 : i32
      %cond3A_206 = arith.cmpi ne, %convert_element_type3A_204, %cond3A_205 : i32
      scf.if %cond3A_206 {
        %add3A_384 = arith.constant 4 : i32
        %add3A_385 = arith.addi %scan3A_168, %add3A_384 : i32
        %sub3A_386 = arith.constant 1 : i32
        %sub3A_387 = arith.subi %add3A_385, %sub3A_386 : i32
        %mul3A_388 = arith.constant 80 : i32
        %mul3A_389 = arith.muli %sub3A_387, %mul3A_388 : i32
        %add3A_390 = arith.addi %mul3A_4, %mul3A_389 : i32
        %dma_start3A_391 = arith.constant 4 : i32
        %dma_start3A_392 = arith.constant 0 : i32
        %dma_start3A_393 = tpu.memref_slice %arg5[%dma_start3A_391, %dma_start3A_392] : memref<8x80xi32, #tpu.memory_space<vmem>> -> memref<1x80xi32, #tpu.memory_space<vmem>>
        %dma_start3A_394 = tpu.memref_squeeze %dma_start3A_393 : memref<1x80xi32, #tpu.memory_space<vmem>> -> memref<80xi32, #tpu.memory_space<vmem>>
        %dma_start3A_395 = tpu.memref_slice %arg3[%add3A_390] : memref<640000xi32, #tpu.memory_space<hbm>> -> memref<80xi32, #tpu.memory_space<hbm>>
        %dma_start3A_396 = arith.constant 0 : i32
        %dma_start3A_397 = tpu.memref_slice %arg5[%dma_start3A_391, %dma_start3A_396] : memref<8x80xi32, #tpu.memory_space<vmem>> -> memref<1x80xi32, #tpu.memory_space<vmem>>
        %dma_start3A_398 = tpu.memref_squeeze %dma_start3A_397 : memref<1x80xi32, #tpu.memory_space<vmem>> -> memref<80xi32, #tpu.memory_space<vmem>>
        %dma_start3A_399 = tpu.memref_slice %arg3[%add3A_390] : memref<640000xi32, #tpu.memory_space<hbm>> -> memref<80xi32, #tpu.memory_space<hbm>>
        tpu.enqueue_dma source(%dma_start3A_399 : memref<80xi32, #tpu.memory_space<hbm>>) target(%dma_start3A_398 : memref<80xi32, #tpu.memory_space<vmem>>) target_semaphore(%arg13 : memref<!tpu.dma_semaphore, #tpu.memory_space<semaphore_mem>>)
        %add3A_400 = arith.constant 320000 : i32
        %add3A_401 = arith.addi %add3A_400, %mul3A_4 : i32
        %mul3A_402 = arith.constant 80 : i32
        %mul3A_403 = arith.muli %sub3A_387, %mul3A_402 : i32
        %add3A_404 = arith.addi %add3A_401, %mul3A_403 : i32
        %dma_start3A_405 = arith.constant 4 : i32
        %dma_start3A_406 = arith.constant 0 : i32
        %dma_start3A_407 = tpu.memref_slice %arg6[%dma_start3A_405, %dma_start3A_406] : memref<8x80xi32, #tpu.memory_space<vmem>> -> memref<1x80xi32, #tpu.memory_space<vmem>>
        %dma_start3A_408 = tpu.memref_squeeze %dma_start3A_407 : memref<1x80xi32, #tpu.memory_space<vmem>> -> memref<80xi32, #tpu.memory_space<vmem>>
        %dma_start3A_409 = tpu.memref_slice %arg3[%add3A_404] : memref<640000xi32, #tpu.memory_space<hbm>> -> memref<80xi32, #tpu.memory_space<hbm>>
        %dma_start3A_410 = arith.constant 0 : i32
        %dma_start3A_411 = tpu.memref_slice %arg6[%dma_start3A_405, %dma_start3A_410] : memref<8x80xi32, #tpu.memory_space<vmem>> -> memref<1x80xi32, #tpu.memory_space<vmem>>
        %dma_start3A_412 = tpu.memref_squeeze %dma_start3A_411 : memref<1x80xi32, #tpu.memory_space<vmem>> -> memref<80xi32, #tpu.memory_space<vmem>>
        %dma_start3A_413 = tpu.memref_slice %arg3[%add3A_404] : memref<640000xi32, #tpu.memory_space<hbm>> -> memref<80xi32, #tpu.memory_space<hbm>>
        tpu.enqueue_dma source(%dma_start3A_413 : memref<80xi32, #tpu.memory_space<hbm>>) target(%dma_start3A_412 : memref<80xi32, #tpu.memory_space<vmem>>) target_semaphore(%arg21 : memref<!tpu.dma_semaphore, #tpu.memory_space<semaphore_mem>>)
      } else {
      }
      %eq3A_207 = arith.constant 1 : i32
      %eq3A_208 = arith.cmpi eq, %rem3A_169, %eq3A_207 : i32
      %add3A_209 = arith.constant 1 : i32
      %add3A_210 = arith.addi %scan3A_168, %add3A_209 : i32
      %lt3A_211 = arith.constant 125 : i32
      %lt3A_212 = arith.cmpi slt, %add3A_210, %lt3A_211 : i32
      %and3A_213 = arith.andi %eq3A_208, %lt3A_212 : i1
      %convert_element_type3A_214 = arith.extui %and3A_213 : i1 to i32
      %cond3A_215 = arith.constant 0 : i32
      %cond3A_216 = arith.cmpi ne, %convert_element_type3A_214, %cond3A_215 : i32
      scf.if %cond3A_216 {
        %add3A_384 = arith.constant 1 : i32
        %add3A_385 = arith.addi %scan3A_168, %add3A_384 : i32
        %ge3A = arith.constant 4 : i32
        %ge3A_386 = arith.cmpi sge, %add3A_385, %ge3A : i32
        %convert_element_type3A_387 = arith.extui %ge3A_386 : i1 to i32
        %cond3A_388 = arith.constant 0 : i32
        %cond3A_389 = arith.cmpi ne, %convert_element_type3A_387, %cond3A_388 : i32
        scf.if %cond3A_389 {
          %dma_wait3A_416 = arith.constant 2 : i32
          %dma_wait3A_417 = arith.constant 6 : i32
          %dma_wait3A_418 = arith.constant 0 : i32
          %dma_wait3A_419 = arith.constant 0 : i32
          %dma_wait3A_420 = tpu.memref_slice %arg7[%dma_wait3A_416, %dma_wait3A_418, %dma_wait3A_419] : memref<4x80x128xf32, #tpu.memory_space<vmem>> -> memref<1x80x128xf32, #tpu.memory_space<vmem>>
          %dma_wait3A_421 = tpu.memref_squeeze %dma_wait3A_420 : memref<1x80x128xf32, #tpu.memory_space<vmem>> -> memref<80x128xf32, #tpu.memory_space<vmem>>
          %dma_wait3A_422 = arith.constant 0 : i32
          %dma_wait3A_423 = tpu.memref_slice %arg6[%dma_wait3A_417, %dma_wait3A_422] : memref<8x80xi32, #tpu.memory_space<vmem>> -> memref<1x80xi32, #tpu.memory_space<vmem>>
          %dma_wait3A_424 = tpu.memref_squeeze %dma_wait3A_423 : memref<1x80xi32, #tpu.memory_space<vmem>> -> memref<80xi32, #tpu.memory_space<vmem>>
          %dma_wait3A_425 = arith.constant 0 : i32
          %dma_wait3A_426 = arith.constant 0 : i32
          %dma_wait3A_427 = tpu.memref_slice %arg8[%dma_wait3A_425, %dma_wait3A_426] : memref<10240x128xf32, #tpu.memory_space<vmem_shared>> -> memref<10240x128xf32, #tpu.memory_space<vmem_shared>>
          tpu.wait_indirect_dma semaphore(%arg31 : memref<!tpu.dma_semaphore, #tpu.memory_space<semaphore_mem>>) src(%dma_wait3A_421 : memref<80x128xf32, #tpu.memory_space<vmem>>) dst(%dma_wait3A_427 : memref<10240x128xf32, #tpu.memory_space<vmem_shared>>)
        } else {
        }
        %add3A_390 = arith.constant 1 : i32
        %add3A_391 = arith.addi %scan3A_168, %add3A_390 : i32
        %mul3A_392 = arith.constant 80 : i32
        %mul3A_393 = arith.muli %add3A_391, %mul3A_392 : i32
        %add3A_394 = arith.addi %mul3A_4, %mul3A_393 : i32
        %dma_wait3A_395 = arith.constant 2 : i32
        %dma_wait3A_396 = arith.constant 0 : i32
        %dma_wait3A_397 = tpu.memref_slice %arg5[%dma_wait3A_395, %dma_wait3A_396] : memref<8x80xi32, #tpu.memory_space<vmem>> -> memref<1x80xi32, #tpu.memory_space<vmem>>
        %dma_wait3A_398 = tpu.memref_squeeze %dma_wait3A_397 : memref<1x80xi32, #tpu.memory_space<vmem>> -> memref<80xi32, #tpu.memory_space<vmem>>
        %dma_wait3A_399 = tpu.memref_slice %arg3[%add3A_394] : memref<640000xi32, #tpu.memory_space<hbm>> -> memref<80xi32, #tpu.memory_space<hbm>>
        %dma_wait3A_400 = arith.constant 0 : i32
        %dma_wait3A_401 = tpu.memref_slice %arg5[%dma_wait3A_395, %dma_wait3A_400] : memref<8x80xi32, #tpu.memory_space<vmem>> -> memref<1x80xi32, #tpu.memory_space<vmem>>
        %dma_wait3A_402 = tpu.memref_squeeze %dma_wait3A_401 : memref<1x80xi32, #tpu.memory_space<vmem>> -> memref<80xi32, #tpu.memory_space<vmem>>
        %dma_wait3A_403 = tpu.memref_slice %arg3[%add3A_394] : memref<640000xi32, #tpu.memory_space<hbm>> -> memref<80xi32, #tpu.memory_space<hbm>>
        tpu.wait_dma2 semaphore(%arg11 : memref<!tpu.dma_semaphore, #tpu.memory_space<semaphore_mem>>) src(%dma_wait3A_403 : memref<80xi32, #tpu.memory_space<hbm>>) dst(%dma_wait3A_402 : memref<80xi32, #tpu.memory_space<vmem>>)
        %dma_start3A_404 = arith.constant 2 : i32
        %dma_start3A_405 = arith.constant 2 : i32
        %dma_start3A_406 = arith.constant 0 : i32
        %dma_start3A_407 = arith.constant 0 : i32
        %dma_start3A_408 = tpu.memref_slice %arg7[%dma_start3A_405, %dma_start3A_406, %dma_start3A_407] : memref<4x80x128xf32, #tpu.memory_space<vmem>> -> memref<1x80x128xf32, #tpu.memory_space<vmem>>
        %dma_start3A_409 = tpu.memref_squeeze %dma_start3A_408 : memref<1x80x128xf32, #tpu.memory_space<vmem>> -> memref<80x128xf32, #tpu.memory_space<vmem>>
        %dma_start3A_410 = arith.constant 0 : i32
        %dma_start3A_411 = tpu.memref_slice %arg5[%dma_start3A_404, %dma_start3A_410] : memref<8x80xi32, #tpu.memory_space<vmem>> -> memref<1x80xi32, #tpu.memory_space<vmem>>
        %dma_start3A_412 = tpu.memref_squeeze %dma_start3A_411 : memref<1x80xi32, #tpu.memory_space<vmem>> -> memref<80xi32, #tpu.memory_space<vmem>>
        %dma_start3A_413 = arith.constant 0 : i32
        %dma_start3A_414 = arith.constant 0 : i32
        %dma_start3A_415 = tpu.memref_slice %arg2[%dma_start3A_413, %dma_start3A_414] : memref<10000x128xf32, #tpu.memory_space<hbm>> -> memref<10000x128xf32, #tpu.memory_space<hbm>>
        tpu.enqueue_indirect_dma source(%dma_start3A_415 : memref<10000x128xf32, #tpu.memory_space<hbm>>) target(%dma_start3A_409 : memref<80x128xf32, #tpu.memory_space<vmem>>) offsets(%dma_start3A_412 : memref<80xi32, #tpu.memory_space<vmem>>) semaphore(%arg27 : memref<!tpu.dma_semaphore, #tpu.memory_space<semaphore_mem>>)
      } else {
      }
      %eq3A_217 = arith.constant 1 : i32
      %eq3A_218 = arith.cmpi eq, %rem3A_169, %eq3A_217 : i32
      %convert_element_type3A_219 = arith.extui %eq3A_218 : i1 to i32
      %cond3A_220 = arith.constant 0 : i32
      %cond3A_221 = arith.cmpi ne, %convert_element_type3A_219, %cond3A_220 : i32
      scf.if %cond3A_221 {
        %dma_wait3A_384 = arith.constant 1 : i32
        %dma_wait3A_385 = arith.constant 1 : i32
        %dma_wait3A_386 = arith.constant 0 : i32
        %dma_wait3A_387 = arith.constant 0 : i32
        %dma_wait3A_388 = tpu.memref_slice %arg7[%dma_wait3A_385, %dma_wait3A_386, %dma_wait3A_387] : memref<4x80x128xf32, #tpu.memory_space<vmem>> -> memref<1x80x128xf32, #tpu.memory_space<vmem>>
        %dma_wait3A_389 = tpu.memref_squeeze %dma_wait3A_388 : memref<1x80x128xf32, #tpu.memory_space<vmem>> -> memref<80x128xf32, #tpu.memory_space<vmem>>
        %dma_wait3A_390 = arith.constant 0 : i32
        %dma_wait3A_391 = tpu.memref_slice %arg5[%dma_wait3A_384, %dma_wait3A_390] : memref<8x80xi32, #tpu.memory_space<vmem>> -> memref<1x80xi32, #tpu.memory_space<vmem>>
        %dma_wait3A_392 = tpu.memref_squeeze %dma_wait3A_391 : memref<1x80xi32, #tpu.memory_space<vmem>> -> memref<80xi32, #tpu.memory_space<vmem>>
        %dma_wait3A_393 = arith.constant 0 : i32
        %dma_wait3A_394 = arith.constant 0 : i32
        %dma_wait3A_395 = tpu.memref_slice %arg2[%dma_wait3A_393, %dma_wait3A_394] : memref<10000x128xf32, #tpu.memory_space<hbm>> -> memref<10000x128xf32, #tpu.memory_space<hbm>>
        tpu.wait_indirect_dma semaphore(%arg26 : memref<!tpu.dma_semaphore, #tpu.memory_space<semaphore_mem>>) src(%dma_wait3A_395 : memref<10000x128xf32, #tpu.memory_space<hbm>>) dst(%dma_wait3A_389 : memref<80x128xf32, #tpu.memory_space<vmem>>)
        %add3A_396 = arith.constant 320000 : i32
        %add3A_397 = arith.addi %add3A_396, %mul3A_4 : i32
        %mul3A_398 = arith.constant 80 : i32
        %mul3A_399 = arith.muli %scan3A_168, %mul3A_398 : i32
        %add3A_400 = arith.addi %add3A_397, %mul3A_399 : i32
        %dma_wait3A_401 = arith.constant 1 : i32
        %dma_wait3A_402 = arith.constant 0 : i32
        %dma_wait3A_403 = tpu.memref_slice %arg6[%dma_wait3A_401, %dma_wait3A_402] : memref<8x80xi32, #tpu.memory_space<vmem>> -> memref<1x80xi32, #tpu.memory_space<vmem>>
        %dma_wait3A_404 = tpu.memref_squeeze %dma_wait3A_403 : memref<1x80xi32, #tpu.memory_space<vmem>> -> memref<80xi32, #tpu.memory_space<vmem>>
        %dma_wait3A_405 = tpu.memref_slice %arg3[%add3A_400] : memref<640000xi32, #tpu.memory_space<hbm>> -> memref<80xi32, #tpu.memory_space<hbm>>
        %dma_wait3A_406 = arith.constant 0 : i32
        %dma_wait3A_407 = tpu.memref_slice %arg6[%dma_wait3A_401, %dma_wait3A_406] : memref<8x80xi32, #tpu.memory_space<vmem>> -> memref<1x80xi32, #tpu.memory_space<vmem>>
        %dma_wait3A_408 = tpu.memref_squeeze %dma_wait3A_407 : memref<1x80xi32, #tpu.memory_space<vmem>> -> memref<80xi32, #tpu.memory_space<vmem>>
        %dma_wait3A_409 = tpu.memref_slice %arg3[%add3A_400] : memref<640000xi32, #tpu.memory_space<hbm>> -> memref<80xi32, #tpu.memory_space<hbm>>
        tpu.wait_dma2 semaphore(%arg18 : memref<!tpu.dma_semaphore, #tpu.memory_space<semaphore_mem>>) src(%dma_wait3A_409 : memref<80xi32, #tpu.memory_space<hbm>>) dst(%dma_wait3A_408 : memref<80xi32, #tpu.memory_space<vmem>>)
        %dma_start3A_410 = arith.constant 1 : i32
        %dma_start3A_411 = arith.constant 1 : i32
        %dma_start3A_412 = arith.constant 0 : i32
        %dma_start3A_413 = arith.constant 0 : i32
        %dma_start3A_414 = tpu.memref_slice %arg7[%dma_start3A_410, %dma_start3A_412, %dma_start3A_413] : memref<4x80x128xf32, #tpu.memory_space<vmem>> -> memref<1x80x128xf32, #tpu.memory_space<vmem>>
        %dma_start3A_415 = tpu.memref_squeeze %dma_start3A_414 : memref<1x80x128xf32, #tpu.memory_space<vmem>> -> memref<80x128xf32, #tpu.memory_space<vmem>>
        %dma_start3A_416 = arith.constant 0 : i32
        %dma_start3A_417 = tpu.memref_slice %arg6[%dma_start3A_411, %dma_start3A_416] : memref<8x80xi32, #tpu.memory_space<vmem>> -> memref<1x80xi32, #tpu.memory_space<vmem>>
        %dma_start3A_418 = tpu.memref_squeeze %dma_start3A_417 : memref<1x80xi32, #tpu.memory_space<vmem>> -> memref<80xi32, #tpu.memory_space<vmem>>
        %dma_start3A_419 = arith.constant 0 : i32
        %dma_start3A_420 = arith.constant 0 : i32
        %dma_start3A_421 = tpu.memref_slice %arg8[%dma_start3A_419, %dma_start3A_420] : memref<10240x128xf32, #tpu.memory_space<vmem_shared>> -> memref<10240x128xf32, #tpu.memory_space<vmem_shared>>
        tpu.enqueue_indirect_dma source(%dma_start3A_415 : memref<80x128xf32, #tpu.memory_space<vmem>>) target(%dma_start3A_421 : memref<10240x128xf32, #tpu.memory_space<vmem_shared>>) offsets(%dma_start3A_418 : memref<80xi32, #tpu.memory_space<vmem>>) semaphore(%arg30 : memref<!tpu.dma_semaphore, #tpu.memory_space<semaphore_mem>>) {add = true}
      } else {
      }
      %eq3A_222 = arith.constant 2 : i32
      %eq3A_223 = arith.cmpi eq, %rem3A_169, %eq3A_222 : i32
      %add3A_224 = arith.constant 4 : i32
      %add3A_225 = arith.addi %scan3A_168, %add3A_224 : i32
      %sub3A_226 = arith.constant 1 : i32
      %sub3A_227 = arith.subi %add3A_225, %sub3A_226 : i32
      %lt3A_228 = arith.constant 125 : i32
      %lt3A_229 = arith.cmpi slt, %sub3A_227, %lt3A_228 : i32
      %and3A_230 = arith.andi %eq3A_223, %lt3A_229 : i1
      %convert_element_type3A_231 = arith.extui %and3A_230 : i1 to i32
      %cond3A_232 = arith.constant 0 : i32
      %cond3A_233 = arith.cmpi ne, %convert_element_type3A_231, %cond3A_232 : i32
      scf.if %cond3A_233 {
        %add3A_384 = arith.constant 4 : i32
        %add3A_385 = arith.addi %scan3A_168, %add3A_384 : i32
        %sub3A_386 = arith.constant 1 : i32
        %sub3A_387 = arith.subi %add3A_385, %sub3A_386 : i32
        %mul3A_388 = arith.constant 80 : i32
        %mul3A_389 = arith.muli %sub3A_387, %mul3A_388 : i32
        %add3A_390 = arith.addi %mul3A_4, %mul3A_389 : i32
        %dma_start3A_391 = arith.constant 5 : i32
        %dma_start3A_392 = arith.constant 0 : i32
        %dma_start3A_393 = tpu.memref_slice %arg5[%dma_start3A_391, %dma_start3A_392] : memref<8x80xi32, #tpu.memory_space<vmem>> -> memref<1x80xi32, #tpu.memory_space<vmem>>
        %dma_start3A_394 = tpu.memref_squeeze %dma_start3A_393 : memref<1x80xi32, #tpu.memory_space<vmem>> -> memref<80xi32, #tpu.memory_space<vmem>>
        %dma_start3A_395 = tpu.memref_slice %arg3[%add3A_390] : memref<640000xi32, #tpu.memory_space<hbm>> -> memref<80xi32, #tpu.memory_space<hbm>>
        %dma_start3A_396 = arith.constant 0 : i32
        %dma_start3A_397 = tpu.memref_slice %arg5[%dma_start3A_391, %dma_start3A_396] : memref<8x80xi32, #tpu.memory_space<vmem>> -> memref<1x80xi32, #tpu.memory_space<vmem>>
        %dma_start3A_398 = tpu.memref_squeeze %dma_start3A_397 : memref<1x80xi32, #tpu.memory_space<vmem>> -> memref<80xi32, #tpu.memory_space<vmem>>
        %dma_start3A_399 = tpu.memref_slice %arg3[%add3A_390] : memref<640000xi32, #tpu.memory_space<hbm>> -> memref<80xi32, #tpu.memory_space<hbm>>
        tpu.enqueue_dma source(%dma_start3A_399 : memref<80xi32, #tpu.memory_space<hbm>>) target(%dma_start3A_398 : memref<80xi32, #tpu.memory_space<vmem>>) target_semaphore(%arg14 : memref<!tpu.dma_semaphore, #tpu.memory_space<semaphore_mem>>)
        %add3A_400 = arith.constant 320000 : i32
        %add3A_401 = arith.addi %add3A_400, %mul3A_4 : i32
        %mul3A_402 = arith.constant 80 : i32
        %mul3A_403 = arith.muli %sub3A_387, %mul3A_402 : i32
        %add3A_404 = arith.addi %add3A_401, %mul3A_403 : i32
        %dma_start3A_405 = arith.constant 5 : i32
        %dma_start3A_406 = arith.constant 0 : i32
        %dma_start3A_407 = tpu.memref_slice %arg6[%dma_start3A_405, %dma_start3A_406] : memref<8x80xi32, #tpu.memory_space<vmem>> -> memref<1x80xi32, #tpu.memory_space<vmem>>
        %dma_start3A_408 = tpu.memref_squeeze %dma_start3A_407 : memref<1x80xi32, #tpu.memory_space<vmem>> -> memref<80xi32, #tpu.memory_space<vmem>>
        %dma_start3A_409 = tpu.memref_slice %arg3[%add3A_404] : memref<640000xi32, #tpu.memory_space<hbm>> -> memref<80xi32, #tpu.memory_space<hbm>>
        %dma_start3A_410 = arith.constant 0 : i32
        %dma_start3A_411 = tpu.memref_slice %arg6[%dma_start3A_405, %dma_start3A_410] : memref<8x80xi32, #tpu.memory_space<vmem>> -> memref<1x80xi32, #tpu.memory_space<vmem>>
        %dma_start3A_412 = tpu.memref_squeeze %dma_start3A_411 : memref<1x80xi32, #tpu.memory_space<vmem>> -> memref<80xi32, #tpu.memory_space<vmem>>
        %dma_start3A_413 = tpu.memref_slice %arg3[%add3A_404] : memref<640000xi32, #tpu.memory_space<hbm>> -> memref<80xi32, #tpu.memory_space<hbm>>
        tpu.enqueue_dma source(%dma_start3A_413 : memref<80xi32, #tpu.memory_space<hbm>>) target(%dma_start3A_412 : memref<80xi32, #tpu.memory_space<vmem>>) target_semaphore(%arg22 : memref<!tpu.dma_semaphore, #tpu.memory_space<semaphore_mem>>)
      } else {
      }
      %eq3A_234 = arith.constant 2 : i32
      %eq3A_235 = arith.cmpi eq, %rem3A_169, %eq3A_234 : i32
      %add3A_236 = arith.constant 1 : i32
      %add3A_237 = arith.addi %scan3A_168, %add3A_236 : i32
      %lt3A_238 = arith.constant 125 : i32
      %lt3A_239 = arith.cmpi slt, %add3A_237, %lt3A_238 : i32
      %and3A_240 = arith.andi %eq3A_235, %lt3A_239 : i1
      %convert_element_type3A_241 = arith.extui %and3A_240 : i1 to i32
      %cond3A_242 = arith.constant 0 : i32
      %cond3A_243 = arith.cmpi ne, %convert_element_type3A_241, %cond3A_242 : i32
      scf.if %cond3A_243 {
        %add3A_384 = arith.constant 1 : i32
        %add3A_385 = arith.addi %scan3A_168, %add3A_384 : i32
        %ge3A = arith.constant 4 : i32
        %ge3A_386 = arith.cmpi sge, %add3A_385, %ge3A : i32
        %convert_element_type3A_387 = arith.extui %ge3A_386 : i1 to i32
        %cond3A_388 = arith.constant 0 : i32
        %cond3A_389 = arith.cmpi ne, %convert_element_type3A_387, %cond3A_388 : i32
        scf.if %cond3A_389 {
          %dma_wait3A_416 = arith.constant 3 : i32
          %dma_wait3A_417 = arith.constant 7 : i32
          %dma_wait3A_418 = arith.constant 0 : i32
          %dma_wait3A_419 = arith.constant 0 : i32
          %dma_wait3A_420 = tpu.memref_slice %arg7[%dma_wait3A_416, %dma_wait3A_418, %dma_wait3A_419] : memref<4x80x128xf32, #tpu.memory_space<vmem>> -> memref<1x80x128xf32, #tpu.memory_space<vmem>>
          %dma_wait3A_421 = tpu.memref_squeeze %dma_wait3A_420 : memref<1x80x128xf32, #tpu.memory_space<vmem>> -> memref<80x128xf32, #tpu.memory_space<vmem>>
          %dma_wait3A_422 = arith.constant 0 : i32
          %dma_wait3A_423 = tpu.memref_slice %arg6[%dma_wait3A_417, %dma_wait3A_422] : memref<8x80xi32, #tpu.memory_space<vmem>> -> memref<1x80xi32, #tpu.memory_space<vmem>>
          %dma_wait3A_424 = tpu.memref_squeeze %dma_wait3A_423 : memref<1x80xi32, #tpu.memory_space<vmem>> -> memref<80xi32, #tpu.memory_space<vmem>>
          %dma_wait3A_425 = arith.constant 0 : i32
          %dma_wait3A_426 = arith.constant 0 : i32
          %dma_wait3A_427 = tpu.memref_slice %arg8[%dma_wait3A_425, %dma_wait3A_426] : memref<10240x128xf32, #tpu.memory_space<vmem_shared>> -> memref<10240x128xf32, #tpu.memory_space<vmem_shared>>
          tpu.wait_indirect_dma semaphore(%arg32 : memref<!tpu.dma_semaphore, #tpu.memory_space<semaphore_mem>>) src(%dma_wait3A_421 : memref<80x128xf32, #tpu.memory_space<vmem>>) dst(%dma_wait3A_427 : memref<10240x128xf32, #tpu.memory_space<vmem_shared>>)
        } else {
        }
        %add3A_390 = arith.constant 1 : i32
        %add3A_391 = arith.addi %scan3A_168, %add3A_390 : i32
        %mul3A_392 = arith.constant 80 : i32
        %mul3A_393 = arith.muli %add3A_391, %mul3A_392 : i32
        %add3A_394 = arith.addi %mul3A_4, %mul3A_393 : i32
        %dma_wait3A_395 = arith.constant 3 : i32
        %dma_wait3A_396 = arith.constant 0 : i32
        %dma_wait3A_397 = tpu.memref_slice %arg5[%dma_wait3A_395, %dma_wait3A_396] : memref<8x80xi32, #tpu.memory_space<vmem>> -> memref<1x80xi32, #tpu.memory_space<vmem>>
        %dma_wait3A_398 = tpu.memref_squeeze %dma_wait3A_397 : memref<1x80xi32, #tpu.memory_space<vmem>> -> memref<80xi32, #tpu.memory_space<vmem>>
        %dma_wait3A_399 = tpu.memref_slice %arg3[%add3A_394] : memref<640000xi32, #tpu.memory_space<hbm>> -> memref<80xi32, #tpu.memory_space<hbm>>
        %dma_wait3A_400 = arith.constant 0 : i32
        %dma_wait3A_401 = tpu.memref_slice %arg5[%dma_wait3A_395, %dma_wait3A_400] : memref<8x80xi32, #tpu.memory_space<vmem>> -> memref<1x80xi32, #tpu.memory_space<vmem>>
        %dma_wait3A_402 = tpu.memref_squeeze %dma_wait3A_401 : memref<1x80xi32, #tpu.memory_space<vmem>> -> memref<80xi32, #tpu.memory_space<vmem>>
        %dma_wait3A_403 = tpu.memref_slice %arg3[%add3A_394] : memref<640000xi32, #tpu.memory_space<hbm>> -> memref<80xi32, #tpu.memory_space<hbm>>
        tpu.wait_dma2 semaphore(%arg12 : memref<!tpu.dma_semaphore, #tpu.memory_space<semaphore_mem>>) src(%dma_wait3A_403 : memref<80xi32, #tpu.memory_space<hbm>>) dst(%dma_wait3A_402 : memref<80xi32, #tpu.memory_space<vmem>>)
        %dma_start3A_404 = arith.constant 3 : i32
        %dma_start3A_405 = arith.constant 3 : i32
        %dma_start3A_406 = arith.constant 0 : i32
        %dma_start3A_407 = arith.constant 0 : i32
        %dma_start3A_408 = tpu.memref_slice %arg7[%dma_start3A_405, %dma_start3A_406, %dma_start3A_407] : memref<4x80x128xf32, #tpu.memory_space<vmem>> -> memref<1x80x128xf32, #tpu.memory_space<vmem>>
        %dma_start3A_409 = tpu.memref_squeeze %dma_start3A_408 : memref<1x80x128xf32, #tpu.memory_space<vmem>> -> memref<80x128xf32, #tpu.memory_space<vmem>>
        %dma_start3A_410 = arith.constant 0 : i32
        %dma_start3A_411 = tpu.memref_slice %arg5[%dma_start3A_404, %dma_start3A_410] : memref<8x80xi32, #tpu.memory_space<vmem>> -> memref<1x80xi32, #tpu.memory_space<vmem>>
        %dma_start3A_412 = tpu.memref_squeeze %dma_start3A_411 : memref<1x80xi32, #tpu.memory_space<vmem>> -> memref<80xi32, #tpu.memory_space<vmem>>
        %dma_start3A_413 = arith.constant 0 : i32
        %dma_start3A_414 = arith.constant 0 : i32
        %dma_start3A_415 = tpu.memref_slice %arg2[%dma_start3A_413, %dma_start3A_414] : memref<10000x128xf32, #tpu.memory_space<hbm>> -> memref<10000x128xf32, #tpu.memory_space<hbm>>
        tpu.enqueue_indirect_dma source(%dma_start3A_415 : memref<10000x128xf32, #tpu.memory_space<hbm>>) target(%dma_start3A_409 : memref<80x128xf32, #tpu.memory_space<vmem>>) offsets(%dma_start3A_412 : memref<80xi32, #tpu.memory_space<vmem>>) semaphore(%arg28 : memref<!tpu.dma_semaphore, #tpu.memory_space<semaphore_mem>>)
      } else {
      }
      %eq3A_244 = arith.constant 2 : i32
      %eq3A_245 = arith.cmpi eq, %rem3A_169, %eq3A_244 : i32
      %convert_element_type3A_246 = arith.extui %eq3A_245 : i1 to i32
      %cond3A_247 = arith.constant 0 : i32
      %cond3A_248 = arith.cmpi ne, %convert_element_type3A_246, %cond3A_247 : i32
      scf.if %cond3A_248 {
        %dma_wait3A_384 = arith.constant 2 : i32
        %dma_wait3A_385 = arith.constant 2 : i32
        %dma_wait3A_386 = arith.constant 0 : i32
        %dma_wait3A_387 = arith.constant 0 : i32
        %dma_wait3A_388 = tpu.memref_slice %arg7[%dma_wait3A_385, %dma_wait3A_386, %dma_wait3A_387] : memref<4x80x128xf32, #tpu.memory_space<vmem>> -> memref<1x80x128xf32, #tpu.memory_space<vmem>>
        %dma_wait3A_389 = tpu.memref_squeeze %dma_wait3A_388 : memref<1x80x128xf32, #tpu.memory_space<vmem>> -> memref<80x128xf32, #tpu.memory_space<vmem>>
        %dma_wait3A_390 = arith.constant 0 : i32
        %dma_wait3A_391 = tpu.memref_slice %arg5[%dma_wait3A_384, %dma_wait3A_390] : memref<8x80xi32, #tpu.memory_space<vmem>> -> memref<1x80xi32, #tpu.memory_space<vmem>>
        %dma_wait3A_392 = tpu.memref_squeeze %dma_wait3A_391 : memref<1x80xi32, #tpu.memory_space<vmem>> -> memref<80xi32, #tpu.memory_space<vmem>>
        %dma_wait3A_393 = arith.constant 0 : i32
        %dma_wait3A_394 = arith.constant 0 : i32
        %dma_wait3A_395 = tpu.memref_slice %arg2[%dma_wait3A_393, %dma_wait3A_394] : memref<10000x128xf32, #tpu.memory_space<hbm>> -> memref<10000x128xf32, #tpu.memory_space<hbm>>
        tpu.wait_indirect_dma semaphore(%arg27 : memref<!tpu.dma_semaphore, #tpu.memory_space<semaphore_mem>>) src(%dma_wait3A_395 : memref<10000x128xf32, #tpu.memory_space<hbm>>) dst(%dma_wait3A_389 : memref<80x128xf32, #tpu.memory_space<vmem>>)
        %add3A_396 = arith.constant 320000 : i32
        %add3A_397 = arith.addi %add3A_396, %mul3A_4 : i32
        %mul3A_398 = arith.constant 80 : i32
        %mul3A_399 = arith.muli %scan3A_168, %mul3A_398 : i32
        %add3A_400 = arith.addi %add3A_397, %mul3A_399 : i32
        %dma_wait3A_401 = arith.constant 2 : i32
        %dma_wait3A_402 = arith.constant 0 : i32
        %dma_wait3A_403 = tpu.memref_slice %arg6[%dma_wait3A_401, %dma_wait3A_402] : memref<8x80xi32, #tpu.memory_space<vmem>> -> memref<1x80xi32, #tpu.memory_space<vmem>>
        %dma_wait3A_404 = tpu.memref_squeeze %dma_wait3A_403 : memref<1x80xi32, #tpu.memory_space<vmem>> -> memref<80xi32, #tpu.memory_space<vmem>>
        %dma_wait3A_405 = tpu.memref_slice %arg3[%add3A_400] : memref<640000xi32, #tpu.memory_space<hbm>> -> memref<80xi32, #tpu.memory_space<hbm>>
        %dma_wait3A_406 = arith.constant 0 : i32
        %dma_wait3A_407 = tpu.memref_slice %arg6[%dma_wait3A_401, %dma_wait3A_406] : memref<8x80xi32, #tpu.memory_space<vmem>> -> memref<1x80xi32, #tpu.memory_space<vmem>>
        %dma_wait3A_408 = tpu.memref_squeeze %dma_wait3A_407 : memref<1x80xi32, #tpu.memory_space<vmem>> -> memref<80xi32, #tpu.memory_space<vmem>>
        %dma_wait3A_409 = tpu.memref_slice %arg3[%add3A_400] : memref<640000xi32, #tpu.memory_space<hbm>> -> memref<80xi32, #tpu.memory_space<hbm>>
        tpu.wait_dma2 semaphore(%arg19 : memref<!tpu.dma_semaphore, #tpu.memory_space<semaphore_mem>>) src(%dma_wait3A_409 : memref<80xi32, #tpu.memory_space<hbm>>) dst(%dma_wait3A_408 : memref<80xi32, #tpu.memory_space<vmem>>)
        %dma_start3A_410 = arith.constant 2 : i32
        %dma_start3A_411 = arith.constant 2 : i32
        %dma_start3A_412 = arith.constant 0 : i32
        %dma_start3A_413 = arith.constant 0 : i32
        %dma_start3A_414 = tpu.memref_slice %arg7[%dma_start3A_410, %dma_start3A_412, %dma_start3A_413] : memref<4x80x128xf32, #tpu.memory_space<vmem>> -> memref<1x80x128xf32, #tpu.memory_space<vmem>>
        %dma_start3A_415 = tpu.memref_squeeze %dma_start3A_414 : memref<1x80x128xf32, #tpu.memory_space<vmem>> -> memref<80x128xf32, #tpu.memory_space<vmem>>
        %dma_start3A_416 = arith.constant 0 : i32
        %dma_start3A_417 = tpu.memref_slice %arg6[%dma_start3A_411, %dma_start3A_416] : memref<8x80xi32, #tpu.memory_space<vmem>> -> memref<1x80xi32, #tpu.memory_space<vmem>>
        %dma_start3A_418 = tpu.memref_squeeze %dma_start3A_417 : memref<1x80xi32, #tpu.memory_space<vmem>> -> memref<80xi32, #tpu.memory_space<vmem>>
        %dma_start3A_419 = arith.constant 0 : i32
        %dma_start3A_420 = arith.constant 0 : i32
        %dma_start3A_421 = tpu.memref_slice %arg8[%dma_start3A_419, %dma_start3A_420] : memref<10240x128xf32, #tpu.memory_space<vmem_shared>> -> memref<10240x128xf32, #tpu.memory_space<vmem_shared>>
        tpu.enqueue_indirect_dma source(%dma_start3A_415 : memref<80x128xf32, #tpu.memory_space<vmem>>) target(%dma_start3A_421 : memref<10240x128xf32, #tpu.memory_space<vmem_shared>>) offsets(%dma_start3A_418 : memref<80xi32, #tpu.memory_space<vmem>>) semaphore(%arg31 : memref<!tpu.dma_semaphore, #tpu.memory_space<semaphore_mem>>) {add = true}
      } else {
      }
      %eq3A_249 = arith.constant 3 : i32
      %eq3A_250 = arith.cmpi eq, %rem3A_169, %eq3A_249 : i32
      %add3A_251 = arith.constant 4 : i32
      %add3A_252 = arith.addi %scan3A_168, %add3A_251 : i32
      %sub3A_253 = arith.constant 1 : i32
      %sub3A_254 = arith.subi %add3A_252, %sub3A_253 : i32
      %lt3A_255 = arith.constant 125 : i32
      %lt3A_256 = arith.cmpi slt, %sub3A_254, %lt3A_255 : i32
      %and3A_257 = arith.andi %eq3A_250, %lt3A_256 : i1
      %convert_element_type3A_258 = arith.extui %and3A_257 : i1 to i32
      %cond3A_259 = arith.constant 0 : i32
      %cond3A_260 = arith.cmpi ne, %convert_element_type3A_258, %cond3A_259 : i32
      scf.if %cond3A_260 {
        %add3A_384 = arith.constant 4 : i32
        %add3A_385 = arith.addi %scan3A_168, %add3A_384 : i32
        %sub3A_386 = arith.constant 1 : i32
        %sub3A_387 = arith.subi %add3A_385, %sub3A_386 : i32
        %mul3A_388 = arith.constant 80 : i32
        %mul3A_389 = arith.muli %sub3A_387, %mul3A_388 : i32
        %add3A_390 = arith.addi %mul3A_4, %mul3A_389 : i32
        %dma_start3A_391 = arith.constant 6 : i32
        %dma_start3A_392 = arith.constant 0 : i32
        %dma_start3A_393 = tpu.memref_slice %arg5[%dma_start3A_391, %dma_start3A_392] : memref<8x80xi32, #tpu.memory_space<vmem>> -> memref<1x80xi32, #tpu.memory_space<vmem>>
        %dma_start3A_394 = tpu.memref_squeeze %dma_start3A_393 : memref<1x80xi32, #tpu.memory_space<vmem>> -> memref<80xi32, #tpu.memory_space<vmem>>
        %dma_start3A_395 = tpu.memref_slice %arg3[%add3A_390] : memref<640000xi32, #tpu.memory_space<hbm>> -> memref<80xi32, #tpu.memory_space<hbm>>
        %dma_start3A_396 = arith.constant 0 : i32
        %dma_start3A_397 = tpu.memref_slice %arg5[%dma_start3A_391, %dma_start3A_396] : memref<8x80xi32, #tpu.memory_space<vmem>> -> memref<1x80xi32, #tpu.memory_space<vmem>>
        %dma_start3A_398 = tpu.memref_squeeze %dma_start3A_397 : memref<1x80xi32, #tpu.memory_space<vmem>> -> memref<80xi32, #tpu.memory_space<vmem>>
        %dma_start3A_399 = tpu.memref_slice %arg3[%add3A_390] : memref<640000xi32, #tpu.memory_space<hbm>> -> memref<80xi32, #tpu.memory_space<hbm>>
        tpu.enqueue_dma source(%dma_start3A_399 : memref<80xi32, #tpu.memory_space<hbm>>) target(%dma_start3A_398 : memref<80xi32, #tpu.memory_space<vmem>>) target_semaphore(%arg15 : memref<!tpu.dma_semaphore, #tpu.memory_space<semaphore_mem>>)
        %add3A_400 = arith.constant 320000 : i32
        %add3A_401 = arith.addi %add3A_400, %mul3A_4 : i32
        %mul3A_402 = arith.constant 80 : i32
        %mul3A_403 = arith.muli %sub3A_387, %mul3A_402 : i32
        %add3A_404 = arith.addi %add3A_401, %mul3A_403 : i32
        %dma_start3A_405 = arith.constant 6 : i32
        %dma_start3A_406 = arith.constant 0 : i32
        %dma_start3A_407 = tpu.memref_slice %arg6[%dma_start3A_405, %dma_start3A_406] : memref<8x80xi32, #tpu.memory_space<vmem>> -> memref<1x80xi32, #tpu.memory_space<vmem>>
        %dma_start3A_408 = tpu.memref_squeeze %dma_start3A_407 : memref<1x80xi32, #tpu.memory_space<vmem>> -> memref<80xi32, #tpu.memory_space<vmem>>
        %dma_start3A_409 = tpu.memref_slice %arg3[%add3A_404] : memref<640000xi32, #tpu.memory_space<hbm>> -> memref<80xi32, #tpu.memory_space<hbm>>
        %dma_start3A_410 = arith.constant 0 : i32
        %dma_start3A_411 = tpu.memref_slice %arg6[%dma_start3A_405, %dma_start3A_410] : memref<8x80xi32, #tpu.memory_space<vmem>> -> memref<1x80xi32, #tpu.memory_space<vmem>>
        %dma_start3A_412 = tpu.memref_squeeze %dma_start3A_411 : memref<1x80xi32, #tpu.memory_space<vmem>> -> memref<80xi32, #tpu.memory_space<vmem>>
        %dma_start3A_413 = tpu.memref_slice %arg3[%add3A_404] : memref<640000xi32, #tpu.memory_space<hbm>> -> memref<80xi32, #tpu.memory_space<hbm>>
        tpu.enqueue_dma source(%dma_start3A_413 : memref<80xi32, #tpu.memory_space<hbm>>) target(%dma_start3A_412 : memref<80xi32, #tpu.memory_space<vmem>>) target_semaphore(%arg23 : memref<!tpu.dma_semaphore, #tpu.memory_space<semaphore_mem>>)
      } else {
      }
      %eq3A_261 = arith.constant 3 : i32
      %eq3A_262 = arith.cmpi eq, %rem3A_169, %eq3A_261 : i32
      %add3A_263 = arith.constant 1 : i32
      %add3A_264 = arith.addi %scan3A_168, %add3A_263 : i32
      %lt3A_265 = arith.constant 125 : i32
      %lt3A_266 = arith.cmpi slt, %add3A_264, %lt3A_265 : i32
      %and3A_267 = arith.andi %eq3A_262, %lt3A_266 : i1
      %convert_element_type3A_268 = arith.extui %and3A_267 : i1 to i32
      %cond3A_269 = arith.constant 0 : i32
      %cond3A_270 = arith.cmpi ne, %convert_element_type3A_268, %cond3A_269 : i32
      scf.if %cond3A_270 {
        %add3A_384 = arith.constant 1 : i32
        %add3A_385 = arith.addi %scan3A_168, %add3A_384 : i32
        %ge3A = arith.constant 4 : i32
        %ge3A_386 = arith.cmpi sge, %add3A_385, %ge3A : i32
        %convert_element_type3A_387 = arith.extui %ge3A_386 : i1 to i32
        %cond3A_388 = arith.constant 0 : i32
        %cond3A_389 = arith.cmpi ne, %convert_element_type3A_387, %cond3A_388 : i32
        scf.if %cond3A_389 {
          %dma_wait3A_416 = arith.constant 0 : i32
          %dma_wait3A_417 = arith.constant 0 : i32
          %dma_wait3A_418 = arith.constant 0 : i32
          %dma_wait3A_419 = arith.constant 0 : i32
          %dma_wait3A_420 = tpu.memref_slice %arg7[%dma_wait3A_416, %dma_wait3A_418, %dma_wait3A_419] : memref<4x80x128xf32, #tpu.memory_space<vmem>> -> memref<1x80x128xf32, #tpu.memory_space<vmem>>
          %dma_wait3A_421 = tpu.memref_squeeze %dma_wait3A_420 : memref<1x80x128xf32, #tpu.memory_space<vmem>> -> memref<80x128xf32, #tpu.memory_space<vmem>>
          %dma_wait3A_422 = arith.constant 0 : i32
          %dma_wait3A_423 = tpu.memref_slice %arg6[%dma_wait3A_417, %dma_wait3A_422] : memref<8x80xi32, #tpu.memory_space<vmem>> -> memref<1x80xi32, #tpu.memory_space<vmem>>
          %dma_wait3A_424 = tpu.memref_squeeze %dma_wait3A_423 : memref<1x80xi32, #tpu.memory_space<vmem>> -> memref<80xi32, #tpu.memory_space<vmem>>
          %dma_wait3A_425 = arith.constant 0 : i32
          %dma_wait3A_426 = arith.constant 0 : i32
          %dma_wait3A_427 = tpu.memref_slice %arg8[%dma_wait3A_425, %dma_wait3A_426] : memref<10240x128xf32, #tpu.memory_space<vmem_shared>> -> memref<10240x128xf32, #tpu.memory_space<vmem_shared>>
          tpu.wait_indirect_dma semaphore(%arg29 : memref<!tpu.dma_semaphore, #tpu.memory_space<semaphore_mem>>) src(%dma_wait3A_421 : memref<80x128xf32, #tpu.memory_space<vmem>>) dst(%dma_wait3A_427 : memref<10240x128xf32, #tpu.memory_space<vmem_shared>>)
        } else {
        }
        %add3A_390 = arith.constant 1 : i32
        %add3A_391 = arith.addi %scan3A_168, %add3A_390 : i32
        %mul3A_392 = arith.constant 80 : i32
        %mul3A_393 = arith.muli %add3A_391, %mul3A_392 : i32
        %add3A_394 = arith.addi %mul3A_4, %mul3A_393 : i32
        %dma_wait3A_395 = arith.constant 4 : i32
        %dma_wait3A_396 = arith.constant 0 : i32
        %dma_wait3A_397 = tpu.memref_slice %arg5[%dma_wait3A_395, %dma_wait3A_396] : memref<8x80xi32, #tpu.memory_space<vmem>> -> memref<1x80xi32, #tpu.memory_space<vmem>>
        %dma_wait3A_398 = tpu.memref_squeeze %dma_wait3A_397 : memref<1x80xi32, #tpu.memory_space<vmem>> -> memref<80xi32, #tpu.memory_space<vmem>>
        %dma_wait3A_399 = tpu.memref_slice %arg3[%add3A_394] : memref<640000xi32, #tpu.memory_space<hbm>> -> memref<80xi32, #tpu.memory_space<hbm>>
        %dma_wait3A_400 = arith.constant 0 : i32
        %dma_wait3A_401 = tpu.memref_slice %arg5[%dma_wait3A_395, %dma_wait3A_400] : memref<8x80xi32, #tpu.memory_space<vmem>> -> memref<1x80xi32, #tpu.memory_space<vmem>>
        %dma_wait3A_402 = tpu.memref_squeeze %dma_wait3A_401 : memref<1x80xi32, #tpu.memory_space<vmem>> -> memref<80xi32, #tpu.memory_space<vmem>>
        %dma_wait3A_403 = tpu.memref_slice %arg3[%add3A_394] : memref<640000xi32, #tpu.memory_space<hbm>> -> memref<80xi32, #tpu.memory_space<hbm>>
        tpu.wait_dma2 semaphore(%arg13 : memref<!tpu.dma_semaphore, #tpu.memory_space<semaphore_mem>>) src(%dma_wait3A_403 : memref<80xi32, #tpu.memory_space<hbm>>) dst(%dma_wait3A_402 : memref<80xi32, #tpu.memory_space<vmem>>)
        %dma_start3A_404 = arith.constant 4 : i32
        %dma_start3A_405 = arith.constant 0 : i32
        %dma_start3A_406 = arith.constant 0 : i32
        %dma_start3A_407 = arith.constant 0 : i32
        %dma_start3A_408 = tpu.memref_slice %arg7[%dma_start3A_405, %dma_start3A_406, %dma_start3A_407] : memref<4x80x128xf32, #tpu.memory_space<vmem>> -> memref<1x80x128xf32, #tpu.memory_space<vmem>>
        %dma_start3A_409 = tpu.memref_squeeze %dma_start3A_408 : memref<1x80x128xf32, #tpu.memory_space<vmem>> -> memref<80x128xf32, #tpu.memory_space<vmem>>
        %dma_start3A_410 = arith.constant 0 : i32
        %dma_start3A_411 = tpu.memref_slice %arg5[%dma_start3A_404, %dma_start3A_410] : memref<8x80xi32, #tpu.memory_space<vmem>> -> memref<1x80xi32, #tpu.memory_space<vmem>>
        %dma_start3A_412 = tpu.memref_squeeze %dma_start3A_411 : memref<1x80xi32, #tpu.memory_space<vmem>> -> memref<80xi32, #tpu.memory_space<vmem>>
        %dma_start3A_413 = arith.constant 0 : i32
        %dma_start3A_414 = arith.constant 0 : i32
        %dma_start3A_415 = tpu.memref_slice %arg2[%dma_start3A_413, %dma_start3A_414] : memref<10000x128xf32, #tpu.memory_space<hbm>> -> memref<10000x128xf32, #tpu.memory_space<hbm>>
        tpu.enqueue_indirect_dma source(%dma_start3A_415 : memref<10000x128xf32, #tpu.memory_space<hbm>>) target(%dma_start3A_409 : memref<80x128xf32, #tpu.memory_space<vmem>>) offsets(%dma_start3A_412 : memref<80xi32, #tpu.memory_space<vmem>>) semaphore(%arg25 : memref<!tpu.dma_semaphore, #tpu.memory_space<semaphore_mem>>)
      } else {
      }
      %eq3A_271 = arith.constant 3 : i32
      %eq3A_272 = arith.cmpi eq, %rem3A_169, %eq3A_271 : i32
      %convert_element_type3A_273 = arith.extui %eq3A_272 : i1 to i32
      %cond3A_274 = arith.constant 0 : i32
      %cond3A_275 = arith.cmpi ne, %convert_element_type3A_273, %cond3A_274 : i32
      scf.if %cond3A_275 {
        %dma_wait3A_384 = arith.constant 3 : i32
        %dma_wait3A_385 = arith.constant 3 : i32
        %dma_wait3A_386 = arith.constant 0 : i32
        %dma_wait3A_387 = arith.constant 0 : i32
        %dma_wait3A_388 = tpu.memref_slice %arg7[%dma_wait3A_385, %dma_wait3A_386, %dma_wait3A_387] : memref<4x80x128xf32, #tpu.memory_space<vmem>> -> memref<1x80x128xf32, #tpu.memory_space<vmem>>
        %dma_wait3A_389 = tpu.memref_squeeze %dma_wait3A_388 : memref<1x80x128xf32, #tpu.memory_space<vmem>> -> memref<80x128xf32, #tpu.memory_space<vmem>>
        %dma_wait3A_390 = arith.constant 0 : i32
        %dma_wait3A_391 = tpu.memref_slice %arg5[%dma_wait3A_384, %dma_wait3A_390] : memref<8x80xi32, #tpu.memory_space<vmem>> -> memref<1x80xi32, #tpu.memory_space<vmem>>
        %dma_wait3A_392 = tpu.memref_squeeze %dma_wait3A_391 : memref<1x80xi32, #tpu.memory_space<vmem>> -> memref<80xi32, #tpu.memory_space<vmem>>
        %dma_wait3A_393 = arith.constant 0 : i32
        %dma_wait3A_394 = arith.constant 0 : i32
        %dma_wait3A_395 = tpu.memref_slice %arg2[%dma_wait3A_393, %dma_wait3A_394] : memref<10000x128xf32, #tpu.memory_space<hbm>> -> memref<10000x128xf32, #tpu.memory_space<hbm>>
        tpu.wait_indirect_dma semaphore(%arg28 : memref<!tpu.dma_semaphore, #tpu.memory_space<semaphore_mem>>) src(%dma_wait3A_395 : memref<10000x128xf32, #tpu.memory_space<hbm>>) dst(%dma_wait3A_389 : memref<80x128xf32, #tpu.memory_space<vmem>>)
        %add3A_396 = arith.constant 320000 : i32
        %add3A_397 = arith.addi %add3A_396, %mul3A_4 : i32
        %mul3A_398 = arith.constant 80 : i32
        %mul3A_399 = arith.muli %scan3A_168, %mul3A_398 : i32
        %add3A_400 = arith.addi %add3A_397, %mul3A_399 : i32
        %dma_wait3A_401 = arith.constant 3 : i32
        %dma_wait3A_402 = arith.constant 0 : i32
        %dma_wait3A_403 = tpu.memref_slice %arg6[%dma_wait3A_401, %dma_wait3A_402] : memref<8x80xi32, #tpu.memory_space<vmem>> -> memref<1x80xi32, #tpu.memory_space<vmem>>
        %dma_wait3A_404 = tpu.memref_squeeze %dma_wait3A_403 : memref<1x80xi32, #tpu.memory_space<vmem>> -> memref<80xi32, #tpu.memory_space<vmem>>
        %dma_wait3A_405 = tpu.memref_slice %arg3[%add3A_400] : memref<640000xi32, #tpu.memory_space<hbm>> -> memref<80xi32, #tpu.memory_space<hbm>>
        %dma_wait3A_406 = arith.constant 0 : i32
        %dma_wait3A_407 = tpu.memref_slice %arg6[%dma_wait3A_401, %dma_wait3A_406] : memref<8x80xi32, #tpu.memory_space<vmem>> -> memref<1x80xi32, #tpu.memory_space<vmem>>
        %dma_wait3A_408 = tpu.memref_squeeze %dma_wait3A_407 : memref<1x80xi32, #tpu.memory_space<vmem>> -> memref<80xi32, #tpu.memory_space<vmem>>
        %dma_wait3A_409 = tpu.memref_slice %arg3[%add3A_400] : memref<640000xi32, #tpu.memory_space<hbm>> -> memref<80xi32, #tpu.memory_space<hbm>>
        tpu.wait_dma2 semaphore(%arg20 : memref<!tpu.dma_semaphore, #tpu.memory_space<semaphore_mem>>) src(%dma_wait3A_409 : memref<80xi32, #tpu.memory_space<hbm>>) dst(%dma_wait3A_408 : memref<80xi32, #tpu.memory_space<vmem>>)
        %dma_start3A_410 = arith.constant 3 : i32
        %dma_start3A_411 = arith.constant 3 : i32
        %dma_start3A_412 = arith.constant 0 : i32
        %dma_start3A_413 = arith.constant 0 : i32
        %dma_start3A_414 = tpu.memref_slice %arg7[%dma_start3A_410, %dma_start3A_412, %dma_start3A_413] : memref<4x80x128xf32, #tpu.memory_space<vmem>> -> memref<1x80x128xf32, #tpu.memory_space<vmem>>
        %dma_start3A_415 = tpu.memref_squeeze %dma_start3A_414 : memref<1x80x128xf32, #tpu.memory_space<vmem>> -> memref<80x128xf32, #tpu.memory_space<vmem>>
        %dma_start3A_416 = arith.constant 0 : i32
        %dma_start3A_417 = tpu.memref_slice %arg6[%dma_start3A_411, %dma_start3A_416] : memref<8x80xi32, #tpu.memory_space<vmem>> -> memref<1x80xi32, #tpu.memory_space<vmem>>
        %dma_start3A_418 = tpu.memref_squeeze %dma_start3A_417 : memref<1x80xi32, #tpu.memory_space<vmem>> -> memref<80xi32, #tpu.memory_space<vmem>>
        %dma_start3A_419 = arith.constant 0 : i32
        %dma_start3A_420 = arith.constant 0 : i32
        %dma_start3A_421 = tpu.memref_slice %arg8[%dma_start3A_419, %dma_start3A_420] : memref<10240x128xf32, #tpu.memory_space<vmem_shared>> -> memref<10240x128xf32, #tpu.memory_space<vmem_shared>>
        tpu.enqueue_indirect_dma source(%dma_start3A_415 : memref<80x128xf32, #tpu.memory_space<vmem>>) target(%dma_start3A_421 : memref<10240x128xf32, #tpu.memory_space<vmem_shared>>) offsets(%dma_start3A_418 : memref<80xi32, #tpu.memory_space<vmem>>) semaphore(%arg32 : memref<!tpu.dma_semaphore, #tpu.memory_space<semaphore_mem>>) {add = true}
      } else {
      }
      %eq3A_276 = arith.constant 4 : i32
      %eq3A_277 = arith.cmpi eq, %rem3A_169, %eq3A_276 : i32
      %add3A_278 = arith.constant 4 : i32
      %add3A_279 = arith.addi %scan3A_168, %add3A_278 : i32
      %sub3A_280 = arith.constant 1 : i32
      %sub3A_281 = arith.subi %add3A_279, %sub3A_280 : i32
      %lt3A_282 = arith.constant 125 : i32
      %lt3A_283 = arith.cmpi slt, %sub3A_281, %lt3A_282 : i32
      %and3A_284 = arith.andi %eq3A_277, %lt3A_283 : i1
      %convert_element_type3A_285 = arith.extui %and3A_284 : i1 to i32
      %cond3A_286 = arith.constant 0 : i32
      %cond3A_287 = arith.cmpi ne, %convert_element_type3A_285, %cond3A_286 : i32
      scf.if %cond3A_287 {
        %add3A_384 = arith.constant 4 : i32
        %add3A_385 = arith.addi %scan3A_168, %add3A_384 : i32
        %sub3A_386 = arith.constant 1 : i32
        %sub3A_387 = arith.subi %add3A_385, %sub3A_386 : i32
        %mul3A_388 = arith.constant 80 : i32
        %mul3A_389 = arith.muli %sub3A_387, %mul3A_388 : i32
        %add3A_390 = arith.addi %mul3A_4, %mul3A_389 : i32
        %dma_start3A_391 = arith.constant 7 : i32
        %dma_start3A_392 = arith.constant 0 : i32
        %dma_start3A_393 = tpu.memref_slice %arg5[%dma_start3A_391, %dma_start3A_392] : memref<8x80xi32, #tpu.memory_space<vmem>> -> memref<1x80xi32, #tpu.memory_space<vmem>>
        %dma_start3A_394 = tpu.memref_squeeze %dma_start3A_393 : memref<1x80xi32, #tpu.memory_space<vmem>> -> memref<80xi32, #tpu.memory_space<vmem>>
        %dma_start3A_395 = tpu.memref_slice %arg3[%add3A_390] : memref<640000xi32, #tpu.memory_space<hbm>> -> memref<80xi32, #tpu.memory_space<hbm>>
        %dma_start3A_396 = arith.constant 0 : i32
        %dma_start3A_397 = tpu.memref_slice %arg5[%dma_start3A_391, %dma_start3A_396] : memref<8x80xi32, #tpu.memory_space<vmem>> -> memref<1x80xi32, #tpu.memory_space<vmem>>
        %dma_start3A_398 = tpu.memref_squeeze %dma_start3A_397 : memref<1x80xi32, #tpu.memory_space<vmem>> -> memref<80xi32, #tpu.memory_space<vmem>>
        %dma_start3A_399 = tpu.memref_slice %arg3[%add3A_390] : memref<640000xi32, #tpu.memory_space<hbm>> -> memref<80xi32, #tpu.memory_space<hbm>>
        tpu.enqueue_dma source(%dma_start3A_399 : memref<80xi32, #tpu.memory_space<hbm>>) target(%dma_start3A_398 : memref<80xi32, #tpu.memory_space<vmem>>) target_semaphore(%arg16 : memref<!tpu.dma_semaphore, #tpu.memory_space<semaphore_mem>>)
        %add3A_400 = arith.constant 320000 : i32
        %add3A_401 = arith.addi %add3A_400, %mul3A_4 : i32
        %mul3A_402 = arith.constant 80 : i32
        %mul3A_403 = arith.muli %sub3A_387, %mul3A_402 : i32
        %add3A_404 = arith.addi %add3A_401, %mul3A_403 : i32
        %dma_start3A_405 = arith.constant 7 : i32
        %dma_start3A_406 = arith.constant 0 : i32
        %dma_start3A_407 = tpu.memref_slice %arg6[%dma_start3A_405, %dma_start3A_406] : memref<8x80xi32, #tpu.memory_space<vmem>> -> memref<1x80xi32, #tpu.memory_space<vmem>>
        %dma_start3A_408 = tpu.memref_squeeze %dma_start3A_407 : memref<1x80xi32, #tpu.memory_space<vmem>> -> memref<80xi32, #tpu.memory_space<vmem>>
        %dma_start3A_409 = tpu.memref_slice %arg3[%add3A_404] : memref<640000xi32, #tpu.memory_space<hbm>> -> memref<80xi32, #tpu.memory_space<hbm>>
        %dma_start3A_410 = arith.constant 0 : i32
        %dma_start3A_411 = tpu.memref_slice %arg6[%dma_start3A_405, %dma_start3A_410] : memref<8x80xi32, #tpu.memory_space<vmem>> -> memref<1x80xi32, #tpu.memory_space<vmem>>
        %dma_start3A_412 = tpu.memref_squeeze %dma_start3A_411 : memref<1x80xi32, #tpu.memory_space<vmem>> -> memref<80xi32, #tpu.memory_space<vmem>>
        %dma_start3A_413 = tpu.memref_slice %arg3[%add3A_404] : memref<640000xi32, #tpu.memory_space<hbm>> -> memref<80xi32, #tpu.memory_space<hbm>>
        tpu.enqueue_dma source(%dma_start3A_413 : memref<80xi32, #tpu.memory_space<hbm>>) target(%dma_start3A_412 : memref<80xi32, #tpu.memory_space<vmem>>) target_semaphore(%arg24 : memref<!tpu.dma_semaphore, #tpu.memory_space<semaphore_mem>>)
      } else {
      }
      %eq3A_288 = arith.constant 4 : i32
      %eq3A_289 = arith.cmpi eq, %rem3A_169, %eq3A_288 : i32
      %add3A_290 = arith.constant 1 : i32
      %add3A_291 = arith.addi %scan3A_168, %add3A_290 : i32
      %lt3A_292 = arith.constant 125 : i32
      %lt3A_293 = arith.cmpi slt, %add3A_291, %lt3A_292 : i32
      %and3A_294 = arith.andi %eq3A_289, %lt3A_293 : i1
      %convert_element_type3A_295 = arith.extui %and3A_294 : i1 to i32
      %cond3A_296 = arith.constant 0 : i32
      %cond3A_297 = arith.cmpi ne, %convert_element_type3A_295, %cond3A_296 : i32
      scf.if %cond3A_297 {
        %add3A_384 = arith.constant 1 : i32
        %add3A_385 = arith.addi %scan3A_168, %add3A_384 : i32
        %ge3A = arith.constant 4 : i32
        %ge3A_386 = arith.cmpi sge, %add3A_385, %ge3A : i32
        %convert_element_type3A_387 = arith.extui %ge3A_386 : i1 to i32
        %cond3A_388 = arith.constant 0 : i32
        %cond3A_389 = arith.cmpi ne, %convert_element_type3A_387, %cond3A_388 : i32
        scf.if %cond3A_389 {
          %dma_wait3A_416 = arith.constant 1 : i32
          %dma_wait3A_417 = arith.constant 1 : i32
          %dma_wait3A_418 = arith.constant 0 : i32
          %dma_wait3A_419 = arith.constant 0 : i32
          %dma_wait3A_420 = tpu.memref_slice %arg7[%dma_wait3A_416, %dma_wait3A_418, %dma_wait3A_419] : memref<4x80x128xf32, #tpu.memory_space<vmem>> -> memref<1x80x128xf32, #tpu.memory_space<vmem>>
          %dma_wait3A_421 = tpu.memref_squeeze %dma_wait3A_420 : memref<1x80x128xf32, #tpu.memory_space<vmem>> -> memref<80x128xf32, #tpu.memory_space<vmem>>
          %dma_wait3A_422 = arith.constant 0 : i32
          %dma_wait3A_423 = tpu.memref_slice %arg6[%dma_wait3A_417, %dma_wait3A_422] : memref<8x80xi32, #tpu.memory_space<vmem>> -> memref<1x80xi32, #tpu.memory_space<vmem>>
          %dma_wait3A_424 = tpu.memref_squeeze %dma_wait3A_423 : memref<1x80xi32, #tpu.memory_space<vmem>> -> memref<80xi32, #tpu.memory_space<vmem>>
          %dma_wait3A_425 = arith.constant 0 : i32
          %dma_wait3A_426 = arith.constant 0 : i32
          %dma_wait3A_427 = tpu.memref_slice %arg8[%dma_wait3A_425, %dma_wait3A_426] : memref<10240x128xf32, #tpu.memory_space<vmem_shared>> -> memref<10240x128xf32, #tpu.memory_space<vmem_shared>>
          tpu.wait_indirect_dma semaphore(%arg30 : memref<!tpu.dma_semaphore, #tpu.memory_space<semaphore_mem>>) src(%dma_wait3A_421 : memref<80x128xf32, #tpu.memory_space<vmem>>) dst(%dma_wait3A_427 : memref<10240x128xf32, #tpu.memory_space<vmem_shared>>)
        } else {
        }
        %add3A_390 = arith.constant 1 : i32
        %add3A_391 = arith.addi %scan3A_168, %add3A_390 : i32
        %mul3A_392 = arith.constant 80 : i32
        %mul3A_393 = arith.muli %add3A_391, %mul3A_392 : i32
        %add3A_394 = arith.addi %mul3A_4, %mul3A_393 : i32
        %dma_wait3A_395 = arith.constant 5 : i32
        %dma_wait3A_396 = arith.constant 0 : i32
        %dma_wait3A_397 = tpu.memref_slice %arg5[%dma_wait3A_395, %dma_wait3A_396] : memref<8x80xi32, #tpu.memory_space<vmem>> -> memref<1x80xi32, #tpu.memory_space<vmem>>
        %dma_wait3A_398 = tpu.memref_squeeze %dma_wait3A_397 : memref<1x80xi32, #tpu.memory_space<vmem>> -> memref<80xi32, #tpu.memory_space<vmem>>
        %dma_wait3A_399 = tpu.memref_slice %arg3[%add3A_394] : memref<640000xi32, #tpu.memory_space<hbm>> -> memref<80xi32, #tpu.memory_space<hbm>>
        %dma_wait3A_400 = arith.constant 0 : i32
        %dma_wait3A_401 = tpu.memref_slice %arg5[%dma_wait3A_395, %dma_wait3A_400] : memref<8x80xi32, #tpu.memory_space<vmem>> -> memref<1x80xi32, #tpu.memory_space<vmem>>
        %dma_wait3A_402 = tpu.memref_squeeze %dma_wait3A_401 : memref<1x80xi32, #tpu.memory_space<vmem>> -> memref<80xi32, #tpu.memory_space<vmem>>
        %dma_wait3A_403 = tpu.memref_slice %arg3[%add3A_394] : memref<640000xi32, #tpu.memory_space<hbm>> -> memref<80xi32, #tpu.memory_space<hbm>>
        tpu.wait_dma2 semaphore(%arg14 : memref<!tpu.dma_semaphore, #tpu.memory_space<semaphore_mem>>) src(%dma_wait3A_403 : memref<80xi32, #tpu.memory_space<hbm>>) dst(%dma_wait3A_402 : memref<80xi32, #tpu.memory_space<vmem>>)
        %dma_start3A_404 = arith.constant 5 : i32
        %dma_start3A_405 = arith.constant 1 : i32
        %dma_start3A_406 = arith.constant 0 : i32
        %dma_start3A_407 = arith.constant 0 : i32
        %dma_start3A_408 = tpu.memref_slice %arg7[%dma_start3A_405, %dma_start3A_406, %dma_start3A_407] : memref<4x80x128xf32, #tpu.memory_space<vmem>> -> memref<1x80x128xf32, #tpu.memory_space<vmem>>
        %dma_start3A_409 = tpu.memref_squeeze %dma_start3A_408 : memref<1x80x128xf32, #tpu.memory_space<vmem>> -> memref<80x128xf32, #tpu.memory_space<vmem>>
        %dma_start3A_410 = arith.constant 0 : i32
        %dma_start3A_411 = tpu.memref_slice %arg5[%dma_start3A_404, %dma_start3A_410] : memref<8x80xi32, #tpu.memory_space<vmem>> -> memref<1x80xi32, #tpu.memory_space<vmem>>
        %dma_start3A_412 = tpu.memref_squeeze %dma_start3A_411 : memref<1x80xi32, #tpu.memory_space<vmem>> -> memref<80xi32, #tpu.memory_space<vmem>>
        %dma_start3A_413 = arith.constant 0 : i32
        %dma_start3A_414 = arith.constant 0 : i32
        %dma_start3A_415 = tpu.memref_slice %arg2[%dma_start3A_413, %dma_start3A_414] : memref<10000x128xf32, #tpu.memory_space<hbm>> -> memref<10000x128xf32, #tpu.memory_space<hbm>>
        tpu.enqueue_indirect_dma source(%dma_start3A_415 : memref<10000x128xf32, #tpu.memory_space<hbm>>) target(%dma_start3A_409 : memref<80x128xf32, #tpu.memory_space<vmem>>) offsets(%dma_start3A_412 : memref<80xi32, #tpu.memory_space<vmem>>) semaphore(%arg26 : memref<!tpu.dma_semaphore, #tpu.memory_space<semaphore_mem>>)
      } else {
      }
      %eq3A_298 = arith.constant 4 : i32
      %eq3A_299 = arith.cmpi eq, %rem3A_169, %eq3A_298 : i32
      %convert_element_type3A_300 = arith.extui %eq3A_299 : i1 to i32
      %cond3A_301 = arith.constant 0 : i32
      %cond3A_302 = arith.cmpi ne, %convert_element_type3A_300, %cond3A_301 : i32
      scf.if %cond3A_302 {
        %dma_wait3A_384 = arith.constant 4 : i32
        %dma_wait3A_385 = arith.constant 0 : i32
        %dma_wait3A_386 = arith.constant 0 : i32
        %dma_wait3A_387 = arith.constant 0 : i32
        %dma_wait3A_388 = tpu.memref_slice %arg7[%dma_wait3A_385, %dma_wait3A_386, %dma_wait3A_387] : memref<4x80x128xf32, #tpu.memory_space<vmem>> -> memref<1x80x128xf32, #tpu.memory_space<vmem>>
        %dma_wait3A_389 = tpu.memref_squeeze %dma_wait3A_388 : memref<1x80x128xf32, #tpu.memory_space<vmem>> -> memref<80x128xf32, #tpu.memory_space<vmem>>
        %dma_wait3A_390 = arith.constant 0 : i32
        %dma_wait3A_391 = tpu.memref_slice %arg5[%dma_wait3A_384, %dma_wait3A_390] : memref<8x80xi32, #tpu.memory_space<vmem>> -> memref<1x80xi32, #tpu.memory_space<vmem>>
        %dma_wait3A_392 = tpu.memref_squeeze %dma_wait3A_391 : memref<1x80xi32, #tpu.memory_space<vmem>> -> memref<80xi32, #tpu.memory_space<vmem>>
        %dma_wait3A_393 = arith.constant 0 : i32
        %dma_wait3A_394 = arith.constant 0 : i32
        %dma_wait3A_395 = tpu.memref_slice %arg2[%dma_wait3A_393, %dma_wait3A_394] : memref<10000x128xf32, #tpu.memory_space<hbm>> -> memref<10000x128xf32, #tpu.memory_space<hbm>>
        tpu.wait_indirect_dma semaphore(%arg25 : memref<!tpu.dma_semaphore, #tpu.memory_space<semaphore_mem>>) src(%dma_wait3A_395 : memref<10000x128xf32, #tpu.memory_space<hbm>>) dst(%dma_wait3A_389 : memref<80x128xf32, #tpu.memory_space<vmem>>)
        %add3A_396 = arith.constant 320000 : i32
        %add3A_397 = arith.addi %add3A_396, %mul3A_4 : i32
        %mul3A_398 = arith.constant 80 : i32
        %mul3A_399 = arith.muli %scan3A_168, %mul3A_398 : i32
        %add3A_400 = arith.addi %add3A_397, %mul3A_399 : i32
        %dma_wait3A_401 = arith.constant 4 : i32
        %dma_wait3A_402 = arith.constant 0 : i32
        %dma_wait3A_403 = tpu.memref_slice %arg6[%dma_wait3A_401, %dma_wait3A_402] : memref<8x80xi32, #tpu.memory_space<vmem>> -> memref<1x80xi32, #tpu.memory_space<vmem>>
        %dma_wait3A_404 = tpu.memref_squeeze %dma_wait3A_403 : memref<1x80xi32, #tpu.memory_space<vmem>> -> memref<80xi32, #tpu.memory_space<vmem>>
        %dma_wait3A_405 = tpu.memref_slice %arg3[%add3A_400] : memref<640000xi32, #tpu.memory_space<hbm>> -> memref<80xi32, #tpu.memory_space<hbm>>
        %dma_wait3A_406 = arith.constant 0 : i32
        %dma_wait3A_407 = tpu.memref_slice %arg6[%dma_wait3A_401, %dma_wait3A_406] : memref<8x80xi32, #tpu.memory_space<vmem>> -> memref<1x80xi32, #tpu.memory_space<vmem>>
        %dma_wait3A_408 = tpu.memref_squeeze %dma_wait3A_407 : memref<1x80xi32, #tpu.memory_space<vmem>> -> memref<80xi32, #tpu.memory_space<vmem>>
        %dma_wait3A_409 = tpu.memref_slice %arg3[%add3A_400] : memref<640000xi32, #tpu.memory_space<hbm>> -> memref<80xi32, #tpu.memory_space<hbm>>
        tpu.wait_dma2 semaphore(%arg21 : memref<!tpu.dma_semaphore, #tpu.memory_space<semaphore_mem>>) src(%dma_wait3A_409 : memref<80xi32, #tpu.memory_space<hbm>>) dst(%dma_wait3A_408 : memref<80xi32, #tpu.memory_space<vmem>>)
        %dma_start3A_410 = arith.constant 0 : i32
        %dma_start3A_411 = arith.constant 4 : i32
        %dma_start3A_412 = arith.constant 0 : i32
        %dma_start3A_413 = arith.constant 0 : i32
        %dma_start3A_414 = tpu.memref_slice %arg7[%dma_start3A_410, %dma_start3A_412, %dma_start3A_413] : memref<4x80x128xf32, #tpu.memory_space<vmem>> -> memref<1x80x128xf32, #tpu.memory_space<vmem>>
        %dma_start3A_415 = tpu.memref_squeeze %dma_start3A_414 : memref<1x80x128xf32, #tpu.memory_space<vmem>> -> memref<80x128xf32, #tpu.memory_space<vmem>>
        %dma_start3A_416 = arith.constant 0 : i32
        %dma_start3A_417 = tpu.memref_slice %arg6[%dma_start3A_411, %dma_start3A_416] : memref<8x80xi32, #tpu.memory_space<vmem>> -> memref<1x80xi32, #tpu.memory_space<vmem>>
        %dma_start3A_418 = tpu.memref_squeeze %dma_start3A_417 : memref<1x80xi32, #tpu.memory_space<vmem>> -> memref<80xi32, #tpu.memory_space<vmem>>
        %dma_start3A_419 = arith.constant 0 : i32
        %dma_start3A_420 = arith.constant 0 : i32
        %dma_start3A_421 = tpu.memref_slice %arg8[%dma_start3A_419, %dma_start3A_420] : memref<10240x128xf32, #tpu.memory_space<vmem_shared>> -> memref<10240x128xf32, #tpu.memory_space<vmem_shared>>
        tpu.enqueue_indirect_dma source(%dma_start3A_415 : memref<80x128xf32, #tpu.memory_space<vmem>>) target(%dma_start3A_421 : memref<10240x128xf32, #tpu.memory_space<vmem_shared>>) offsets(%dma_start3A_418 : memref<80xi32, #tpu.memory_space<vmem>>) semaphore(%arg29 : memref<!tpu.dma_semaphore, #tpu.memory_space<semaphore_mem>>) {add = true}
      } else {
      }
      %eq3A_303 = arith.constant 5 : i32
      %eq3A_304 = arith.cmpi eq, %rem3A_169, %eq3A_303 : i32
      %add3A_305 = arith.constant 4 : i32
      %add3A_306 = arith.addi %scan3A_168, %add3A_305 : i32
      %sub3A_307 = arith.constant 1 : i32
      %sub3A_308 = arith.subi %add3A_306, %sub3A_307 : i32
      %lt3A_309 = arith.constant 125 : i32
      %lt3A_310 = arith.cmpi slt, %sub3A_308, %lt3A_309 : i32
      %and3A_311 = arith.andi %eq3A_304, %lt3A_310 : i1
      %convert_element_type3A_312 = arith.extui %and3A_311 : i1 to i32
      %cond3A_313 = arith.constant 0 : i32
      %cond3A_314 = arith.cmpi ne, %convert_element_type3A_312, %cond3A_313 : i32
      scf.if %cond3A_314 {
        %add3A_384 = arith.constant 4 : i32
        %add3A_385 = arith.addi %scan3A_168, %add3A_384 : i32
        %sub3A_386 = arith.constant 1 : i32
        %sub3A_387 = arith.subi %add3A_385, %sub3A_386 : i32
        %mul3A_388 = arith.constant 80 : i32
        %mul3A_389 = arith.muli %sub3A_387, %mul3A_388 : i32
        %add3A_390 = arith.addi %mul3A_4, %mul3A_389 : i32
        %dma_start3A_391 = arith.constant 0 : i32
        %dma_start3A_392 = arith.constant 0 : i32
        %dma_start3A_393 = tpu.memref_slice %arg5[%dma_start3A_391, %dma_start3A_392] : memref<8x80xi32, #tpu.memory_space<vmem>> -> memref<1x80xi32, #tpu.memory_space<vmem>>
        %dma_start3A_394 = tpu.memref_squeeze %dma_start3A_393 : memref<1x80xi32, #tpu.memory_space<vmem>> -> memref<80xi32, #tpu.memory_space<vmem>>
        %dma_start3A_395 = tpu.memref_slice %arg3[%add3A_390] : memref<640000xi32, #tpu.memory_space<hbm>> -> memref<80xi32, #tpu.memory_space<hbm>>
        %dma_start3A_396 = arith.constant 0 : i32
        %dma_start3A_397 = tpu.memref_slice %arg5[%dma_start3A_391, %dma_start3A_396] : memref<8x80xi32, #tpu.memory_space<vmem>> -> memref<1x80xi32, #tpu.memory_space<vmem>>
        %dma_start3A_398 = tpu.memref_squeeze %dma_start3A_397 : memref<1x80xi32, #tpu.memory_space<vmem>> -> memref<80xi32, #tpu.memory_space<vmem>>
        %dma_start3A_399 = tpu.memref_slice %arg3[%add3A_390] : memref<640000xi32, #tpu.memory_space<hbm>> -> memref<80xi32, #tpu.memory_space<hbm>>
        tpu.enqueue_dma source(%dma_start3A_399 : memref<80xi32, #tpu.memory_space<hbm>>) target(%dma_start3A_398 : memref<80xi32, #tpu.memory_space<vmem>>) target_semaphore(%arg9 : memref<!tpu.dma_semaphore, #tpu.memory_space<semaphore_mem>>)
        %add3A_400 = arith.constant 320000 : i32
        %add3A_401 = arith.addi %add3A_400, %mul3A_4 : i32
        %mul3A_402 = arith.constant 80 : i32
        %mul3A_403 = arith.muli %sub3A_387, %mul3A_402 : i32
        %add3A_404 = arith.addi %add3A_401, %mul3A_403 : i32
        %dma_start3A_405 = arith.constant 0 : i32
        %dma_start3A_406 = arith.constant 0 : i32
        %dma_start3A_407 = tpu.memref_slice %arg6[%dma_start3A_405, %dma_start3A_406] : memref<8x80xi32, #tpu.memory_space<vmem>> -> memref<1x80xi32, #tpu.memory_space<vmem>>
        %dma_start3A_408 = tpu.memref_squeeze %dma_start3A_407 : memref<1x80xi32, #tpu.memory_space<vmem>> -> memref<80xi32, #tpu.memory_space<vmem>>
        %dma_start3A_409 = tpu.memref_slice %arg3[%add3A_404] : memref<640000xi32, #tpu.memory_space<hbm>> -> memref<80xi32, #tpu.memory_space<hbm>>
        %dma_start3A_410 = arith.constant 0 : i32
        %dma_start3A_411 = tpu.memref_slice %arg6[%dma_start3A_405, %dma_start3A_410] : memref<8x80xi32, #tpu.memory_space<vmem>> -> memref<1x80xi32, #tpu.memory_space<vmem>>
        %dma_start3A_412 = tpu.memref_squeeze %dma_start3A_411 : memref<1x80xi32, #tpu.memory_space<vmem>> -> memref<80xi32, #tpu.memory_space<vmem>>
        %dma_start3A_413 = tpu.memref_slice %arg3[%add3A_404] : memref<640000xi32, #tpu.memory_space<hbm>> -> memref<80xi32, #tpu.memory_space<hbm>>
        tpu.enqueue_dma source(%dma_start3A_413 : memref<80xi32, #tpu.memory_space<hbm>>) target(%dma_start3A_412 : memref<80xi32, #tpu.memory_space<vmem>>) target_semaphore(%arg17 : memref<!tpu.dma_semaphore, #tpu.memory_space<semaphore_mem>>)
      } else {
      }
      %eq3A_315 = arith.constant 5 : i32
      %eq3A_316 = arith.cmpi eq, %rem3A_169, %eq3A_315 : i32
      %add3A_317 = arith.constant 1 : i32
      %add3A_318 = arith.addi %scan3A_168, %add3A_317 : i32
      %lt3A_319 = arith.constant 125 : i32
      %lt3A_320 = arith.cmpi slt, %add3A_318, %lt3A_319 : i32
      %and3A_321 = arith.andi %eq3A_316, %lt3A_320 : i1
      %convert_element_type3A_322 = arith.extui %and3A_321 : i1 to i32
      %cond3A_323 = arith.constant 0 : i32
      %cond3A_324 = arith.cmpi ne, %convert_element_type3A_322, %cond3A_323 : i32
      scf.if %cond3A_324 {
        %add3A_384 = arith.constant 1 : i32
        %add3A_385 = arith.addi %scan3A_168, %add3A_384 : i32
        %ge3A = arith.constant 4 : i32
        %ge3A_386 = arith.cmpi sge, %add3A_385, %ge3A : i32
        %convert_element_type3A_387 = arith.extui %ge3A_386 : i1 to i32
        %cond3A_388 = arith.constant 0 : i32
        %cond3A_389 = arith.cmpi ne, %convert_element_type3A_387, %cond3A_388 : i32
        scf.if %cond3A_389 {
          %dma_wait3A_416 = arith.constant 2 : i32
          %dma_wait3A_417 = arith.constant 2 : i32
          %dma_wait3A_418 = arith.constant 0 : i32
          %dma_wait3A_419 = arith.constant 0 : i32
          %dma_wait3A_420 = tpu.memref_slice %arg7[%dma_wait3A_416, %dma_wait3A_418, %dma_wait3A_419] : memref<4x80x128xf32, #tpu.memory_space<vmem>> -> memref<1x80x128xf32, #tpu.memory_space<vmem>>
          %dma_wait3A_421 = tpu.memref_squeeze %dma_wait3A_420 : memref<1x80x128xf32, #tpu.memory_space<vmem>> -> memref<80x128xf32, #tpu.memory_space<vmem>>
          %dma_wait3A_422 = arith.constant 0 : i32
          %dma_wait3A_423 = tpu.memref_slice %arg6[%dma_wait3A_417, %dma_wait3A_422] : memref<8x80xi32, #tpu.memory_space<vmem>> -> memref<1x80xi32, #tpu.memory_space<vmem>>
          %dma_wait3A_424 = tpu.memref_squeeze %dma_wait3A_423 : memref<1x80xi32, #tpu.memory_space<vmem>> -> memref<80xi32, #tpu.memory_space<vmem>>
          %dma_wait3A_425 = arith.constant 0 : i32
          %dma_wait3A_426 = arith.constant 0 : i32
          %dma_wait3A_427 = tpu.memref_slice %arg8[%dma_wait3A_425, %dma_wait3A_426] : memref<10240x128xf32, #tpu.memory_space<vmem_shared>> -> memref<10240x128xf32, #tpu.memory_space<vmem_shared>>
          tpu.wait_indirect_dma semaphore(%arg31 : memref<!tpu.dma_semaphore, #tpu.memory_space<semaphore_mem>>) src(%dma_wait3A_421 : memref<80x128xf32, #tpu.memory_space<vmem>>) dst(%dma_wait3A_427 : memref<10240x128xf32, #tpu.memory_space<vmem_shared>>)
        } else {
        }
        %add3A_390 = arith.constant 1 : i32
        %add3A_391 = arith.addi %scan3A_168, %add3A_390 : i32
        %mul3A_392 = arith.constant 80 : i32
        %mul3A_393 = arith.muli %add3A_391, %mul3A_392 : i32
        %add3A_394 = arith.addi %mul3A_4, %mul3A_393 : i32
        %dma_wait3A_395 = arith.constant 6 : i32
        %dma_wait3A_396 = arith.constant 0 : i32
        %dma_wait3A_397 = tpu.memref_slice %arg5[%dma_wait3A_395, %dma_wait3A_396] : memref<8x80xi32, #tpu.memory_space<vmem>> -> memref<1x80xi32, #tpu.memory_space<vmem>>
        %dma_wait3A_398 = tpu.memref_squeeze %dma_wait3A_397 : memref<1x80xi32, #tpu.memory_space<vmem>> -> memref<80xi32, #tpu.memory_space<vmem>>
        %dma_wait3A_399 = tpu.memref_slice %arg3[%add3A_394] : memref<640000xi32, #tpu.memory_space<hbm>> -> memref<80xi32, #tpu.memory_space<hbm>>
        %dma_wait3A_400 = arith.constant 0 : i32
        %dma_wait3A_401 = tpu.memref_slice %arg5[%dma_wait3A_395, %dma_wait3A_400] : memref<8x80xi32, #tpu.memory_space<vmem>> -> memref<1x80xi32, #tpu.memory_space<vmem>>
        %dma_wait3A_402 = tpu.memref_squeeze %dma_wait3A_401 : memref<1x80xi32, #tpu.memory_space<vmem>> -> memref<80xi32, #tpu.memory_space<vmem>>
        %dma_wait3A_403 = tpu.memref_slice %arg3[%add3A_394] : memref<640000xi32, #tpu.memory_space<hbm>> -> memref<80xi32, #tpu.memory_space<hbm>>
        tpu.wait_dma2 semaphore(%arg15 : memref<!tpu.dma_semaphore, #tpu.memory_space<semaphore_mem>>) src(%dma_wait3A_403 : memref<80xi32, #tpu.memory_space<hbm>>) dst(%dma_wait3A_402 : memref<80xi32, #tpu.memory_space<vmem>>)
        %dma_start3A_404 = arith.constant 6 : i32
        %dma_start3A_405 = arith.constant 2 : i32
        %dma_start3A_406 = arith.constant 0 : i32
        %dma_start3A_407 = arith.constant 0 : i32
        %dma_start3A_408 = tpu.memref_slice %arg7[%dma_start3A_405, %dma_start3A_406, %dma_start3A_407] : memref<4x80x128xf32, #tpu.memory_space<vmem>> -> memref<1x80x128xf32, #tpu.memory_space<vmem>>
        %dma_start3A_409 = tpu.memref_squeeze %dma_start3A_408 : memref<1x80x128xf32, #tpu.memory_space<vmem>> -> memref<80x128xf32, #tpu.memory_space<vmem>>
        %dma_start3A_410 = arith.constant 0 : i32
        %dma_start3A_411 = tpu.memref_slice %arg5[%dma_start3A_404, %dma_start3A_410] : memref<8x80xi32, #tpu.memory_space<vmem>> -> memref<1x80xi32, #tpu.memory_space<vmem>>
        %dma_start3A_412 = tpu.memref_squeeze %dma_start3A_411 : memref<1x80xi32, #tpu.memory_space<vmem>> -> memref<80xi32, #tpu.memory_space<vmem>>
        %dma_start3A_413 = arith.constant 0 : i32
        %dma_start3A_414 = arith.constant 0 : i32
        %dma_start3A_415 = tpu.memref_slice %arg2[%dma_start3A_413, %dma_start3A_414] : memref<10000x128xf32, #tpu.memory_space<hbm>> -> memref<10000x128xf32, #tpu.memory_space<hbm>>
        tpu.enqueue_indirect_dma source(%dma_start3A_415 : memref<10000x128xf32, #tpu.memory_space<hbm>>) target(%dma_start3A_409 : memref<80x128xf32, #tpu.memory_space<vmem>>) offsets(%dma_start3A_412 : memref<80xi32, #tpu.memory_space<vmem>>) semaphore(%arg27 : memref<!tpu.dma_semaphore, #tpu.memory_space<semaphore_mem>>)
      } else {
      }
      %eq3A_325 = arith.constant 5 : i32
      %eq3A_326 = arith.cmpi eq, %rem3A_169, %eq3A_325 : i32
      %convert_element_type3A_327 = arith.extui %eq3A_326 : i1 to i32
      %cond3A_328 = arith.constant 0 : i32
      %cond3A_329 = arith.cmpi ne, %convert_element_type3A_327, %cond3A_328 : i32
      scf.if %cond3A_329 {
        %dma_wait3A_384 = arith.constant 5 : i32
        %dma_wait3A_385 = arith.constant 1 : i32
        %dma_wait3A_386 = arith.constant 0 : i32
        %dma_wait3A_387 = arith.constant 0 : i32
        %dma_wait3A_388 = tpu.memref_slice %arg7[%dma_wait3A_385, %dma_wait3A_386, %dma_wait3A_387] : memref<4x80x128xf32, #tpu.memory_space<vmem>> -> memref<1x80x128xf32, #tpu.memory_space<vmem>>
        %dma_wait3A_389 = tpu.memref_squeeze %dma_wait3A_388 : memref<1x80x128xf32, #tpu.memory_space<vmem>> -> memref<80x128xf32, #tpu.memory_space<vmem>>
        %dma_wait3A_390 = arith.constant 0 : i32
        %dma_wait3A_391 = tpu.memref_slice %arg5[%dma_wait3A_384, %dma_wait3A_390] : memref<8x80xi32, #tpu.memory_space<vmem>> -> memref<1x80xi32, #tpu.memory_space<vmem>>
        %dma_wait3A_392 = tpu.memref_squeeze %dma_wait3A_391 : memref<1x80xi32, #tpu.memory_space<vmem>> -> memref<80xi32, #tpu.memory_space<vmem>>
        %dma_wait3A_393 = arith.constant 0 : i32
        %dma_wait3A_394 = arith.constant 0 : i32
        %dma_wait3A_395 = tpu.memref_slice %arg2[%dma_wait3A_393, %dma_wait3A_394] : memref<10000x128xf32, #tpu.memory_space<hbm>> -> memref<10000x128xf32, #tpu.memory_space<hbm>>
        tpu.wait_indirect_dma semaphore(%arg26 : memref<!tpu.dma_semaphore, #tpu.memory_space<semaphore_mem>>) src(%dma_wait3A_395 : memref<10000x128xf32, #tpu.memory_space<hbm>>) dst(%dma_wait3A_389 : memref<80x128xf32, #tpu.memory_space<vmem>>)
        %add3A_396 = arith.constant 320000 : i32
        %add3A_397 = arith.addi %add3A_396, %mul3A_4 : i32
        %mul3A_398 = arith.constant 80 : i32
        %mul3A_399 = arith.muli %scan3A_168, %mul3A_398 : i32
        %add3A_400 = arith.addi %add3A_397, %mul3A_399 : i32
        %dma_wait3A_401 = arith.constant 5 : i32
        %dma_wait3A_402 = arith.constant 0 : i32
        %dma_wait3A_403 = tpu.memref_slice %arg6[%dma_wait3A_401, %dma_wait3A_402] : memref<8x80xi32, #tpu.memory_space<vmem>> -> memref<1x80xi32, #tpu.memory_space<vmem>>
        %dma_wait3A_404 = tpu.memref_squeeze %dma_wait3A_403 : memref<1x80xi32, #tpu.memory_space<vmem>> -> memref<80xi32, #tpu.memory_space<vmem>>
        %dma_wait3A_405 = tpu.memref_slice %arg3[%add3A_400] : memref<640000xi32, #tpu.memory_space<hbm>> -> memref<80xi32, #tpu.memory_space<hbm>>
        %dma_wait3A_406 = arith.constant 0 : i32
        %dma_wait3A_407 = tpu.memref_slice %arg6[%dma_wait3A_401, %dma_wait3A_406] : memref<8x80xi32, #tpu.memory_space<vmem>> -> memref<1x80xi32, #tpu.memory_space<vmem>>
        %dma_wait3A_408 = tpu.memref_squeeze %dma_wait3A_407 : memref<1x80xi32, #tpu.memory_space<vmem>> -> memref<80xi32, #tpu.memory_space<vmem>>
        %dma_wait3A_409 = tpu.memref_slice %arg3[%add3A_400] : memref<640000xi32, #tpu.memory_space<hbm>> -> memref<80xi32, #tpu.memory_space<hbm>>
        tpu.wait_dma2 semaphore(%arg22 : memref<!tpu.dma_semaphore, #tpu.memory_space<semaphore_mem>>) src(%dma_wait3A_409 : memref<80xi32, #tpu.memory_space<hbm>>) dst(%dma_wait3A_408 : memref<80xi32, #tpu.memory_space<vmem>>)
        %dma_start3A_410 = arith.constant 1 : i32
        %dma_start3A_411 = arith.constant 5 : i32
        %dma_start3A_412 = arith.constant 0 : i32
        %dma_start3A_413 = arith.constant 0 : i32
        %dma_start3A_414 = tpu.memref_slice %arg7[%dma_start3A_410, %dma_start3A_412, %dma_start3A_413] : memref<4x80x128xf32, #tpu.memory_space<vmem>> -> memref<1x80x128xf32, #tpu.memory_space<vmem>>
        %dma_start3A_415 = tpu.memref_squeeze %dma_start3A_414 : memref<1x80x128xf32, #tpu.memory_space<vmem>> -> memref<80x128xf32, #tpu.memory_space<vmem>>
        %dma_start3A_416 = arith.constant 0 : i32
        %dma_start3A_417 = tpu.memref_slice %arg6[%dma_start3A_411, %dma_start3A_416] : memref<8x80xi32, #tpu.memory_space<vmem>> -> memref<1x80xi32, #tpu.memory_space<vmem>>
        %dma_start3A_418 = tpu.memref_squeeze %dma_start3A_417 : memref<1x80xi32, #tpu.memory_space<vmem>> -> memref<80xi32, #tpu.memory_space<vmem>>
        %dma_start3A_419 = arith.constant 0 : i32
        %dma_start3A_420 = arith.constant 0 : i32
        %dma_start3A_421 = tpu.memref_slice %arg8[%dma_start3A_419, %dma_start3A_420] : memref<10240x128xf32, #tpu.memory_space<vmem_shared>> -> memref<10240x128xf32, #tpu.memory_space<vmem_shared>>
        tpu.enqueue_indirect_dma source(%dma_start3A_415 : memref<80x128xf32, #tpu.memory_space<vmem>>) target(%dma_start3A_421 : memref<10240x128xf32, #tpu.memory_space<vmem_shared>>) offsets(%dma_start3A_418 : memref<80xi32, #tpu.memory_space<vmem>>) semaphore(%arg30 : memref<!tpu.dma_semaphore, #tpu.memory_space<semaphore_mem>>) {add = true}
      } else {
      }
      %eq3A_330 = arith.constant 6 : i32
      %eq3A_331 = arith.cmpi eq, %rem3A_169, %eq3A_330 : i32
      %add3A_332 = arith.constant 4 : i32
      %add3A_333 = arith.addi %scan3A_168, %add3A_332 : i32
      %sub3A_334 = arith.constant 1 : i32
      %sub3A_335 = arith.subi %add3A_333, %sub3A_334 : i32
      %lt3A_336 = arith.constant 125 : i32
      %lt3A_337 = arith.cmpi slt, %sub3A_335, %lt3A_336 : i32
      %and3A_338 = arith.andi %eq3A_331, %lt3A_337 : i1
      %convert_element_type3A_339 = arith.extui %and3A_338 : i1 to i32
      %cond3A_340 = arith.constant 0 : i32
      %cond3A_341 = arith.cmpi ne, %convert_element_type3A_339, %cond3A_340 : i32
      scf.if %cond3A_341 {
        %add3A_384 = arith.constant 4 : i32
        %add3A_385 = arith.addi %scan3A_168, %add3A_384 : i32
        %sub3A_386 = arith.constant 1 : i32
        %sub3A_387 = arith.subi %add3A_385, %sub3A_386 : i32
        %mul3A_388 = arith.constant 80 : i32
        %mul3A_389 = arith.muli %sub3A_387, %mul3A_388 : i32
        %add3A_390 = arith.addi %mul3A_4, %mul3A_389 : i32
        %dma_start3A_391 = arith.constant 1 : i32
        %dma_start3A_392 = arith.constant 0 : i32
        %dma_start3A_393 = tpu.memref_slice %arg5[%dma_start3A_391, %dma_start3A_392] : memref<8x80xi32, #tpu.memory_space<vmem>> -> memref<1x80xi32, #tpu.memory_space<vmem>>
        %dma_start3A_394 = tpu.memref_squeeze %dma_start3A_393 : memref<1x80xi32, #tpu.memory_space<vmem>> -> memref<80xi32, #tpu.memory_space<vmem>>
        %dma_start3A_395 = tpu.memref_slice %arg3[%add3A_390] : memref<640000xi32, #tpu.memory_space<hbm>> -> memref<80xi32, #tpu.memory_space<hbm>>
        %dma_start3A_396 = arith.constant 0 : i32
        %dma_start3A_397 = tpu.memref_slice %arg5[%dma_start3A_391, %dma_start3A_396] : memref<8x80xi32, #tpu.memory_space<vmem>> -> memref<1x80xi32, #tpu.memory_space<vmem>>
        %dma_start3A_398 = tpu.memref_squeeze %dma_start3A_397 : memref<1x80xi32, #tpu.memory_space<vmem>> -> memref<80xi32, #tpu.memory_space<vmem>>
        %dma_start3A_399 = tpu.memref_slice %arg3[%add3A_390] : memref<640000xi32, #tpu.memory_space<hbm>> -> memref<80xi32, #tpu.memory_space<hbm>>
        tpu.enqueue_dma source(%dma_start3A_399 : memref<80xi32, #tpu.memory_space<hbm>>) target(%dma_start3A_398 : memref<80xi32, #tpu.memory_space<vmem>>) target_semaphore(%arg10 : memref<!tpu.dma_semaphore, #tpu.memory_space<semaphore_mem>>)
        %add3A_400 = arith.constant 320000 : i32
        %add3A_401 = arith.addi %add3A_400, %mul3A_4 : i32
        %mul3A_402 = arith.constant 80 : i32
        %mul3A_403 = arith.muli %sub3A_387, %mul3A_402 : i32
        %add3A_404 = arith.addi %add3A_401, %mul3A_403 : i32
        %dma_start3A_405 = arith.constant 1 : i32
        %dma_start3A_406 = arith.constant 0 : i32
        %dma_start3A_407 = tpu.memref_slice %arg6[%dma_start3A_405, %dma_start3A_406] : memref<8x80xi32, #tpu.memory_space<vmem>> -> memref<1x80xi32, #tpu.memory_space<vmem>>
        %dma_start3A_408 = tpu.memref_squeeze %dma_start3A_407 : memref<1x80xi32, #tpu.memory_space<vmem>> -> memref<80xi32, #tpu.memory_space<vmem>>
        %dma_start3A_409 = tpu.memref_slice %arg3[%add3A_404] : memref<640000xi32, #tpu.memory_space<hbm>> -> memref<80xi32, #tpu.memory_space<hbm>>
        %dma_start3A_410 = arith.constant 0 : i32
        %dma_start3A_411 = tpu.memref_slice %arg6[%dma_start3A_405, %dma_start3A_410] : memref<8x80xi32, #tpu.memory_space<vmem>> -> memref<1x80xi32, #tpu.memory_space<vmem>>
        %dma_start3A_412 = tpu.memref_squeeze %dma_start3A_411 : memref<1x80xi32, #tpu.memory_space<vmem>> -> memref<80xi32, #tpu.memory_space<vmem>>
        %dma_start3A_413 = tpu.memref_slice %arg3[%add3A_404] : memref<640000xi32, #tpu.memory_space<hbm>> -> memref<80xi32, #tpu.memory_space<hbm>>
        tpu.enqueue_dma source(%dma_start3A_413 : memref<80xi32, #tpu.memory_space<hbm>>) target(%dma_start3A_412 : memref<80xi32, #tpu.memory_space<vmem>>) target_semaphore(%arg18 : memref<!tpu.dma_semaphore, #tpu.memory_space<semaphore_mem>>)
      } else {
      }
      %eq3A_342 = arith.constant 6 : i32
      %eq3A_343 = arith.cmpi eq, %rem3A_169, %eq3A_342 : i32
      %add3A_344 = arith.constant 1 : i32
      %add3A_345 = arith.addi %scan3A_168, %add3A_344 : i32
      %lt3A_346 = arith.constant 125 : i32
      %lt3A_347 = arith.cmpi slt, %add3A_345, %lt3A_346 : i32
      %and3A_348 = arith.andi %eq3A_343, %lt3A_347 : i1
      %convert_element_type3A_349 = arith.extui %and3A_348 : i1 to i32
      %cond3A_350 = arith.constant 0 : i32
      %cond3A_351 = arith.cmpi ne, %convert_element_type3A_349, %cond3A_350 : i32
      scf.if %cond3A_351 {
        %add3A_384 = arith.constant 1 : i32
        %add3A_385 = arith.addi %scan3A_168, %add3A_384 : i32
        %ge3A = arith.constant 4 : i32
        %ge3A_386 = arith.cmpi sge, %add3A_385, %ge3A : i32
        %convert_element_type3A_387 = arith.extui %ge3A_386 : i1 to i32
        %cond3A_388 = arith.constant 0 : i32
        %cond3A_389 = arith.cmpi ne, %convert_element_type3A_387, %cond3A_388 : i32
        scf.if %cond3A_389 {
          %dma_wait3A_416 = arith.constant 3 : i32
          %dma_wait3A_417 = arith.constant 3 : i32
          %dma_wait3A_418 = arith.constant 0 : i32
          %dma_wait3A_419 = arith.constant 0 : i32
          %dma_wait3A_420 = tpu.memref_slice %arg7[%dma_wait3A_416, %dma_wait3A_418, %dma_wait3A_419] : memref<4x80x128xf32, #tpu.memory_space<vmem>> -> memref<1x80x128xf32, #tpu.memory_space<vmem>>
          %dma_wait3A_421 = tpu.memref_squeeze %dma_wait3A_420 : memref<1x80x128xf32, #tpu.memory_space<vmem>> -> memref<80x128xf32, #tpu.memory_space<vmem>>
          %dma_wait3A_422 = arith.constant 0 : i32
          %dma_wait3A_423 = tpu.memref_slice %arg6[%dma_wait3A_417, %dma_wait3A_422] : memref<8x80xi32, #tpu.memory_space<vmem>> -> memref<1x80xi32, #tpu.memory_space<vmem>>
          %dma_wait3A_424 = tpu.memref_squeeze %dma_wait3A_423 : memref<1x80xi32, #tpu.memory_space<vmem>> -> memref<80xi32, #tpu.memory_space<vmem>>
          %dma_wait3A_425 = arith.constant 0 : i32
          %dma_wait3A_426 = arith.constant 0 : i32
          %dma_wait3A_427 = tpu.memref_slice %arg8[%dma_wait3A_425, %dma_wait3A_426] : memref<10240x128xf32, #tpu.memory_space<vmem_shared>> -> memref<10240x128xf32, #tpu.memory_space<vmem_shared>>
          tpu.wait_indirect_dma semaphore(%arg32 : memref<!tpu.dma_semaphore, #tpu.memory_space<semaphore_mem>>) src(%dma_wait3A_421 : memref<80x128xf32, #tpu.memory_space<vmem>>) dst(%dma_wait3A_427 : memref<10240x128xf32, #tpu.memory_space<vmem_shared>>)
        } else {
        }
        %add3A_390 = arith.constant 1 : i32
        %add3A_391 = arith.addi %scan3A_168, %add3A_390 : i32
        %mul3A_392 = arith.constant 80 : i32
        %mul3A_393 = arith.muli %add3A_391, %mul3A_392 : i32
        %add3A_394 = arith.addi %mul3A_4, %mul3A_393 : i32
        %dma_wait3A_395 = arith.constant 7 : i32
        %dma_wait3A_396 = arith.constant 0 : i32
        %dma_wait3A_397 = tpu.memref_slice %arg5[%dma_wait3A_395, %dma_wait3A_396] : memref<8x80xi32, #tpu.memory_space<vmem>> -> memref<1x80xi32, #tpu.memory_space<vmem>>
        %dma_wait3A_398 = tpu.memref_squeeze %dma_wait3A_397 : memref<1x80xi32, #tpu.memory_space<vmem>> -> memref<80xi32, #tpu.memory_space<vmem>>
        %dma_wait3A_399 = tpu.memref_slice %arg3[%add3A_394] : memref<640000xi32, #tpu.memory_space<hbm>> -> memref<80xi32, #tpu.memory_space<hbm>>
        %dma_wait3A_400 = arith.constant 0 : i32
        %dma_wait3A_401 = tpu.memref_slice %arg5[%dma_wait3A_395, %dma_wait3A_400] : memref<8x80xi32, #tpu.memory_space<vmem>> -> memref<1x80xi32, #tpu.memory_space<vmem>>
        %dma_wait3A_402 = tpu.memref_squeeze %dma_wait3A_401 : memref<1x80xi32, #tpu.memory_space<vmem>> -> memref<80xi32, #tpu.memory_space<vmem>>
        %dma_wait3A_403 = tpu.memref_slice %arg3[%add3A_394] : memref<640000xi32, #tpu.memory_space<hbm>> -> memref<80xi32, #tpu.memory_space<hbm>>
        tpu.wait_dma2 semaphore(%arg16 : memref<!tpu.dma_semaphore, #tpu.memory_space<semaphore_mem>>) src(%dma_wait3A_403 : memref<80xi32, #tpu.memory_space<hbm>>) dst(%dma_wait3A_402 : memref<80xi32, #tpu.memory_space<vmem>>)
        %dma_start3A_404 = arith.constant 7 : i32
        %dma_start3A_405 = arith.constant 3 : i32
        %dma_start3A_406 = arith.constant 0 : i32
        %dma_start3A_407 = arith.constant 0 : i32
        %dma_start3A_408 = tpu.memref_slice %arg7[%dma_start3A_405, %dma_start3A_406, %dma_start3A_407] : memref<4x80x128xf32, #tpu.memory_space<vmem>> -> memref<1x80x128xf32, #tpu.memory_space<vmem>>
        %dma_start3A_409 = tpu.memref_squeeze %dma_start3A_408 : memref<1x80x128xf32, #tpu.memory_space<vmem>> -> memref<80x128xf32, #tpu.memory_space<vmem>>
        %dma_start3A_410 = arith.constant 0 : i32
        %dma_start3A_411 = tpu.memref_slice %arg5[%dma_start3A_404, %dma_start3A_410] : memref<8x80xi32, #tpu.memory_space<vmem>> -> memref<1x80xi32, #tpu.memory_space<vmem>>
        %dma_start3A_412 = tpu.memref_squeeze %dma_start3A_411 : memref<1x80xi32, #tpu.memory_space<vmem>> -> memref<80xi32, #tpu.memory_space<vmem>>
        %dma_start3A_413 = arith.constant 0 : i32
        %dma_start3A_414 = arith.constant 0 : i32
        %dma_start3A_415 = tpu.memref_slice %arg2[%dma_start3A_413, %dma_start3A_414] : memref<10000x128xf32, #tpu.memory_space<hbm>> -> memref<10000x128xf32, #tpu.memory_space<hbm>>
        tpu.enqueue_indirect_dma source(%dma_start3A_415 : memref<10000x128xf32, #tpu.memory_space<hbm>>) target(%dma_start3A_409 : memref<80x128xf32, #tpu.memory_space<vmem>>) offsets(%dma_start3A_412 : memref<80xi32, #tpu.memory_space<vmem>>) semaphore(%arg28 : memref<!tpu.dma_semaphore, #tpu.memory_space<semaphore_mem>>)
      } else {
      }
      %eq3A_352 = arith.constant 6 : i32
      %eq3A_353 = arith.cmpi eq, %rem3A_169, %eq3A_352 : i32
      %convert_element_type3A_354 = arith.extui %eq3A_353 : i1 to i32
      %cond3A_355 = arith.constant 0 : i32
      %cond3A_356 = arith.cmpi ne, %convert_element_type3A_354, %cond3A_355 : i32
      scf.if %cond3A_356 {
        %dma_wait3A_384 = arith.constant 6 : i32
        %dma_wait3A_385 = arith.constant 2 : i32
        %dma_wait3A_386 = arith.constant 0 : i32
        %dma_wait3A_387 = arith.constant 0 : i32
        %dma_wait3A_388 = tpu.memref_slice %arg7[%dma_wait3A_385, %dma_wait3A_386, %dma_wait3A_387] : memref<4x80x128xf32, #tpu.memory_space<vmem>> -> memref<1x80x128xf32, #tpu.memory_space<vmem>>
        %dma_wait3A_389 = tpu.memref_squeeze %dma_wait3A_388 : memref<1x80x128xf32, #tpu.memory_space<vmem>> -> memref<80x128xf32, #tpu.memory_space<vmem>>
        %dma_wait3A_390 = arith.constant 0 : i32
        %dma_wait3A_391 = tpu.memref_slice %arg5[%dma_wait3A_384, %dma_wait3A_390] : memref<8x80xi32, #tpu.memory_space<vmem>> -> memref<1x80xi32, #tpu.memory_space<vmem>>
        %dma_wait3A_392 = tpu.memref_squeeze %dma_wait3A_391 : memref<1x80xi32, #tpu.memory_space<vmem>> -> memref<80xi32, #tpu.memory_space<vmem>>
        %dma_wait3A_393 = arith.constant 0 : i32
        %dma_wait3A_394 = arith.constant 0 : i32
        %dma_wait3A_395 = tpu.memref_slice %arg2[%dma_wait3A_393, %dma_wait3A_394] : memref<10000x128xf32, #tpu.memory_space<hbm>> -> memref<10000x128xf32, #tpu.memory_space<hbm>>
        tpu.wait_indirect_dma semaphore(%arg27 : memref<!tpu.dma_semaphore, #tpu.memory_space<semaphore_mem>>) src(%dma_wait3A_395 : memref<10000x128xf32, #tpu.memory_space<hbm>>) dst(%dma_wait3A_389 : memref<80x128xf32, #tpu.memory_space<vmem>>)
        %add3A_396 = arith.constant 320000 : i32
        %add3A_397 = arith.addi %add3A_396, %mul3A_4 : i32
        %mul3A_398 = arith.constant 80 : i32
        %mul3A_399 = arith.muli %scan3A_168, %mul3A_398 : i32
        %add3A_400 = arith.addi %add3A_397, %mul3A_399 : i32
        %dma_wait3A_401 = arith.constant 6 : i32
        %dma_wait3A_402 = arith.constant 0 : i32
        %dma_wait3A_403 = tpu.memref_slice %arg6[%dma_wait3A_401, %dma_wait3A_402] : memref<8x80xi32, #tpu.memory_space<vmem>> -> memref<1x80xi32, #tpu.memory_space<vmem>>
        %dma_wait3A_404 = tpu.memref_squeeze %dma_wait3A_403 : memref<1x80xi32, #tpu.memory_space<vmem>> -> memref<80xi32, #tpu.memory_space<vmem>>
        %dma_wait3A_405 = tpu.memref_slice %arg3[%add3A_400] : memref<640000xi32, #tpu.memory_space<hbm>> -> memref<80xi32, #tpu.memory_space<hbm>>
        %dma_wait3A_406 = arith.constant 0 : i32
        %dma_wait3A_407 = tpu.memref_slice %arg6[%dma_wait3A_401, %dma_wait3A_406] : memref<8x80xi32, #tpu.memory_space<vmem>> -> memref<1x80xi32, #tpu.memory_space<vmem>>
        %dma_wait3A_408 = tpu.memref_squeeze %dma_wait3A_407 : memref<1x80xi32, #tpu.memory_space<vmem>> -> memref<80xi32, #tpu.memory_space<vmem>>
        %dma_wait3A_409 = tpu.memref_slice %arg3[%add3A_400] : memref<640000xi32, #tpu.memory_space<hbm>> -> memref<80xi32, #tpu.memory_space<hbm>>
        tpu.wait_dma2 semaphore(%arg23 : memref<!tpu.dma_semaphore, #tpu.memory_space<semaphore_mem>>) src(%dma_wait3A_409 : memref<80xi32, #tpu.memory_space<hbm>>) dst(%dma_wait3A_408 : memref<80xi32, #tpu.memory_space<vmem>>)
        %dma_start3A_410 = arith.constant 2 : i32
        %dma_start3A_411 = arith.constant 6 : i32
        %dma_start3A_412 = arith.constant 0 : i32
        %dma_start3A_413 = arith.constant 0 : i32
        %dma_start3A_414 = tpu.memref_slice %arg7[%dma_start3A_410, %dma_start3A_412, %dma_start3A_413] : memref<4x80x128xf32, #tpu.memory_space<vmem>> -> memref<1x80x128xf32, #tpu.memory_space<vmem>>
        %dma_start3A_415 = tpu.memref_squeeze %dma_start3A_414 : memref<1x80x128xf32, #tpu.memory_space<vmem>> -> memref<80x128xf32, #tpu.memory_space<vmem>>
        %dma_start3A_416 = arith.constant 0 : i32
        %dma_start3A_417 = tpu.memref_slice %arg6[%dma_start3A_411, %dma_start3A_416] : memref<8x80xi32, #tpu.memory_space<vmem>> -> memref<1x80xi32, #tpu.memory_space<vmem>>
        %dma_start3A_418 = tpu.memref_squeeze %dma_start3A_417 : memref<1x80xi32, #tpu.memory_space<vmem>> -> memref<80xi32, #tpu.memory_space<vmem>>
        %dma_start3A_419 = arith.constant 0 : i32
        %dma_start3A_420 = arith.constant 0 : i32
        %dma_start3A_421 = tpu.memref_slice %arg8[%dma_start3A_419, %dma_start3A_420] : memref<10240x128xf32, #tpu.memory_space<vmem_shared>> -> memref<10240x128xf32, #tpu.memory_space<vmem_shared>>
        tpu.enqueue_indirect_dma source(%dma_start3A_415 : memref<80x128xf32, #tpu.memory_space<vmem>>) target(%dma_start3A_421 : memref<10240x128xf32, #tpu.memory_space<vmem_shared>>) offsets(%dma_start3A_418 : memref<80xi32, #tpu.memory_space<vmem>>) semaphore(%arg31 : memref<!tpu.dma_semaphore, #tpu.memory_space<semaphore_mem>>) {add = true}
      } else {
      }
      %eq3A_357 = arith.constant 7 : i32
      %eq3A_358 = arith.cmpi eq, %rem3A_169, %eq3A_357 : i32
      %add3A_359 = arith.constant 4 : i32
      %add3A_360 = arith.addi %scan3A_168, %add3A_359 : i32
      %sub3A_361 = arith.constant 1 : i32
      %sub3A_362 = arith.subi %add3A_360, %sub3A_361 : i32
      %lt3A_363 = arith.constant 125 : i32
      %lt3A_364 = arith.cmpi slt, %sub3A_362, %lt3A_363 : i32
      %and3A_365 = arith.andi %eq3A_358, %lt3A_364 : i1
      %convert_element_type3A_366 = arith.extui %and3A_365 : i1 to i32
      %cond3A_367 = arith.constant 0 : i32
      %cond3A_368 = arith.cmpi ne, %convert_element_type3A_366, %cond3A_367 : i32
      scf.if %cond3A_368 {
        %add3A_384 = arith.constant 4 : i32
        %add3A_385 = arith.addi %scan3A_168, %add3A_384 : i32
        %sub3A_386 = arith.constant 1 : i32
        %sub3A_387 = arith.subi %add3A_385, %sub3A_386 : i32
        %mul3A_388 = arith.constant 80 : i32
        %mul3A_389 = arith.muli %sub3A_387, %mul3A_388 : i32
        %add3A_390 = arith.addi %mul3A_4, %mul3A_389 : i32
        %dma_start3A_391 = arith.constant 2 : i32
        %dma_start3A_392 = arith.constant 0 : i32
        %dma_start3A_393 = tpu.memref_slice %arg5[%dma_start3A_391, %dma_start3A_392] : memref<8x80xi32, #tpu.memory_space<vmem>> -> memref<1x80xi32, #tpu.memory_space<vmem>>
        %dma_start3A_394 = tpu.memref_squeeze %dma_start3A_393 : memref<1x80xi32, #tpu.memory_space<vmem>> -> memref<80xi32, #tpu.memory_space<vmem>>
        %dma_start3A_395 = tpu.memref_slice %arg3[%add3A_390] : memref<640000xi32, #tpu.memory_space<hbm>> -> memref<80xi32, #tpu.memory_space<hbm>>
        %dma_start3A_396 = arith.constant 0 : i32
        %dma_start3A_397 = tpu.memref_slice %arg5[%dma_start3A_391, %dma_start3A_396] : memref<8x80xi32, #tpu.memory_space<vmem>> -> memref<1x80xi32, #tpu.memory_space<vmem>>
        %dma_start3A_398 = tpu.memref_squeeze %dma_start3A_397 : memref<1x80xi32, #tpu.memory_space<vmem>> -> memref<80xi32, #tpu.memory_space<vmem>>
        %dma_start3A_399 = tpu.memref_slice %arg3[%add3A_390] : memref<640000xi32, #tpu.memory_space<hbm>> -> memref<80xi32, #tpu.memory_space<hbm>>
        tpu.enqueue_dma source(%dma_start3A_399 : memref<80xi32, #tpu.memory_space<hbm>>) target(%dma_start3A_398 : memref<80xi32, #tpu.memory_space<vmem>>) target_semaphore(%arg11 : memref<!tpu.dma_semaphore, #tpu.memory_space<semaphore_mem>>)
        %add3A_400 = arith.constant 320000 : i32
        %add3A_401 = arith.addi %add3A_400, %mul3A_4 : i32
        %mul3A_402 = arith.constant 80 : i32
        %mul3A_403 = arith.muli %sub3A_387, %mul3A_402 : i32
        %add3A_404 = arith.addi %add3A_401, %mul3A_403 : i32
        %dma_start3A_405 = arith.constant 2 : i32
        %dma_start3A_406 = arith.constant 0 : i32
        %dma_start3A_407 = tpu.memref_slice %arg6[%dma_start3A_405, %dma_start3A_406] : memref<8x80xi32, #tpu.memory_space<vmem>> -> memref<1x80xi32, #tpu.memory_space<vmem>>
        %dma_start3A_408 = tpu.memref_squeeze %dma_start3A_407 : memref<1x80xi32, #tpu.memory_space<vmem>> -> memref<80xi32, #tpu.memory_space<vmem>>
        %dma_start3A_409 = tpu.memref_slice %arg3[%add3A_404] : memref<640000xi32, #tpu.memory_space<hbm>> -> memref<80xi32, #tpu.memory_space<hbm>>
        %dma_start3A_410 = arith.constant 0 : i32
        %dma_start3A_411 = tpu.memref_slice %arg6[%dma_start3A_405, %dma_start3A_410] : memref<8x80xi32, #tpu.memory_space<vmem>> -> memref<1x80xi32, #tpu.memory_space<vmem>>
        %dma_start3A_412 = tpu.memref_squeeze %dma_start3A_411 : memref<1x80xi32, #tpu.memory_space<vmem>> -> memref<80xi32, #tpu.memory_space<vmem>>
        %dma_start3A_413 = tpu.memref_slice %arg3[%add3A_404] : memref<640000xi32, #tpu.memory_space<hbm>> -> memref<80xi32, #tpu.memory_space<hbm>>
        tpu.enqueue_dma source(%dma_start3A_413 : memref<80xi32, #tpu.memory_space<hbm>>) target(%dma_start3A_412 : memref<80xi32, #tpu.memory_space<vmem>>) target_semaphore(%arg19 : memref<!tpu.dma_semaphore, #tpu.memory_space<semaphore_mem>>)
      } else {
      }
      %eq3A_369 = arith.constant 7 : i32
      %eq3A_370 = arith.cmpi eq, %rem3A_169, %eq3A_369 : i32
      %add3A_371 = arith.constant 1 : i32
      %add3A_372 = arith.addi %scan3A_168, %add3A_371 : i32
      %lt3A_373 = arith.constant 125 : i32
      %lt3A_374 = arith.cmpi slt, %add3A_372, %lt3A_373 : i32
      %and3A_375 = arith.andi %eq3A_370, %lt3A_374 : i1
      %convert_element_type3A_376 = arith.extui %and3A_375 : i1 to i32
      %cond3A_377 = arith.constant 0 : i32
      %cond3A_378 = arith.cmpi ne, %convert_element_type3A_376, %cond3A_377 : i32
      scf.if %cond3A_378 {
        %add3A_384 = arith.constant 1 : i32
        %add3A_385 = arith.addi %scan3A_168, %add3A_384 : i32
        %ge3A = arith.constant 4 : i32
        %ge3A_386 = arith.cmpi sge, %add3A_385, %ge3A : i32
        %convert_element_type3A_387 = arith.extui %ge3A_386 : i1 to i32
        %cond3A_388 = arith.constant 0 : i32
        %cond3A_389 = arith.cmpi ne, %convert_element_type3A_387, %cond3A_388 : i32
        scf.if %cond3A_389 {
          %dma_wait3A_416 = arith.constant 0 : i32
          %dma_wait3A_417 = arith.constant 4 : i32
          %dma_wait3A_418 = arith.constant 0 : i32
          %dma_wait3A_419 = arith.constant 0 : i32
          %dma_wait3A_420 = tpu.memref_slice %arg7[%dma_wait3A_416, %dma_wait3A_418, %dma_wait3A_419] : memref<4x80x128xf32, #tpu.memory_space<vmem>> -> memref<1x80x128xf32, #tpu.memory_space<vmem>>
          %dma_wait3A_421 = tpu.memref_squeeze %dma_wait3A_420 : memref<1x80x128xf32, #tpu.memory_space<vmem>> -> memref<80x128xf32, #tpu.memory_space<vmem>>
          %dma_wait3A_422 = arith.constant 0 : i32
          %dma_wait3A_423 = tpu.memref_slice %arg6[%dma_wait3A_417, %dma_wait3A_422] : memref<8x80xi32, #tpu.memory_space<vmem>> -> memref<1x80xi32, #tpu.memory_space<vmem>>
          %dma_wait3A_424 = tpu.memref_squeeze %dma_wait3A_423 : memref<1x80xi32, #tpu.memory_space<vmem>> -> memref<80xi32, #tpu.memory_space<vmem>>
          %dma_wait3A_425 = arith.constant 0 : i32
          %dma_wait3A_426 = arith.constant 0 : i32
          %dma_wait3A_427 = tpu.memref_slice %arg8[%dma_wait3A_425, %dma_wait3A_426] : memref<10240x128xf32, #tpu.memory_space<vmem_shared>> -> memref<10240x128xf32, #tpu.memory_space<vmem_shared>>
          tpu.wait_indirect_dma semaphore(%arg29 : memref<!tpu.dma_semaphore, #tpu.memory_space<semaphore_mem>>) src(%dma_wait3A_421 : memref<80x128xf32, #tpu.memory_space<vmem>>) dst(%dma_wait3A_427 : memref<10240x128xf32, #tpu.memory_space<vmem_shared>>)
        } else {
        }
        %add3A_390 = arith.constant 1 : i32
        %add3A_391 = arith.addi %scan3A_168, %add3A_390 : i32
        %mul3A_392 = arith.constant 80 : i32
        %mul3A_393 = arith.muli %add3A_391, %mul3A_392 : i32
        %add3A_394 = arith.addi %mul3A_4, %mul3A_393 : i32
        %dma_wait3A_395 = arith.constant 0 : i32
        %dma_wait3A_396 = arith.constant 0 : i32
        %dma_wait3A_397 = tpu.memref_slice %arg5[%dma_wait3A_395, %dma_wait3A_396] : memref<8x80xi32, #tpu.memory_space<vmem>> -> memref<1x80xi32, #tpu.memory_space<vmem>>
        %dma_wait3A_398 = tpu.memref_squeeze %dma_wait3A_397 : memref<1x80xi32, #tpu.memory_space<vmem>> -> memref<80xi32, #tpu.memory_space<vmem>>
        %dma_wait3A_399 = tpu.memref_slice %arg3[%add3A_394] : memref<640000xi32, #tpu.memory_space<hbm>> -> memref<80xi32, #tpu.memory_space<hbm>>
        %dma_wait3A_400 = arith.constant 0 : i32
        %dma_wait3A_401 = tpu.memref_slice %arg5[%dma_wait3A_395, %dma_wait3A_400] : memref<8x80xi32, #tpu.memory_space<vmem>> -> memref<1x80xi32, #tpu.memory_space<vmem>>
        %dma_wait3A_402 = tpu.memref_squeeze %dma_wait3A_401 : memref<1x80xi32, #tpu.memory_space<vmem>> -> memref<80xi32, #tpu.memory_space<vmem>>
        %dma_wait3A_403 = tpu.memref_slice %arg3[%add3A_394] : memref<640000xi32, #tpu.memory_space<hbm>> -> memref<80xi32, #tpu.memory_space<hbm>>
        tpu.wait_dma2 semaphore(%arg9 : memref<!tpu.dma_semaphore, #tpu.memory_space<semaphore_mem>>) src(%dma_wait3A_403 : memref<80xi32, #tpu.memory_space<hbm>>) dst(%dma_wait3A_402 : memref<80xi32, #tpu.memory_space<vmem>>)
        %dma_start3A_404 = arith.constant 0 : i32
        %dma_start3A_405 = arith.constant 0 : i32
        %dma_start3A_406 = arith.constant 0 : i32
        %dma_start3A_407 = arith.constant 0 : i32
        %dma_start3A_408 = tpu.memref_slice %arg7[%dma_start3A_405, %dma_start3A_406, %dma_start3A_407] : memref<4x80x128xf32, #tpu.memory_space<vmem>> -> memref<1x80x128xf32, #tpu.memory_space<vmem>>
        %dma_start3A_409 = tpu.memref_squeeze %dma_start3A_408 : memref<1x80x128xf32, #tpu.memory_space<vmem>> -> memref<80x128xf32, #tpu.memory_space<vmem>>
        %dma_start3A_410 = arith.constant 0 : i32
        %dma_start3A_411 = tpu.memref_slice %arg5[%dma_start3A_404, %dma_start3A_410] : memref<8x80xi32, #tpu.memory_space<vmem>> -> memref<1x80xi32, #tpu.memory_space<vmem>>
        %dma_start3A_412 = tpu.memref_squeeze %dma_start3A_411 : memref<1x80xi32, #tpu.memory_space<vmem>> -> memref<80xi32, #tpu.memory_space<vmem>>
        %dma_start3A_413 = arith.constant 0 : i32
        %dma_start3A_414 = arith.constant 0 : i32
        %dma_start3A_415 = tpu.memref_slice %arg2[%dma_start3A_413, %dma_start3A_414] : memref<10000x128xf32, #tpu.memory_space<hbm>> -> memref<10000x128xf32, #tpu.memory_space<hbm>>
        tpu.enqueue_indirect_dma source(%dma_start3A_415 : memref<10000x128xf32, #tpu.memory_space<hbm>>) target(%dma_start3A_409 : memref<80x128xf32, #tpu.memory_space<vmem>>) offsets(%dma_start3A_412 : memref<80xi32, #tpu.memory_space<vmem>>) semaphore(%arg25 : memref<!tpu.dma_semaphore, #tpu.memory_space<semaphore_mem>>)
      } else {
      }
      %eq3A_379 = arith.constant 7 : i32
      %eq3A_380 = arith.cmpi eq, %rem3A_169, %eq3A_379 : i32
      %convert_element_type3A_381 = arith.extui %eq3A_380 : i1 to i32
      %cond3A_382 = arith.constant 0 : i32
      %cond3A_383 = arith.cmpi ne, %convert_element_type3A_381, %cond3A_382 : i32
      scf.if %cond3A_383 {
        %dma_wait3A_384 = arith.constant 7 : i32
        %dma_wait3A_385 = arith.constant 3 : i32
        %dma_wait3A_386 = arith.constant 0 : i32
        %dma_wait3A_387 = arith.constant 0 : i32
        %dma_wait3A_388 = tpu.memref_slice %arg7[%dma_wait3A_385, %dma_wait3A_386, %dma_wait3A_387] : memref<4x80x128xf32, #tpu.memory_space<vmem>> -> memref<1x80x128xf32, #tpu.memory_space<vmem>>
        %dma_wait3A_389 = tpu.memref_squeeze %dma_wait3A_388 : memref<1x80x128xf32, #tpu.memory_space<vmem>> -> memref<80x128xf32, #tpu.memory_space<vmem>>
        %dma_wait3A_390 = arith.constant 0 : i32
        %dma_wait3A_391 = tpu.memref_slice %arg5[%dma_wait3A_384, %dma_wait3A_390] : memref<8x80xi32, #tpu.memory_space<vmem>> -> memref<1x80xi32, #tpu.memory_space<vmem>>
        %dma_wait3A_392 = tpu.memref_squeeze %dma_wait3A_391 : memref<1x80xi32, #tpu.memory_space<vmem>> -> memref<80xi32, #tpu.memory_space<vmem>>
        %dma_wait3A_393 = arith.constant 0 : i32
        %dma_wait3A_394 = arith.constant 0 : i32
        %dma_wait3A_395 = tpu.memref_slice %arg2[%dma_wait3A_393, %dma_wait3A_394] : memref<10000x128xf32, #tpu.memory_space<hbm>> -> memref<10000x128xf32, #tpu.memory_space<hbm>>
        tpu.wait_indirect_dma semaphore(%arg28 : memref<!tpu.dma_semaphore, #tpu.memory_space<semaphore_mem>>) src(%dma_wait3A_395 : memref<10000x128xf32, #tpu.memory_space<hbm>>) dst(%dma_wait3A_389 : memref<80x128xf32, #tpu.memory_space<vmem>>)
        %add3A_396 = arith.constant 320000 : i32
        %add3A_397 = arith.addi %add3A_396, %mul3A_4 : i32
        %mul3A_398 = arith.constant 80 : i32
        %mul3A_399 = arith.muli %scan3A_168, %mul3A_398 : i32
        %add3A_400 = arith.addi %add3A_397, %mul3A_399 : i32
        %dma_wait3A_401 = arith.constant 7 : i32
        %dma_wait3A_402 = arith.constant 0 : i32
        %dma_wait3A_403 = tpu.memref_slice %arg6[%dma_wait3A_401, %dma_wait3A_402] : memref<8x80xi32, #tpu.memory_space<vmem>> -> memref<1x80xi32, #tpu.memory_space<vmem>>
        %dma_wait3A_404 = tpu.memref_squeeze %dma_wait3A_403 : memref<1x80xi32, #tpu.memory_space<vmem>> -> memref<80xi32, #tpu.memory_space<vmem>>
        %dma_wait3A_405 = tpu.memref_slice %arg3[%add3A_400] : memref<640000xi32, #tpu.memory_space<hbm>> -> memref<80xi32, #tpu.memory_space<hbm>>
        %dma_wait3A_406 = arith.constant 0 : i32
        %dma_wait3A_407 = tpu.memref_slice %arg6[%dma_wait3A_401, %dma_wait3A_406] : memref<8x80xi32, #tpu.memory_space<vmem>> -> memref<1x80xi32, #tpu.memory_space<vmem>>
        %dma_wait3A_408 = tpu.memref_squeeze %dma_wait3A_407 : memref<1x80xi32, #tpu.memory_space<vmem>> -> memref<80xi32, #tpu.memory_space<vmem>>
        %dma_wait3A_409 = tpu.memref_slice %arg3[%add3A_400] : memref<640000xi32, #tpu.memory_space<hbm>> -> memref<80xi32, #tpu.memory_space<hbm>>
        tpu.wait_dma2 semaphore(%arg24 : memref<!tpu.dma_semaphore, #tpu.memory_space<semaphore_mem>>) src(%dma_wait3A_409 : memref<80xi32, #tpu.memory_space<hbm>>) dst(%dma_wait3A_408 : memref<80xi32, #tpu.memory_space<vmem>>)
        %dma_start3A_410 = arith.constant 3 : i32
        %dma_start3A_411 = arith.constant 7 : i32
        %dma_start3A_412 = arith.constant 0 : i32
        %dma_start3A_413 = arith.constant 0 : i32
        %dma_start3A_414 = tpu.memref_slice %arg7[%dma_start3A_410, %dma_start3A_412, %dma_start3A_413] : memref<4x80x128xf32, #tpu.memory_space<vmem>> -> memref<1x80x128xf32, #tpu.memory_space<vmem>>
        %dma_start3A_415 = tpu.memref_squeeze %dma_start3A_414 : memref<1x80x128xf32, #tpu.memory_space<vmem>> -> memref<80x128xf32, #tpu.memory_space<vmem>>
        %dma_start3A_416 = arith.constant 0 : i32
        %dma_start3A_417 = tpu.memref_slice %arg6[%dma_start3A_411, %dma_start3A_416] : memref<8x80xi32, #tpu.memory_space<vmem>> -> memref<1x80xi32, #tpu.memory_space<vmem>>
        %dma_start3A_418 = tpu.memref_squeeze %dma_start3A_417 : memref<1x80xi32, #tpu.memory_space<vmem>> -> memref<80xi32, #tpu.memory_space<vmem>>
        %dma_start3A_419 = arith.constant 0 : i32
        %dma_start3A_420 = arith.constant 0 : i32
        %dma_start3A_421 = tpu.memref_slice %arg8[%dma_start3A_419, %dma_start3A_420] : memref<10240x128xf32, #tpu.memory_space<vmem_shared>> -> memref<10240x128xf32, #tpu.memory_space<vmem_shared>>
        tpu.enqueue_indirect_dma source(%dma_start3A_415 : memref<80x128xf32, #tpu.memory_space<vmem>>) target(%dma_start3A_421 : memref<10240x128xf32, #tpu.memory_space<vmem_shared>>) offsets(%dma_start3A_418 : memref<80xi32, #tpu.memory_space<vmem>>) semaphore(%arg32 : memref<!tpu.dma_semaphore, #tpu.memory_space<semaphore_mem>>) {add = true}
      } else {
      }
    }
    %scan3A_108 = arith.constant 125 : i32
    %dma_wait3A_109 = arith.constant 1 : i32
    %dma_wait3A_110 = arith.constant 1 : i32
    %dma_wait3A_111 = arith.constant 0 : i32
    %dma_wait3A_112 = arith.constant 0 : i32
    %dma_wait3A_113 = tpu.memref_slice %arg7[%dma_wait3A_109, %dma_wait3A_111, %dma_wait3A_112] : memref<4x80x128xf32, #tpu.memory_space<vmem>> -> memref<1x80x128xf32, #tpu.memory_space<vmem>>
    %dma_wait3A_114 = tpu.memref_squeeze %dma_wait3A_113 : memref<1x80x128xf32, #tpu.memory_space<vmem>> -> memref<80x128xf32, #tpu.memory_space<vmem>>
    %dma_wait3A_115 = arith.constant 0 : i32
    %dma_wait3A_116 = tpu.memref_slice %arg6[%dma_wait3A_110, %dma_wait3A_115] : memref<8x80xi32, #tpu.memory_space<vmem>> -> memref<1x80xi32, #tpu.memory_space<vmem>>
    %dma_wait3A_117 = tpu.memref_squeeze %dma_wait3A_116 : memref<1x80xi32, #tpu.memory_space<vmem>> -> memref<80xi32, #tpu.memory_space<vmem>>
    %dma_wait3A_118 = arith.constant 0 : i32
    %dma_wait3A_119 = arith.constant 0 : i32
    %dma_wait3A_120 = tpu.memref_slice %arg8[%dma_wait3A_118, %dma_wait3A_119] : memref<10240x128xf32, #tpu.memory_space<vmem_shared>> -> memref<10240x128xf32, #tpu.memory_space<vmem_shared>>
    tpu.wait_indirect_dma semaphore(%arg30 : memref<!tpu.dma_semaphore, #tpu.memory_space<semaphore_mem>>) src(%dma_wait3A_114 : memref<80x128xf32, #tpu.memory_space<vmem>>) dst(%dma_wait3A_120 : memref<10240x128xf32, #tpu.memory_space<vmem_shared>>)
    %dma_wait3A_121 = arith.constant 2 : i32
    %dma_wait3A_122 = arith.constant 2 : i32
    %dma_wait3A_123 = arith.constant 0 : i32
    %dma_wait3A_124 = arith.constant 0 : i32
    %dma_wait3A_125 = tpu.memref_slice %arg7[%dma_wait3A_121, %dma_wait3A_123, %dma_wait3A_124] : memref<4x80x128xf32, #tpu.memory_space<vmem>> -> memref<1x80x128xf32, #tpu.memory_space<vmem>>
    %dma_wait3A_126 = tpu.memref_squeeze %dma_wait3A_125 : memref<1x80x128xf32, #tpu.memory_space<vmem>> -> memref<80x128xf32, #tpu.memory_space<vmem>>
    %dma_wait3A_127 = arith.constant 0 : i32
    %dma_wait3A_128 = tpu.memref_slice %arg6[%dma_wait3A_122, %dma_wait3A_127] : memref<8x80xi32, #tpu.memory_space<vmem>> -> memref<1x80xi32, #tpu.memory_space<vmem>>
    %dma_wait3A_129 = tpu.memref_squeeze %dma_wait3A_128 : memref<1x80xi32, #tpu.memory_space<vmem>> -> memref<80xi32, #tpu.memory_space<vmem>>
    %dma_wait3A_130 = arith.constant 0 : i32
    %dma_wait3A_131 = arith.constant 0 : i32
    %dma_wait3A_132 = tpu.memref_slice %arg8[%dma_wait3A_130, %dma_wait3A_131] : memref<10240x128xf32, #tpu.memory_space<vmem_shared>> -> memref<10240x128xf32, #tpu.memory_space<vmem_shared>>
    tpu.wait_indirect_dma semaphore(%arg31 : memref<!tpu.dma_semaphore, #tpu.memory_space<semaphore_mem>>) src(%dma_wait3A_126 : memref<80x128xf32, #tpu.memory_space<vmem>>) dst(%dma_wait3A_132 : memref<10240x128xf32, #tpu.memory_space<vmem_shared>>)
    %dma_wait3A_133 = arith.constant 3 : i32
    %dma_wait3A_134 = arith.constant 3 : i32
    %dma_wait3A_135 = arith.constant 0 : i32
    %dma_wait3A_136 = arith.constant 0 : i32
    %dma_wait3A_137 = tpu.memref_slice %arg7[%dma_wait3A_133, %dma_wait3A_135, %dma_wait3A_136] : memref<4x80x128xf32, #tpu.memory_space<vmem>> -> memref<1x80x128xf32, #tpu.memory_space<vmem>>
    %dma_wait3A_138 = tpu.memref_squeeze %dma_wait3A_137 : memref<1x80x128xf32, #tpu.memory_space<vmem>> -> memref<80x128xf32, #tpu.memory_space<vmem>>
    %dma_wait3A_139 = arith.constant 0 : i32
    %dma_wait3A_140 = tpu.memref_slice %arg6[%dma_wait3A_134, %dma_wait3A_139] : memref<8x80xi32, #tpu.memory_space<vmem>> -> memref<1x80xi32, #tpu.memory_space<vmem>>
    %dma_wait3A_141 = tpu.memref_squeeze %dma_wait3A_140 : memref<1x80xi32, #tpu.memory_space<vmem>> -> memref<80xi32, #tpu.memory_space<vmem>>
    %dma_wait3A_142 = arith.constant 0 : i32
    %dma_wait3A_143 = arith.constant 0 : i32
    %dma_wait3A_144 = tpu.memref_slice %arg8[%dma_wait3A_142, %dma_wait3A_143] : memref<10240x128xf32, #tpu.memory_space<vmem_shared>> -> memref<10240x128xf32, #tpu.memory_space<vmem_shared>>
    tpu.wait_indirect_dma semaphore(%arg32 : memref<!tpu.dma_semaphore, #tpu.memory_space<semaphore_mem>>) src(%dma_wait3A_138 : memref<80x128xf32, #tpu.memory_space<vmem>>) dst(%dma_wait3A_144 : memref<10240x128xf32, #tpu.memory_space<vmem_shared>>)
    %dma_wait3A_145 = arith.constant 0 : i32
    %dma_wait3A_146 = arith.constant 4 : i32
    %dma_wait3A_147 = arith.constant 0 : i32
    %dma_wait3A_148 = arith.constant 0 : i32
    %dma_wait3A_149 = tpu.memref_slice %arg7[%dma_wait3A_145, %dma_wait3A_147, %dma_wait3A_148] : memref<4x80x128xf32, #tpu.memory_space<vmem>> -> memref<1x80x128xf32, #tpu.memory_space<vmem>>
    %dma_wait3A_150 = tpu.memref_squeeze %dma_wait3A_149 : memref<1x80x128xf32, #tpu.memory_space<vmem>> -> memref<80x128xf32, #tpu.memory_space<vmem>>
    %dma_wait3A_151 = arith.constant 0 : i32
    %dma_wait3A_152 = tpu.memref_slice %arg6[%dma_wait3A_146, %dma_wait3A_151] : memref<8x80xi32, #tpu.memory_space<vmem>> -> memref<1x80xi32, #tpu.memory_space<vmem>>
    %dma_wait3A_153 = tpu.memref_squeeze %dma_wait3A_152 : memref<1x80xi32, #tpu.memory_space<vmem>> -> memref<80xi32, #tpu.memory_space<vmem>>
    %dma_wait3A_154 = arith.constant 0 : i32
    %dma_wait3A_155 = arith.constant 0 : i32
    %dma_wait3A_156 = tpu.memref_slice %arg8[%dma_wait3A_154, %dma_wait3A_155] : memref<10240x128xf32, #tpu.memory_space<vmem_shared>> -> memref<10240x128xf32, #tpu.memory_space<vmem_shared>>
    tpu.wait_indirect_dma semaphore(%arg29 : memref<!tpu.dma_semaphore, #tpu.memory_space<semaphore_mem>>) src(%dma_wait3A_150 : memref<80x128xf32, #tpu.memory_space<vmem>>) dst(%dma_wait3A_156 : memref<10240x128xf32, #tpu.memory_space<vmem_shared>>)
    %barrier3A_157 = arith.constant 0 : index
    tpu.barrier barrier_id(%barrier3A_157)
    %lt3A_158 = arith.constant 15 : i32
    %lt3A_159 = arith.cmpi slt, %arg1, %lt3A_158 : i32
    %convert_element_type3A_160 = arith.extui %lt3A_159 : i1 to i32
    %cond3A_161 = arith.constant 0 : i32
    %cond3A_162 = arith.cmpi ne, %convert_element_type3A_160, %cond3A_161 : i32
    scf.if %cond3A_162 {
      %mul3A_168 = arith.constant 10000 : i32
      %mul3A_169 = arith.muli %arg0, %mul3A_168 : i32
      %add3A_170 = arith.addi %mul3A_169, %mul3A_2 : i32
      "tpu.region"() ({
        %run_scoped3A = tpu.sem_alloc : memref<!tpu.dma_semaphore, #tpu.memory_space<semaphore_mem>>
        %dma_start3A_171 = arith.constant 0 : i32
        %dma_start3A_172 = tpu.memref_slice %arg4[%add3A_170, %dma_start3A_171] : memref<20000x128xf32, #tpu.memory_space<hbm>> -> memref<640x128xf32, #tpu.memory_space<hbm>>
        %dma_start3A_173 = arith.constant 0 : i32
        %dma_start3A_174 = tpu.memref_slice %arg8[%mul3A_2, %dma_start3A_173] : memref<10240x128xf32, #tpu.memory_space<vmem_shared>> -> memref<640x128xf32, #tpu.memory_space<vmem_shared>>
        tpu.enqueue_dma source(%dma_start3A_174 : memref<640x128xf32, #tpu.memory_space<vmem_shared>>) target(%dma_start3A_172 : memref<640x128xf32, #tpu.memory_space<hbm>>) target_semaphore(%run_scoped3A : memref<!tpu.dma_semaphore, #tpu.memory_space<semaphore_mem>>)
        %dma_wait3A_175 = arith.constant 0 : i32
        %dma_wait3A_176 = tpu.memref_slice %arg4[%add3A_170, %dma_wait3A_175] : memref<20000x128xf32, #tpu.memory_space<hbm>> -> memref<640x128xf32, #tpu.memory_space<hbm>>
        %dma_wait3A_177 = arith.constant 0 : i32
        %dma_wait3A_178 = tpu.memref_slice %arg8[%mul3A_2, %dma_wait3A_177] : memref<10240x128xf32, #tpu.memory_space<vmem_shared>> -> memref<640x128xf32, #tpu.memory_space<vmem_shared>>
        tpu.wait_dma2 semaphore(%run_scoped3A : memref<!tpu.dma_semaphore, #tpu.memory_space<semaphore_mem>>) src(%dma_wait3A_178 : memref<640x128xf32, #tpu.memory_space<vmem_shared>>) dst(%dma_wait3A_176 : memref<640x128xf32, #tpu.memory_space<hbm>>)
        tpu.yield
      }) : () -> ()
    } else {
    }
    %eq3A_163 = arith.constant 15 : i32
    %eq3A_164 = arith.cmpi eq, %arg1, %eq3A_163 : i32
    %convert_element_type3A_165 = arith.extui %eq3A_164 : i1 to i32
    %cond3A_166 = arith.constant 0 : i32
    %cond3A_167 = arith.cmpi ne, %convert_element_type3A_165, %cond3A_166 : i32
    scf.if %cond3A_167 {
      %mul3A_168 = arith.constant 10000 : i32
      %mul3A_169 = arith.muli %arg0, %mul3A_168 : i32
      %add3A_170 = arith.constant 9600 : i32
      %add3A_171 = arith.addi %mul3A_169, %add3A_170 : i32
      "tpu.region"() ({
        %run_scoped3A = tpu.sem_alloc : memref<!tpu.dma_semaphore, #tpu.memory_space<semaphore_mem>>
        %dma_start3A_172 = arith.constant 0 : i32
        %dma_start3A_173 = tpu.memref_slice %arg4[%add3A_171, %dma_start3A_172] : memref<20000x128xf32, #tpu.memory_space<hbm>> -> memref<400x128xf32, #tpu.memory_space<hbm>>
        %dma_start3A_174 = arith.constant 9600 : i32
        %dma_start3A_175 = arith.constant 0 : i32
        %dma_start3A_176 = tpu.memref_slice %arg8[%dma_start3A_174, %dma_start3A_175] : memref<10240x128xf32, #tpu.memory_space<vmem_shared>> -> memref<400x128xf32, #tpu.memory_space<vmem_shared>>
        tpu.enqueue_dma source(%dma_start3A_176 : memref<400x128xf32, #tpu.memory_space<vmem_shared>>) target(%dma_start3A_173 : memref<400x128xf32, #tpu.memory_space<hbm>>) target_semaphore(%run_scoped3A : memref<!tpu.dma_semaphore, #tpu.memory_space<semaphore_mem>>)
        %dma_wait3A_177 = arith.constant 0 : i32
        %dma_wait3A_178 = tpu.memref_slice %arg4[%add3A_171, %dma_wait3A_177] : memref<20000x128xf32, #tpu.memory_space<hbm>> -> memref<400x128xf32, #tpu.memory_space<hbm>>
        %dma_wait3A_179 = arith.constant 9600 : i32
        %dma_wait3A_180 = arith.constant 0 : i32
        %dma_wait3A_181 = tpu.memref_slice %arg8[%dma_wait3A_179, %dma_wait3A_180] : memref<10240x128xf32, #tpu.memory_space<vmem_shared>> -> memref<400x128xf32, #tpu.memory_space<vmem_shared>>
        tpu.wait_dma2 semaphore(%run_scoped3A : memref<!tpu.dma_semaphore, #tpu.memory_space<semaphore_mem>>) src(%dma_wait3A_181 : memref<400x128xf32, #tpu.memory_space<vmem_shared>>) dst(%dma_wait3A_178 : memref<400x128xf32, #tpu.memory_space<hbm>>)
        tpu.yield
      }) : () -> ()
    } else {
    }
    return
  }
}

#map = affine_map<(d0, d1) -> (0, 0)>
#map1 = affine_map<(d0, d1) -> (0)>
module attributes {stable_mosaic.version = 14 : i64} {
  func.func @_sc_scatter(%arg0: i32, %arg1: i32, %arg2: memref<10000x128xf32, #tpu.memory_space<hbm>>, %arg3: memref<640000xi32, #tpu.memory_space<hbm>>, %arg4: memref<20000x128xf32, #tpu.memory_space<hbm>>, %arg5: memref<8x80xi32, #tpu.memory_space<vmem>>, %arg6: memref<8x80xi32, #tpu.memory_space<vmem>>, %arg7: memref<4x80x128xf32, #tpu.memory_space<vmem>>, %arg8: memref<10240x128xf32, #tpu.memory_space<vmem_shared>>, %arg9: memref<!tpu.dma_semaphore, #tpu.memory_space<semaphore_mem>>, %arg10: memref<!tpu.dma_semaphore, #tpu.memory_space<semaphore_mem>>, %arg11: memref<!tpu.dma_semaphore, #tpu.memory_space<semaphore_mem>>, %arg12: memref<!tpu.dma_semaphore, #tpu.memory_space<semaphore_mem>>, %arg13: memref<!tpu.dma_semaphore, #tpu.memory_space<semaphore_mem>>, %arg14: memref<!tpu.dma_semaphore, #tpu.memory_space<semaphore_mem>>, %arg15: memref<!tpu.dma_semaphore, #tpu.memory_space<semaphore_mem>>, %arg16: memref<!tpu.dma_semaphore, #tpu.memory_space<semaphore_mem>>, %arg17: memref<!tpu.dma_semaphore, #tpu.memory_space<semaphore_mem>>, %arg18: memref<!tpu.dma_semaphore, #tpu.memory_space<semaphore_mem>>, %arg19: memref<!tpu.dma_semaphore, #tpu.memory_space<semaphore_mem>>, %arg20: memref<!tpu.dma_semaphore, #tpu.memory_space<semaphore_mem>>, %arg21: memref<!tpu.dma_semaphore, #tpu.memory_space<semaphore_mem>>, %arg22: memref<!tpu.dma_semaphore, #tpu.memory_space<semaphore_mem>>, %arg23: memref<!tpu.dma_semaphore, #tpu.memory_space<semaphore_mem>>, %arg24: memref<!tpu.dma_semaphore, #tpu.memory_space<semaphore_mem>>, %arg25: memref<!tpu.dma_semaphore, #tpu.memory_space<semaphore_mem>>, %arg26: memref<!tpu.dma_semaphore, #tpu.memory_space<semaphore_mem>>, %arg27: memref<!tpu.dma_semaphore, #tpu.memory_space<semaphore_mem>>, %arg28: memref<!tpu.dma_semaphore, #tpu.memory_space<semaphore_mem>>, %arg29: memref<!tpu.dma_semaphore, #tpu.memory_space<semaphore_mem>>, %arg30: memref<!tpu.dma_semaphore, #tpu.memory_space<semaphore_mem>>, %arg31: memref<!tpu.dma_semaphore, #tpu.memory_space<semaphore_mem>>, %arg32: memref<!tpu.dma_semaphore, #tpu.memory_space<semaphore_mem>>) attributes {dimension_semantics = [#tpu.dimension_semantics<core_parallel>, #tpu.dimension_semantics<subcore_parallel>], iteration_bounds = array<i64: 2, 16>, scalar_prefetch = 0 : i64, scratch_operands = 28 : i64, tpu.core_type = #tpu.core_type<sc_vector_subcore>, window_params = [{transform_indices = #map}, {transform_indices = #map1}, {transform_indices = #map}]} {
    %mul3A = arith.constant 2 : i32
    %mul3A_0 = arith.muli %arg1, %mul3A : i32
    %add3A = arith.addi %mul3A_0, %arg0 : i32
    %mul3A_1 = arith.constant 640 : i32
    %mul3A_2 = arith.muli %arg1, %mul3A_1 : i32
    %mul3A_3 = arith.constant 10000 : i32
    %mul3A_4 = arith.muli %add3A, %mul3A_3 : i32
    %lt3A = arith.constant 15 : i32
    %lt3A_5 = arith.cmpi slt, %arg1, %lt3A : i32
    %convert_element_type3A = arith.extui %lt3A_5 : i1 to i32
    %cond3A = arith.constant 0 : i32
    %cond3A_6 = arith.cmpi ne, %convert_element_type3A, %cond3A : i32
    scf.if %cond3A_6 {
      "tpu.region"() ({
        %run_scoped3A = tpu.sem_alloc : memref<!tpu.dma_semaphore, #tpu.memory_space<semaphore_mem>>
        %dma_start3A_168 = arith.constant 0 : i32
        %dma_start3A_169 = tpu.memref_slice %arg8[%mul3A_2, %dma_start3A_168] : memref<10240x128xf32, #tpu.memory_space<vmem_shared>> -> memref<640x128xf32, #tpu.memory_space<vmem_shared>>
        %dma_start3A_170 = arith.constant 0 : i32
        %dma_start3A_171 = tpu.memref_slice %arg2[%mul3A_2, %dma_start3A_170] : memref<10000x128xf32, #tpu.memory_space<hbm>> -> memref<640x128xf32, #tpu.memory_space<hbm>>
        tpu.enqueue_dma source(%dma_start3A_171 : memref<640x128xf32, #tpu.memory_space<hbm>>) target(%dma_start3A_169 : memref<640x128xf32, #tpu.memory_space<vmem_shared>>) target_semaphore(%run_scoped3A : memref<!tpu.dma_semaphore, #tpu.memory_space<semaphore_mem>>)
        %dma_wait3A_172 = arith.constant 0 : i32
        %dma_wait3A_173 = tpu.memref_slice %arg8[%mul3A_2, %dma_wait3A_172] : memref<10240x128xf32, #tpu.memory_space<vmem_shared>> -> memref<640x128xf32, #tpu.memory_space<vmem_shared>>
        %dma_wait3A_174 = arith.constant 0 : i32
        %dma_wait3A_175 = tpu.memref_slice %arg2[%mul3A_2, %dma_wait3A_174] : memref<10000x128xf32, #tpu.memory_space<hbm>> -> memref<640x128xf32, #tpu.memory_space<hbm>>
        tpu.wait_dma2 semaphore(%run_scoped3A : memref<!tpu.dma_semaphore, #tpu.memory_space<semaphore_mem>>) src(%dma_wait3A_175 : memref<640x128xf32, #tpu.memory_space<hbm>>) dst(%dma_wait3A_173 : memref<640x128xf32, #tpu.memory_space<vmem_shared>>)
        tpu.yield
      }) : () -> ()
    } else {
    }
    %eq3A = arith.constant 15 : i32
    %eq3A_7 = arith.cmpi eq, %arg1, %eq3A : i32
    %convert_element_type3A_8 = arith.extui %eq3A_7 : i1 to i32
    %cond3A_9 = arith.constant 0 : i32
    %cond3A_10 = arith.cmpi ne, %convert_element_type3A_8, %cond3A_9 : i32
    scf.if %cond3A_10 {
      "tpu.region"() ({
        %run_scoped3A = tpu.sem_alloc : memref<!tpu.dma_semaphore, #tpu.memory_space<semaphore_mem>>
        %dma_start3A_168 = arith.constant 9600 : i32
        %dma_start3A_169 = arith.constant 0 : i32
        %dma_start3A_170 = tpu.memref_slice %arg8[%dma_start3A_168, %dma_start3A_169] : memref<10240x128xf32, #tpu.memory_space<vmem_shared>> -> memref<400x128xf32, #tpu.memory_space<vmem_shared>>
        %dma_start3A_171 = arith.constant 9600 : i32
        %dma_start3A_172 = arith.constant 0 : i32
        %dma_start3A_173 = tpu.memref_slice %arg2[%dma_start3A_171, %dma_start3A_172] : memref<10000x128xf32, #tpu.memory_space<hbm>> -> memref<400x128xf32, #tpu.memory_space<hbm>>
        tpu.enqueue_dma source(%dma_start3A_173 : memref<400x128xf32, #tpu.memory_space<hbm>>) target(%dma_start3A_170 : memref<400x128xf32, #tpu.memory_space<vmem_shared>>) target_semaphore(%run_scoped3A : memref<!tpu.dma_semaphore, #tpu.memory_space<semaphore_mem>>)
        %dma_wait3A_174 = arith.constant 9600 : i32
        %dma_wait3A_175 = arith.constant 0 : i32
        %dma_wait3A_176 = tpu.memref_slice %arg8[%dma_wait3A_174, %dma_wait3A_175] : memref<10240x128xf32, #tpu.memory_space<vmem_shared>> -> memref<400x128xf32, #tpu.memory_space<vmem_shared>>
        %dma_wait3A_177 = arith.constant 9600 : i32
        %dma_wait3A_178 = arith.constant 0 : i32
        %dma_wait3A_179 = tpu.memref_slice %arg2[%dma_wait3A_177, %dma_wait3A_178] : memref<10000x128xf32, #tpu.memory_space<hbm>> -> memref<400x128xf32, #tpu.memory_space<hbm>>
        tpu.wait_dma2 semaphore(%run_scoped3A : memref<!tpu.dma_semaphore, #tpu.memory_space<semaphore_mem>>) src(%dma_wait3A_179 : memref<400x128xf32, #tpu.memory_space<hbm>>) dst(%dma_wait3A_176 : memref<400x128xf32, #tpu.memory_space<vmem_shared>>)
        tpu.yield
      }) : () -> ()
    } else {
    }
    %barrier3A = arith.constant 0 : index
    tpu.barrier barrier_id(%barrier3A)
    %add3A_11 = arith.constant 0 : i32
    %add3A_12 = arith.addi %mul3A_4, %add3A_11 : i32
    %dma_start3A = arith.constant 0 : i32
    %dma_start3A_13 = arith.constant 0 : i32
    %dma_start3A_14 = tpu.memref_slice %arg5[%dma_start3A, %dma_start3A_13] : memref<8x80xi32, #tpu.memory_space<vmem>> -> memref<1x80xi32, #tpu.memory_space<vmem>>
    %dma_start3A_15 = tpu.memref_squeeze %dma_start3A_14 : memref<1x80xi32, #tpu.memory_space<vmem>> -> memref<80xi32, #tpu.memory_space<vmem>>
    %dma_start3A_16 = tpu.memref_slice %arg3[%add3A_12] : memref<640000xi32, #tpu.memory_space<hbm>> -> memref<80xi32, #tpu.memory_space<hbm>>
    %dma_start3A_17 = arith.constant 0 : i32
    %dma_start3A_18 = tpu.memref_slice %arg5[%dma_start3A, %dma_start3A_17] : memref<8x80xi32, #tpu.memory_space<vmem>> -> memref<1x80xi32, #tpu.memory_space<vmem>>
    %dma_start3A_19 = tpu.memref_squeeze %dma_start3A_18 : memref<1x80xi32, #tpu.memory_space<vmem>> -> memref<80xi32, #tpu.memory_space<vmem>>
    %dma_start3A_20 = tpu.memref_slice %arg3[%add3A_12] : memref<640000xi32, #tpu.memory_space<hbm>> -> memref<80xi32, #tpu.memory_space<hbm>>
    tpu.enqueue_dma source(%dma_start3A_20 : memref<80xi32, #tpu.memory_space<hbm>>) target(%dma_start3A_19 : memref<80xi32, #tpu.memory_space<vmem>>) target_semaphore(%arg9 : memref<!tpu.dma_semaphore, #tpu.memory_space<semaphore_mem>>)
    %add3A_21 = arith.constant 320000 : i32
    %add3A_22 = arith.addi %add3A_21, %mul3A_4 : i32
    %add3A_23 = arith.constant 0 : i32
    %add3A_24 = arith.addi %add3A_22, %add3A_23 : i32
    %dma_start3A_25 = arith.constant 0 : i32
    %dma_start3A_26 = arith.constant 0 : i32
    %dma_start3A_27 = tpu.memref_slice %arg6[%dma_start3A_25, %dma_start3A_26] : memref<8x80xi32, #tpu.memory_space<vmem>> -> memref<1x80xi32, #tpu.memory_space<vmem>>
    %dma_start3A_28 = tpu.memref_squeeze %dma_start3A_27 : memref<1x80xi32, #tpu.memory_space<vmem>> -> memref<80xi32, #tpu.memory_space<vmem>>
    %dma_start3A_29 = tpu.memref_slice %arg3[%add3A_24] : memref<640000xi32, #tpu.memory_space<hbm>> -> memref<80xi32, #tpu.memory_space<hbm>>
    %dma_start3A_30 = arith.constant 0 : i32
    %dma_start3A_31 = tpu.memref_slice %arg6[%dma_start3A_25, %dma_start3A_30] : memref<8x80xi32, #tpu.memory_space<vmem>> -> memref<1x80xi32, #tpu.memory_space<vmem>>
    %dma_start3A_32 = tpu.memref_squeeze %dma_start3A_31 : memref<1x80xi32, #tpu.memory_space<vmem>> -> memref<80xi32, #tpu.memory_space<vmem>>
    %dma_start3A_33 = tpu.memref_slice %arg3[%add3A_24] : memref<640000xi32, #tpu.memory_space<hbm>> -> memref<80xi32, #tpu.memory_space<hbm>>
    tpu.enqueue_dma source(%dma_start3A_33 : memref<80xi32, #tpu.memory_space<hbm>>) target(%dma_start3A_32 : memref<80xi32, #tpu.memory_space<vmem>>) target_semaphore(%arg17 : memref<!tpu.dma_semaphore, #tpu.memory_space<semaphore_mem>>)
    %add3A_34 = arith.constant 80 : i32
    %add3A_35 = arith.addi %mul3A_4, %add3A_34 : i32
    %dma_start3A_36 = arith.constant 1 : i32
    %dma_start3A_37 = arith.constant 0 : i32
    %dma_start3A_38 = tpu.memref_slice %arg5[%dma_start3A_36, %dma_start3A_37] : memref<8x80xi32, #tpu.memory_space<vmem>> -> memref<1x80xi32, #tpu.memory_space<vmem>>
    %dma_start3A_39 = tpu.memref_squeeze %dma_start3A_38 : memref<1x80xi32, #tpu.memory_space<vmem>> -> memref<80xi32, #tpu.memory_space<vmem>>
    %dma_start3A_40 = tpu.memref_slice %arg3[%add3A_35] : memref<640000xi32, #tpu.memory_space<hbm>> -> memref<80xi32, #tpu.memory_space<hbm>>
    %dma_start3A_41 = arith.constant 0 : i32
    %dma_start3A_42 = tpu.memref_slice %arg5[%dma_start3A_36, %dma_start3A_41] : memref<8x80xi32, #tpu.memory_space<vmem>> -> memref<1x80xi32, #tpu.memory_space<vmem>>
    %dma_start3A_43 = tpu.memref_squeeze %dma_start3A_42 : memref<1x80xi32, #tpu.memory_space<vmem>> -> memref<80xi32, #tpu.memory_space<vmem>>
    %dma_start3A_44 = tpu.memref_slice %arg3[%add3A_35] : memref<640000xi32, #tpu.memory_space<hbm>> -> memref<80xi32, #tpu.memory_space<hbm>>
    tpu.enqueue_dma source(%dma_start3A_44 : memref<80xi32, #tpu.memory_space<hbm>>) target(%dma_start3A_43 : memref<80xi32, #tpu.memory_space<vmem>>) target_semaphore(%arg10 : memref<!tpu.dma_semaphore, #tpu.memory_space<semaphore_mem>>)
    %add3A_45 = arith.constant 320000 : i32
    %add3A_46 = arith.addi %add3A_45, %mul3A_4 : i32
    %add3A_47 = arith.constant 80 : i32
    %add3A_48 = arith.addi %add3A_46, %add3A_47 : i32
    %dma_start3A_49 = arith.constant 1 : i32
    %dma_start3A_50 = arith.constant 0 : i32
    %dma_start3A_51 = tpu.memref_slice %arg6[%dma_start3A_49, %dma_start3A_50] : memref<8x80xi32, #tpu.memory_space<vmem>> -> memref<1x80xi32, #tpu.memory_space<vmem>>
    %dma_start3A_52 = tpu.memref_squeeze %dma_start3A_51 : memref<1x80xi32, #tpu.memory_space<vmem>> -> memref<80xi32, #tpu.memory_space<vmem>>
    %dma_start3A_53 = tpu.memref_slice %arg3[%add3A_48] : memref<640000xi32, #tpu.memory_space<hbm>> -> memref<80xi32, #tpu.memory_space<hbm>>
    %dma_start3A_54 = arith.constant 0 : i32
    %dma_start3A_55 = tpu.memref_slice %arg6[%dma_start3A_49, %dma_start3A_54] : memref<8x80xi32, #tpu.memory_space<vmem>> -> memref<1x80xi32, #tpu.memory_space<vmem>>
    %dma_start3A_56 = tpu.memref_squeeze %dma_start3A_55 : memref<1x80xi32, #tpu.memory_space<vmem>> -> memref<80xi32, #tpu.memory_space<vmem>>
    %dma_start3A_57 = tpu.memref_slice %arg3[%add3A_48] : memref<640000xi32, #tpu.memory_space<hbm>> -> memref<80xi32, #tpu.memory_space<hbm>>
    tpu.enqueue_dma source(%dma_start3A_57 : memref<80xi32, #tpu.memory_space<hbm>>) target(%dma_start3A_56 : memref<80xi32, #tpu.memory_space<vmem>>) target_semaphore(%arg18 : memref<!tpu.dma_semaphore, #tpu.memory_space<semaphore_mem>>)
    %add3A_58 = arith.constant 160 : i32
    %add3A_59 = arith.addi %mul3A_4, %add3A_58 : i32
    %dma_start3A_60 = arith.constant 2 : i32
    %dma_start3A_61 = arith.constant 0 : i32
    %dma_start3A_62 = tpu.memref_slice %arg5[%dma_start3A_60, %dma_start3A_61] : memref<8x80xi32, #tpu.memory_space<vmem>> -> memref<1x80xi32, #tpu.memory_space<vmem>>
    %dma_start3A_63 = tpu.memref_squeeze %dma_start3A_62 : memref<1x80xi32, #tpu.memory_space<vmem>> -> memref<80xi32, #tpu.memory_space<vmem>>
    %dma_start3A_64 = tpu.memref_slice %arg3[%add3A_59] : memref<640000xi32, #tpu.memory_space<hbm>> -> memref<80xi32, #tpu.memory_space<hbm>>
    %dma_start3A_65 = arith.constant 0 : i32
    %dma_start3A_66 = tpu.memref_slice %arg5[%dma_start3A_60, %dma_start3A_65] : memref<8x80xi32, #tpu.memory_space<vmem>> -> memref<1x80xi32, #tpu.memory_space<vmem>>
    %dma_start3A_67 = tpu.memref_squeeze %dma_start3A_66 : memref<1x80xi32, #tpu.memory_space<vmem>> -> memref<80xi32, #tpu.memory_space<vmem>>
    %dma_start3A_68 = tpu.memref_slice %arg3[%add3A_59] : memref<640000xi32, #tpu.memory_space<hbm>> -> memref<80xi32, #tpu.memory_space<hbm>>
    tpu.enqueue_dma source(%dma_start3A_68 : memref<80xi32, #tpu.memory_space<hbm>>) target(%dma_start3A_67 : memref<80xi32, #tpu.memory_space<vmem>>) target_semaphore(%arg11 : memref<!tpu.dma_semaphore, #tpu.memory_space<semaphore_mem>>)
    %add3A_69 = arith.constant 320000 : i32
    %add3A_70 = arith.addi %add3A_69, %mul3A_4 : i32
    %add3A_71 = arith.constant 160 : i32
    %add3A_72 = arith.addi %add3A_70, %add3A_71 : i32
    %dma_start3A_73 = arith.constant 2 : i32
    %dma_start3A_74 = arith.constant 0 : i32
    %dma_start3A_75 = tpu.memref_slice %arg6[%dma_start3A_73, %dma_start3A_74] : memref<8x80xi32, #tpu.memory_space<vmem>> -> memref<1x80xi32, #tpu.memory_space<vmem>>
    %dma_start3A_76 = tpu.memref_squeeze %dma_start3A_75 : memref<1x80xi32, #tpu.memory_space<vmem>> -> memref<80xi32, #tpu.memory_space<vmem>>
    %dma_start3A_77 = tpu.memref_slice %arg3[%add3A_72] : memref<640000xi32, #tpu.memory_space<hbm>> -> memref<80xi32, #tpu.memory_space<hbm>>
    %dma_start3A_78 = arith.constant 0 : i32
    %dma_start3A_79 = tpu.memref_slice %arg6[%dma_start3A_73, %dma_start3A_78] : memref<8x80xi32, #tpu.memory_space<vmem>> -> memref<1x80xi32, #tpu.memory_space<vmem>>
    %dma_start3A_80 = tpu.memref_squeeze %dma_start3A_79 : memref<1x80xi32, #tpu.memory_space<vmem>> -> memref<80xi32, #tpu.memory_space<vmem>>
    %dma_start3A_81 = tpu.memref_slice %arg3[%add3A_72] : memref<640000xi32, #tpu.memory_space<hbm>> -> memref<80xi32, #tpu.memory_space<hbm>>
    tpu.enqueue_dma source(%dma_start3A_81 : memref<80xi32, #tpu.memory_space<hbm>>) target(%dma_start3A_80 : memref<80xi32, #tpu.memory_space<vmem>>) target_semaphore(%arg19 : memref<!tpu.dma_semaphore, #tpu.memory_space<semaphore_mem>>)
    %add3A_82 = arith.constant 0 : i32
    %add3A_83 = arith.addi %mul3A_4, %add3A_82 : i32
    %dma_wait3A = arith.constant 0 : i32
    %dma_wait3A_84 = arith.constant 0 : i32
    %dma_wait3A_85 = tpu.memref_slice %arg5[%dma_wait3A, %dma_wait3A_84] : memref<8x80xi32, #tpu.memory_space<vmem>> -> memref<1x80xi32, #tpu.memory_space<vmem>>
    %dma_wait3A_86 = tpu.memref_squeeze %dma_wait3A_85 : memref<1x80xi32, #tpu.memory_space<vmem>> -> memref<80xi32, #tpu.memory_space<vmem>>
    %dma_wait3A_87 = tpu.memref_slice %arg3[%add3A_83] : memref<640000xi32, #tpu.memory_space<hbm>> -> memref<80xi32, #tpu.memory_space<hbm>>
    %dma_wait3A_88 = arith.constant 0 : i32
    %dma_wait3A_89 = tpu.memref_slice %arg5[%dma_wait3A, %dma_wait3A_88] : memref<8x80xi32, #tpu.memory_space<vmem>> -> memref<1x80xi32, #tpu.memory_space<vmem>>
    %dma_wait3A_90 = tpu.memref_squeeze %dma_wait3A_89 : memref<1x80xi32, #tpu.memory_space<vmem>> -> memref<80xi32, #tpu.memory_space<vmem>>
    %dma_wait3A_91 = tpu.memref_slice %arg3[%add3A_83] : memref<640000xi32, #tpu.memory_space<hbm>> -> memref<80xi32, #tpu.memory_space<hbm>>
    tpu.wait_dma2 semaphore(%arg9 : memref<!tpu.dma_semaphore, #tpu.memory_space<semaphore_mem>>) src(%dma_wait3A_91 : memref<80xi32, #tpu.memory_space<hbm>>) dst(%dma_wait3A_90 : memref<80xi32, #tpu.memory_space<vmem>>)
    %dma_start3A_92 = arith.constant 0 : i32
    %dma_start3A_93 = arith.constant 0 : i32
    %dma_start3A_94 = arith.constant 0 : i32
    %dma_start3A_95 = arith.constant 0 : i32
    %dma_start3A_96 = tpu.memref_slice %arg7[%dma_start3A_93, %dma_start3A_94, %dma_start3A_95] : memref<4x80x128xf32, #tpu.memory_space<vmem>> -> memref<1x80x128xf32, #tpu.memory_space<vmem>>
    %dma_start3A_97 = tpu.memref_squeeze %dma_start3A_96 : memref<1x80x128xf32, #tpu.memory_space<vmem>> -> memref<80x128xf32, #tpu.memory_space<vmem>>
    %dma_start3A_98 = arith.constant 0 : i32
    %dma_start3A_99 = tpu.memref_slice %arg5[%dma_start3A_92, %dma_start3A_98] : memref<8x80xi32, #tpu.memory_space<vmem>> -> memref<1x80xi32, #tpu.memory_space<vmem>>
    %dma_start3A_100 = tpu.memref_squeeze %dma_start3A_99 : memref<1x80xi32, #tpu.memory_space<vmem>> -> memref<80xi32, #tpu.memory_space<vmem>>
    %dma_start3A_101 = arith.constant 0 : i32
    %dma_start3A_102 = arith.constant 0 : i32
    %dma_start3A_103 = tpu.memref_slice %arg2[%dma_start3A_101, %dma_start3A_102] : memref<10000x128xf32, #tpu.memory_space<hbm>> -> memref<10000x128xf32, #tpu.memory_space<hbm>>
    tpu.enqueue_indirect_dma source(%dma_start3A_103 : memref<10000x128xf32, #tpu.memory_space<hbm>>) target(%dma_start3A_97 : memref<80x128xf32, #tpu.memory_space<vmem>>) offsets(%dma_start3A_100 : memref<80xi32, #tpu.memory_space<vmem>>) semaphore(%arg25 : memref<!tpu.dma_semaphore, #tpu.memory_space<semaphore_mem>>)
    %scan3A = arith.constant 0 : i32
    %scan3A_104 = arith.constant 0 : i32
    %scan3A_105 = arith.constant 125 : i32
    %scan3A_106 = arith.addi %scan3A_104, %scan3A_105 : i32
    %scan3A_107 = arith.constant 1 : i32
    scf.for %scan3A_168 = %scan3A_104 to %scan3A_106 step %scan3A_107  : i32 {
      %rem3A = arith.constant 8 : i32
      %rem3A_169 = arith.remsi %scan3A_168, %rem3A : i32
      %eq3A_170 = arith.constant 0 : i32
      %eq3A_171 = arith.cmpi eq, %rem3A_169, %eq3A_170 : i32
      %add3A_172 = arith.constant 4 : i32
      %add3A_173 = arith.addi %scan3A_168, %add3A_172 : i32
      %sub3A = arith.constant 1 : i32
      %sub3A_174 = arith.subi %add3A_173, %sub3A : i32
      %lt3A_175 = arith.constant 125 : i32
      %lt3A_176 = arith.cmpi slt, %sub3A_174, %lt3A_175 : i32
      %and3A = arith.andi %eq3A_171, %lt3A_176 : i1
      %convert_element_type3A_177 = arith.extui %and3A : i1 to i32
      %cond3A_178 = arith.constant 0 : i32
      %cond3A_179 = arith.cmpi ne, %convert_element_type3A_177, %cond3A_178 : i32
      scf.if %cond3A_179 {
        %add3A_384 = arith.constant 4 : i32
        %add3A_385 = arith.addi %scan3A_168, %add3A_384 : i32
        %sub3A_386 = arith.constant 1 : i32
        %sub3A_387 = arith.subi %add3A_385, %sub3A_386 : i32
        %mul3A_388 = arith.constant 80 : i32
        %mul3A_389 = arith.muli %sub3A_387, %mul3A_388 : i32
        %add3A_390 = arith.addi %mul3A_4, %mul3A_389 : i32
        %dma_start3A_391 = arith.constant 3 : i32
        %dma_start3A_392 = arith.constant 0 : i32
        %dma_start3A_393 = tpu.memref_slice %arg5[%dma_start3A_391, %dma_start3A_392] : memref<8x80xi32, #tpu.memory_space<vmem>> -> memref<1x80xi32, #tpu.memory_space<vmem>>
        %dma_start3A_394 = tpu.memref_squeeze %dma_start3A_393 : memref<1x80xi32, #tpu.memory_space<vmem>> -> memref<80xi32, #tpu.memory_space<vmem>>
        %dma_start3A_395 = tpu.memref_slice %arg3[%add3A_390] : memref<640000xi32, #tpu.memory_space<hbm>> -> memref<80xi32, #tpu.memory_space<hbm>>
        %dma_start3A_396 = arith.constant 0 : i32
        %dma_start3A_397 = tpu.memref_slice %arg5[%dma_start3A_391, %dma_start3A_396] : memref<8x80xi32, #tpu.memory_space<vmem>> -> memref<1x80xi32, #tpu.memory_space<vmem>>
        %dma_start3A_398 = tpu.memref_squeeze %dma_start3A_397 : memref<1x80xi32, #tpu.memory_space<vmem>> -> memref<80xi32, #tpu.memory_space<vmem>>
        %dma_start3A_399 = tpu.memref_slice %arg3[%add3A_390] : memref<640000xi32, #tpu.memory_space<hbm>> -> memref<80xi32, #tpu.memory_space<hbm>>
        tpu.enqueue_dma source(%dma_start3A_399 : memref<80xi32, #tpu.memory_space<hbm>>) target(%dma_start3A_398 : memref<80xi32, #tpu.memory_space<vmem>>) target_semaphore(%arg12 : memref<!tpu.dma_semaphore, #tpu.memory_space<semaphore_mem>>)
        %add3A_400 = arith.constant 320000 : i32
        %add3A_401 = arith.addi %add3A_400, %mul3A_4 : i32
        %mul3A_402 = arith.constant 80 : i32
        %mul3A_403 = arith.muli %sub3A_387, %mul3A_402 : i32
        %add3A_404 = arith.addi %add3A_401, %mul3A_403 : i32
        %dma_start3A_405 = arith.constant 3 : i32
        %dma_start3A_406 = arith.constant 0 : i32
        %dma_start3A_407 = tpu.memref_slice %arg6[%dma_start3A_405, %dma_start3A_406] : memref<8x80xi32, #tpu.memory_space<vmem>> -> memref<1x80xi32, #tpu.memory_space<vmem>>
        %dma_start3A_408 = tpu.memref_squeeze %dma_start3A_407 : memref<1x80xi32, #tpu.memory_space<vmem>> -> memref<80xi32, #tpu.memory_space<vmem>>
        %dma_start3A_409 = tpu.memref_slice %arg3[%add3A_404] : memref<640000xi32, #tpu.memory_space<hbm>> -> memref<80xi32, #tpu.memory_space<hbm>>
        %dma_start3A_410 = arith.constant 0 : i32
        %dma_start3A_411 = tpu.memref_slice %arg6[%dma_start3A_405, %dma_start3A_410] : memref<8x80xi32, #tpu.memory_space<vmem>> -> memref<1x80xi32, #tpu.memory_space<vmem>>
        %dma_start3A_412 = tpu.memref_squeeze %dma_start3A_411 : memref<1x80xi32, #tpu.memory_space<vmem>> -> memref<80xi32, #tpu.memory_space<vmem>>
        %dma_start3A_413 = tpu.memref_slice %arg3[%add3A_404] : memref<640000xi32, #tpu.memory_space<hbm>> -> memref<80xi32, #tpu.memory_space<hbm>>
        tpu.enqueue_dma source(%dma_start3A_413 : memref<80xi32, #tpu.memory_space<hbm>>) target(%dma_start3A_412 : memref<80xi32, #tpu.memory_space<vmem>>) target_semaphore(%arg20 : memref<!tpu.dma_semaphore, #tpu.memory_space<semaphore_mem>>)
      } else {
      }
      %eq3A_180 = arith.constant 0 : i32
      %eq3A_181 = arith.cmpi eq, %rem3A_169, %eq3A_180 : i32
      %add3A_182 = arith.constant 1 : i32
      %add3A_183 = arith.addi %scan3A_168, %add3A_182 : i32
      %lt3A_184 = arith.constant 125 : i32
      %lt3A_185 = arith.cmpi slt, %add3A_183, %lt3A_184 : i32
      %and3A_186 = arith.andi %eq3A_181, %lt3A_185 : i1
      %convert_element_type3A_187 = arith.extui %and3A_186 : i1 to i32
      %cond3A_188 = arith.constant 0 : i32
      %cond3A_189 = arith.cmpi ne, %convert_element_type3A_187, %cond3A_188 : i32
      scf.if %cond3A_189 {
        %add3A_384 = arith.constant 1 : i32
        %add3A_385 = arith.addi %scan3A_168, %add3A_384 : i32
        %ge3A = arith.constant 4 : i32
        %ge3A_386 = arith.cmpi sge, %add3A_385, %ge3A : i32
        %convert_element_type3A_387 = arith.extui %ge3A_386 : i1 to i32
        %cond3A_388 = arith.constant 0 : i32
        %cond3A_389 = arith.cmpi ne, %convert_element_type3A_387, %cond3A_388 : i32
        scf.if %cond3A_389 {
          %dma_wait3A_416 = arith.constant 1 : i32
          %dma_wait3A_417 = arith.constant 5 : i32
          %dma_wait3A_418 = arith.constant 0 : i32
          %dma_wait3A_419 = arith.constant 0 : i32
          %dma_wait3A_420 = tpu.memref_slice %arg7[%dma_wait3A_416, %dma_wait3A_418, %dma_wait3A_419] : memref<4x80x128xf32, #tpu.memory_space<vmem>> -> memref<1x80x128xf32, #tpu.memory_space<vmem>>
          %dma_wait3A_421 = tpu.memref_squeeze %dma_wait3A_420 : memref<1x80x128xf32, #tpu.memory_space<vmem>> -> memref<80x128xf32, #tpu.memory_space<vmem>>
          %dma_wait3A_422 = arith.constant 0 : i32
          %dma_wait3A_423 = tpu.memref_slice %arg6[%dma_wait3A_417, %dma_wait3A_422] : memref<8x80xi32, #tpu.memory_space<vmem>> -> memref<1x80xi32, #tpu.memory_space<vmem>>
          %dma_wait3A_424 = tpu.memref_squeeze %dma_wait3A_423 : memref<1x80xi32, #tpu.memory_space<vmem>> -> memref<80xi32, #tpu.memory_space<vmem>>
          %dma_wait3A_425 = arith.constant 0 : i32
          %dma_wait3A_426 = arith.constant 0 : i32
          %dma_wait3A_427 = tpu.memref_slice %arg8[%dma_wait3A_425, %dma_wait3A_426] : memref<10240x128xf32, #tpu.memory_space<vmem_shared>> -> memref<10240x128xf32, #tpu.memory_space<vmem_shared>>
          tpu.wait_indirect_dma semaphore(%arg30 : memref<!tpu.dma_semaphore, #tpu.memory_space<semaphore_mem>>) src(%dma_wait3A_421 : memref<80x128xf32, #tpu.memory_space<vmem>>) dst(%dma_wait3A_427 : memref<10240x128xf32, #tpu.memory_space<vmem_shared>>)
        } else {
        }
        %add3A_390 = arith.constant 1 : i32
        %add3A_391 = arith.addi %scan3A_168, %add3A_390 : i32
        %mul3A_392 = arith.constant 80 : i32
        %mul3A_393 = arith.muli %add3A_391, %mul3A_392 : i32
        %add3A_394 = arith.addi %mul3A_4, %mul3A_393 : i32
        %dma_wait3A_395 = arith.constant 1 : i32
        %dma_wait3A_396 = arith.constant 0 : i32
        %dma_wait3A_397 = tpu.memref_slice %arg5[%dma_wait3A_395, %dma_wait3A_396] : memref<8x80xi32, #tpu.memory_space<vmem>> -> memref<1x80xi32, #tpu.memory_space<vmem>>
        %dma_wait3A_398 = tpu.memref_squeeze %dma_wait3A_397 : memref<1x80xi32, #tpu.memory_space<vmem>> -> memref<80xi32, #tpu.memory_space<vmem>>
        %dma_wait3A_399 = tpu.memref_slice %arg3[%add3A_394] : memref<640000xi32, #tpu.memory_space<hbm>> -> memref<80xi32, #tpu.memory_space<hbm>>
        %dma_wait3A_400 = arith.constant 0 : i32
        %dma_wait3A_401 = tpu.memref_slice %arg5[%dma_wait3A_395, %dma_wait3A_400] : memref<8x80xi32, #tpu.memory_space<vmem>> -> memref<1x80xi32, #tpu.memory_space<vmem>>
        %dma_wait3A_402 = tpu.memref_squeeze %dma_wait3A_401 : memref<1x80xi32, #tpu.memory_space<vmem>> -> memref<80xi32, #tpu.memory_space<vmem>>
        %dma_wait3A_403 = tpu.memref_slice %arg3[%add3A_394] : memref<640000xi32, #tpu.memory_space<hbm>> -> memref<80xi32, #tpu.memory_space<hbm>>
        tpu.wait_dma2 semaphore(%arg10 : memref<!tpu.dma_semaphore, #tpu.memory_space<semaphore_mem>>) src(%dma_wait3A_403 : memref<80xi32, #tpu.memory_space<hbm>>) dst(%dma_wait3A_402 : memref<80xi32, #tpu.memory_space<vmem>>)
        %dma_start3A_404 = arith.constant 1 : i32
        %dma_start3A_405 = arith.constant 1 : i32
        %dma_start3A_406 = arith.constant 0 : i32
        %dma_start3A_407 = arith.constant 0 : i32
        %dma_start3A_408 = tpu.memref_slice %arg7[%dma_start3A_405, %dma_start3A_406, %dma_start3A_407] : memref<4x80x128xf32, #tpu.memory_space<vmem>> -> memref<1x80x128xf32, #tpu.memory_space<vmem>>
        %dma_start3A_409 = tpu.memref_squeeze %dma_start3A_408 : memref<1x80x128xf32, #tpu.memory_space<vmem>> -> memref<80x128xf32, #tpu.memory_space<vmem>>
        %dma_start3A_410 = arith.constant 0 : i32
        %dma_start3A_411 = tpu.memref_slice %arg5[%dma_start3A_404, %dma_start3A_410] : memref<8x80xi32, #tpu.memory_space<vmem>> -> memref<1x80xi32, #tpu.memory_space<vmem>>
        %dma_start3A_412 = tpu.memref_squeeze %dma_start3A_411 : memref<1x80xi32, #tpu.memory_space<vmem>> -> memref<80xi32, #tpu.memory_space<vmem>>
        %dma_start3A_413 = arith.constant 0 : i32
        %dma_start3A_414 = arith.constant 0 : i32
        %dma_start3A_415 = tpu.memref_slice %arg2[%dma_start3A_413, %dma_start3A_414] : memref<10000x128xf32, #tpu.memory_space<hbm>> -> memref<10000x128xf32, #tpu.memory_space<hbm>>
        tpu.enqueue_indirect_dma source(%dma_start3A_415 : memref<10000x128xf32, #tpu.memory_space<hbm>>) target(%dma_start3A_409 : memref<80x128xf32, #tpu.memory_space<vmem>>) offsets(%dma_start3A_412 : memref<80xi32, #tpu.memory_space<vmem>>) semaphore(%arg26 : memref<!tpu.dma_semaphore, #tpu.memory_space<semaphore_mem>>)
      } else {
      }
      %eq3A_190 = arith.constant 0 : i32
      %eq3A_191 = arith.cmpi eq, %rem3A_169, %eq3A_190 : i32
      %convert_element_type3A_192 = arith.extui %eq3A_191 : i1 to i32
      %cond3A_193 = arith.constant 0 : i32
      %cond3A_194 = arith.cmpi ne, %convert_element_type3A_192, %cond3A_193 : i32
      scf.if %cond3A_194 {
        %dma_wait3A_384 = arith.constant 0 : i32
        %dma_wait3A_385 = arith.constant 0 : i32
        %dma_wait3A_386 = arith.constant 0 : i32
        %dma_wait3A_387 = arith.constant 0 : i32
        %dma_wait3A_388 = tpu.memref_slice %arg7[%dma_wait3A_385, %dma_wait3A_386, %dma_wait3A_387] : memref<4x80x128xf32, #tpu.memory_space<vmem>> -> memref<1x80x128xf32, #tpu.memory_space<vmem>>
        %dma_wait3A_389 = tpu.memref_squeeze %dma_wait3A_388 : memref<1x80x128xf32, #tpu.memory_space<vmem>> -> memref<80x128xf32, #tpu.memory_space<vmem>>
        %dma_wait3A_390 = arith.constant 0 : i32
        %dma_wait3A_391 = tpu.memref_slice %arg5[%dma_wait3A_384, %dma_wait3A_390] : memref<8x80xi32, #tpu.memory_space<vmem>> -> memref<1x80xi32, #tpu.memory_space<vmem>>
        %dma_wait3A_392 = tpu.memref_squeeze %dma_wait3A_391 : memref<1x80xi32, #tpu.memory_space<vmem>> -> memref<80xi32, #tpu.memory_space<vmem>>
        %dma_wait3A_393 = arith.constant 0 : i32
        %dma_wait3A_394 = arith.constant 0 : i32
        %dma_wait3A_395 = tpu.memref_slice %arg2[%dma_wait3A_393, %dma_wait3A_394] : memref<10000x128xf32, #tpu.memory_space<hbm>> -> memref<10000x128xf32, #tpu.memory_space<hbm>>
        tpu.wait_indirect_dma semaphore(%arg25 : memref<!tpu.dma_semaphore, #tpu.memory_space<semaphore_mem>>) src(%dma_wait3A_395 : memref<10000x128xf32, #tpu.memory_space<hbm>>) dst(%dma_wait3A_389 : memref<80x128xf32, #tpu.memory_space<vmem>>)
        %add3A_396 = arith.constant 320000 : i32
        %add3A_397 = arith.addi %add3A_396, %mul3A_4 : i32
        %mul3A_398 = arith.constant 80 : i32
        %mul3A_399 = arith.muli %scan3A_168, %mul3A_398 : i32
        %add3A_400 = arith.addi %add3A_397, %mul3A_399 : i32
        %dma_wait3A_401 = arith.constant 0 : i32
        %dma_wait3A_402 = arith.constant 0 : i32
        %dma_wait3A_403 = tpu.memref_slice %arg6[%dma_wait3A_401, %dma_wait3A_402] : memref<8x80xi32, #tpu.memory_space<vmem>> -> memref<1x80xi32, #tpu.memory_space<vmem>>
        %dma_wait3A_404 = tpu.memref_squeeze %dma_wait3A_403 : memref<1x80xi32, #tpu.memory_space<vmem>> -> memref<80xi32, #tpu.memory_space<vmem>>
        %dma_wait3A_405 = tpu.memref_slice %arg3[%add3A_400] : memref<640000xi32, #tpu.memory_space<hbm>> -> memref<80xi32, #tpu.memory_space<hbm>>
        %dma_wait3A_406 = arith.constant 0 : i32
        %dma_wait3A_407 = tpu.memref_slice %arg6[%dma_wait3A_401, %dma_wait3A_406] : memref<8x80xi32, #tpu.memory_space<vmem>> -> memref<1x80xi32, #tpu.memory_space<vmem>>
        %dma_wait3A_408 = tpu.memref_squeeze %dma_wait3A_407 : memref<1x80xi32, #tpu.memory_space<vmem>> -> memref<80xi32, #tpu.memory_space<vmem>>
        %dma_wait3A_409 = tpu.memref_slice %arg3[%add3A_400] : memref<640000xi32, #tpu.memory_space<hbm>> -> memref<80xi32, #tpu.memory_space<hbm>>
        tpu.wait_dma2 semaphore(%arg17 : memref<!tpu.dma_semaphore, #tpu.memory_space<semaphore_mem>>) src(%dma_wait3A_409 : memref<80xi32, #tpu.memory_space<hbm>>) dst(%dma_wait3A_408 : memref<80xi32, #tpu.memory_space<vmem>>)
        %dma_start3A_410 = arith.constant 0 : i32
        %dma_start3A_411 = arith.constant 0 : i32
        %dma_start3A_412 = arith.constant 0 : i32
        %dma_start3A_413 = arith.constant 0 : i32
        %dma_start3A_414 = tpu.memref_slice %arg7[%dma_start3A_410, %dma_start3A_412, %dma_start3A_413] : memref<4x80x128xf32, #tpu.memory_space<vmem>> -> memref<1x80x128xf32, #tpu.memory_space<vmem>>
        %dma_start3A_415 = tpu.memref_squeeze %dma_start3A_414 : memref<1x80x128xf32, #tpu.memory_space<vmem>> -> memref<80x128xf32, #tpu.memory_space<vmem>>
        %dma_start3A_416 = arith.constant 0 : i32
        %dma_start3A_417 = tpu.memref_slice %arg6[%dma_start3A_411, %dma_start3A_416] : memref<8x80xi32, #tpu.memory_space<vmem>> -> memref<1x80xi32, #tpu.memory_space<vmem>>
        %dma_start3A_418 = tpu.memref_squeeze %dma_start3A_417 : memref<1x80xi32, #tpu.memory_space<vmem>> -> memref<80xi32, #tpu.memory_space<vmem>>
        %dma_start3A_419 = arith.constant 0 : i32
        %dma_start3A_420 = arith.constant 0 : i32
        %dma_start3A_421 = tpu.memref_slice %arg8[%dma_start3A_419, %dma_start3A_420] : memref<10240x128xf32, #tpu.memory_space<vmem_shared>> -> memref<10240x128xf32, #tpu.memory_space<vmem_shared>>
        tpu.enqueue_indirect_dma source(%dma_start3A_415 : memref<80x128xf32, #tpu.memory_space<vmem>>) target(%dma_start3A_421 : memref<10240x128xf32, #tpu.memory_space<vmem_shared>>) offsets(%dma_start3A_418 : memref<80xi32, #tpu.memory_space<vmem>>) semaphore(%arg29 : memref<!tpu.dma_semaphore, #tpu.memory_space<semaphore_mem>>) {add = true}
      } else {
      }
      %eq3A_195 = arith.constant 1 : i32
      %eq3A_196 = arith.cmpi eq, %rem3A_169, %eq3A_195 : i32
      %add3A_197 = arith.constant 4 : i32
      %add3A_198 = arith.addi %scan3A_168, %add3A_197 : i32
      %sub3A_199 = arith.constant 1 : i32
      %sub3A_200 = arith.subi %add3A_198, %sub3A_199 : i32
      %lt3A_201 = arith.constant 125 : i32
      %lt3A_202 = arith.cmpi slt, %sub3A_200, %lt3A_201 : i32
      %and3A_203 = arith.andi %eq3A_196, %lt3A_202 : i1
      %convert_element_type3A_204 = arith.extui %and3A_203 : i1 to i32
      %cond3A_205 = arith.constant 0 : i32
      %cond3A_206 = arith.cmpi ne, %convert_element_type3A_204, %cond3A_205 : i32
      scf.if %cond3A_206 {
        %add3A_384 = arith.constant 4 : i32
        %add3A_385 = arith.addi %scan3A_168, %add3A_384 : i32
        %sub3A_386 = arith.constant 1 : i32
        %sub3A_387 = arith.subi %add3A_385, %sub3A_386 : i32
        %mul3A_388 = arith.constant 80 : i32
        %mul3A_389 = arith.muli %sub3A_387, %mul3A_388 : i32
        %add3A_390 = arith.addi %mul3A_4, %mul3A_389 : i32
        %dma_start3A_391 = arith.constant 4 : i32
        %dma_start3A_392 = arith.constant 0 : i32
        %dma_start3A_393 = tpu.memref_slice %arg5[%dma_start3A_391, %dma_start3A_392] : memref<8x80xi32, #tpu.memory_space<vmem>> -> memref<1x80xi32, #tpu.memory_space<vmem>>
        %dma_start3A_394 = tpu.memref_squeeze %dma_start3A_393 : memref<1x80xi32, #tpu.memory_space<vmem>> -> memref<80xi32, #tpu.memory_space<vmem>>
        %dma_start3A_395 = tpu.memref_slice %arg3[%add3A_390] : memref<640000xi32, #tpu.memory_space<hbm>> -> memref<80xi32, #tpu.memory_space<hbm>>
        %dma_start3A_396 = arith.constant 0 : i32
        %dma_start3A_397 = tpu.memref_slice %arg5[%dma_start3A_391, %dma_start3A_396] : memref<8x80xi32, #tpu.memory_space<vmem>> -> memref<1x80xi32, #tpu.memory_space<vmem>>
        %dma_start3A_398 = tpu.memref_squeeze %dma_start3A_397 : memref<1x80xi32, #tpu.memory_space<vmem>> -> memref<80xi32, #tpu.memory_space<vmem>>
        %dma_start3A_399 = tpu.memref_slice %arg3[%add3A_390] : memref<640000xi32, #tpu.memory_space<hbm>> -> memref<80xi32, #tpu.memory_space<hbm>>
        tpu.enqueue_dma source(%dma_start3A_399 : memref<80xi32, #tpu.memory_space<hbm>>) target(%dma_start3A_398 : memref<80xi32, #tpu.memory_space<vmem>>) target_semaphore(%arg13 : memref<!tpu.dma_semaphore, #tpu.memory_space<semaphore_mem>>)
        %add3A_400 = arith.constant 320000 : i32
        %add3A_401 = arith.addi %add3A_400, %mul3A_4 : i32
        %mul3A_402 = arith.constant 80 : i32
        %mul3A_403 = arith.muli %sub3A_387, %mul3A_402 : i32
        %add3A_404 = arith.addi %add3A_401, %mul3A_403 : i32
        %dma_start3A_405 = arith.constant 4 : i32
        %dma_start3A_406 = arith.constant 0 : i32
        %dma_start3A_407 = tpu.memref_slice %arg6[%dma_start3A_405, %dma_start3A_406] : memref<8x80xi32, #tpu.memory_space<vmem>> -> memref<1x80xi32, #tpu.memory_space<vmem>>
        %dma_start3A_408 = tpu.memref_squeeze %dma_start3A_407 : memref<1x80xi32, #tpu.memory_space<vmem>> -> memref<80xi32, #tpu.memory_space<vmem>>
        %dma_start3A_409 = tpu.memref_slice %arg3[%add3A_404] : memref<640000xi32, #tpu.memory_space<hbm>> -> memref<80xi32, #tpu.memory_space<hbm>>
        %dma_start3A_410 = arith.constant 0 : i32
        %dma_start3A_411 = tpu.memref_slice %arg6[%dma_start3A_405, %dma_start3A_410] : memref<8x80xi32, #tpu.memory_space<vmem>> -> memref<1x80xi32, #tpu.memory_space<vmem>>
        %dma_start3A_412 = tpu.memref_squeeze %dma_start3A_411 : memref<1x80xi32, #tpu.memory_space<vmem>> -> memref<80xi32, #tpu.memory_space<vmem>>
        %dma_start3A_413 = tpu.memref_slice %arg3[%add3A_404] : memref<640000xi32, #tpu.memory_space<hbm>> -> memref<80xi32, #tpu.memory_space<hbm>>
        tpu.enqueue_dma source(%dma_start3A_413 : memref<80xi32, #tpu.memory_space<hbm>>) target(%dma_start3A_412 : memref<80xi32, #tpu.memory_space<vmem>>) target_semaphore(%arg21 : memref<!tpu.dma_semaphore, #tpu.memory_space<semaphore_mem>>)
      } else {
      }
      %eq3A_207 = arith.constant 1 : i32
      %eq3A_208 = arith.cmpi eq, %rem3A_169, %eq3A_207 : i32
      %add3A_209 = arith.constant 1 : i32
      %add3A_210 = arith.addi %scan3A_168, %add3A_209 : i32
      %lt3A_211 = arith.constant 125 : i32
      %lt3A_212 = arith.cmpi slt, %add3A_210, %lt3A_211 : i32
      %and3A_213 = arith.andi %eq3A_208, %lt3A_212 : i1
      %convert_element_type3A_214 = arith.extui %and3A_213 : i1 to i32
      %cond3A_215 = arith.constant 0 : i32
      %cond3A_216 = arith.cmpi ne, %convert_element_type3A_214, %cond3A_215 : i32
      scf.if %cond3A_216 {
        %add3A_384 = arith.constant 1 : i32
        %add3A_385 = arith.addi %scan3A_168, %add3A_384 : i32
        %ge3A = arith.constant 4 : i32
        %ge3A_386 = arith.cmpi sge, %add3A_385, %ge3A : i32
        %convert_element_type3A_387 = arith.extui %ge3A_386 : i1 to i32
        %cond3A_388 = arith.constant 0 : i32
        %cond3A_389 = arith.cmpi ne, %convert_element_type3A_387, %cond3A_388 : i32
        scf.if %cond3A_389 {
          %dma_wait3A_416 = arith.constant 2 : i32
          %dma_wait3A_417 = arith.constant 6 : i32
          %dma_wait3A_418 = arith.constant 0 : i32
          %dma_wait3A_419 = arith.constant 0 : i32
          %dma_wait3A_420 = tpu.memref_slice %arg7[%dma_wait3A_416, %dma_wait3A_418, %dma_wait3A_419] : memref<4x80x128xf32, #tpu.memory_space<vmem>> -> memref<1x80x128xf32, #tpu.memory_space<vmem>>
          %dma_wait3A_421 = tpu.memref_squeeze %dma_wait3A_420 : memref<1x80x128xf32, #tpu.memory_space<vmem>> -> memref<80x128xf32, #tpu.memory_space<vmem>>
          %dma_wait3A_422 = arith.constant 0 : i32
          %dma_wait3A_423 = tpu.memref_slice %arg6[%dma_wait3A_417, %dma_wait3A_422] : memref<8x80xi32, #tpu.memory_space<vmem>> -> memref<1x80xi32, #tpu.memory_space<vmem>>
          %dma_wait3A_424 = tpu.memref_squeeze %dma_wait3A_423 : memref<1x80xi32, #tpu.memory_space<vmem>> -> memref<80xi32, #tpu.memory_space<vmem>>
          %dma_wait3A_425 = arith.constant 0 : i32
          %dma_wait3A_426 = arith.constant 0 : i32
          %dma_wait3A_427 = tpu.memref_slice %arg8[%dma_wait3A_425, %dma_wait3A_426] : memref<10240x128xf32, #tpu.memory_space<vmem_shared>> -> memref<10240x128xf32, #tpu.memory_space<vmem_shared>>
          tpu.wait_indirect_dma semaphore(%arg31 : memref<!tpu.dma_semaphore, #tpu.memory_space<semaphore_mem>>) src(%dma_wait3A_421 : memref<80x128xf32, #tpu.memory_space<vmem>>) dst(%dma_wait3A_427 : memref<10240x128xf32, #tpu.memory_space<vmem_shared>>)
        } else {
        }
        %add3A_390 = arith.constant 1 : i32
        %add3A_391 = arith.addi %scan3A_168, %add3A_390 : i32
        %mul3A_392 = arith.constant 80 : i32
        %mul3A_393 = arith.muli %add3A_391, %mul3A_392 : i32
        %add3A_394 = arith.addi %mul3A_4, %mul3A_393 : i32
        %dma_wait3A_395 = arith.constant 2 : i32
        %dma_wait3A_396 = arith.constant 0 : i32
        %dma_wait3A_397 = tpu.memref_slice %arg5[%dma_wait3A_395, %dma_wait3A_396] : memref<8x80xi32, #tpu.memory_space<vmem>> -> memref<1x80xi32, #tpu.memory_space<vmem>>
        %dma_wait3A_398 = tpu.memref_squeeze %dma_wait3A_397 : memref<1x80xi32, #tpu.memory_space<vmem>> -> memref<80xi32, #tpu.memory_space<vmem>>
        %dma_wait3A_399 = tpu.memref_slice %arg3[%add3A_394] : memref<640000xi32, #tpu.memory_space<hbm>> -> memref<80xi32, #tpu.memory_space<hbm>>
        %dma_wait3A_400 = arith.constant 0 : i32
        %dma_wait3A_401 = tpu.memref_slice %arg5[%dma_wait3A_395, %dma_wait3A_400] : memref<8x80xi32, #tpu.memory_space<vmem>> -> memref<1x80xi32, #tpu.memory_space<vmem>>
        %dma_wait3A_402 = tpu.memref_squeeze %dma_wait3A_401 : memref<1x80xi32, #tpu.memory_space<vmem>> -> memref<80xi32, #tpu.memory_space<vmem>>
        %dma_wait3A_403 = tpu.memref_slice %arg3[%add3A_394] : memref<640000xi32, #tpu.memory_space<hbm>> -> memref<80xi32, #tpu.memory_space<hbm>>
        tpu.wait_dma2 semaphore(%arg11 : memref<!tpu.dma_semaphore, #tpu.memory_space<semaphore_mem>>) src(%dma_wait3A_403 : memref<80xi32, #tpu.memory_space<hbm>>) dst(%dma_wait3A_402 : memref<80xi32, #tpu.memory_space<vmem>>)
        %dma_start3A_404 = arith.constant 2 : i32
        %dma_start3A_405 = arith.constant 2 : i32
        %dma_start3A_406 = arith.constant 0 : i32
        %dma_start3A_407 = arith.constant 0 : i32
        %dma_start3A_408 = tpu.memref_slice %arg7[%dma_start3A_405, %dma_start3A_406, %dma_start3A_407] : memref<4x80x128xf32, #tpu.memory_space<vmem>> -> memref<1x80x128xf32, #tpu.memory_space<vmem>>
        %dma_start3A_409 = tpu.memref_squeeze %dma_start3A_408 : memref<1x80x128xf32, #tpu.memory_space<vmem>> -> memref<80x128xf32, #tpu.memory_space<vmem>>
        %dma_start3A_410 = arith.constant 0 : i32
        %dma_start3A_411 = tpu.memref_slice %arg5[%dma_start3A_404, %dma_start3A_410] : memref<8x80xi32, #tpu.memory_space<vmem>> -> memref<1x80xi32, #tpu.memory_space<vmem>>
        %dma_start3A_412 = tpu.memref_squeeze %dma_start3A_411 : memref<1x80xi32, #tpu.memory_space<vmem>> -> memref<80xi32, #tpu.memory_space<vmem>>
        %dma_start3A_413 = arith.constant 0 : i32
        %dma_start3A_414 = arith.constant 0 : i32
        %dma_start3A_415 = tpu.memref_slice %arg2[%dma_start3A_413, %dma_start3A_414] : memref<10000x128xf32, #tpu.memory_space<hbm>> -> memref<10000x128xf32, #tpu.memory_space<hbm>>
        tpu.enqueue_indirect_dma source(%dma_start3A_415 : memref<10000x128xf32, #tpu.memory_space<hbm>>) target(%dma_start3A_409 : memref<80x128xf32, #tpu.memory_space<vmem>>) offsets(%dma_start3A_412 : memref<80xi32, #tpu.memory_space<vmem>>) semaphore(%arg27 : memref<!tpu.dma_semaphore, #tpu.memory_space<semaphore_mem>>)
      } else {
      }
      %eq3A_217 = arith.constant 1 : i32
      %eq3A_218 = arith.cmpi eq, %rem3A_169, %eq3A_217 : i32
      %convert_element_type3A_219 = arith.extui %eq3A_218 : i1 to i32
      %cond3A_220 = arith.constant 0 : i32
      %cond3A_221 = arith.cmpi ne, %convert_element_type3A_219, %cond3A_220 : i32
      scf.if %cond3A_221 {
        %dma_wait3A_384 = arith.constant 1 : i32
        %dma_wait3A_385 = arith.constant 1 : i32
        %dma_wait3A_386 = arith.constant 0 : i32
        %dma_wait3A_387 = arith.constant 0 : i32
        %dma_wait3A_388 = tpu.memref_slice %arg7[%dma_wait3A_385, %dma_wait3A_386, %dma_wait3A_387] : memref<4x80x128xf32, #tpu.memory_space<vmem>> -> memref<1x80x128xf32, #tpu.memory_space<vmem>>
        %dma_wait3A_389 = tpu.memref_squeeze %dma_wait3A_388 : memref<1x80x128xf32, #tpu.memory_space<vmem>> -> memref<80x128xf32, #tpu.memory_space<vmem>>
        %dma_wait3A_390 = arith.constant 0 : i32
        %dma_wait3A_391 = tpu.memref_slice %arg5[%dma_wait3A_384, %dma_wait3A_390] : memref<8x80xi32, #tpu.memory_space<vmem>> -> memref<1x80xi32, #tpu.memory_space<vmem>>
        %dma_wait3A_392 = tpu.memref_squeeze %dma_wait3A_391 : memref<1x80xi32, #tpu.memory_space<vmem>> -> memref<80xi32, #tpu.memory_space<vmem>>
        %dma_wait3A_393 = arith.constant 0 : i32
        %dma_wait3A_394 = arith.constant 0 : i32
        %dma_wait3A_395 = tpu.memref_slice %arg2[%dma_wait3A_393, %dma_wait3A_394] : memref<10000x128xf32, #tpu.memory_space<hbm>> -> memref<10000x128xf32, #tpu.memory_space<hbm>>
        tpu.wait_indirect_dma semaphore(%arg26 : memref<!tpu.dma_semaphore, #tpu.memory_space<semaphore_mem>>) src(%dma_wait3A_395 : memref<10000x128xf32, #tpu.memory_space<hbm>>) dst(%dma_wait3A_389 : memref<80x128xf32, #tpu.memory_space<vmem>>)
        %add3A_396 = arith.constant 320000 : i32
        %add3A_397 = arith.addi %add3A_396, %mul3A_4 : i32
        %mul3A_398 = arith.constant 80 : i32
        %mul3A_399 = arith.muli %scan3A_168, %mul3A_398 : i32
        %add3A_400 = arith.addi %add3A_397, %mul3A_399 : i32
        %dma_wait3A_401 = arith.constant 1 : i32
        %dma_wait3A_402 = arith.constant 0 : i32
        %dma_wait3A_403 = tpu.memref_slice %arg6[%dma_wait3A_401, %dma_wait3A_402] : memref<8x80xi32, #tpu.memory_space<vmem>> -> memref<1x80xi32, #tpu.memory_space<vmem>>
        %dma_wait3A_404 = tpu.memref_squeeze %dma_wait3A_403 : memref<1x80xi32, #tpu.memory_space<vmem>> -> memref<80xi32, #tpu.memory_space<vmem>>
        %dma_wait3A_405 = tpu.memref_slice %arg3[%add3A_400] : memref<640000xi32, #tpu.memory_space<hbm>> -> memref<80xi32, #tpu.memory_space<hbm>>
        %dma_wait3A_406 = arith.constant 0 : i32
        %dma_wait3A_407 = tpu.memref_slice %arg6[%dma_wait3A_401, %dma_wait3A_406] : memref<8x80xi32, #tpu.memory_space<vmem>> -> memref<1x80xi32, #tpu.memory_space<vmem>>
        %dma_wait3A_408 = tpu.memref_squeeze %dma_wait3A_407 : memref<1x80xi32, #tpu.memory_space<vmem>> -> memref<80xi32, #tpu.memory_space<vmem>>
        %dma_wait3A_409 = tpu.memref_slice %arg3[%add3A_400] : memref<640000xi32, #tpu.memory_space<hbm>> -> memref<80xi32, #tpu.memory_space<hbm>>
        tpu.wait_dma2 semaphore(%arg18 : memref<!tpu.dma_semaphore, #tpu.memory_space<semaphore_mem>>) src(%dma_wait3A_409 : memref<80xi32, #tpu.memory_space<hbm>>) dst(%dma_wait3A_408 : memref<80xi32, #tpu.memory_space<vmem>>)
        %dma_start3A_410 = arith.constant 1 : i32
        %dma_start3A_411 = arith.constant 1 : i32
        %dma_start3A_412 = arith.constant 0 : i32
        %dma_start3A_413 = arith.constant 0 : i32
        %dma_start3A_414 = tpu.memref_slice %arg7[%dma_start3A_410, %dma_start3A_412, %dma_start3A_413] : memref<4x80x128xf32, #tpu.memory_space<vmem>> -> memref<1x80x128xf32, #tpu.memory_space<vmem>>
        %dma_start3A_415 = tpu.memref_squeeze %dma_start3A_414 : memref<1x80x128xf32, #tpu.memory_space<vmem>> -> memref<80x128xf32, #tpu.memory_space<vmem>>
        %dma_start3A_416 = arith.constant 0 : i32
        %dma_start3A_417 = tpu.memref_slice %arg6[%dma_start3A_411, %dma_start3A_416] : memref<8x80xi32, #tpu.memory_space<vmem>> -> memref<1x80xi32, #tpu.memory_space<vmem>>
        %dma_start3A_418 = tpu.memref_squeeze %dma_start3A_417 : memref<1x80xi32, #tpu.memory_space<vmem>> -> memref<80xi32, #tpu.memory_space<vmem>>
        %dma_start3A_419 = arith.constant 0 : i32
        %dma_start3A_420 = arith.constant 0 : i32
        %dma_start3A_421 = tpu.memref_slice %arg8[%dma_start3A_419, %dma_start3A_420] : memref<10240x128xf32, #tpu.memory_space<vmem_shared>> -> memref<10240x128xf32, #tpu.memory_space<vmem_shared>>
        tpu.enqueue_indirect_dma source(%dma_start3A_415 : memref<80x128xf32, #tpu.memory_space<vmem>>) target(%dma_start3A_421 : memref<10240x128xf32, #tpu.memory_space<vmem_shared>>) offsets(%dma_start3A_418 : memref<80xi32, #tpu.memory_space<vmem>>) semaphore(%arg30 : memref<!tpu.dma_semaphore, #tpu.memory_space<semaphore_mem>>) {add = true}
      } else {
      }
      %eq3A_222 = arith.constant 2 : i32
      %eq3A_223 = arith.cmpi eq, %rem3A_169, %eq3A_222 : i32
      %add3A_224 = arith.constant 4 : i32
      %add3A_225 = arith.addi %scan3A_168, %add3A_224 : i32
      %sub3A_226 = arith.constant 1 : i32
      %sub3A_227 = arith.subi %add3A_225, %sub3A_226 : i32
      %lt3A_228 = arith.constant 125 : i32
      %lt3A_229 = arith.cmpi slt, %sub3A_227, %lt3A_228 : i32
      %and3A_230 = arith.andi %eq3A_223, %lt3A_229 : i1
      %convert_element_type3A_231 = arith.extui %and3A_230 : i1 to i32
      %cond3A_232 = arith.constant 0 : i32
      %cond3A_233 = arith.cmpi ne, %convert_element_type3A_231, %cond3A_232 : i32
      scf.if %cond3A_233 {
        %add3A_384 = arith.constant 4 : i32
        %add3A_385 = arith.addi %scan3A_168, %add3A_384 : i32
        %sub3A_386 = arith.constant 1 : i32
        %sub3A_387 = arith.subi %add3A_385, %sub3A_386 : i32
        %mul3A_388 = arith.constant 80 : i32
        %mul3A_389 = arith.muli %sub3A_387, %mul3A_388 : i32
        %add3A_390 = arith.addi %mul3A_4, %mul3A_389 : i32
        %dma_start3A_391 = arith.constant 5 : i32
        %dma_start3A_392 = arith.constant 0 : i32
        %dma_start3A_393 = tpu.memref_slice %arg5[%dma_start3A_391, %dma_start3A_392] : memref<8x80xi32, #tpu.memory_space<vmem>> -> memref<1x80xi32, #tpu.memory_space<vmem>>
        %dma_start3A_394 = tpu.memref_squeeze %dma_start3A_393 : memref<1x80xi32, #tpu.memory_space<vmem>> -> memref<80xi32, #tpu.memory_space<vmem>>
        %dma_start3A_395 = tpu.memref_slice %arg3[%add3A_390] : memref<640000xi32, #tpu.memory_space<hbm>> -> memref<80xi32, #tpu.memory_space<hbm>>
        %dma_start3A_396 = arith.constant 0 : i32
        %dma_start3A_397 = tpu.memref_slice %arg5[%dma_start3A_391, %dma_start3A_396] : memref<8x80xi32, #tpu.memory_space<vmem>> -> memref<1x80xi32, #tpu.memory_space<vmem>>
        %dma_start3A_398 = tpu.memref_squeeze %dma_start3A_397 : memref<1x80xi32, #tpu.memory_space<vmem>> -> memref<80xi32, #tpu.memory_space<vmem>>
        %dma_start3A_399 = tpu.memref_slice %arg3[%add3A_390] : memref<640000xi32, #tpu.memory_space<hbm>> -> memref<80xi32, #tpu.memory_space<hbm>>
        tpu.enqueue_dma source(%dma_start3A_399 : memref<80xi32, #tpu.memory_space<hbm>>) target(%dma_start3A_398 : memref<80xi32, #tpu.memory_space<vmem>>) target_semaphore(%arg14 : memref<!tpu.dma_semaphore, #tpu.memory_space<semaphore_mem>>)
        %add3A_400 = arith.constant 320000 : i32
        %add3A_401 = arith.addi %add3A_400, %mul3A_4 : i32
        %mul3A_402 = arith.constant 80 : i32
        %mul3A_403 = arith.muli %sub3A_387, %mul3A_402 : i32
        %add3A_404 = arith.addi %add3A_401, %mul3A_403 : i32
        %dma_start3A_405 = arith.constant 5 : i32
        %dma_start3A_406 = arith.constant 0 : i32
        %dma_start3A_407 = tpu.memref_slice %arg6[%dma_start3A_405, %dma_start3A_406] : memref<8x80xi32, #tpu.memory_space<vmem>> -> memref<1x80xi32, #tpu.memory_space<vmem>>
        %dma_start3A_408 = tpu.memref_squeeze %dma_start3A_407 : memref<1x80xi32, #tpu.memory_space<vmem>> -> memref<80xi32, #tpu.memory_space<vmem>>
        %dma_start3A_409 = tpu.memref_slice %arg3[%add3A_404] : memref<640000xi32, #tpu.memory_space<hbm>> -> memref<80xi32, #tpu.memory_space<hbm>>
        %dma_start3A_410 = arith.constant 0 : i32
        %dma_start3A_411 = tpu.memref_slice %arg6[%dma_start3A_405, %dma_start3A_410] : memref<8x80xi32, #tpu.memory_space<vmem>> -> memref<1x80xi32, #tpu.memory_space<vmem>>
        %dma_start3A_412 = tpu.memref_squeeze %dma_start3A_411 : memref<1x80xi32, #tpu.memory_space<vmem>> -> memref<80xi32, #tpu.memory_space<vmem>>
        %dma_start3A_413 = tpu.memref_slice %arg3[%add3A_404] : memref<640000xi32, #tpu.memory_space<hbm>> -> memref<80xi32, #tpu.memory_space<hbm>>
        tpu.enqueue_dma source(%dma_start3A_413 : memref<80xi32, #tpu.memory_space<hbm>>) target(%dma_start3A_412 : memref<80xi32, #tpu.memory_space<vmem>>) target_semaphore(%arg22 : memref<!tpu.dma_semaphore, #tpu.memory_space<semaphore_mem>>)
      } else {
      }
      %eq3A_234 = arith.constant 2 : i32
      %eq3A_235 = arith.cmpi eq, %rem3A_169, %eq3A_234 : i32
      %add3A_236 = arith.constant 1 : i32
      %add3A_237 = arith.addi %scan3A_168, %add3A_236 : i32
      %lt3A_238 = arith.constant 125 : i32
      %lt3A_239 = arith.cmpi slt, %add3A_237, %lt3A_238 : i32
      %and3A_240 = arith.andi %eq3A_235, %lt3A_239 : i1
      %convert_element_type3A_241 = arith.extui %and3A_240 : i1 to i32
      %cond3A_242 = arith.constant 0 : i32
      %cond3A_243 = arith.cmpi ne, %convert_element_type3A_241, %cond3A_242 : i32
      scf.if %cond3A_243 {
        %add3A_384 = arith.constant 1 : i32
        %add3A_385 = arith.addi %scan3A_168, %add3A_384 : i32
        %ge3A = arith.constant 4 : i32
        %ge3A_386 = arith.cmpi sge, %add3A_385, %ge3A : i32
        %convert_element_type3A_387 = arith.extui %ge3A_386 : i1 to i32
        %cond3A_388 = arith.constant 0 : i32
        %cond3A_389 = arith.cmpi ne, %convert_element_type3A_387, %cond3A_388 : i32
        scf.if %cond3A_389 {
          %dma_wait3A_416 = arith.constant 3 : i32
          %dma_wait3A_417 = arith.constant 7 : i32
          %dma_wait3A_418 = arith.constant 0 : i32
          %dma_wait3A_419 = arith.constant 0 : i32
          %dma_wait3A_420 = tpu.memref_slice %arg7[%dma_wait3A_416, %dma_wait3A_418, %dma_wait3A_419] : memref<4x80x128xf32, #tpu.memory_space<vmem>> -> memref<1x80x128xf32, #tpu.memory_space<vmem>>
          %dma_wait3A_421 = tpu.memref_squeeze %dma_wait3A_420 : memref<1x80x128xf32, #tpu.memory_space<vmem>> -> memref<80x128xf32, #tpu.memory_space<vmem>>
          %dma_wait3A_422 = arith.constant 0 : i32
          %dma_wait3A_423 = tpu.memref_slice %arg6[%dma_wait3A_417, %dma_wait3A_422] : memref<8x80xi32, #tpu.memory_space<vmem>> -> memref<1x80xi32, #tpu.memory_space<vmem>>
          %dma_wait3A_424 = tpu.memref_squeeze %dma_wait3A_423 : memref<1x80xi32, #tpu.memory_space<vmem>> -> memref<80xi32, #tpu.memory_space<vmem>>
          %dma_wait3A_425 = arith.constant 0 : i32
          %dma_wait3A_426 = arith.constant 0 : i32
          %dma_wait3A_427 = tpu.memref_slice %arg8[%dma_wait3A_425, %dma_wait3A_426] : memref<10240x128xf32, #tpu.memory_space<vmem_shared>> -> memref<10240x128xf32, #tpu.memory_space<vmem_shared>>
          tpu.wait_indirect_dma semaphore(%arg32 : memref<!tpu.dma_semaphore, #tpu.memory_space<semaphore_mem>>) src(%dma_wait3A_421 : memref<80x128xf32, #tpu.memory_space<vmem>>) dst(%dma_wait3A_427 : memref<10240x128xf32, #tpu.memory_space<vmem_shared>>)
        } else {
        }
        %add3A_390 = arith.constant 1 : i32
        %add3A_391 = arith.addi %scan3A_168, %add3A_390 : i32
        %mul3A_392 = arith.constant 80 : i32
        %mul3A_393 = arith.muli %add3A_391, %mul3A_392 : i32
        %add3A_394 = arith.addi %mul3A_4, %mul3A_393 : i32
        %dma_wait3A_395 = arith.constant 3 : i32
        %dma_wait3A_396 = arith.constant 0 : i32
        %dma_wait3A_397 = tpu.memref_slice %arg5[%dma_wait3A_395, %dma_wait3A_396] : memref<8x80xi32, #tpu.memory_space<vmem>> -> memref<1x80xi32, #tpu.memory_space<vmem>>
        %dma_wait3A_398 = tpu.memref_squeeze %dma_wait3A_397 : memref<1x80xi32, #tpu.memory_space<vmem>> -> memref<80xi32, #tpu.memory_space<vmem>>
        %dma_wait3A_399 = tpu.memref_slice %arg3[%add3A_394] : memref<640000xi32, #tpu.memory_space<hbm>> -> memref<80xi32, #tpu.memory_space<hbm>>
        %dma_wait3A_400 = arith.constant 0 : i32
        %dma_wait3A_401 = tpu.memref_slice %arg5[%dma_wait3A_395, %dma_wait3A_400] : memref<8x80xi32, #tpu.memory_space<vmem>> -> memref<1x80xi32, #tpu.memory_space<vmem>>
        %dma_wait3A_402 = tpu.memref_squeeze %dma_wait3A_401 : memref<1x80xi32, #tpu.memory_space<vmem>> -> memref<80xi32, #tpu.memory_space<vmem>>
        %dma_wait3A_403 = tpu.memref_slice %arg3[%add3A_394] : memref<640000xi32, #tpu.memory_space<hbm>> -> memref<80xi32, #tpu.memory_space<hbm>>
        tpu.wait_dma2 semaphore(%arg12 : memref<!tpu.dma_semaphore, #tpu.memory_space<semaphore_mem>>) src(%dma_wait3A_403 : memref<80xi32, #tpu.memory_space<hbm>>) dst(%dma_wait3A_402 : memref<80xi32, #tpu.memory_space<vmem>>)
        %dma_start3A_404 = arith.constant 3 : i32
        %dma_start3A_405 = arith.constant 3 : i32
        %dma_start3A_406 = arith.constant 0 : i32
        %dma_start3A_407 = arith.constant 0 : i32
        %dma_start3A_408 = tpu.memref_slice %arg7[%dma_start3A_405, %dma_start3A_406, %dma_start3A_407] : memref<4x80x128xf32, #tpu.memory_space<vmem>> -> memref<1x80x128xf32, #tpu.memory_space<vmem>>
        %dma_start3A_409 = tpu.memref_squeeze %dma_start3A_408 : memref<1x80x128xf32, #tpu.memory_space<vmem>> -> memref<80x128xf32, #tpu.memory_space<vmem>>
        %dma_start3A_410 = arith.constant 0 : i32
        %dma_start3A_411 = tpu.memref_slice %arg5[%dma_start3A_404, %dma_start3A_410] : memref<8x80xi32, #tpu.memory_space<vmem>> -> memref<1x80xi32, #tpu.memory_space<vmem>>
        %dma_start3A_412 = tpu.memref_squeeze %dma_start3A_411 : memref<1x80xi32, #tpu.memory_space<vmem>> -> memref<80xi32, #tpu.memory_space<vmem>>
        %dma_start3A_413 = arith.constant 0 : i32
        %dma_start3A_414 = arith.constant 0 : i32
        %dma_start3A_415 = tpu.memref_slice %arg2[%dma_start3A_413, %dma_start3A_414] : memref<10000x128xf32, #tpu.memory_space<hbm>> -> memref<10000x128xf32, #tpu.memory_space<hbm>>
        tpu.enqueue_indirect_dma source(%dma_start3A_415 : memref<10000x128xf32, #tpu.memory_space<hbm>>) target(%dma_start3A_409 : memref<80x128xf32, #tpu.memory_space<vmem>>) offsets(%dma_start3A_412 : memref<80xi32, #tpu.memory_space<vmem>>) semaphore(%arg28 : memref<!tpu.dma_semaphore, #tpu.memory_space<semaphore_mem>>)
      } else {
      }
      %eq3A_244 = arith.constant 2 : i32
      %eq3A_245 = arith.cmpi eq, %rem3A_169, %eq3A_244 : i32
      %convert_element_type3A_246 = arith.extui %eq3A_245 : i1 to i32
      %cond3A_247 = arith.constant 0 : i32
      %cond3A_248 = arith.cmpi ne, %convert_element_type3A_246, %cond3A_247 : i32
      scf.if %cond3A_248 {
        %dma_wait3A_384 = arith.constant 2 : i32
        %dma_wait3A_385 = arith.constant 2 : i32
        %dma_wait3A_386 = arith.constant 0 : i32
        %dma_wait3A_387 = arith.constant 0 : i32
        %dma_wait3A_388 = tpu.memref_slice %arg7[%dma_wait3A_385, %dma_wait3A_386, %dma_wait3A_387] : memref<4x80x128xf32, #tpu.memory_space<vmem>> -> memref<1x80x128xf32, #tpu.memory_space<vmem>>
        %dma_wait3A_389 = tpu.memref_squeeze %dma_wait3A_388 : memref<1x80x128xf32, #tpu.memory_space<vmem>> -> memref<80x128xf32, #tpu.memory_space<vmem>>
        %dma_wait3A_390 = arith.constant 0 : i32
        %dma_wait3A_391 = tpu.memref_slice %arg5[%dma_wait3A_384, %dma_wait3A_390] : memref<8x80xi32, #tpu.memory_space<vmem>> -> memref<1x80xi32, #tpu.memory_space<vmem>>
        %dma_wait3A_392 = tpu.memref_squeeze %dma_wait3A_391 : memref<1x80xi32, #tpu.memory_space<vmem>> -> memref<80xi32, #tpu.memory_space<vmem>>
        %dma_wait3A_393 = arith.constant 0 : i32
        %dma_wait3A_394 = arith.constant 0 : i32
        %dma_wait3A_395 = tpu.memref_slice %arg2[%dma_wait3A_393, %dma_wait3A_394] : memref<10000x128xf32, #tpu.memory_space<hbm>> -> memref<10000x128xf32, #tpu.memory_space<hbm>>
        tpu.wait_indirect_dma semaphore(%arg27 : memref<!tpu.dma_semaphore, #tpu.memory_space<semaphore_mem>>) src(%dma_wait3A_395 : memref<10000x128xf32, #tpu.memory_space<hbm>>) dst(%dma_wait3A_389 : memref<80x128xf32, #tpu.memory_space<vmem>>)
        %add3A_396 = arith.constant 320000 : i32
        %add3A_397 = arith.addi %add3A_396, %mul3A_4 : i32
        %mul3A_398 = arith.constant 80 : i32
        %mul3A_399 = arith.muli %scan3A_168, %mul3A_398 : i32
        %add3A_400 = arith.addi %add3A_397, %mul3A_399 : i32
        %dma_wait3A_401 = arith.constant 2 : i32
        %dma_wait3A_402 = arith.constant 0 : i32
        %dma_wait3A_403 = tpu.memref_slice %arg6[%dma_wait3A_401, %dma_wait3A_402] : memref<8x80xi32, #tpu.memory_space<vmem>> -> memref<1x80xi32, #tpu.memory_space<vmem>>
        %dma_wait3A_404 = tpu.memref_squeeze %dma_wait3A_403 : memref<1x80xi32, #tpu.memory_space<vmem>> -> memref<80xi32, #tpu.memory_space<vmem>>
        %dma_wait3A_405 = tpu.memref_slice %arg3[%add3A_400] : memref<640000xi32, #tpu.memory_space<hbm>> -> memref<80xi32, #tpu.memory_space<hbm>>
        %dma_wait3A_406 = arith.constant 0 : i32
        %dma_wait3A_407 = tpu.memref_slice %arg6[%dma_wait3A_401, %dma_wait3A_406] : memref<8x80xi32, #tpu.memory_space<vmem>> -> memref<1x80xi32, #tpu.memory_space<vmem>>
        %dma_wait3A_408 = tpu.memref_squeeze %dma_wait3A_407 : memref<1x80xi32, #tpu.memory_space<vmem>> -> memref<80xi32, #tpu.memory_space<vmem>>
        %dma_wait3A_409 = tpu.memref_slice %arg3[%add3A_400] : memref<640000xi32, #tpu.memory_space<hbm>> -> memref<80xi32, #tpu.memory_space<hbm>>
        tpu.wait_dma2 semaphore(%arg19 : memref<!tpu.dma_semaphore, #tpu.memory_space<semaphore_mem>>) src(%dma_wait3A_409 : memref<80xi32, #tpu.memory_space<hbm>>) dst(%dma_wait3A_408 : memref<80xi32, #tpu.memory_space<vmem>>)
        %dma_start3A_410 = arith.constant 2 : i32
        %dma_start3A_411 = arith.constant 2 : i32
        %dma_start3A_412 = arith.constant 0 : i32
        %dma_start3A_413 = arith.constant 0 : i32
        %dma_start3A_414 = tpu.memref_slice %arg7[%dma_start3A_410, %dma_start3A_412, %dma_start3A_413] : memref<4x80x128xf32, #tpu.memory_space<vmem>> -> memref<1x80x128xf32, #tpu.memory_space<vmem>>
        %dma_start3A_415 = tpu.memref_squeeze %dma_start3A_414 : memref<1x80x128xf32, #tpu.memory_space<vmem>> -> memref<80x128xf32, #tpu.memory_space<vmem>>
        %dma_start3A_416 = arith.constant 0 : i32
        %dma_start3A_417 = tpu.memref_slice %arg6[%dma_start3A_411, %dma_start3A_416] : memref<8x80xi32, #tpu.memory_space<vmem>> -> memref<1x80xi32, #tpu.memory_space<vmem>>
        %dma_start3A_418 = tpu.memref_squeeze %dma_start3A_417 : memref<1x80xi32, #tpu.memory_space<vmem>> -> memref<80xi32, #tpu.memory_space<vmem>>
        %dma_start3A_419 = arith.constant 0 : i32
        %dma_start3A_420 = arith.constant 0 : i32
        %dma_start3A_421 = tpu.memref_slice %arg8[%dma_start3A_419, %dma_start3A_420] : memref<10240x128xf32, #tpu.memory_space<vmem_shared>> -> memref<10240x128xf32, #tpu.memory_space<vmem_shared>>
        tpu.enqueue_indirect_dma source(%dma_start3A_415 : memref<80x128xf32, #tpu.memory_space<vmem>>) target(%dma_start3A_421 : memref<10240x128xf32, #tpu.memory_space<vmem_shared>>) offsets(%dma_start3A_418 : memref<80xi32, #tpu.memory_space<vmem>>) semaphore(%arg31 : memref<!tpu.dma_semaphore, #tpu.memory_space<semaphore_mem>>) {add = true}
      } else {
      }
      %eq3A_249 = arith.constant 3 : i32
      %eq3A_250 = arith.cmpi eq, %rem3A_169, %eq3A_249 : i32
      %add3A_251 = arith.constant 4 : i32
      %add3A_252 = arith.addi %scan3A_168, %add3A_251 : i32
      %sub3A_253 = arith.constant 1 : i32
      %sub3A_254 = arith.subi %add3A_252, %sub3A_253 : i32
      %lt3A_255 = arith.constant 125 : i32
      %lt3A_256 = arith.cmpi slt, %sub3A_254, %lt3A_255 : i32
      %and3A_257 = arith.andi %eq3A_250, %lt3A_256 : i1
      %convert_element_type3A_258 = arith.extui %and3A_257 : i1 to i32
      %cond3A_259 = arith.constant 0 : i32
      %cond3A_260 = arith.cmpi ne, %convert_element_type3A_258, %cond3A_259 : i32
      scf.if %cond3A_260 {
        %add3A_384 = arith.constant 4 : i32
        %add3A_385 = arith.addi %scan3A_168, %add3A_384 : i32
        %sub3A_386 = arith.constant 1 : i32
        %sub3A_387 = arith.subi %add3A_385, %sub3A_386 : i32
        %mul3A_388 = arith.constant 80 : i32
        %mul3A_389 = arith.muli %sub3A_387, %mul3A_388 : i32
        %add3A_390 = arith.addi %mul3A_4, %mul3A_389 : i32
        %dma_start3A_391 = arith.constant 6 : i32
        %dma_start3A_392 = arith.constant 0 : i32
        %dma_start3A_393 = tpu.memref_slice %arg5[%dma_start3A_391, %dma_start3A_392] : memref<8x80xi32, #tpu.memory_space<vmem>> -> memref<1x80xi32, #tpu.memory_space<vmem>>
        %dma_start3A_394 = tpu.memref_squeeze %dma_start3A_393 : memref<1x80xi32, #tpu.memory_space<vmem>> -> memref<80xi32, #tpu.memory_space<vmem>>
        %dma_start3A_395 = tpu.memref_slice %arg3[%add3A_390] : memref<640000xi32, #tpu.memory_space<hbm>> -> memref<80xi32, #tpu.memory_space<hbm>>
        %dma_start3A_396 = arith.constant 0 : i32
        %dma_start3A_397 = tpu.memref_slice %arg5[%dma_start3A_391, %dma_start3A_396] : memref<8x80xi32, #tpu.memory_space<vmem>> -> memref<1x80xi32, #tpu.memory_space<vmem>>
        %dma_start3A_398 = tpu.memref_squeeze %dma_start3A_397 : memref<1x80xi32, #tpu.memory_space<vmem>> -> memref<80xi32, #tpu.memory_space<vmem>>
        %dma_start3A_399 = tpu.memref_slice %arg3[%add3A_390] : memref<640000xi32, #tpu.memory_space<hbm>> -> memref<80xi32, #tpu.memory_space<hbm>>
        tpu.enqueue_dma source(%dma_start3A_399 : memref<80xi32, #tpu.memory_space<hbm>>) target(%dma_start3A_398 : memref<80xi32, #tpu.memory_space<vmem>>) target_semaphore(%arg15 : memref<!tpu.dma_semaphore, #tpu.memory_space<semaphore_mem>>)
        %add3A_400 = arith.constant 320000 : i32
        %add3A_401 = arith.addi %add3A_400, %mul3A_4 : i32
        %mul3A_402 = arith.constant 80 : i32
        %mul3A_403 = arith.muli %sub3A_387, %mul3A_402 : i32
        %add3A_404 = arith.addi %add3A_401, %mul3A_403 : i32
        %dma_start3A_405 = arith.constant 6 : i32
        %dma_start3A_406 = arith.constant 0 : i32
        %dma_start3A_407 = tpu.memref_slice %arg6[%dma_start3A_405, %dma_start3A_406] : memref<8x80xi32, #tpu.memory_space<vmem>> -> memref<1x80xi32, #tpu.memory_space<vmem>>
        %dma_start3A_408 = tpu.memref_squeeze %dma_start3A_407 : memref<1x80xi32, #tpu.memory_space<vmem>> -> memref<80xi32, #tpu.memory_space<vmem>>
        %dma_start3A_409 = tpu.memref_slice %arg3[%add3A_404] : memref<640000xi32, #tpu.memory_space<hbm>> -> memref<80xi32, #tpu.memory_space<hbm>>
        %dma_start3A_410 = arith.constant 0 : i32
        %dma_start3A_411 = tpu.memref_slice %arg6[%dma_start3A_405, %dma_start3A_410] : memref<8x80xi32, #tpu.memory_space<vmem>> -> memref<1x80xi32, #tpu.memory_space<vmem>>
        %dma_start3A_412 = tpu.memref_squeeze %dma_start3A_411 : memref<1x80xi32, #tpu.memory_space<vmem>> -> memref<80xi32, #tpu.memory_space<vmem>>
        %dma_start3A_413 = tpu.memref_slice %arg3[%add3A_404] : memref<640000xi32, #tpu.memory_space<hbm>> -> memref<80xi32, #tpu.memory_space<hbm>>
        tpu.enqueue_dma source(%dma_start3A_413 : memref<80xi32, #tpu.memory_space<hbm>>) target(%dma_start3A_412 : memref<80xi32, #tpu.memory_space<vmem>>) target_semaphore(%arg23 : memref<!tpu.dma_semaphore, #tpu.memory_space<semaphore_mem>>)
      } else {
      }
      %eq3A_261 = arith.constant 3 : i32
      %eq3A_262 = arith.cmpi eq, %rem3A_169, %eq3A_261 : i32
      %add3A_263 = arith.constant 1 : i32
      %add3A_264 = arith.addi %scan3A_168, %add3A_263 : i32
      %lt3A_265 = arith.constant 125 : i32
      %lt3A_266 = arith.cmpi slt, %add3A_264, %lt3A_265 : i32
      %and3A_267 = arith.andi %eq3A_262, %lt3A_266 : i1
      %convert_element_type3A_268 = arith.extui %and3A_267 : i1 to i32
      %cond3A_269 = arith.constant 0 : i32
      %cond3A_270 = arith.cmpi ne, %convert_element_type3A_268, %cond3A_269 : i32
      scf.if %cond3A_270 {
        %add3A_384 = arith.constant 1 : i32
        %add3A_385 = arith.addi %scan3A_168, %add3A_384 : i32
        %ge3A = arith.constant 4 : i32
        %ge3A_386 = arith.cmpi sge, %add3A_385, %ge3A : i32
        %convert_element_type3A_387 = arith.extui %ge3A_386 : i1 to i32
        %cond3A_388 = arith.constant 0 : i32
        %cond3A_389 = arith.cmpi ne, %convert_element_type3A_387, %cond3A_388 : i32
        scf.if %cond3A_389 {
          %dma_wait3A_416 = arith.constant 0 : i32
          %dma_wait3A_417 = arith.constant 0 : i32
          %dma_wait3A_418 = arith.constant 0 : i32
          %dma_wait3A_419 = arith.constant 0 : i32
          %dma_wait3A_420 = tpu.memref_slice %arg7[%dma_wait3A_416, %dma_wait3A_418, %dma_wait3A_419] : memref<4x80x128xf32, #tpu.memory_space<vmem>> -> memref<1x80x128xf32, #tpu.memory_space<vmem>>
          %dma_wait3A_421 = tpu.memref_squeeze %dma_wait3A_420 : memref<1x80x128xf32, #tpu.memory_space<vmem>> -> memref<80x128xf32, #tpu.memory_space<vmem>>
          %dma_wait3A_422 = arith.constant 0 : i32
          %dma_wait3A_423 = tpu.memref_slice %arg6[%dma_wait3A_417, %dma_wait3A_422] : memref<8x80xi32, #tpu.memory_space<vmem>> -> memref<1x80xi32, #tpu.memory_space<vmem>>
          %dma_wait3A_424 = tpu.memref_squeeze %dma_wait3A_423 : memref<1x80xi32, #tpu.memory_space<vmem>> -> memref<80xi32, #tpu.memory_space<vmem>>
          %dma_wait3A_425 = arith.constant 0 : i32
          %dma_wait3A_426 = arith.constant 0 : i32
          %dma_wait3A_427 = tpu.memref_slice %arg8[%dma_wait3A_425, %dma_wait3A_426] : memref<10240x128xf32, #tpu.memory_space<vmem_shared>> -> memref<10240x128xf32, #tpu.memory_space<vmem_shared>>
          tpu.wait_indirect_dma semaphore(%arg29 : memref<!tpu.dma_semaphore, #tpu.memory_space<semaphore_mem>>) src(%dma_wait3A_421 : memref<80x128xf32, #tpu.memory_space<vmem>>) dst(%dma_wait3A_427 : memref<10240x128xf32, #tpu.memory_space<vmem_shared>>)
        } else {
        }
        %add3A_390 = arith.constant 1 : i32
        %add3A_391 = arith.addi %scan3A_168, %add3A_390 : i32
        %mul3A_392 = arith.constant 80 : i32
        %mul3A_393 = arith.muli %add3A_391, %mul3A_392 : i32
        %add3A_394 = arith.addi %mul3A_4, %mul3A_393 : i32
        %dma_wait3A_395 = arith.constant 4 : i32
        %dma_wait3A_396 = arith.constant 0 : i32
        %dma_wait3A_397 = tpu.memref_slice %arg5[%dma_wait3A_395, %dma_wait3A_396] : memref<8x80xi32, #tpu.memory_space<vmem>> -> memref<1x80xi32, #tpu.memory_space<vmem>>
        %dma_wait3A_398 = tpu.memref_squeeze %dma_wait3A_397 : memref<1x80xi32, #tpu.memory_space<vmem>> -> memref<80xi32, #tpu.memory_space<vmem>>
        %dma_wait3A_399 = tpu.memref_slice %arg3[%add3A_394] : memref<640000xi32, #tpu.memory_space<hbm>> -> memref<80xi32, #tpu.memory_space<hbm>>
        %dma_wait3A_400 = arith.constant 0 : i32
        %dma_wait3A_401 = tpu.memref_slice %arg5[%dma_wait3A_395, %dma_wait3A_400] : memref<8x80xi32, #tpu.memory_space<vmem>> -> memref<1x80xi32, #tpu.memory_space<vmem>>
        %dma_wait3A_402 = tpu.memref_squeeze %dma_wait3A_401 : memref<1x80xi32, #tpu.memory_space<vmem>> -> memref<80xi32, #tpu.memory_space<vmem>>
        %dma_wait3A_403 = tpu.memref_slice %arg3[%add3A_394] : memref<640000xi32, #tpu.memory_space<hbm>> -> memref<80xi32, #tpu.memory_space<hbm>>
        tpu.wait_dma2 semaphore(%arg13 : memref<!tpu.dma_semaphore, #tpu.memory_space<semaphore_mem>>) src(%dma_wait3A_403 : memref<80xi32, #tpu.memory_space<hbm>>) dst(%dma_wait3A_402 : memref<80xi32, #tpu.memory_space<vmem>>)
        %dma_start3A_404 = arith.constant 4 : i32
        %dma_start3A_405 = arith.constant 0 : i32
        %dma_start3A_406 = arith.constant 0 : i32
        %dma_start3A_407 = arith.constant 0 : i32
        %dma_start3A_408 = tpu.memref_slice %arg7[%dma_start3A_405, %dma_start3A_406, %dma_start3A_407] : memref<4x80x128xf32, #tpu.memory_space<vmem>> -> memref<1x80x128xf32, #tpu.memory_space<vmem>>
        %dma_start3A_409 = tpu.memref_squeeze %dma_start3A_408 : memref<1x80x128xf32, #tpu.memory_space<vmem>> -> memref<80x128xf32, #tpu.memory_space<vmem>>
        %dma_start3A_410 = arith.constant 0 : i32
        %dma_start3A_411 = tpu.memref_slice %arg5[%dma_start3A_404, %dma_start3A_410] : memref<8x80xi32, #tpu.memory_space<vmem>> -> memref<1x80xi32, #tpu.memory_space<vmem>>
        %dma_start3A_412 = tpu.memref_squeeze %dma_start3A_411 : memref<1x80xi32, #tpu.memory_space<vmem>> -> memref<80xi32, #tpu.memory_space<vmem>>
        %dma_start3A_413 = arith.constant 0 : i32
        %dma_start3A_414 = arith.constant 0 : i32
        %dma_start3A_415 = tpu.memref_slice %arg2[%dma_start3A_413, %dma_start3A_414] : memref<10000x128xf32, #tpu.memory_space<hbm>> -> memref<10000x128xf32, #tpu.memory_space<hbm>>
        tpu.enqueue_indirect_dma source(%dma_start3A_415 : memref<10000x128xf32, #tpu.memory_space<hbm>>) target(%dma_start3A_409 : memref<80x128xf32, #tpu.memory_space<vmem>>) offsets(%dma_start3A_412 : memref<80xi32, #tpu.memory_space<vmem>>) semaphore(%arg25 : memref<!tpu.dma_semaphore, #tpu.memory_space<semaphore_mem>>)
      } else {
      }
      %eq3A_271 = arith.constant 3 : i32
      %eq3A_272 = arith.cmpi eq, %rem3A_169, %eq3A_271 : i32
      %convert_element_type3A_273 = arith.extui %eq3A_272 : i1 to i32
      %cond3A_274 = arith.constant 0 : i32
      %cond3A_275 = arith.cmpi ne, %convert_element_type3A_273, %cond3A_274 : i32
      scf.if %cond3A_275 {
        %dma_wait3A_384 = arith.constant 3 : i32
        %dma_wait3A_385 = arith.constant 3 : i32
        %dma_wait3A_386 = arith.constant 0 : i32
        %dma_wait3A_387 = arith.constant 0 : i32
        %dma_wait3A_388 = tpu.memref_slice %arg7[%dma_wait3A_385, %dma_wait3A_386, %dma_wait3A_387] : memref<4x80x128xf32, #tpu.memory_space<vmem>> -> memref<1x80x128xf32, #tpu.memory_space<vmem>>
        %dma_wait3A_389 = tpu.memref_squeeze %dma_wait3A_388 : memref<1x80x128xf32, #tpu.memory_space<vmem>> -> memref<80x128xf32, #tpu.memory_space<vmem>>
        %dma_wait3A_390 = arith.constant 0 : i32
        %dma_wait3A_391 = tpu.memref_slice %arg5[%dma_wait3A_384, %dma_wait3A_390] : memref<8x80xi32, #tpu.memory_space<vmem>> -> memref<1x80xi32, #tpu.memory_space<vmem>>
        %dma_wait3A_392 = tpu.memref_squeeze %dma_wait3A_391 : memref<1x80xi32, #tpu.memory_space<vmem>> -> memref<80xi32, #tpu.memory_space<vmem>>
        %dma_wait3A_393 = arith.constant 0 : i32
        %dma_wait3A_394 = arith.constant 0 : i32
        %dma_wait3A_395 = tpu.memref_slice %arg2[%dma_wait3A_393, %dma_wait3A_394] : memref<10000x128xf32, #tpu.memory_space<hbm>> -> memref<10000x128xf32, #tpu.memory_space<hbm>>
        tpu.wait_indirect_dma semaphore(%arg28 : memref<!tpu.dma_semaphore, #tpu.memory_space<semaphore_mem>>) src(%dma_wait3A_395 : memref<10000x128xf32, #tpu.memory_space<hbm>>) dst(%dma_wait3A_389 : memref<80x128xf32, #tpu.memory_space<vmem>>)
        %add3A_396 = arith.constant 320000 : i32
        %add3A_397 = arith.addi %add3A_396, %mul3A_4 : i32
        %mul3A_398 = arith.constant 80 : i32
        %mul3A_399 = arith.muli %scan3A_168, %mul3A_398 : i32
        %add3A_400 = arith.addi %add3A_397, %mul3A_399 : i32
        %dma_wait3A_401 = arith.constant 3 : i32
        %dma_wait3A_402 = arith.constant 0 : i32
        %dma_wait3A_403 = tpu.memref_slice %arg6[%dma_wait3A_401, %dma_wait3A_402] : memref<8x80xi32, #tpu.memory_space<vmem>> -> memref<1x80xi32, #tpu.memory_space<vmem>>
        %dma_wait3A_404 = tpu.memref_squeeze %dma_wait3A_403 : memref<1x80xi32, #tpu.memory_space<vmem>> -> memref<80xi32, #tpu.memory_space<vmem>>
        %dma_wait3A_405 = tpu.memref_slice %arg3[%add3A_400] : memref<640000xi32, #tpu.memory_space<hbm>> -> memref<80xi32, #tpu.memory_space<hbm>>
        %dma_wait3A_406 = arith.constant 0 : i32
        %dma_wait3A_407 = tpu.memref_slice %arg6[%dma_wait3A_401, %dma_wait3A_406] : memref<8x80xi32, #tpu.memory_space<vmem>> -> memref<1x80xi32, #tpu.memory_space<vmem>>
        %dma_wait3A_408 = tpu.memref_squeeze %dma_wait3A_407 : memref<1x80xi32, #tpu.memory_space<vmem>> -> memref<80xi32, #tpu.memory_space<vmem>>
        %dma_wait3A_409 = tpu.memref_slice %arg3[%add3A_400] : memref<640000xi32, #tpu.memory_space<hbm>> -> memref<80xi32, #tpu.memory_space<hbm>>
        tpu.wait_dma2 semaphore(%arg20 : memref<!tpu.dma_semaphore, #tpu.memory_space<semaphore_mem>>) src(%dma_wait3A_409 : memref<80xi32, #tpu.memory_space<hbm>>) dst(%dma_wait3A_408 : memref<80xi32, #tpu.memory_space<vmem>>)
        %dma_start3A_410 = arith.constant 3 : i32
        %dma_start3A_411 = arith.constant 3 : i32
        %dma_start3A_412 = arith.constant 0 : i32
        %dma_start3A_413 = arith.constant 0 : i32
        %dma_start3A_414 = tpu.memref_slice %arg7[%dma_start3A_410, %dma_start3A_412, %dma_start3A_413] : memref<4x80x128xf32, #tpu.memory_space<vmem>> -> memref<1x80x128xf32, #tpu.memory_space<vmem>>
        %dma_start3A_415 = tpu.memref_squeeze %dma_start3A_414 : memref<1x80x128xf32, #tpu.memory_space<vmem>> -> memref<80x128xf32, #tpu.memory_space<vmem>>
        %dma_start3A_416 = arith.constant 0 : i32
        %dma_start3A_417 = tpu.memref_slice %arg6[%dma_start3A_411, %dma_start3A_416] : memref<8x80xi32, #tpu.memory_space<vmem>> -> memref<1x80xi32, #tpu.memory_space<vmem>>
        %dma_start3A_418 = tpu.memref_squeeze %dma_start3A_417 : memref<1x80xi32, #tpu.memory_space<vmem>> -> memref<80xi32, #tpu.memory_space<vmem>>
        %dma_start3A_419 = arith.constant 0 : i32
        %dma_start3A_420 = arith.constant 0 : i32
        %dma_start3A_421 = tpu.memref_slice %arg8[%dma_start3A_419, %dma_start3A_420] : memref<10240x128xf32, #tpu.memory_space<vmem_shared>> -> memref<10240x128xf32, #tpu.memory_space<vmem_shared>>
        tpu.enqueue_indirect_dma source(%dma_start3A_415 : memref<80x128xf32, #tpu.memory_space<vmem>>) target(%dma_start3A_421 : memref<10240x128xf32, #tpu.memory_space<vmem_shared>>) offsets(%dma_start3A_418 : memref<80xi32, #tpu.memory_space<vmem>>) semaphore(%arg32 : memref<!tpu.dma_semaphore, #tpu.memory_space<semaphore_mem>>) {add = true}
      } else {
      }
      %eq3A_276 = arith.constant 4 : i32
      %eq3A_277 = arith.cmpi eq, %rem3A_169, %eq3A_276 : i32
      %add3A_278 = arith.constant 4 : i32
      %add3A_279 = arith.addi %scan3A_168, %add3A_278 : i32
      %sub3A_280 = arith.constant 1 : i32
      %sub3A_281 = arith.subi %add3A_279, %sub3A_280 : i32
      %lt3A_282 = arith.constant 125 : i32
      %lt3A_283 = arith.cmpi slt, %sub3A_281, %lt3A_282 : i32
      %and3A_284 = arith.andi %eq3A_277, %lt3A_283 : i1
      %convert_element_type3A_285 = arith.extui %and3A_284 : i1 to i32
      %cond3A_286 = arith.constant 0 : i32
      %cond3A_287 = arith.cmpi ne, %convert_element_type3A_285, %cond3A_286 : i32
      scf.if %cond3A_287 {
        %add3A_384 = arith.constant 4 : i32
        %add3A_385 = arith.addi %scan3A_168, %add3A_384 : i32
        %sub3A_386 = arith.constant 1 : i32
        %sub3A_387 = arith.subi %add3A_385, %sub3A_386 : i32
        %mul3A_388 = arith.constant 80 : i32
        %mul3A_389 = arith.muli %sub3A_387, %mul3A_388 : i32
        %add3A_390 = arith.addi %mul3A_4, %mul3A_389 : i32
        %dma_start3A_391 = arith.constant 7 : i32
        %dma_start3A_392 = arith.constant 0 : i32
        %dma_start3A_393 = tpu.memref_slice %arg5[%dma_start3A_391, %dma_start3A_392] : memref<8x80xi32, #tpu.memory_space<vmem>> -> memref<1x80xi32, #tpu.memory_space<vmem>>
        %dma_start3A_394 = tpu.memref_squeeze %dma_start3A_393 : memref<1x80xi32, #tpu.memory_space<vmem>> -> memref<80xi32, #tpu.memory_space<vmem>>
        %dma_start3A_395 = tpu.memref_slice %arg3[%add3A_390] : memref<640000xi32, #tpu.memory_space<hbm>> -> memref<80xi32, #tpu.memory_space<hbm>>
        %dma_start3A_396 = arith.constant 0 : i32
        %dma_start3A_397 = tpu.memref_slice %arg5[%dma_start3A_391, %dma_start3A_396] : memref<8x80xi32, #tpu.memory_space<vmem>> -> memref<1x80xi32, #tpu.memory_space<vmem>>
        %dma_start3A_398 = tpu.memref_squeeze %dma_start3A_397 : memref<1x80xi32, #tpu.memory_space<vmem>> -> memref<80xi32, #tpu.memory_space<vmem>>
        %dma_start3A_399 = tpu.memref_slice %arg3[%add3A_390] : memref<640000xi32, #tpu.memory_space<hbm>> -> memref<80xi32, #tpu.memory_space<hbm>>
        tpu.enqueue_dma source(%dma_start3A_399 : memref<80xi32, #tpu.memory_space<hbm>>) target(%dma_start3A_398 : memref<80xi32, #tpu.memory_space<vmem>>) target_semaphore(%arg16 : memref<!tpu.dma_semaphore, #tpu.memory_space<semaphore_mem>>)
        %add3A_400 = arith.constant 320000 : i32
        %add3A_401 = arith.addi %add3A_400, %mul3A_4 : i32
        %mul3A_402 = arith.constant 80 : i32
        %mul3A_403 = arith.muli %sub3A_387, %mul3A_402 : i32
        %add3A_404 = arith.addi %add3A_401, %mul3A_403 : i32
        %dma_start3A_405 = arith.constant 7 : i32
        %dma_start3A_406 = arith.constant 0 : i32
        %dma_start3A_407 = tpu.memref_slice %arg6[%dma_start3A_405, %dma_start3A_406] : memref<8x80xi32, #tpu.memory_space<vmem>> -> memref<1x80xi32, #tpu.memory_space<vmem>>
        %dma_start3A_408 = tpu.memref_squeeze %dma_start3A_407 : memref<1x80xi32, #tpu.memory_space<vmem>> -> memref<80xi32, #tpu.memory_space<vmem>>
        %dma_start3A_409 = tpu.memref_slice %arg3[%add3A_404] : memref<640000xi32, #tpu.memory_space<hbm>> -> memref<80xi32, #tpu.memory_space<hbm>>
        %dma_start3A_410 = arith.constant 0 : i32
        %dma_start3A_411 = tpu.memref_slice %arg6[%dma_start3A_405, %dma_start3A_410] : memref<8x80xi32, #tpu.memory_space<vmem>> -> memref<1x80xi32, #tpu.memory_space<vmem>>
        %dma_start3A_412 = tpu.memref_squeeze %dma_start3A_411 : memref<1x80xi32, #tpu.memory_space<vmem>> -> memref<80xi32, #tpu.memory_space<vmem>>
        %dma_start3A_413 = tpu.memref_slice %arg3[%add3A_404] : memref<640000xi32, #tpu.memory_space<hbm>> -> memref<80xi32, #tpu.memory_space<hbm>>
        tpu.enqueue_dma source(%dma_start3A_413 : memref<80xi32, #tpu.memory_space<hbm>>) target(%dma_start3A_412 : memref<80xi32, #tpu.memory_space<vmem>>) target_semaphore(%arg24 : memref<!tpu.dma_semaphore, #tpu.memory_space<semaphore_mem>>)
      } else {
      }
      %eq3A_288 = arith.constant 4 : i32
      %eq3A_289 = arith.cmpi eq, %rem3A_169, %eq3A_288 : i32
      %add3A_290 = arith.constant 1 : i32
      %add3A_291 = arith.addi %scan3A_168, %add3A_290 : i32
      %lt3A_292 = arith.constant 125 : i32
      %lt3A_293 = arith.cmpi slt, %add3A_291, %lt3A_292 : i32
      %and3A_294 = arith.andi %eq3A_289, %lt3A_293 : i1
      %convert_element_type3A_295 = arith.extui %and3A_294 : i1 to i32
      %cond3A_296 = arith.constant 0 : i32
      %cond3A_297 = arith.cmpi ne, %convert_element_type3A_295, %cond3A_296 : i32
      scf.if %cond3A_297 {
        %add3A_384 = arith.constant 1 : i32
        %add3A_385 = arith.addi %scan3A_168, %add3A_384 : i32
        %ge3A = arith.constant 4 : i32
        %ge3A_386 = arith.cmpi sge, %add3A_385, %ge3A : i32
        %convert_element_type3A_387 = arith.extui %ge3A_386 : i1 to i32
        %cond3A_388 = arith.constant 0 : i32
        %cond3A_389 = arith.cmpi ne, %convert_element_type3A_387, %cond3A_388 : i32
        scf.if %cond3A_389 {
          %dma_wait3A_416 = arith.constant 1 : i32
          %dma_wait3A_417 = arith.constant 1 : i32
          %dma_wait3A_418 = arith.constant 0 : i32
          %dma_wait3A_419 = arith.constant 0 : i32
          %dma_wait3A_420 = tpu.memref_slice %arg7[%dma_wait3A_416, %dma_wait3A_418, %dma_wait3A_419] : memref<4x80x128xf32, #tpu.memory_space<vmem>> -> memref<1x80x128xf32, #tpu.memory_space<vmem>>
          %dma_wait3A_421 = tpu.memref_squeeze %dma_wait3A_420 : memref<1x80x128xf32, #tpu.memory_space<vmem>> -> memref<80x128xf32, #tpu.memory_space<vmem>>
          %dma_wait3A_422 = arith.constant 0 : i32
          %dma_wait3A_423 = tpu.memref_slice %arg6[%dma_wait3A_417, %dma_wait3A_422] : memref<8x80xi32, #tpu.memory_space<vmem>> -> memref<1x80xi32, #tpu.memory_space<vmem>>
          %dma_wait3A_424 = tpu.memref_squeeze %dma_wait3A_423 : memref<1x80xi32, #tpu.memory_space<vmem>> -> memref<80xi32, #tpu.memory_space<vmem>>
          %dma_wait3A_425 = arith.constant 0 : i32
          %dma_wait3A_426 = arith.constant 0 : i32
          %dma_wait3A_427 = tpu.memref_slice %arg8[%dma_wait3A_425, %dma_wait3A_426] : memref<10240x128xf32, #tpu.memory_space<vmem_shared>> -> memref<10240x128xf32, #tpu.memory_space<vmem_shared>>
          tpu.wait_indirect_dma semaphore(%arg30 : memref<!tpu.dma_semaphore, #tpu.memory_space<semaphore_mem>>) src(%dma_wait3A_421 : memref<80x128xf32, #tpu.memory_space<vmem>>) dst(%dma_wait3A_427 : memref<10240x128xf32, #tpu.memory_space<vmem_shared>>)
        } else {
        }
        %add3A_390 = arith.constant 1 : i32
        %add3A_391 = arith.addi %scan3A_168, %add3A_390 : i32
        %mul3A_392 = arith.constant 80 : i32
        %mul3A_393 = arith.muli %add3A_391, %mul3A_392 : i32
        %add3A_394 = arith.addi %mul3A_4, %mul3A_393 : i32
        %dma_wait3A_395 = arith.constant 5 : i32
        %dma_wait3A_396 = arith.constant 0 : i32
        %dma_wait3A_397 = tpu.memref_slice %arg5[%dma_wait3A_395, %dma_wait3A_396] : memref<8x80xi32, #tpu.memory_space<vmem>> -> memref<1x80xi32, #tpu.memory_space<vmem>>
        %dma_wait3A_398 = tpu.memref_squeeze %dma_wait3A_397 : memref<1x80xi32, #tpu.memory_space<vmem>> -> memref<80xi32, #tpu.memory_space<vmem>>
        %dma_wait3A_399 = tpu.memref_slice %arg3[%add3A_394] : memref<640000xi32, #tpu.memory_space<hbm>> -> memref<80xi32, #tpu.memory_space<hbm>>
        %dma_wait3A_400 = arith.constant 0 : i32
        %dma_wait3A_401 = tpu.memref_slice %arg5[%dma_wait3A_395, %dma_wait3A_400] : memref<8x80xi32, #tpu.memory_space<vmem>> -> memref<1x80xi32, #tpu.memory_space<vmem>>
        %dma_wait3A_402 = tpu.memref_squeeze %dma_wait3A_401 : memref<1x80xi32, #tpu.memory_space<vmem>> -> memref<80xi32, #tpu.memory_space<vmem>>
        %dma_wait3A_403 = tpu.memref_slice %arg3[%add3A_394] : memref<640000xi32, #tpu.memory_space<hbm>> -> memref<80xi32, #tpu.memory_space<hbm>>
        tpu.wait_dma2 semaphore(%arg14 : memref<!tpu.dma_semaphore, #tpu.memory_space<semaphore_mem>>) src(%dma_wait3A_403 : memref<80xi32, #tpu.memory_space<hbm>>) dst(%dma_wait3A_402 : memref<80xi32, #tpu.memory_space<vmem>>)
        %dma_start3A_404 = arith.constant 5 : i32
        %dma_start3A_405 = arith.constant 1 : i32
        %dma_start3A_406 = arith.constant 0 : i32
        %dma_start3A_407 = arith.constant 0 : i32
        %dma_start3A_408 = tpu.memref_slice %arg7[%dma_start3A_405, %dma_start3A_406, %dma_start3A_407] : memref<4x80x128xf32, #tpu.memory_space<vmem>> -> memref<1x80x128xf32, #tpu.memory_space<vmem>>
        %dma_start3A_409 = tpu.memref_squeeze %dma_start3A_408 : memref<1x80x128xf32, #tpu.memory_space<vmem>> -> memref<80x128xf32, #tpu.memory_space<vmem>>
        %dma_start3A_410 = arith.constant 0 : i32
        %dma_start3A_411 = tpu.memref_slice %arg5[%dma_start3A_404, %dma_start3A_410] : memref<8x80xi32, #tpu.memory_space<vmem>> -> memref<1x80xi32, #tpu.memory_space<vmem>>
        %dma_start3A_412 = tpu.memref_squeeze %dma_start3A_411 : memref<1x80xi32, #tpu.memory_space<vmem>> -> memref<80xi32, #tpu.memory_space<vmem>>
        %dma_start3A_413 = arith.constant 0 : i32
        %dma_start3A_414 = arith.constant 0 : i32
        %dma_start3A_415 = tpu.memref_slice %arg2[%dma_start3A_413, %dma_start3A_414] : memref<10000x128xf32, #tpu.memory_space<hbm>> -> memref<10000x128xf32, #tpu.memory_space<hbm>>
        tpu.enqueue_indirect_dma source(%dma_start3A_415 : memref<10000x128xf32, #tpu.memory_space<hbm>>) target(%dma_start3A_409 : memref<80x128xf32, #tpu.memory_space<vmem>>) offsets(%dma_start3A_412 : memref<80xi32, #tpu.memory_space<vmem>>) semaphore(%arg26 : memref<!tpu.dma_semaphore, #tpu.memory_space<semaphore_mem>>)
      } else {
      }
      %eq3A_298 = arith.constant 4 : i32
      %eq3A_299 = arith.cmpi eq, %rem3A_169, %eq3A_298 : i32
      %convert_element_type3A_300 = arith.extui %eq3A_299 : i1 to i32
      %cond3A_301 = arith.constant 0 : i32
      %cond3A_302 = arith.cmpi ne, %convert_element_type3A_300, %cond3A_301 : i32
      scf.if %cond3A_302 {
        %dma_wait3A_384 = arith.constant 4 : i32
        %dma_wait3A_385 = arith.constant 0 : i32
        %dma_wait3A_386 = arith.constant 0 : i32
        %dma_wait3A_387 = arith.constant 0 : i32
        %dma_wait3A_388 = tpu.memref_slice %arg7[%dma_wait3A_385, %dma_wait3A_386, %dma_wait3A_387] : memref<4x80x128xf32, #tpu.memory_space<vmem>> -> memref<1x80x128xf32, #tpu.memory_space<vmem>>
        %dma_wait3A_389 = tpu.memref_squeeze %dma_wait3A_388 : memref<1x80x128xf32, #tpu.memory_space<vmem>> -> memref<80x128xf32, #tpu.memory_space<vmem>>
        %dma_wait3A_390 = arith.constant 0 : i32
        %dma_wait3A_391 = tpu.memref_slice %arg5[%dma_wait3A_384, %dma_wait3A_390] : memref<8x80xi32, #tpu.memory_space<vmem>> -> memref<1x80xi32, #tpu.memory_space<vmem>>
        %dma_wait3A_392 = tpu.memref_squeeze %dma_wait3A_391 : memref<1x80xi32, #tpu.memory_space<vmem>> -> memref<80xi32, #tpu.memory_space<vmem>>
        %dma_wait3A_393 = arith.constant 0 : i32
        %dma_wait3A_394 = arith.constant 0 : i32
        %dma_wait3A_395 = tpu.memref_slice %arg2[%dma_wait3A_393, %dma_wait3A_394] : memref<10000x128xf32, #tpu.memory_space<hbm>> -> memref<10000x128xf32, #tpu.memory_space<hbm>>
        tpu.wait_indirect_dma semaphore(%arg25 : memref<!tpu.dma_semaphore, #tpu.memory_space<semaphore_mem>>) src(%dma_wait3A_395 : memref<10000x128xf32, #tpu.memory_space<hbm>>) dst(%dma_wait3A_389 : memref<80x128xf32, #tpu.memory_space<vmem>>)
        %add3A_396 = arith.constant 320000 : i32
        %add3A_397 = arith.addi %add3A_396, %mul3A_4 : i32
        %mul3A_398 = arith.constant 80 : i32
        %mul3A_399 = arith.muli %scan3A_168, %mul3A_398 : i32
        %add3A_400 = arith.addi %add3A_397, %mul3A_399 : i32
        %dma_wait3A_401 = arith.constant 4 : i32
        %dma_wait3A_402 = arith.constant 0 : i32
        %dma_wait3A_403 = tpu.memref_slice %arg6[%dma_wait3A_401, %dma_wait3A_402] : memref<8x80xi32, #tpu.memory_space<vmem>> -> memref<1x80xi32, #tpu.memory_space<vmem>>
        %dma_wait3A_404 = tpu.memref_squeeze %dma_wait3A_403 : memref<1x80xi32, #tpu.memory_space<vmem>> -> memref<80xi32, #tpu.memory_space<vmem>>
        %dma_wait3A_405 = tpu.memref_slice %arg3[%add3A_400] : memref<640000xi32, #tpu.memory_space<hbm>> -> memref<80xi32, #tpu.memory_space<hbm>>
        %dma_wait3A_406 = arith.constant 0 : i32
        %dma_wait3A_407 = tpu.memref_slice %arg6[%dma_wait3A_401, %dma_wait3A_406] : memref<8x80xi32, #tpu.memory_space<vmem>> -> memref<1x80xi32, #tpu.memory_space<vmem>>
        %dma_wait3A_408 = tpu.memref_squeeze %dma_wait3A_407 : memref<1x80xi32, #tpu.memory_space<vmem>> -> memref<80xi32, #tpu.memory_space<vmem>>
        %dma_wait3A_409 = tpu.memref_slice %arg3[%add3A_400] : memref<640000xi32, #tpu.memory_space<hbm>> -> memref<80xi32, #tpu.memory_space<hbm>>
        tpu.wait_dma2 semaphore(%arg21 : memref<!tpu.dma_semaphore, #tpu.memory_space<semaphore_mem>>) src(%dma_wait3A_409 : memref<80xi32, #tpu.memory_space<hbm>>) dst(%dma_wait3A_408 : memref<80xi32, #tpu.memory_space<vmem>>)
        %dma_start3A_410 = arith.constant 0 : i32
        %dma_start3A_411 = arith.constant 4 : i32
        %dma_start3A_412 = arith.constant 0 : i32
        %dma_start3A_413 = arith.constant 0 : i32
        %dma_start3A_414 = tpu.memref_slice %arg7[%dma_start3A_410, %dma_start3A_412, %dma_start3A_413] : memref<4x80x128xf32, #tpu.memory_space<vmem>> -> memref<1x80x128xf32, #tpu.memory_space<vmem>>
        %dma_start3A_415 = tpu.memref_squeeze %dma_start3A_414 : memref<1x80x128xf32, #tpu.memory_space<vmem>> -> memref<80x128xf32, #tpu.memory_space<vmem>>
        %dma_start3A_416 = arith.constant 0 : i32
        %dma_start3A_417 = tpu.memref_slice %arg6[%dma_start3A_411, %dma_start3A_416] : memref<8x80xi32, #tpu.memory_space<vmem>> -> memref<1x80xi32, #tpu.memory_space<vmem>>
        %dma_start3A_418 = tpu.memref_squeeze %dma_start3A_417 : memref<1x80xi32, #tpu.memory_space<vmem>> -> memref<80xi32, #tpu.memory_space<vmem>>
        %dma_start3A_419 = arith.constant 0 : i32
        %dma_start3A_420 = arith.constant 0 : i32
        %dma_start3A_421 = tpu.memref_slice %arg8[%dma_start3A_419, %dma_start3A_420] : memref<10240x128xf32, #tpu.memory_space<vmem_shared>> -> memref<10240x128xf32, #tpu.memory_space<vmem_shared>>
        tpu.enqueue_indirect_dma source(%dma_start3A_415 : memref<80x128xf32, #tpu.memory_space<vmem>>) target(%dma_start3A_421 : memref<10240x128xf32, #tpu.memory_space<vmem_shared>>) offsets(%dma_start3A_418 : memref<80xi32, #tpu.memory_space<vmem>>) semaphore(%arg29 : memref<!tpu.dma_semaphore, #tpu.memory_space<semaphore_mem>>) {add = true}
      } else {
      }
      %eq3A_303 = arith.constant 5 : i32
      %eq3A_304 = arith.cmpi eq, %rem3A_169, %eq3A_303 : i32
      %add3A_305 = arith.constant 4 : i32
      %add3A_306 = arith.addi %scan3A_168, %add3A_305 : i32
      %sub3A_307 = arith.constant 1 : i32
      %sub3A_308 = arith.subi %add3A_306, %sub3A_307 : i32
      %lt3A_309 = arith.constant 125 : i32
      %lt3A_310 = arith.cmpi slt, %sub3A_308, %lt3A_309 : i32
      %and3A_311 = arith.andi %eq3A_304, %lt3A_310 : i1
      %convert_element_type3A_312 = arith.extui %and3A_311 : i1 to i32
      %cond3A_313 = arith.constant 0 : i32
      %cond3A_314 = arith.cmpi ne, %convert_element_type3A_312, %cond3A_313 : i32
      scf.if %cond3A_314 {
        %add3A_384 = arith.constant 4 : i32
        %add3A_385 = arith.addi %scan3A_168, %add3A_384 : i32
        %sub3A_386 = arith.constant 1 : i32
        %sub3A_387 = arith.subi %add3A_385, %sub3A_386 : i32
        %mul3A_388 = arith.constant 80 : i32
        %mul3A_389 = arith.muli %sub3A_387, %mul3A_388 : i32
        %add3A_390 = arith.addi %mul3A_4, %mul3A_389 : i32
        %dma_start3A_391 = arith.constant 0 : i32
        %dma_start3A_392 = arith.constant 0 : i32
        %dma_start3A_393 = tpu.memref_slice %arg5[%dma_start3A_391, %dma_start3A_392] : memref<8x80xi32, #tpu.memory_space<vmem>> -> memref<1x80xi32, #tpu.memory_space<vmem>>
        %dma_start3A_394 = tpu.memref_squeeze %dma_start3A_393 : memref<1x80xi32, #tpu.memory_space<vmem>> -> memref<80xi32, #tpu.memory_space<vmem>>
        %dma_start3A_395 = tpu.memref_slice %arg3[%add3A_390] : memref<640000xi32, #tpu.memory_space<hbm>> -> memref<80xi32, #tpu.memory_space<hbm>>
        %dma_start3A_396 = arith.constant 0 : i32
        %dma_start3A_397 = tpu.memref_slice %arg5[%dma_start3A_391, %dma_start3A_396] : memref<8x80xi32, #tpu.memory_space<vmem>> -> memref<1x80xi32, #tpu.memory_space<vmem>>
        %dma_start3A_398 = tpu.memref_squeeze %dma_start3A_397 : memref<1x80xi32, #tpu.memory_space<vmem>> -> memref<80xi32, #tpu.memory_space<vmem>>
        %dma_start3A_399 = tpu.memref_slice %arg3[%add3A_390] : memref<640000xi32, #tpu.memory_space<hbm>> -> memref<80xi32, #tpu.memory_space<hbm>>
        tpu.enqueue_dma source(%dma_start3A_399 : memref<80xi32, #tpu.memory_space<hbm>>) target(%dma_start3A_398 : memref<80xi32, #tpu.memory_space<vmem>>) target_semaphore(%arg9 : memref<!tpu.dma_semaphore, #tpu.memory_space<semaphore_mem>>)
        %add3A_400 = arith.constant 320000 : i32
        %add3A_401 = arith.addi %add3A_400, %mul3A_4 : i32
        %mul3A_402 = arith.constant 80 : i32
        %mul3A_403 = arith.muli %sub3A_387, %mul3A_402 : i32
        %add3A_404 = arith.addi %add3A_401, %mul3A_403 : i32
        %dma_start3A_405 = arith.constant 0 : i32
        %dma_start3A_406 = arith.constant 0 : i32
        %dma_start3A_407 = tpu.memref_slice %arg6[%dma_start3A_405, %dma_start3A_406] : memref<8x80xi32, #tpu.memory_space<vmem>> -> memref<1x80xi32, #tpu.memory_space<vmem>>
        %dma_start3A_408 = tpu.memref_squeeze %dma_start3A_407 : memref<1x80xi32, #tpu.memory_space<vmem>> -> memref<80xi32, #tpu.memory_space<vmem>>
        %dma_start3A_409 = tpu.memref_slice %arg3[%add3A_404] : memref<640000xi32, #tpu.memory_space<hbm>> -> memref<80xi32, #tpu.memory_space<hbm>>
        %dma_start3A_410 = arith.constant 0 : i32
        %dma_start3A_411 = tpu.memref_slice %arg6[%dma_start3A_405, %dma_start3A_410] : memref<8x80xi32, #tpu.memory_space<vmem>> -> memref<1x80xi32, #tpu.memory_space<vmem>>
        %dma_start3A_412 = tpu.memref_squeeze %dma_start3A_411 : memref<1x80xi32, #tpu.memory_space<vmem>> -> memref<80xi32, #tpu.memory_space<vmem>>
        %dma_start3A_413 = tpu.memref_slice %arg3[%add3A_404] : memref<640000xi32, #tpu.memory_space<hbm>> -> memref<80xi32, #tpu.memory_space<hbm>>
        tpu.enqueue_dma source(%dma_start3A_413 : memref<80xi32, #tpu.memory_space<hbm>>) target(%dma_start3A_412 : memref<80xi32, #tpu.memory_space<vmem>>) target_semaphore(%arg17 : memref<!tpu.dma_semaphore, #tpu.memory_space<semaphore_mem>>)
      } else {
      }
      %eq3A_315 = arith.constant 5 : i32
      %eq3A_316 = arith.cmpi eq, %rem3A_169, %eq3A_315 : i32
      %add3A_317 = arith.constant 1 : i32
      %add3A_318 = arith.addi %scan3A_168, %add3A_317 : i32
      %lt3A_319 = arith.constant 125 : i32
      %lt3A_320 = arith.cmpi slt, %add3A_318, %lt3A_319 : i32
      %and3A_321 = arith.andi %eq3A_316, %lt3A_320 : i1
      %convert_element_type3A_322 = arith.extui %and3A_321 : i1 to i32
      %cond3A_323 = arith.constant 0 : i32
      %cond3A_324 = arith.cmpi ne, %convert_element_type3A_322, %cond3A_323 : i32
      scf.if %cond3A_324 {
        %add3A_384 = arith.constant 1 : i32
        %add3A_385 = arith.addi %scan3A_168, %add3A_384 : i32
        %ge3A = arith.constant 4 : i32
        %ge3A_386 = arith.cmpi sge, %add3A_385, %ge3A : i32
        %convert_element_type3A_387 = arith.extui %ge3A_386 : i1 to i32
        %cond3A_388 = arith.constant 0 : i32
        %cond3A_389 = arith.cmpi ne, %convert_element_type3A_387, %cond3A_388 : i32
        scf.if %cond3A_389 {
          %dma_wait3A_416 = arith.constant 2 : i32
          %dma_wait3A_417 = arith.constant 2 : i32
          %dma_wait3A_418 = arith.constant 0 : i32
          %dma_wait3A_419 = arith.constant 0 : i32
          %dma_wait3A_420 = tpu.memref_slice %arg7[%dma_wait3A_416, %dma_wait3A_418, %dma_wait3A_419] : memref<4x80x128xf32, #tpu.memory_space<vmem>> -> memref<1x80x128xf32, #tpu.memory_space<vmem>>
          %dma_wait3A_421 = tpu.memref_squeeze %dma_wait3A_420 : memref<1x80x128xf32, #tpu.memory_space<vmem>> -> memref<80x128xf32, #tpu.memory_space<vmem>>
          %dma_wait3A_422 = arith.constant 0 : i32
          %dma_wait3A_423 = tpu.memref_slice %arg6[%dma_wait3A_417, %dma_wait3A_422] : memref<8x80xi32, #tpu.memory_space<vmem>> -> memref<1x80xi32, #tpu.memory_space<vmem>>
          %dma_wait3A_424 = tpu.memref_squeeze %dma_wait3A_423 : memref<1x80xi32, #tpu.memory_space<vmem>> -> memref<80xi32, #tpu.memory_space<vmem>>
          %dma_wait3A_425 = arith.constant 0 : i32
          %dma_wait3A_426 = arith.constant 0 : i32
          %dma_wait3A_427 = tpu.memref_slice %arg8[%dma_wait3A_425, %dma_wait3A_426] : memref<10240x128xf32, #tpu.memory_space<vmem_shared>> -> memref<10240x128xf32, #tpu.memory_space<vmem_shared>>
          tpu.wait_indirect_dma semaphore(%arg31 : memref<!tpu.dma_semaphore, #tpu.memory_space<semaphore_mem>>) src(%dma_wait3A_421 : memref<80x128xf32, #tpu.memory_space<vmem>>) dst(%dma_wait3A_427 : memref<10240x128xf32, #tpu.memory_space<vmem_shared>>)
        } else {
        }
        %add3A_390 = arith.constant 1 : i32
        %add3A_391 = arith.addi %scan3A_168, %add3A_390 : i32
        %mul3A_392 = arith.constant 80 : i32
        %mul3A_393 = arith.muli %add3A_391, %mul3A_392 : i32
        %add3A_394 = arith.addi %mul3A_4, %mul3A_393 : i32
        %dma_wait3A_395 = arith.constant 6 : i32
        %dma_wait3A_396 = arith.constant 0 : i32
        %dma_wait3A_397 = tpu.memref_slice %arg5[%dma_wait3A_395, %dma_wait3A_396] : memref<8x80xi32, #tpu.memory_space<vmem>> -> memref<1x80xi32, #tpu.memory_space<vmem>>
        %dma_wait3A_398 = tpu.memref_squeeze %dma_wait3A_397 : memref<1x80xi32, #tpu.memory_space<vmem>> -> memref<80xi32, #tpu.memory_space<vmem>>
        %dma_wait3A_399 = tpu.memref_slice %arg3[%add3A_394] : memref<640000xi32, #tpu.memory_space<hbm>> -> memref<80xi32, #tpu.memory_space<hbm>>
        %dma_wait3A_400 = arith.constant 0 : i32
        %dma_wait3A_401 = tpu.memref_slice %arg5[%dma_wait3A_395, %dma_wait3A_400] : memref<8x80xi32, #tpu.memory_space<vmem>> -> memref<1x80xi32, #tpu.memory_space<vmem>>
        %dma_wait3A_402 = tpu.memref_squeeze %dma_wait3A_401 : memref<1x80xi32, #tpu.memory_space<vmem>> -> memref<80xi32, #tpu.memory_space<vmem>>
        %dma_wait3A_403 = tpu.memref_slice %arg3[%add3A_394] : memref<640000xi32, #tpu.memory_space<hbm>> -> memref<80xi32, #tpu.memory_space<hbm>>
        tpu.wait_dma2 semaphore(%arg15 : memref<!tpu.dma_semaphore, #tpu.memory_space<semaphore_mem>>) src(%dma_wait3A_403 : memref<80xi32, #tpu.memory_space<hbm>>) dst(%dma_wait3A_402 : memref<80xi32, #tpu.memory_space<vmem>>)
        %dma_start3A_404 = arith.constant 6 : i32
        %dma_start3A_405 = arith.constant 2 : i32
        %dma_start3A_406 = arith.constant 0 : i32
        %dma_start3A_407 = arith.constant 0 : i32
        %dma_start3A_408 = tpu.memref_slice %arg7[%dma_start3A_405, %dma_start3A_406, %dma_start3A_407] : memref<4x80x128xf32, #tpu.memory_space<vmem>> -> memref<1x80x128xf32, #tpu.memory_space<vmem>>
        %dma_start3A_409 = tpu.memref_squeeze %dma_start3A_408 : memref<1x80x128xf32, #tpu.memory_space<vmem>> -> memref<80x128xf32, #tpu.memory_space<vmem>>
        %dma_start3A_410 = arith.constant 0 : i32
        %dma_start3A_411 = tpu.memref_slice %arg5[%dma_start3A_404, %dma_start3A_410] : memref<8x80xi32, #tpu.memory_space<vmem>> -> memref<1x80xi32, #tpu.memory_space<vmem>>
        %dma_start3A_412 = tpu.memref_squeeze %dma_start3A_411 : memref<1x80xi32, #tpu.memory_space<vmem>> -> memref<80xi32, #tpu.memory_space<vmem>>
        %dma_start3A_413 = arith.constant 0 : i32
        %dma_start3A_414 = arith.constant 0 : i32
        %dma_start3A_415 = tpu.memref_slice %arg2[%dma_start3A_413, %dma_start3A_414] : memref<10000x128xf32, #tpu.memory_space<hbm>> -> memref<10000x128xf32, #tpu.memory_space<hbm>>
        tpu.enqueue_indirect_dma source(%dma_start3A_415 : memref<10000x128xf32, #tpu.memory_space<hbm>>) target(%dma_start3A_409 : memref<80x128xf32, #tpu.memory_space<vmem>>) offsets(%dma_start3A_412 : memref<80xi32, #tpu.memory_space<vmem>>) semaphore(%arg27 : memref<!tpu.dma_semaphore, #tpu.memory_space<semaphore_mem>>)
      } else {
      }
      %eq3A_325 = arith.constant 5 : i32
      %eq3A_326 = arith.cmpi eq, %rem3A_169, %eq3A_325 : i32
      %convert_element_type3A_327 = arith.extui %eq3A_326 : i1 to i32
      %cond3A_328 = arith.constant 0 : i32
      %cond3A_329 = arith.cmpi ne, %convert_element_type3A_327, %cond3A_328 : i32
      scf.if %cond3A_329 {
        %dma_wait3A_384 = arith.constant 5 : i32
        %dma_wait3A_385 = arith.constant 1 : i32
        %dma_wait3A_386 = arith.constant 0 : i32
        %dma_wait3A_387 = arith.constant 0 : i32
        %dma_wait3A_388 = tpu.memref_slice %arg7[%dma_wait3A_385, %dma_wait3A_386, %dma_wait3A_387] : memref<4x80x128xf32, #tpu.memory_space<vmem>> -> memref<1x80x128xf32, #tpu.memory_space<vmem>>
        %dma_wait3A_389 = tpu.memref_squeeze %dma_wait3A_388 : memref<1x80x128xf32, #tpu.memory_space<vmem>> -> memref<80x128xf32, #tpu.memory_space<vmem>>
        %dma_wait3A_390 = arith.constant 0 : i32
        %dma_wait3A_391 = tpu.memref_slice %arg5[%dma_wait3A_384, %dma_wait3A_390] : memref<8x80xi32, #tpu.memory_space<vmem>> -> memref<1x80xi32, #tpu.memory_space<vmem>>
        %dma_wait3A_392 = tpu.memref_squeeze %dma_wait3A_391 : memref<1x80xi32, #tpu.memory_space<vmem>> -> memref<80xi32, #tpu.memory_space<vmem>>
        %dma_wait3A_393 = arith.constant 0 : i32
        %dma_wait3A_394 = arith.constant 0 : i32
        %dma_wait3A_395 = tpu.memref_slice %arg2[%dma_wait3A_393, %dma_wait3A_394] : memref<10000x128xf32, #tpu.memory_space<hbm>> -> memref<10000x128xf32, #tpu.memory_space<hbm>>
        tpu.wait_indirect_dma semaphore(%arg26 : memref<!tpu.dma_semaphore, #tpu.memory_space<semaphore_mem>>) src(%dma_wait3A_395 : memref<10000x128xf32, #tpu.memory_space<hbm>>) dst(%dma_wait3A_389 : memref<80x128xf32, #tpu.memory_space<vmem>>)
        %add3A_396 = arith.constant 320000 : i32
        %add3A_397 = arith.addi %add3A_396, %mul3A_4 : i32
        %mul3A_398 = arith.constant 80 : i32
        %mul3A_399 = arith.muli %scan3A_168, %mul3A_398 : i32
        %add3A_400 = arith.addi %add3A_397, %mul3A_399 : i32
        %dma_wait3A_401 = arith.constant 5 : i32
        %dma_wait3A_402 = arith.constant 0 : i32
        %dma_wait3A_403 = tpu.memref_slice %arg6[%dma_wait3A_401, %dma_wait3A_402] : memref<8x80xi32, #tpu.memory_space<vmem>> -> memref<1x80xi32, #tpu.memory_space<vmem>>
        %dma_wait3A_404 = tpu.memref_squeeze %dma_wait3A_403 : memref<1x80xi32, #tpu.memory_space<vmem>> -> memref<80xi32, #tpu.memory_space<vmem>>
        %dma_wait3A_405 = tpu.memref_slice %arg3[%add3A_400] : memref<640000xi32, #tpu.memory_space<hbm>> -> memref<80xi32, #tpu.memory_space<hbm>>
        %dma_wait3A_406 = arith.constant 0 : i32
        %dma_wait3A_407 = tpu.memref_slice %arg6[%dma_wait3A_401, %dma_wait3A_406] : memref<8x80xi32, #tpu.memory_space<vmem>> -> memref<1x80xi32, #tpu.memory_space<vmem>>
        %dma_wait3A_408 = tpu.memref_squeeze %dma_wait3A_407 : memref<1x80xi32, #tpu.memory_space<vmem>> -> memref<80xi32, #tpu.memory_space<vmem>>
        %dma_wait3A_409 = tpu.memref_slice %arg3[%add3A_400] : memref<640000xi32, #tpu.memory_space<hbm>> -> memref<80xi32, #tpu.memory_space<hbm>>
        tpu.wait_dma2 semaphore(%arg22 : memref<!tpu.dma_semaphore, #tpu.memory_space<semaphore_mem>>) src(%dma_wait3A_409 : memref<80xi32, #tpu.memory_space<hbm>>) dst(%dma_wait3A_408 : memref<80xi32, #tpu.memory_space<vmem>>)
        %dma_start3A_410 = arith.constant 1 : i32
        %dma_start3A_411 = arith.constant 5 : i32
        %dma_start3A_412 = arith.constant 0 : i32
        %dma_start3A_413 = arith.constant 0 : i32
        %dma_start3A_414 = tpu.memref_slice %arg7[%dma_start3A_410, %dma_start3A_412, %dma_start3A_413] : memref<4x80x128xf32, #tpu.memory_space<vmem>> -> memref<1x80x128xf32, #tpu.memory_space<vmem>>
        %dma_start3A_415 = tpu.memref_squeeze %dma_start3A_414 : memref<1x80x128xf32, #tpu.memory_space<vmem>> -> memref<80x128xf32, #tpu.memory_space<vmem>>
        %dma_start3A_416 = arith.constant 0 : i32
        %dma_start3A_417 = tpu.memref_slice %arg6[%dma_start3A_411, %dma_start3A_416] : memref<8x80xi32, #tpu.memory_space<vmem>> -> memref<1x80xi32, #tpu.memory_space<vmem>>
        %dma_start3A_418 = tpu.memref_squeeze %dma_start3A_417 : memref<1x80xi32, #tpu.memory_space<vmem>> -> memref<80xi32, #tpu.memory_space<vmem>>
        %dma_start3A_419 = arith.constant 0 : i32
        %dma_start3A_420 = arith.constant 0 : i32
        %dma_start3A_421 = tpu.memref_slice %arg8[%dma_start3A_419, %dma_start3A_420] : memref<10240x128xf32, #tpu.memory_space<vmem_shared>> -> memref<10240x128xf32, #tpu.memory_space<vmem_shared>>
        tpu.enqueue_indirect_dma source(%dma_start3A_415 : memref<80x128xf32, #tpu.memory_space<vmem>>) target(%dma_start3A_421 : memref<10240x128xf32, #tpu.memory_space<vmem_shared>>) offsets(%dma_start3A_418 : memref<80xi32, #tpu.memory_space<vmem>>) semaphore(%arg30 : memref<!tpu.dma_semaphore, #tpu.memory_space<semaphore_mem>>) {add = true}
      } else {
      }
      %eq3A_330 = arith.constant 6 : i32
      %eq3A_331 = arith.cmpi eq, %rem3A_169, %eq3A_330 : i32
      %add3A_332 = arith.constant 4 : i32
      %add3A_333 = arith.addi %scan3A_168, %add3A_332 : i32
      %sub3A_334 = arith.constant 1 : i32
      %sub3A_335 = arith.subi %add3A_333, %sub3A_334 : i32
      %lt3A_336 = arith.constant 125 : i32
      %lt3A_337 = arith.cmpi slt, %sub3A_335, %lt3A_336 : i32
      %and3A_338 = arith.andi %eq3A_331, %lt3A_337 : i1
      %convert_element_type3A_339 = arith.extui %and3A_338 : i1 to i32
      %cond3A_340 = arith.constant 0 : i32
      %cond3A_341 = arith.cmpi ne, %convert_element_type3A_339, %cond3A_340 : i32
      scf.if %cond3A_341 {
        %add3A_384 = arith.constant 4 : i32
        %add3A_385 = arith.addi %scan3A_168, %add3A_384 : i32
        %sub3A_386 = arith.constant 1 : i32
        %sub3A_387 = arith.subi %add3A_385, %sub3A_386 : i32
        %mul3A_388 = arith.constant 80 : i32
        %mul3A_389 = arith.muli %sub3A_387, %mul3A_388 : i32
        %add3A_390 = arith.addi %mul3A_4, %mul3A_389 : i32
        %dma_start3A_391 = arith.constant 1 : i32
        %dma_start3A_392 = arith.constant 0 : i32
        %dma_start3A_393 = tpu.memref_slice %arg5[%dma_start3A_391, %dma_start3A_392] : memref<8x80xi32, #tpu.memory_space<vmem>> -> memref<1x80xi32, #tpu.memory_space<vmem>>
        %dma_start3A_394 = tpu.memref_squeeze %dma_start3A_393 : memref<1x80xi32, #tpu.memory_space<vmem>> -> memref<80xi32, #tpu.memory_space<vmem>>
        %dma_start3A_395 = tpu.memref_slice %arg3[%add3A_390] : memref<640000xi32, #tpu.memory_space<hbm>> -> memref<80xi32, #tpu.memory_space<hbm>>
        %dma_start3A_396 = arith.constant 0 : i32
        %dma_start3A_397 = tpu.memref_slice %arg5[%dma_start3A_391, %dma_start3A_396] : memref<8x80xi32, #tpu.memory_space<vmem>> -> memref<1x80xi32, #tpu.memory_space<vmem>>
        %dma_start3A_398 = tpu.memref_squeeze %dma_start3A_397 : memref<1x80xi32, #tpu.memory_space<vmem>> -> memref<80xi32, #tpu.memory_space<vmem>>
        %dma_start3A_399 = tpu.memref_slice %arg3[%add3A_390] : memref<640000xi32, #tpu.memory_space<hbm>> -> memref<80xi32, #tpu.memory_space<hbm>>
        tpu.enqueue_dma source(%dma_start3A_399 : memref<80xi32, #tpu.memory_space<hbm>>) target(%dma_start3A_398 : memref<80xi32, #tpu.memory_space<vmem>>) target_semaphore(%arg10 : memref<!tpu.dma_semaphore, #tpu.memory_space<semaphore_mem>>)
        %add3A_400 = arith.constant 320000 : i32
        %add3A_401 = arith.addi %add3A_400, %mul3A_4 : i32
        %mul3A_402 = arith.constant 80 : i32
        %mul3A_403 = arith.muli %sub3A_387, %mul3A_402 : i32
        %add3A_404 = arith.addi %add3A_401, %mul3A_403 : i32
        %dma_start3A_405 = arith.constant 1 : i32
        %dma_start3A_406 = arith.constant 0 : i32
        %dma_start3A_407 = tpu.memref_slice %arg6[%dma_start3A_405, %dma_start3A_406] : memref<8x80xi32, #tpu.memory_space<vmem>> -> memref<1x80xi32, #tpu.memory_space<vmem>>
        %dma_start3A_408 = tpu.memref_squeeze %dma_start3A_407 : memref<1x80xi32, #tpu.memory_space<vmem>> -> memref<80xi32, #tpu.memory_space<vmem>>
        %dma_start3A_409 = tpu.memref_slice %arg3[%add3A_404] : memref<640000xi32, #tpu.memory_space<hbm>> -> memref<80xi32, #tpu.memory_space<hbm>>
        %dma_start3A_410 = arith.constant 0 : i32
        %dma_start3A_411 = tpu.memref_slice %arg6[%dma_start3A_405, %dma_start3A_410] : memref<8x80xi32, #tpu.memory_space<vmem>> -> memref<1x80xi32, #tpu.memory_space<vmem>>
        %dma_start3A_412 = tpu.memref_squeeze %dma_start3A_411 : memref<1x80xi32, #tpu.memory_space<vmem>> -> memref<80xi32, #tpu.memory_space<vmem>>
        %dma_start3A_413 = tpu.memref_slice %arg3[%add3A_404] : memref<640000xi32, #tpu.memory_space<hbm>> -> memref<80xi32, #tpu.memory_space<hbm>>
        tpu.enqueue_dma source(%dma_start3A_413 : memref<80xi32, #tpu.memory_space<hbm>>) target(%dma_start3A_412 : memref<80xi32, #tpu.memory_space<vmem>>) target_semaphore(%arg18 : memref<!tpu.dma_semaphore, #tpu.memory_space<semaphore_mem>>)
      } else {
      }
      %eq3A_342 = arith.constant 6 : i32
      %eq3A_343 = arith.cmpi eq, %rem3A_169, %eq3A_342 : i32
      %add3A_344 = arith.constant 1 : i32
      %add3A_345 = arith.addi %scan3A_168, %add3A_344 : i32
      %lt3A_346 = arith.constant 125 : i32
      %lt3A_347 = arith.cmpi slt, %add3A_345, %lt3A_346 : i32
      %and3A_348 = arith.andi %eq3A_343, %lt3A_347 : i1
      %convert_element_type3A_349 = arith.extui %and3A_348 : i1 to i32
      %cond3A_350 = arith.constant 0 : i32
      %cond3A_351 = arith.cmpi ne, %convert_element_type3A_349, %cond3A_350 : i32
      scf.if %cond3A_351 {
        %add3A_384 = arith.constant 1 : i32
        %add3A_385 = arith.addi %scan3A_168, %add3A_384 : i32
        %ge3A = arith.constant 4 : i32
        %ge3A_386 = arith.cmpi sge, %add3A_385, %ge3A : i32
        %convert_element_type3A_387 = arith.extui %ge3A_386 : i1 to i32
        %cond3A_388 = arith.constant 0 : i32
        %cond3A_389 = arith.cmpi ne, %convert_element_type3A_387, %cond3A_388 : i32
        scf.if %cond3A_389 {
          %dma_wait3A_416 = arith.constant 3 : i32
          %dma_wait3A_417 = arith.constant 3 : i32
          %dma_wait3A_418 = arith.constant 0 : i32
          %dma_wait3A_419 = arith.constant 0 : i32
          %dma_wait3A_420 = tpu.memref_slice %arg7[%dma_wait3A_416, %dma_wait3A_418, %dma_wait3A_419] : memref<4x80x128xf32, #tpu.memory_space<vmem>> -> memref<1x80x128xf32, #tpu.memory_space<vmem>>
          %dma_wait3A_421 = tpu.memref_squeeze %dma_wait3A_420 : memref<1x80x128xf32, #tpu.memory_space<vmem>> -> memref<80x128xf32, #tpu.memory_space<vmem>>
          %dma_wait3A_422 = arith.constant 0 : i32
          %dma_wait3A_423 = tpu.memref_slice %arg6[%dma_wait3A_417, %dma_wait3A_422] : memref<8x80xi32, #tpu.memory_space<vmem>> -> memref<1x80xi32, #tpu.memory_space<vmem>>
          %dma_wait3A_424 = tpu.memref_squeeze %dma_wait3A_423 : memref<1x80xi32, #tpu.memory_space<vmem>> -> memref<80xi32, #tpu.memory_space<vmem>>
          %dma_wait3A_425 = arith.constant 0 : i32
          %dma_wait3A_426 = arith.constant 0 : i32
          %dma_wait3A_427 = tpu.memref_slice %arg8[%dma_wait3A_425, %dma_wait3A_426] : memref<10240x128xf32, #tpu.memory_space<vmem_shared>> -> memref<10240x128xf32, #tpu.memory_space<vmem_shared>>
          tpu.wait_indirect_dma semaphore(%arg32 : memref<!tpu.dma_semaphore, #tpu.memory_space<semaphore_mem>>) src(%dma_wait3A_421 : memref<80x128xf32, #tpu.memory_space<vmem>>) dst(%dma_wait3A_427 : memref<10240x128xf32, #tpu.memory_space<vmem_shared>>)
        } else {
        }
        %add3A_390 = arith.constant 1 : i32
        %add3A_391 = arith.addi %scan3A_168, %add3A_390 : i32
        %mul3A_392 = arith.constant 80 : i32
        %mul3A_393 = arith.muli %add3A_391, %mul3A_392 : i32
        %add3A_394 = arith.addi %mul3A_4, %mul3A_393 : i32
        %dma_wait3A_395 = arith.constant 7 : i32
        %dma_wait3A_396 = arith.constant 0 : i32
        %dma_wait3A_397 = tpu.memref_slice %arg5[%dma_wait3A_395, %dma_wait3A_396] : memref<8x80xi32, #tpu.memory_space<vmem>> -> memref<1x80xi32, #tpu.memory_space<vmem>>
        %dma_wait3A_398 = tpu.memref_squeeze %dma_wait3A_397 : memref<1x80xi32, #tpu.memory_space<vmem>> -> memref<80xi32, #tpu.memory_space<vmem>>
        %dma_wait3A_399 = tpu.memref_slice %arg3[%add3A_394] : memref<640000xi32, #tpu.memory_space<hbm>> -> memref<80xi32, #tpu.memory_space<hbm>>
        %dma_wait3A_400 = arith.constant 0 : i32
        %dma_wait3A_401 = tpu.memref_slice %arg5[%dma_wait3A_395, %dma_wait3A_400] : memref<8x80xi32, #tpu.memory_space<vmem>> -> memref<1x80xi32, #tpu.memory_space<vmem>>
        %dma_wait3A_402 = tpu.memref_squeeze %dma_wait3A_401 : memref<1x80xi32, #tpu.memory_space<vmem>> -> memref<80xi32, #tpu.memory_space<vmem>>
        %dma_wait3A_403 = tpu.memref_slice %arg3[%add3A_394] : memref<640000xi32, #tpu.memory_space<hbm>> -> memref<80xi32, #tpu.memory_space<hbm>>
        tpu.wait_dma2 semaphore(%arg16 : memref<!tpu.dma_semaphore, #tpu.memory_space<semaphore_mem>>) src(%dma_wait3A_403 : memref<80xi32, #tpu.memory_space<hbm>>) dst(%dma_wait3A_402 : memref<80xi32, #tpu.memory_space<vmem>>)
        %dma_start3A_404 = arith.constant 7 : i32
        %dma_start3A_405 = arith.constant 3 : i32
        %dma_start3A_406 = arith.constant 0 : i32
        %dma_start3A_407 = arith.constant 0 : i32
        %dma_start3A_408 = tpu.memref_slice %arg7[%dma_start3A_405, %dma_start3A_406, %dma_start3A_407] : memref<4x80x128xf32, #tpu.memory_space<vmem>> -> memref<1x80x128xf32, #tpu.memory_space<vmem>>
        %dma_start3A_409 = tpu.memref_squeeze %dma_start3A_408 : memref<1x80x128xf32, #tpu.memory_space<vmem>> -> memref<80x128xf32, #tpu.memory_space<vmem>>
        %dma_start3A_410 = arith.constant 0 : i32
        %dma_start3A_411 = tpu.memref_slice %arg5[%dma_start3A_404, %dma_start3A_410] : memref<8x80xi32, #tpu.memory_space<vmem>> -> memref<1x80xi32, #tpu.memory_space<vmem>>
        %dma_start3A_412 = tpu.memref_squeeze %dma_start3A_411 : memref<1x80xi32, #tpu.memory_space<vmem>> -> memref<80xi32, #tpu.memory_space<vmem>>
        %dma_start3A_413 = arith.constant 0 : i32
        %dma_start3A_414 = arith.constant 0 : i32
        %dma_start3A_415 = tpu.memref_slice %arg2[%dma_start3A_413, %dma_start3A_414] : memref<10000x128xf32, #tpu.memory_space<hbm>> -> memref<10000x128xf32, #tpu.memory_space<hbm>>
        tpu.enqueue_indirect_dma source(%dma_start3A_415 : memref<10000x128xf32, #tpu.memory_space<hbm>>) target(%dma_start3A_409 : memref<80x128xf32, #tpu.memory_space<vmem>>) offsets(%dma_start3A_412 : memref<80xi32, #tpu.memory_space<vmem>>) semaphore(%arg28 : memref<!tpu.dma_semaphore, #tpu.memory_space<semaphore_mem>>)
      } else {
      }
      %eq3A_352 = arith.constant 6 : i32
      %eq3A_353 = arith.cmpi eq, %rem3A_169, %eq3A_352 : i32
      %convert_element_type3A_354 = arith.extui %eq3A_353 : i1 to i32
      %cond3A_355 = arith.constant 0 : i32
      %cond3A_356 = arith.cmpi ne, %convert_element_type3A_354, %cond3A_355 : i32
      scf.if %cond3A_356 {
        %dma_wait3A_384 = arith.constant 6 : i32
        %dma_wait3A_385 = arith.constant 2 : i32
        %dma_wait3A_386 = arith.constant 0 : i32
        %dma_wait3A_387 = arith.constant 0 : i32
        %dma_wait3A_388 = tpu.memref_slice %arg7[%dma_wait3A_385, %dma_wait3A_386, %dma_wait3A_387] : memref<4x80x128xf32, #tpu.memory_space<vmem>> -> memref<1x80x128xf32, #tpu.memory_space<vmem>>
        %dma_wait3A_389 = tpu.memref_squeeze %dma_wait3A_388 : memref<1x80x128xf32, #tpu.memory_space<vmem>> -> memref<80x128xf32, #tpu.memory_space<vmem>>
        %dma_wait3A_390 = arith.constant 0 : i32
        %dma_wait3A_391 = tpu.memref_slice %arg5[%dma_wait3A_384, %dma_wait3A_390] : memref<8x80xi32, #tpu.memory_space<vmem>> -> memref<1x80xi32, #tpu.memory_space<vmem>>
        %dma_wait3A_392 = tpu.memref_squeeze %dma_wait3A_391 : memref<1x80xi32, #tpu.memory_space<vmem>> -> memref<80xi32, #tpu.memory_space<vmem>>
        %dma_wait3A_393 = arith.constant 0 : i32
        %dma_wait3A_394 = arith.constant 0 : i32
        %dma_wait3A_395 = tpu.memref_slice %arg2[%dma_wait3A_393, %dma_wait3A_394] : memref<10000x128xf32, #tpu.memory_space<hbm>> -> memref<10000x128xf32, #tpu.memory_space<hbm>>
        tpu.wait_indirect_dma semaphore(%arg27 : memref<!tpu.dma_semaphore, #tpu.memory_space<semaphore_mem>>) src(%dma_wait3A_395 : memref<10000x128xf32, #tpu.memory_space<hbm>>) dst(%dma_wait3A_389 : memref<80x128xf32, #tpu.memory_space<vmem>>)
        %add3A_396 = arith.constant 320000 : i32
        %add3A_397 = arith.addi %add3A_396, %mul3A_4 : i32
        %mul3A_398 = arith.constant 80 : i32
        %mul3A_399 = arith.muli %scan3A_168, %mul3A_398 : i32
        %add3A_400 = arith.addi %add3A_397, %mul3A_399 : i32
        %dma_wait3A_401 = arith.constant 6 : i32
        %dma_wait3A_402 = arith.constant 0 : i32
        %dma_wait3A_403 = tpu.memref_slice %arg6[%dma_wait3A_401, %dma_wait3A_402] : memref<8x80xi32, #tpu.memory_space<vmem>> -> memref<1x80xi32, #tpu.memory_space<vmem>>
        %dma_wait3A_404 = tpu.memref_squeeze %dma_wait3A_403 : memref<1x80xi32, #tpu.memory_space<vmem>> -> memref<80xi32, #tpu.memory_space<vmem>>
        %dma_wait3A_405 = tpu.memref_slice %arg3[%add3A_400] : memref<640000xi32, #tpu.memory_space<hbm>> -> memref<80xi32, #tpu.memory_space<hbm>>
        %dma_wait3A_406 = arith.constant 0 : i32
        %dma_wait3A_407 = tpu.memref_slice %arg6[%dma_wait3A_401, %dma_wait3A_406] : memref<8x80xi32, #tpu.memory_space<vmem>> -> memref<1x80xi32, #tpu.memory_space<vmem>>
        %dma_wait3A_408 = tpu.memref_squeeze %dma_wait3A_407 : memref<1x80xi32, #tpu.memory_space<vmem>> -> memref<80xi32, #tpu.memory_space<vmem>>
        %dma_wait3A_409 = tpu.memref_slice %arg3[%add3A_400] : memref<640000xi32, #tpu.memory_space<hbm>> -> memref<80xi32, #tpu.memory_space<hbm>>
        tpu.wait_dma2 semaphore(%arg23 : memref<!tpu.dma_semaphore, #tpu.memory_space<semaphore_mem>>) src(%dma_wait3A_409 : memref<80xi32, #tpu.memory_space<hbm>>) dst(%dma_wait3A_408 : memref<80xi32, #tpu.memory_space<vmem>>)
        %dma_start3A_410 = arith.constant 2 : i32
        %dma_start3A_411 = arith.constant 6 : i32
        %dma_start3A_412 = arith.constant 0 : i32
        %dma_start3A_413 = arith.constant 0 : i32
        %dma_start3A_414 = tpu.memref_slice %arg7[%dma_start3A_410, %dma_start3A_412, %dma_start3A_413] : memref<4x80x128xf32, #tpu.memory_space<vmem>> -> memref<1x80x128xf32, #tpu.memory_space<vmem>>
        %dma_start3A_415 = tpu.memref_squeeze %dma_start3A_414 : memref<1x80x128xf32, #tpu.memory_space<vmem>> -> memref<80x128xf32, #tpu.memory_space<vmem>>
        %dma_start3A_416 = arith.constant 0 : i32
        %dma_start3A_417 = tpu.memref_slice %arg6[%dma_start3A_411, %dma_start3A_416] : memref<8x80xi32, #tpu.memory_space<vmem>> -> memref<1x80xi32, #tpu.memory_space<vmem>>
        %dma_start3A_418 = tpu.memref_squeeze %dma_start3A_417 : memref<1x80xi32, #tpu.memory_space<vmem>> -> memref<80xi32, #tpu.memory_space<vmem>>
        %dma_start3A_419 = arith.constant 0 : i32
        %dma_start3A_420 = arith.constant 0 : i32
        %dma_start3A_421 = tpu.memref_slice %arg8[%dma_start3A_419, %dma_start3A_420] : memref<10240x128xf32, #tpu.memory_space<vmem_shared>> -> memref<10240x128xf32, #tpu.memory_space<vmem_shared>>
        tpu.enqueue_indirect_dma source(%dma_start3A_415 : memref<80x128xf32, #tpu.memory_space<vmem>>) target(%dma_start3A_421 : memref<10240x128xf32, #tpu.memory_space<vmem_shared>>) offsets(%dma_start3A_418 : memref<80xi32, #tpu.memory_space<vmem>>) semaphore(%arg31 : memref<!tpu.dma_semaphore, #tpu.memory_space<semaphore_mem>>) {add = true}
      } else {
      }
      %eq3A_357 = arith.constant 7 : i32
      %eq3A_358 = arith.cmpi eq, %rem3A_169, %eq3A_357 : i32
      %add3A_359 = arith.constant 4 : i32
      %add3A_360 = arith.addi %scan3A_168, %add3A_359 : i32
      %sub3A_361 = arith.constant 1 : i32
      %sub3A_362 = arith.subi %add3A_360, %sub3A_361 : i32
      %lt3A_363 = arith.constant 125 : i32
      %lt3A_364 = arith.cmpi slt, %sub3A_362, %lt3A_363 : i32
      %and3A_365 = arith.andi %eq3A_358, %lt3A_364 : i1
      %convert_element_type3A_366 = arith.extui %and3A_365 : i1 to i32
      %cond3A_367 = arith.constant 0 : i32
      %cond3A_368 = arith.cmpi ne, %convert_element_type3A_366, %cond3A_367 : i32
      scf.if %cond3A_368 {
        %add3A_384 = arith.constant 4 : i32
        %add3A_385 = arith.addi %scan3A_168, %add3A_384 : i32
        %sub3A_386 = arith.constant 1 : i32
        %sub3A_387 = arith.subi %add3A_385, %sub3A_386 : i32
        %mul3A_388 = arith.constant 80 : i32
        %mul3A_389 = arith.muli %sub3A_387, %mul3A_388 : i32
        %add3A_390 = arith.addi %mul3A_4, %mul3A_389 : i32
        %dma_start3A_391 = arith.constant 2 : i32
        %dma_start3A_392 = arith.constant 0 : i32
        %dma_start3A_393 = tpu.memref_slice %arg5[%dma_start3A_391, %dma_start3A_392] : memref<8x80xi32, #tpu.memory_space<vmem>> -> memref<1x80xi32, #tpu.memory_space<vmem>>
        %dma_start3A_394 = tpu.memref_squeeze %dma_start3A_393 : memref<1x80xi32, #tpu.memory_space<vmem>> -> memref<80xi32, #tpu.memory_space<vmem>>
        %dma_start3A_395 = tpu.memref_slice %arg3[%add3A_390] : memref<640000xi32, #tpu.memory_space<hbm>> -> memref<80xi32, #tpu.memory_space<hbm>>
        %dma_start3A_396 = arith.constant 0 : i32
        %dma_start3A_397 = tpu.memref_slice %arg5[%dma_start3A_391, %dma_start3A_396] : memref<8x80xi32, #tpu.memory_space<vmem>> -> memref<1x80xi32, #tpu.memory_space<vmem>>
        %dma_start3A_398 = tpu.memref_squeeze %dma_start3A_397 : memref<1x80xi32, #tpu.memory_space<vmem>> -> memref<80xi32, #tpu.memory_space<vmem>>
        %dma_start3A_399 = tpu.memref_slice %arg3[%add3A_390] : memref<640000xi32, #tpu.memory_space<hbm>> -> memref<80xi32, #tpu.memory_space<hbm>>
        tpu.enqueue_dma source(%dma_start3A_399 : memref<80xi32, #tpu.memory_space<hbm>>) target(%dma_start3A_398 : memref<80xi32, #tpu.memory_space<vmem>>) target_semaphore(%arg11 : memref<!tpu.dma_semaphore, #tpu.memory_space<semaphore_mem>>)
        %add3A_400 = arith.constant 320000 : i32
        %add3A_401 = arith.addi %add3A_400, %mul3A_4 : i32
        %mul3A_402 = arith.constant 80 : i32
        %mul3A_403 = arith.muli %sub3A_387, %mul3A_402 : i32
        %add3A_404 = arith.addi %add3A_401, %mul3A_403 : i32
        %dma_start3A_405 = arith.constant 2 : i32
        %dma_start3A_406 = arith.constant 0 : i32
        %dma_start3A_407 = tpu.memref_slice %arg6[%dma_start3A_405, %dma_start3A_406] : memref<8x80xi32, #tpu.memory_space<vmem>> -> memref<1x80xi32, #tpu.memory_space<vmem>>
        %dma_start3A_408 = tpu.memref_squeeze %dma_start3A_407 : memref<1x80xi32, #tpu.memory_space<vmem>> -> memref<80xi32, #tpu.memory_space<vmem>>
        %dma_start3A_409 = tpu.memref_slice %arg3[%add3A_404] : memref<640000xi32, #tpu.memory_space<hbm>> -> memref<80xi32, #tpu.memory_space<hbm>>
        %dma_start3A_410 = arith.constant 0 : i32
        %dma_start3A_411 = tpu.memref_slice %arg6[%dma_start3A_405, %dma_start3A_410] : memref<8x80xi32, #tpu.memory_space<vmem>> -> memref<1x80xi32, #tpu.memory_space<vmem>>
        %dma_start3A_412 = tpu.memref_squeeze %dma_start3A_411 : memref<1x80xi32, #tpu.memory_space<vmem>> -> memref<80xi32, #tpu.memory_space<vmem>>
        %dma_start3A_413 = tpu.memref_slice %arg3[%add3A_404] : memref<640000xi32, #tpu.memory_space<hbm>> -> memref<80xi32, #tpu.memory_space<hbm>>
        tpu.enqueue_dma source(%dma_start3A_413 : memref<80xi32, #tpu.memory_space<hbm>>) target(%dma_start3A_412 : memref<80xi32, #tpu.memory_space<vmem>>) target_semaphore(%arg19 : memref<!tpu.dma_semaphore, #tpu.memory_space<semaphore_mem>>)
      } else {
      }
      %eq3A_369 = arith.constant 7 : i32
      %eq3A_370 = arith.cmpi eq, %rem3A_169, %eq3A_369 : i32
      %add3A_371 = arith.constant 1 : i32
      %add3A_372 = arith.addi %scan3A_168, %add3A_371 : i32
      %lt3A_373 = arith.constant 125 : i32
      %lt3A_374 = arith.cmpi slt, %add3A_372, %lt3A_373 : i32
      %and3A_375 = arith.andi %eq3A_370, %lt3A_374 : i1
      %convert_element_type3A_376 = arith.extui %and3A_375 : i1 to i32
      %cond3A_377 = arith.constant 0 : i32
      %cond3A_378 = arith.cmpi ne, %convert_element_type3A_376, %cond3A_377 : i32
      scf.if %cond3A_378 {
        %add3A_384 = arith.constant 1 : i32
        %add3A_385 = arith.addi %scan3A_168, %add3A_384 : i32
        %ge3A = arith.constant 4 : i32
        %ge3A_386 = arith.cmpi sge, %add3A_385, %ge3A : i32
        %convert_element_type3A_387 = arith.extui %ge3A_386 : i1 to i32
        %cond3A_388 = arith.constant 0 : i32
        %cond3A_389 = arith.cmpi ne, %convert_element_type3A_387, %cond3A_388 : i32
        scf.if %cond3A_389 {
          %dma_wait3A_416 = arith.constant 0 : i32
          %dma_wait3A_417 = arith.constant 4 : i32
          %dma_wait3A_418 = arith.constant 0 : i32
          %dma_wait3A_419 = arith.constant 0 : i32
          %dma_wait3A_420 = tpu.memref_slice %arg7[%dma_wait3A_416, %dma_wait3A_418, %dma_wait3A_419] : memref<4x80x128xf32, #tpu.memory_space<vmem>> -> memref<1x80x128xf32, #tpu.memory_space<vmem>>
          %dma_wait3A_421 = tpu.memref_squeeze %dma_wait3A_420 : memref<1x80x128xf32, #tpu.memory_space<vmem>> -> memref<80x128xf32, #tpu.memory_space<vmem>>
          %dma_wait3A_422 = arith.constant 0 : i32
          %dma_wait3A_423 = tpu.memref_slice %arg6[%dma_wait3A_417, %dma_wait3A_422] : memref<8x80xi32, #tpu.memory_space<vmem>> -> memref<1x80xi32, #tpu.memory_space<vmem>>
          %dma_wait3A_424 = tpu.memref_squeeze %dma_wait3A_423 : memref<1x80xi32, #tpu.memory_space<vmem>> -> memref<80xi32, #tpu.memory_space<vmem>>
          %dma_wait3A_425 = arith.constant 0 : i32
          %dma_wait3A_426 = arith.constant 0 : i32
          %dma_wait3A_427 = tpu.memref_slice %arg8[%dma_wait3A_425, %dma_wait3A_426] : memref<10240x128xf32, #tpu.memory_space<vmem_shared>> -> memref<10240x128xf32, #tpu.memory_space<vmem_shared>>
          tpu.wait_indirect_dma semaphore(%arg29 : memref<!tpu.dma_semaphore, #tpu.memory_space<semaphore_mem>>) src(%dma_wait3A_421 : memref<80x128xf32, #tpu.memory_space<vmem>>) dst(%dma_wait3A_427 : memref<10240x128xf32, #tpu.memory_space<vmem_shared>>)
        } else {
        }
        %add3A_390 = arith.constant 1 : i32
        %add3A_391 = arith.addi %scan3A_168, %add3A_390 : i32
        %mul3A_392 = arith.constant 80 : i32
        %mul3A_393 = arith.muli %add3A_391, %mul3A_392 : i32
        %add3A_394 = arith.addi %mul3A_4, %mul3A_393 : i32
        %dma_wait3A_395 = arith.constant 0 : i32
        %dma_wait3A_396 = arith.constant 0 : i32
        %dma_wait3A_397 = tpu.memref_slice %arg5[%dma_wait3A_395, %dma_wait3A_396] : memref<8x80xi32, #tpu.memory_space<vmem>> -> memref<1x80xi32, #tpu.memory_space<vmem>>
        %dma_wait3A_398 = tpu.memref_squeeze %dma_wait3A_397 : memref<1x80xi32, #tpu.memory_space<vmem>> -> memref<80xi32, #tpu.memory_space<vmem>>
        %dma_wait3A_399 = tpu.memref_slice %arg3[%add3A_394] : memref<640000xi32, #tpu.memory_space<hbm>> -> memref<80xi32, #tpu.memory_space<hbm>>
        %dma_wait3A_400 = arith.constant 0 : i32
        %dma_wait3A_401 = tpu.memref_slice %arg5[%dma_wait3A_395, %dma_wait3A_400] : memref<8x80xi32, #tpu.memory_space<vmem>> -> memref<1x80xi32, #tpu.memory_space<vmem>>
        %dma_wait3A_402 = tpu.memref_squeeze %dma_wait3A_401 : memref<1x80xi32, #tpu.memory_space<vmem>> -> memref<80xi32, #tpu.memory_space<vmem>>
        %dma_wait3A_403 = tpu.memref_slice %arg3[%add3A_394] : memref<640000xi32, #tpu.memory_space<hbm>> -> memref<80xi32, #tpu.memory_space<hbm>>
        tpu.wait_dma2 semaphore(%arg9 : memref<!tpu.dma_semaphore, #tpu.memory_space<semaphore_mem>>) src(%dma_wait3A_403 : memref<80xi32, #tpu.memory_space<hbm>>) dst(%dma_wait3A_402 : memref<80xi32, #tpu.memory_space<vmem>>)
        %dma_start3A_404 = arith.constant 0 : i32
        %dma_start3A_405 = arith.constant 0 : i32
        %dma_start3A_406 = arith.constant 0 : i32
        %dma_start3A_407 = arith.constant 0 : i32
        %dma_start3A_408 = tpu.memref_slice %arg7[%dma_start3A_405, %dma_start3A_406, %dma_start3A_407] : memref<4x80x128xf32, #tpu.memory_space<vmem>> -> memref<1x80x128xf32, #tpu.memory_space<vmem>>
        %dma_start3A_409 = tpu.memref_squeeze %dma_start3A_408 : memref<1x80x128xf32, #tpu.memory_space<vmem>> -> memref<80x128xf32, #tpu.memory_space<vmem>>
        %dma_start3A_410 = arith.constant 0 : i32
        %dma_start3A_411 = tpu.memref_slice %arg5[%dma_start3A_404, %dma_start3A_410] : memref<8x80xi32, #tpu.memory_space<vmem>> -> memref<1x80xi32, #tpu.memory_space<vmem>>
        %dma_start3A_412 = tpu.memref_squeeze %dma_start3A_411 : memref<1x80xi32, #tpu.memory_space<vmem>> -> memref<80xi32, #tpu.memory_space<vmem>>
        %dma_start3A_413 = arith.constant 0 : i32
        %dma_start3A_414 = arith.constant 0 : i32
        %dma_start3A_415 = tpu.memref_slice %arg2[%dma_start3A_413, %dma_start3A_414] : memref<10000x128xf32, #tpu.memory_space<hbm>> -> memref<10000x128xf32, #tpu.memory_space<hbm>>
        tpu.enqueue_indirect_dma source(%dma_start3A_415 : memref<10000x128xf32, #tpu.memory_space<hbm>>) target(%dma_start3A_409 : memref<80x128xf32, #tpu.memory_space<vmem>>) offsets(%dma_start3A_412 : memref<80xi32, #tpu.memory_space<vmem>>) semaphore(%arg25 : memref<!tpu.dma_semaphore, #tpu.memory_space<semaphore_mem>>)
      } else {
      }
      %eq3A_379 = arith.constant 7 : i32
      %eq3A_380 = arith.cmpi eq, %rem3A_169, %eq3A_379 : i32
      %convert_element_type3A_381 = arith.extui %eq3A_380 : i1 to i32
      %cond3A_382 = arith.constant 0 : i32
      %cond3A_383 = arith.cmpi ne, %convert_element_type3A_381, %cond3A_382 : i32
      scf.if %cond3A_383 {
        %dma_wait3A_384 = arith.constant 7 : i32
        %dma_wait3A_385 = arith.constant 3 : i32
        %dma_wait3A_386 = arith.constant 0 : i32
        %dma_wait3A_387 = arith.constant 0 : i32
        %dma_wait3A_388 = tpu.memref_slice %arg7[%dma_wait3A_385, %dma_wait3A_386, %dma_wait3A_387] : memref<4x80x128xf32, #tpu.memory_space<vmem>> -> memref<1x80x128xf32, #tpu.memory_space<vmem>>
        %dma_wait3A_389 = tpu.memref_squeeze %dma_wait3A_388 : memref<1x80x128xf32, #tpu.memory_space<vmem>> -> memref<80x128xf32, #tpu.memory_space<vmem>>
        %dma_wait3A_390 = arith.constant 0 : i32
        %dma_wait3A_391 = tpu.memref_slice %arg5[%dma_wait3A_384, %dma_wait3A_390] : memref<8x80xi32, #tpu.memory_space<vmem>> -> memref<1x80xi32, #tpu.memory_space<vmem>>
        %dma_wait3A_392 = tpu.memref_squeeze %dma_wait3A_391 : memref<1x80xi32, #tpu.memory_space<vmem>> -> memref<80xi32, #tpu.memory_space<vmem>>
        %dma_wait3A_393 = arith.constant 0 : i32
        %dma_wait3A_394 = arith.constant 0 : i32
        %dma_wait3A_395 = tpu.memref_slice %arg2[%dma_wait3A_393, %dma_wait3A_394] : memref<10000x128xf32, #tpu.memory_space<hbm>> -> memref<10000x128xf32, #tpu.memory_space<hbm>>
        tpu.wait_indirect_dma semaphore(%arg28 : memref<!tpu.dma_semaphore, #tpu.memory_space<semaphore_mem>>) src(%dma_wait3A_395 : memref<10000x128xf32, #tpu.memory_space<hbm>>) dst(%dma_wait3A_389 : memref<80x128xf32, #tpu.memory_space<vmem>>)
        %add3A_396 = arith.constant 320000 : i32
        %add3A_397 = arith.addi %add3A_396, %mul3A_4 : i32
        %mul3A_398 = arith.constant 80 : i32
        %mul3A_399 = arith.muli %scan3A_168, %mul3A_398 : i32
        %add3A_400 = arith.addi %add3A_397, %mul3A_399 : i32
        %dma_wait3A_401 = arith.constant 7 : i32
        %dma_wait3A_402 = arith.constant 0 : i32
        %dma_wait3A_403 = tpu.memref_slice %arg6[%dma_wait3A_401, %dma_wait3A_402] : memref<8x80xi32, #tpu.memory_space<vmem>> -> memref<1x80xi32, #tpu.memory_space<vmem>>
        %dma_wait3A_404 = tpu.memref_squeeze %dma_wait3A_403 : memref<1x80xi32, #tpu.memory_space<vmem>> -> memref<80xi32, #tpu.memory_space<vmem>>
        %dma_wait3A_405 = tpu.memref_slice %arg3[%add3A_400] : memref<640000xi32, #tpu.memory_space<hbm>> -> memref<80xi32, #tpu.memory_space<hbm>>
        %dma_wait3A_406 = arith.constant 0 : i32
        %dma_wait3A_407 = tpu.memref_slice %arg6[%dma_wait3A_401, %dma_wait3A_406] : memref<8x80xi32, #tpu.memory_space<vmem>> -> memref<1x80xi32, #tpu.memory_space<vmem>>
        %dma_wait3A_408 = tpu.memref_squeeze %dma_wait3A_407 : memref<1x80xi32, #tpu.memory_space<vmem>> -> memref<80xi32, #tpu.memory_space<vmem>>
        %dma_wait3A_409 = tpu.memref_slice %arg3[%add3A_400] : memref<640000xi32, #tpu.memory_space<hbm>> -> memref<80xi32, #tpu.memory_space<hbm>>
        tpu.wait_dma2 semaphore(%arg24 : memref<!tpu.dma_semaphore, #tpu.memory_space<semaphore_mem>>) src(%dma_wait3A_409 : memref<80xi32, #tpu.memory_space<hbm>>) dst(%dma_wait3A_408 : memref<80xi32, #tpu.memory_space<vmem>>)
        %dma_start3A_410 = arith.constant 3 : i32
        %dma_start3A_411 = arith.constant 7 : i32
        %dma_start3A_412 = arith.constant 0 : i32
        %dma_start3A_413 = arith.constant 0 : i32
        %dma_start3A_414 = tpu.memref_slice %arg7[%dma_start3A_410, %dma_start3A_412, %dma_start3A_413] : memref<4x80x128xf32, #tpu.memory_space<vmem>> -> memref<1x80x128xf32, #tpu.memory_space<vmem>>
        %dma_start3A_415 = tpu.memref_squeeze %dma_start3A_414 : memref<1x80x128xf32, #tpu.memory_space<vmem>> -> memref<80x128xf32, #tpu.memory_space<vmem>>
        %dma_start3A_416 = arith.constant 0 : i32
        %dma_start3A_417 = tpu.memref_slice %arg6[%dma_start3A_411, %dma_start3A_416] : memref<8x80xi32, #tpu.memory_space<vmem>> -> memref<1x80xi32, #tpu.memory_space<vmem>>
        %dma_start3A_418 = tpu.memref_squeeze %dma_start3A_417 : memref<1x80xi32, #tpu.memory_space<vmem>> -> memref<80xi32, #tpu.memory_space<vmem>>
        %dma_start3A_419 = arith.constant 0 : i32
        %dma_start3A_420 = arith.constant 0 : i32
        %dma_start3A_421 = tpu.memref_slice %arg8[%dma_start3A_419, %dma_start3A_420] : memref<10240x128xf32, #tpu.memory_space<vmem_shared>> -> memref<10240x128xf32, #tpu.memory_space<vmem_shared>>
        tpu.enqueue_indirect_dma source(%dma_start3A_415 : memref<80x128xf32, #tpu.memory_space<vmem>>) target(%dma_start3A_421 : memref<10240x128xf32, #tpu.memory_space<vmem_shared>>) offsets(%dma_start3A_418 : memref<80xi32, #tpu.memory_space<vmem>>) semaphore(%arg32 : memref<!tpu.dma_semaphore, #tpu.memory_space<semaphore_mem>>) {add = true}
      } else {
      }
    }
    %scan3A_108 = arith.constant 125 : i32
    %dma_wait3A_109 = arith.constant 1 : i32
    %dma_wait3A_110 = arith.constant 1 : i32
    %dma_wait3A_111 = arith.constant 0 : i32
    %dma_wait3A_112 = arith.constant 0 : i32
    %dma_wait3A_113 = tpu.memref_slice %arg7[%dma_wait3A_109, %dma_wait3A_111, %dma_wait3A_112] : memref<4x80x128xf32, #tpu.memory_space<vmem>> -> memref<1x80x128xf32, #tpu.memory_space<vmem>>
    %dma_wait3A_114 = tpu.memref_squeeze %dma_wait3A_113 : memref<1x80x128xf32, #tpu.memory_space<vmem>> -> memref<80x128xf32, #tpu.memory_space<vmem>>
    %dma_wait3A_115 = arith.constant 0 : i32
    %dma_wait3A_116 = tpu.memref_slice %arg6[%dma_wait3A_110, %dma_wait3A_115] : memref<8x80xi32, #tpu.memory_space<vmem>> -> memref<1x80xi32, #tpu.memory_space<vmem>>
    %dma_wait3A_117 = tpu.memref_squeeze %dma_wait3A_116 : memref<1x80xi32, #tpu.memory_space<vmem>> -> memref<80xi32, #tpu.memory_space<vmem>>
    %dma_wait3A_118 = arith.constant 0 : i32
    %dma_wait3A_119 = arith.constant 0 : i32
    %dma_wait3A_120 = tpu.memref_slice %arg8[%dma_wait3A_118, %dma_wait3A_119] : memref<10240x128xf32, #tpu.memory_space<vmem_shared>> -> memref<10240x128xf32, #tpu.memory_space<vmem_shared>>
    tpu.wait_indirect_dma semaphore(%arg30 : memref<!tpu.dma_semaphore, #tpu.memory_space<semaphore_mem>>) src(%dma_wait3A_114 : memref<80x128xf32, #tpu.memory_space<vmem>>) dst(%dma_wait3A_120 : memref<10240x128xf32, #tpu.memory_space<vmem_shared>>)
    %dma_wait3A_121 = arith.constant 2 : i32
    %dma_wait3A_122 = arith.constant 2 : i32
    %dma_wait3A_123 = arith.constant 0 : i32
    %dma_wait3A_124 = arith.constant 0 : i32
    %dma_wait3A_125 = tpu.memref_slice %arg7[%dma_wait3A_121, %dma_wait3A_123, %dma_wait3A_124] : memref<4x80x128xf32, #tpu.memory_space<vmem>> -> memref<1x80x128xf32, #tpu.memory_space<vmem>>
    %dma_wait3A_126 = tpu.memref_squeeze %dma_wait3A_125 : memref<1x80x128xf32, #tpu.memory_space<vmem>> -> memref<80x128xf32, #tpu.memory_space<vmem>>
    %dma_wait3A_127 = arith.constant 0 : i32
    %dma_wait3A_128 = tpu.memref_slice %arg6[%dma_wait3A_122, %dma_wait3A_127] : memref<8x80xi32, #tpu.memory_space<vmem>> -> memref<1x80xi32, #tpu.memory_space<vmem>>
    %dma_wait3A_129 = tpu.memref_squeeze %dma_wait3A_128 : memref<1x80xi32, #tpu.memory_space<vmem>> -> memref<80xi32, #tpu.memory_space<vmem>>
    %dma_wait3A_130 = arith.constant 0 : i32
    %dma_wait3A_131 = arith.constant 0 : i32
    %dma_wait3A_132 = tpu.memref_slice %arg8[%dma_wait3A_130, %dma_wait3A_131] : memref<10240x128xf32, #tpu.memory_space<vmem_shared>> -> memref<10240x128xf32, #tpu.memory_space<vmem_shared>>
    tpu.wait_indirect_dma semaphore(%arg31 : memref<!tpu.dma_semaphore, #tpu.memory_space<semaphore_mem>>) src(%dma_wait3A_126 : memref<80x128xf32, #tpu.memory_space<vmem>>) dst(%dma_wait3A_132 : memref<10240x128xf32, #tpu.memory_space<vmem_shared>>)
    %dma_wait3A_133 = arith.constant 3 : i32
    %dma_wait3A_134 = arith.constant 3 : i32
    %dma_wait3A_135 = arith.constant 0 : i32
    %dma_wait3A_136 = arith.constant 0 : i32
    %dma_wait3A_137 = tpu.memref_slice %arg7[%dma_wait3A_133, %dma_wait3A_135, %dma_wait3A_136] : memref<4x80x128xf32, #tpu.memory_space<vmem>> -> memref<1x80x128xf32, #tpu.memory_space<vmem>>
    %dma_wait3A_138 = tpu.memref_squeeze %dma_wait3A_137 : memref<1x80x128xf32, #tpu.memory_space<vmem>> -> memref<80x128xf32, #tpu.memory_space<vmem>>
    %dma_wait3A_139 = arith.constant 0 : i32
    %dma_wait3A_140 = tpu.memref_slice %arg6[%dma_wait3A_134, %dma_wait3A_139] : memref<8x80xi32, #tpu.memory_space<vmem>> -> memref<1x80xi32, #tpu.memory_space<vmem>>
    %dma_wait3A_141 = tpu.memref_squeeze %dma_wait3A_140 : memref<1x80xi32, #tpu.memory_space<vmem>> -> memref<80xi32, #tpu.memory_space<vmem>>
    %dma_wait3A_142 = arith.constant 0 : i32
    %dma_wait3A_143 = arith.constant 0 : i32
    %dma_wait3A_144 = tpu.memref_slice %arg8[%dma_wait3A_142, %dma_wait3A_143] : memref<10240x128xf32, #tpu.memory_space<vmem_shared>> -> memref<10240x128xf32, #tpu.memory_space<vmem_shared>>
    tpu.wait_indirect_dma semaphore(%arg32 : memref<!tpu.dma_semaphore, #tpu.memory_space<semaphore_mem>>) src(%dma_wait3A_138 : memref<80x128xf32, #tpu.memory_space<vmem>>) dst(%dma_wait3A_144 : memref<10240x128xf32, #tpu.memory_space<vmem_shared>>)
    %dma_wait3A_145 = arith.constant 0 : i32
    %dma_wait3A_146 = arith.constant 4 : i32
    %dma_wait3A_147 = arith.constant 0 : i32
    %dma_wait3A_148 = arith.constant 0 : i32
    %dma_wait3A_149 = tpu.memref_slice %arg7[%dma_wait3A_145, %dma_wait3A_147, %dma_wait3A_148] : memref<4x80x128xf32, #tpu.memory_space<vmem>> -> memref<1x80x128xf32, #tpu.memory_space<vmem>>
    %dma_wait3A_150 = tpu.memref_squeeze %dma_wait3A_149 : memref<1x80x128xf32, #tpu.memory_space<vmem>> -> memref<80x128xf32, #tpu.memory_space<vmem>>
    %dma_wait3A_151 = arith.constant 0 : i32
    %dma_wait3A_152 = tpu.memref_slice %arg6[%dma_wait3A_146, %dma_wait3A_151] : memref<8x80xi32, #tpu.memory_space<vmem>> -> memref<1x80xi32, #tpu.memory_space<vmem>>
    %dma_wait3A_153 = tpu.memref_squeeze %dma_wait3A_152 : memref<1x80xi32, #tpu.memory_space<vmem>> -> memref<80xi32, #tpu.memory_space<vmem>>
    %dma_wait3A_154 = arith.constant 0 : i32
    %dma_wait3A_155 = arith.constant 0 : i32
    %dma_wait3A_156 = tpu.memref_slice %arg8[%dma_wait3A_154, %dma_wait3A_155] : memref<10240x128xf32, #tpu.memory_space<vmem_shared>> -> memref<10240x128xf32, #tpu.memory_space<vmem_shared>>
    tpu.wait_indirect_dma semaphore(%arg29 : memref<!tpu.dma_semaphore, #tpu.memory_space<semaphore_mem>>) src(%dma_wait3A_150 : memref<80x128xf32, #tpu.memory_space<vmem>>) dst(%dma_wait3A_156 : memref<10240x128xf32, #tpu.memory_space<vmem_shared>>)
    %barrier3A_157 = arith.constant 0 : index
    tpu.barrier barrier_id(%barrier3A_157)
    %lt3A_158 = arith.constant 15 : i32
    %lt3A_159 = arith.cmpi slt, %arg1, %lt3A_158 : i32
    %convert_element_type3A_160 = arith.extui %lt3A_159 : i1 to i32
    %cond3A_161 = arith.constant 0 : i32
    %cond3A_162 = arith.cmpi ne, %convert_element_type3A_160, %cond3A_161 : i32
    scf.if %cond3A_162 {
      %mul3A_168 = arith.constant 10000 : i32
      %mul3A_169 = arith.muli %arg0, %mul3A_168 : i32
      %add3A_170 = arith.addi %mul3A_169, %mul3A_2 : i32
      "tpu.region"() ({
        %run_scoped3A = tpu.sem_alloc : memref<!tpu.dma_semaphore, #tpu.memory_space<semaphore_mem>>
        %dma_start3A_171 = arith.constant 0 : i32
        %dma_start3A_172 = tpu.memref_slice %arg4[%add3A_170, %dma_start3A_171] : memref<20000x128xf32, #tpu.memory_space<hbm>> -> memref<640x128xf32, #tpu.memory_space<hbm>>
        %dma_start3A_173 = arith.constant 0 : i32
        %dma_start3A_174 = tpu.memref_slice %arg8[%mul3A_2, %dma_start3A_173] : memref<10240x128xf32, #tpu.memory_space<vmem_shared>> -> memref<640x128xf32, #tpu.memory_space<vmem_shared>>
        tpu.enqueue_dma source(%dma_start3A_174 : memref<640x128xf32, #tpu.memory_space<vmem_shared>>) target(%dma_start3A_172 : memref<640x128xf32, #tpu.memory_space<hbm>>) target_semaphore(%run_scoped3A : memref<!tpu.dma_semaphore, #tpu.memory_space<semaphore_mem>>)
        %dma_wait3A_175 = arith.constant 0 : i32
        %dma_wait3A_176 = tpu.memref_slice %arg4[%add3A_170, %dma_wait3A_175] : memref<20000x128xf32, #tpu.memory_space<hbm>> -> memref<640x128xf32, #tpu.memory_space<hbm>>
        %dma_wait3A_177 = arith.constant 0 : i32
        %dma_wait3A_178 = tpu.memref_slice %arg8[%mul3A_2, %dma_wait3A_177] : memref<10240x128xf32, #tpu.memory_space<vmem_shared>> -> memref<640x128xf32, #tpu.memory_space<vmem_shared>>
        tpu.wait_dma2 semaphore(%run_scoped3A : memref<!tpu.dma_semaphore, #tpu.memory_space<semaphore_mem>>) src(%dma_wait3A_178 : memref<640x128xf32, #tpu.memory_space<vmem_shared>>) dst(%dma_wait3A_176 : memref<640x128xf32, #tpu.memory_space<hbm>>)
        tpu.yield
      }) : () -> ()
    } else {
    }
    %eq3A_163 = arith.constant 15 : i32
    %eq3A_164 = arith.cmpi eq, %arg1, %eq3A_163 : i32
    %convert_element_type3A_165 = arith.extui %eq3A_164 : i1 to i32
    %cond3A_166 = arith.constant 0 : i32
    %cond3A_167 = arith.cmpi ne, %convert_element_type3A_165, %cond3A_166 : i32
    scf.if %cond3A_167 {
      %mul3A_168 = arith.constant 10000 : i32
      %mul3A_169 = arith.muli %arg0, %mul3A_168 : i32
      %add3A_170 = arith.constant 9600 : i32
      %add3A_171 = arith.addi %mul3A_169, %add3A_170 : i32
      "tpu.region"() ({
        %run_scoped3A = tpu.sem_alloc : memref<!tpu.dma_semaphore, #tpu.memory_space<semaphore_mem>>
        %dma_start3A_172 = arith.constant 0 : i32
        %dma_start3A_173 = tpu.memref_slice %arg4[%add3A_171, %dma_start3A_172] : memref<20000x128xf32, #tpu.memory_space<hbm>> -> memref<400x128xf32, #tpu.memory_space<hbm>>
        %dma_start3A_174 = arith.constant 9600 : i32
        %dma_start3A_175 = arith.constant 0 : i32
        %dma_start3A_176 = tpu.memref_slice %arg8[%dma_start3A_174, %dma_start3A_175] : memref<10240x128xf32, #tpu.memory_space<vmem_shared>> -> memref<400x128xf32, #tpu.memory_space<vmem_shared>>
        tpu.enqueue_dma source(%dma_start3A_176 : memref<400x128xf32, #tpu.memory_space<vmem_shared>>) target(%dma_start3A_173 : memref<400x128xf32, #tpu.memory_space<hbm>>) target_semaphore(%run_scoped3A : memref<!tpu.dma_semaphore, #tpu.memory_space<semaphore_mem>>)
        %dma_wait3A_177 = arith.constant 0 : i32
        %dma_wait3A_178 = tpu.memref_slice %arg4[%add3A_171, %dma_wait3A_177] : memref<20000x128xf32, #tpu.memory_space<hbm>> -> memref<400x128xf32, #tpu.memory_space<hbm>>
        %dma_wait3A_179 = arith.constant 9600 : i32
        %dma_wait3A_180 = arith.constant 0 : i32
        %dma_wait3A_181 = tpu.memref_slice %arg8[%dma_wait3A_179, %dma_wait3A_180] : memref<10240x128xf32, #tpu.memory_space<vmem_shared>> -> memref<400x128xf32, #tpu.memory_space<vmem_shared>>
        tpu.wait_dma2 semaphore(%run_scoped3A : memref<!tpu.dma_semaphore, #tpu.memory_space<semaphore_mem>>) src(%dma_wait3A_181 : memref<400x128xf32, #tpu.memory_space<vmem_shared>>) dst(%dma_wait3A_178 : memref<400x128xf32, #tpu.memory_space<hbm>>)
        tpu.yield
      }) : () -> ()
    } else {
    }
    return
  }
}

module attributes {stable_mosaic.version = 14 : i64} {
  func.func @_tc_stage1_body(%arg0: i32, %arg1: memref<1000x128xf32, #tpu.memory_space<vmem>>, %arg2: memref<128x128xf32, #tpu.memory_space<vmem>>, %arg3: memref<1x128xf32, #tpu.memory_space<vmem>>, %arg4: memref<1000x2xf32, #tpu.memory_space<vmem>>, %arg5: memref<1000x128xf32, #tpu.memory_space<vmem>>) attributes {dimension_semantics = [#tpu.dimension_semantics<arbitrary>], iteration_bounds = array<i64: 10>, scalar_prefetch = 0 : i64, scratch_operands = 0 : i64, tpu.core_type = #tpu.core_type<tc>, window_params = [{transform_indices = @transform_0, window_bounds = array<i64: 1000, 128>}, {pipeline_mode = #tpu.pipeline_mode<synchronous>, transform_indices = @transform_1, window_bounds = array<i64: 128, 128>}, {pipeline_mode = #tpu.pipeline_mode<synchronous>, transform_indices = @transform_2, window_bounds = array<i64: 1, 128>}, {transform_indices = @transform_3, window_bounds = array<i64: 1000, 2>}, {transform_indices = @transform_4, window_bounds = array<i64: 1000, 128>}]} {
    %get3A = arith.constant 0 : index
    %get3A_0 = arith.constant 0 : index
    %get3A_1 = vector.load %arg1[%get3A, %get3A_0] : memref<1000x128xf32, #tpu.memory_space<vmem>>, vector<1000x128xf32>
    %get3A_2 = arith.constant 0 : index
    %get3A_3 = arith.constant 0 : index
    %get3A_4 = vector.load %arg2[%get3A_2, %get3A_3] : memref<128x128xf32, #tpu.memory_space<vmem>>, vector<128x128xf32>
    %dot_general3A = arith.constant dense<0.000000e+00> : vector<1000x128xf32>
    %dot_general3A_5 = tpu.matmul %get3A_1, %get3A_4, %dot_general3A {dimension_numbers = #tpu.dot_dimension_numbers<[1], [1], [0], [0], [0, 0, 1, 0], [], []>, transpose_lhs_hint = false} : vector<1000x128xf32>, vector<128x128xf32>, vector<1000x128xf32> -> vector<1000x128xf32>
    %get3A_6 = arith.constant 0 : index
    %get3A_7 = arith.constant 0 : index
    %get3A_8 = vector.load %arg3[%get3A_6, %get3A_7] : memref<1x128xf32, #tpu.memory_space<vmem>>, vector<1x128xf32>
    %add3A = vector.broadcast %get3A_8 : vector<1x128xf32> to vector<1000x128xf32>
    %add3A_9 = arith.addf %dot_general3A_5, %add3A : vector<1000x128xf32>
    %get3A_10 = arith.constant 0 : index
    %get3A_11 = arith.constant 0 : index
    %get3A_12 = vector.load %arg4[%get3A_10, %get3A_11] : memref<1000x2xf32, #tpu.memory_space<vmem>>, vector<1000x1xf32>
    %get3A_13 = arith.constant 0 : index
    %get3A_14 = arith.constant 1 : index
    %get3A_15 = vector.load %arg4[%get3A_13, %get3A_14] : memref<1000x2xf32, #tpu.memory_space<vmem>>, vector<1000x1xf32>
    %add3A_16 = arith.addf %get3A_12, %get3A_15 : vector<1000x1xf32>
    %add3A_17 = arith.constant 1.000000e+00 : f32
    %add3A_18 = vector.broadcast %add3A_17 : f32 to vector<1000x1xf32>
    %add3A_19 = arith.addf %add3A_16, %add3A_18 : vector<1000x1xf32>
    %rsqrt3A = math.rsqrt %add3A_19 : vector<1000x1xf32>
    %mul3A = vector.broadcast %rsqrt3A : vector<1000x1xf32> to vector<1000x128xf32>
    %mul3A_20 = arith.mulf %add3A_9, %mul3A : vector<1000x128xf32>
    %swap3A = arith.constant 0 : index
    %swap3A_21 = arith.constant 0 : index
    %swap3A_22 = vector.load %arg5[%swap3A, %swap3A_21] : memref<1000x128xf32, #tpu.memory_space<vmem>>, vector<1000x128xf32>
    tpu.vector_store %arg5[%swap3A, %swap3A_21], %mul3A_20 {strides = array<i32>} : memref<1000x128xf32, #tpu.memory_space<vmem>>, vector<1000x128xf32>,
    return
  }
  func.func @transform_0(%arg0: i32) -> (i32, i32) {
    %c0_i32 = arith.constant 0 : i32
    %c0_i32_0 = arith.constant 0 : i32
    return %arg0, %c0_i32 : i32, i32
  }
  func.func @transform_1(%arg0: i32) -> (i32, i32) {
    %c0_i32 = arith.constant 0 : i32
    %c0_i32_0 = arith.constant 0 : i32
    %c0_i32_1 = arith.constant 0 : i32
    return %c0_i32, %c0_i32_0 : i32, i32
  }
  func.func @transform_2(%arg0: i32) -> (i32, i32) {
    %c0_i32 = arith.constant 0 : i32
    %c0_i32_0 = arith.constant 0 : i32
    %c0_i32_1 = arith.constant 0 : i32
    return %c0_i32, %c0_i32_0 : i32, i32
  }
  func.func @transform_3(%arg0: i32) -> (i32, i32) {
    %c0_i32 = arith.constant 0 : i32
    %c0_i32_0 = arith.constant 0 : i32
    return %arg0, %c0_i32 : i32, i32
  }
  func.func @transform_4(%arg0: i32) -> (i32, i32) {
    %c0_i32 = arith.constant 0 : i32
    %c0_i32_0 = arith.constant 0 : i32
    return %arg0, %c0_i32 : i32, i32
  }
}

module attributes {stable_mosaic.version = 14 : i64} {
  func.func @_tc_stage2_body(%arg0: i32, %arg1: memref<1000x128xf32, #tpu.memory_space<vmem>>, %arg2: memref<1000x128xf32, #tpu.memory_space<vmem>>, %arg3: memref<1000x128xf32, #tpu.memory_space<vmem>>, %arg4: memref<128x128xf32, #tpu.memory_space<vmem>>, %arg5: memref<1x128xf32, #tpu.memory_space<vmem>>, %arg6: memref<1000x2xf32, #tpu.memory_space<vmem>>, %arg7: memref<1000x128xf32, #tpu.memory_space<vmem>>) attributes {dimension_semantics = [#tpu.dimension_semantics<arbitrary>], iteration_bounds = array<i64: 10>, scalar_prefetch = 0 : i64, scratch_operands = 0 : i64, tpu.core_type = #tpu.core_type<tc>, window_params = [{transform_indices = @transform_0, window_bounds = array<i64: 1000, 128>}, {transform_indices = @transform_1, window_bounds = array<i64: 1000, 128>}, {transform_indices = @transform_2, window_bounds = array<i64: 1000, 128>}, {pipeline_mode = #tpu.pipeline_mode<synchronous>, transform_indices = @transform_3, window_bounds = array<i64: 128, 128>}, {pipeline_mode = #tpu.pipeline_mode<synchronous>, transform_indices = @transform_4, window_bounds = array<i64: 1, 128>}, {transform_indices = @transform_5, window_bounds = array<i64: 1000, 2>}, {transform_indices = @transform_6, window_bounds = array<i64: 1000, 128>}]} {
    %get3A = arith.constant 0 : index
    %get3A_0 = arith.constant 0 : index
    %get3A_1 = vector.load %arg6[%get3A, %get3A_0] : memref<1000x2xf32, #tpu.memory_space<vmem>>, vector<1000x2xf32>
    %slice3A = vector.extract_strided_slice %get3A_1 {offsets = [0, 0], sizes = [1000, 1], strides = [1, 1]} : vector<1000x2xf32> to vector<1000x1xf32>
    %slice3A_2 = vector.extract_strided_slice %get3A_1 {offsets = [0, 1], sizes = [1000, 1], strides = [1, 1]} : vector<1000x2xf32> to vector<1000x1xf32>
    %add3A = arith.addf %slice3A, %slice3A_2 : vector<1000x1xf32>
    %add3A_3 = arith.constant 1.000000e+00 : f32
    %add3A_4 = vector.broadcast %add3A_3 : f32 to vector<1000x1xf32>
    %add3A_5 = arith.addf %add3A, %add3A_4 : vector<1000x1xf32>
    %rsqrt3A = math.rsqrt %add3A_5 : vector<1000x1xf32>
    %mul3A = arith.constant 0.899999976 : f32
    %mul3A_6 = vector.broadcast %mul3A : f32 to vector<1000x1xf32>
    %mul3A_7 = arith.mulf %mul3A_6, %rsqrt3A : vector<1000x1xf32>
    %sqrt3A = math.sqrt %add3A_5 : vector<1000x1xf32>
    %mul3A_8 = arith.constant 1.000000e-01 : f32
    %mul3A_9 = vector.broadcast %mul3A_8 : f32 to vector<1000x1xf32>
    %mul3A_10 = arith.mulf %mul3A_9, %sqrt3A : vector<1000x1xf32>
    %mul3A_11 = arith.constant 0.899999976 : f32
    %mul3A_12 = vector.broadcast %mul3A_11 : f32 to vector<1000x1xf32>
    %mul3A_13 = arith.mulf %mul3A_12, %rsqrt3A : vector<1000x1xf32>
    %sub3A = arith.subf %mul3A_10, %mul3A_13 : vector<1000x1xf32>
    %get3A_14 = arith.constant 0 : index
    %get3A_15 = arith.constant 0 : index
    %get3A_16 = vector.load %arg2[%get3A_14, %get3A_15] : memref<1000x128xf32, #tpu.memory_space<vmem>>, vector<1000x128xf32>
    %get3A_17 = arith.constant 0 : index
    %get3A_18 = arith.constant 0 : index
    %get3A_19 = vector.load %arg3[%get3A_17, %get3A_18] : memref<1000x128xf32, #tpu.memory_space<vmem>>, vector<1000x128xf32>
    %add3A_20 = arith.addf %get3A_16, %get3A_19 : vector<1000x128xf32>
    %mul3A_21 = vector.broadcast %mul3A_7 : vector<1000x1xf32> to vector<1000x128xf32>
    %mul3A_22 = arith.mulf %mul3A_21, %add3A_20 : vector<1000x128xf32>
    %get3A_23 = arith.constant 0 : index
    %get3A_24 = arith.constant 0 : index
    %get3A_25 = vector.load %arg1[%get3A_23, %get3A_24] : memref<1000x128xf32, #tpu.memory_space<vmem>>, vector<1000x128xf32>
    %mul3A_26 = vector.broadcast %sub3A : vector<1000x1xf32> to vector<1000x128xf32>
    %mul3A_27 = arith.mulf %mul3A_26, %get3A_25 : vector<1000x128xf32>
    %add3A_28 = arith.addf %mul3A_22, %mul3A_27 : vector<1000x128xf32>
    %max3A = arith.constant 0.000000e+00 : f32
    %max3A_29 = vector.broadcast %max3A : f32 to vector<1000x128xf32>
    %max3A_30 = arith.maximumf %add3A_28, %max3A_29 : vector<1000x128xf32>
    %get3A_31 = arith.constant 0 : index
    %get3A_32 = arith.constant 0 : index
    %get3A_33 = vector.load %arg4[%get3A_31, %get3A_32] : memref<128x128xf32, #tpu.memory_space<vmem>>, vector<128x128xf32>
    %dot_general3A = arith.constant dense<0.000000e+00> : vector<1000x128xf32>
    %dot_general3A_34 = tpu.matmul %max3A_30, %get3A_33, %dot_general3A {dimension_numbers = #tpu.dot_dimension_numbers<[1], [1], [0], [0], [0, 0, 1, 0], [], []>, transpose_lhs_hint = false} : vector<1000x128xf32>, vector<128x128xf32>, vector<1000x128xf32> -> vector<1000x128xf32>
    %get3A_35 = arith.constant 0 : index
    %get3A_36 = arith.constant 0 : index
    %get3A_37 = vector.load %arg5[%get3A_35, %get3A_36] : memref<1x128xf32, #tpu.memory_space<vmem>>, vector<1x128xf32>
    %add3A_38 = vector.broadcast %get3A_37 : vector<1x128xf32> to vector<1000x128xf32>
    %add3A_39 = arith.addf %dot_general3A_34, %add3A_38 : vector<1000x128xf32>
    %mul3A_40 = vector.broadcast %rsqrt3A : vector<1000x1xf32> to vector<1000x128xf32>
    %mul3A_41 = arith.mulf %add3A_39, %mul3A_40 : vector<1000x128xf32>
    %swap3A = arith.constant 0 : index
    %swap3A_42 = arith.constant 0 : index
    %swap3A_43 = vector.load %arg7[%swap3A, %swap3A_42] : memref<1000x128xf32, #tpu.memory_space<vmem>>, vector<1000x128xf32>
    tpu.vector_store %arg7[%swap3A, %swap3A_42], %mul3A_41 {strides = array<i32>} : memref<1000x128xf32, #tpu.memory_space<vmem>>, vector<1000x128xf32>,
    return
  }
  func.func @transform_0(%arg0: i32) -> (i32, i32) {
    %c0_i32 = arith.constant 0 : i32
    %c0_i32_0 = arith.constant 0 : i32
    return %arg0, %c0_i32 : i32, i32
  }
  func.func @transform_1(%arg0: i32) -> (i32, i32) {
    %c0_i32 = arith.constant 0 : i32
    %c0_i32_0 = arith.constant 0 : i32
    return %arg0, %c0_i32 : i32, i32
  }
  func.func @transform_2(%arg0: i32) -> (i32, i32) {
    %add3A = arith.constant 10 : i32
    %add3A_0 = arith.addi %arg0, %add3A : i32
    %c0_i32 = arith.constant 0 : i32
    %c0_i32_1 = arith.constant 0 : i32
    return %add3A_0, %c0_i32 : i32, i32
  }
  func.func @transform_3(%arg0: i32) -> (i32, i32) {
    %c0_i32 = arith.constant 0 : i32
    %c0_i32_0 = arith.constant 0 : i32
    %c0_i32_1 = arith.constant 0 : i32
    return %c0_i32, %c0_i32_0 : i32, i32
  }
  func.func @transform_4(%arg0: i32) -> (i32, i32) {
    %c0_i32 = arith.constant 0 : i32
    %c0_i32_0 = arith.constant 0 : i32
    %c0_i32_1 = arith.constant 0 : i32
    return %c0_i32, %c0_i32_0 : i32, i32
  }
  func.func @transform_5(%arg0: i32) -> (i32, i32) {
    %c0_i32 = arith.constant 0 : i32
    %c0_i32_0 = arith.constant 0 : i32
    return %arg0, %c0_i32 : i32, i32
  }
  func.func @transform_6(%arg0: i32) -> (i32, i32) {
    %c0_i32 = arith.constant 0 : i32
    %c0_i32_0 = arith.constant 0 : i32
    return %arg0, %c0_i32 : i32, i32
  }
}

module attributes {stable_mosaic.version = 14 : i64} {
  func.func @_tc_stage3_body(%arg0: i32, %arg1: memref<1000x128xf32, #tpu.memory_space<vmem>>, %arg2: memref<1000x128xf32, #tpu.memory_space<vmem>>, %arg3: memref<1000x128xf32, #tpu.memory_space<vmem>>, %arg4: memref<1000x2xf32, #tpu.memory_space<vmem>>, %arg5: memref<1000x128xf32, #tpu.memory_space<vmem>>) attributes {dimension_semantics = [#tpu.dimension_semantics<arbitrary>], iteration_bounds = array<i64: 10>, scalar_prefetch = 0 : i64, scratch_operands = 0 : i64, tpu.core_type = #tpu.core_type<tc>, window_params = [{transform_indices = @transform_0, window_bounds = array<i64: 1000, 128>}, {transform_indices = @transform_1, window_bounds = array<i64: 1000, 128>}, {transform_indices = @transform_2, window_bounds = array<i64: 1000, 128>}, {transform_indices = @transform_3, window_bounds = array<i64: 1000, 2>}, {transform_indices = @transform_4, window_bounds = array<i64: 1000, 128>}]} {
    %get3A = arith.constant 0 : index
    %get3A_0 = arith.constant 0 : index
    %get3A_1 = vector.load %arg4[%get3A, %get3A_0] : memref<1000x2xf32, #tpu.memory_space<vmem>>, vector<1000x2xf32>
    %slice3A = vector.extract_strided_slice %get3A_1 {offsets = [0, 0], sizes = [1000, 1], strides = [1, 1]} : vector<1000x2xf32> to vector<1000x1xf32>
    %slice3A_2 = vector.extract_strided_slice %get3A_1 {offsets = [0, 1], sizes = [1000, 1], strides = [1, 1]} : vector<1000x2xf32> to vector<1000x1xf32>
    %add3A = arith.addf %slice3A, %slice3A_2 : vector<1000x1xf32>
    %add3A_3 = arith.constant 1.000000e+00 : f32
    %add3A_4 = vector.broadcast %add3A_3 : f32 to vector<1000x1xf32>
    %add3A_5 = arith.addf %add3A, %add3A_4 : vector<1000x1xf32>
    %rsqrt3A = math.rsqrt %add3A_5 : vector<1000x1xf32>
    %mul3A = arith.constant 0.899999976 : f32
    %mul3A_6 = vector.broadcast %mul3A : f32 to vector<1000x1xf32>
    %mul3A_7 = arith.mulf %mul3A_6, %rsqrt3A : vector<1000x1xf32>
    %sqrt3A = math.sqrt %add3A_5 : vector<1000x1xf32>
    %mul3A_8 = arith.constant 1.000000e-01 : f32
    %mul3A_9 = vector.broadcast %mul3A_8 : f32 to vector<1000x1xf32>
    %mul3A_10 = arith.mulf %mul3A_9, %sqrt3A : vector<1000x1xf32>
    %mul3A_11 = arith.constant 0.899999976 : f32
    %mul3A_12 = vector.broadcast %mul3A_11 : f32 to vector<1000x1xf32>
    %mul3A_13 = arith.mulf %mul3A_12, %rsqrt3A : vector<1000x1xf32>
    %sub3A = arith.subf %mul3A_10, %mul3A_13 : vector<1000x1xf32>
    %get3A_14 = arith.constant 0 : index
    %get3A_15 = arith.constant 0 : index
    %get3A_16 = vector.load %arg2[%get3A_14, %get3A_15] : memref<1000x128xf32, #tpu.memory_space<vmem>>, vector<1000x128xf32>
    %get3A_17 = arith.constant 0 : index
    %get3A_18 = arith.constant 0 : index
    %get3A_19 = vector.load %arg3[%get3A_17, %get3A_18] : memref<1000x128xf32, #tpu.memory_space<vmem>>, vector<1000x128xf32>
    %add3A_20 = arith.addf %get3A_16, %get3A_19 : vector<1000x128xf32>
    %mul3A_21 = vector.broadcast %mul3A_7 : vector<1000x1xf32> to vector<1000x128xf32>
    %mul3A_22 = arith.mulf %mul3A_21, %add3A_20 : vector<1000x128xf32>
    %get3A_23 = arith.constant 0 : index
    %get3A_24 = arith.constant 0 : index
    %get3A_25 = vector.load %arg1[%get3A_23, %get3A_24] : memref<1000x128xf32, #tpu.memory_space<vmem>>, vector<1000x128xf32>
    %mul3A_26 = vector.broadcast %sub3A : vector<1000x1xf32> to vector<1000x128xf32>
    %mul3A_27 = arith.mulf %mul3A_26, %get3A_25 : vector<1000x128xf32>
    %add3A_28 = arith.addf %mul3A_22, %mul3A_27 : vector<1000x128xf32>
    %max3A = arith.constant 0.000000e+00 : f32
    %max3A_29 = vector.broadcast %max3A : f32 to vector<1000x128xf32>
    %max3A_30 = arith.maximumf %add3A_28, %max3A_29 : vector<1000x128xf32>
    %swap3A = arith.constant 0 : index
    %swap3A_31 = arith.constant 0 : index
    %swap3A_32 = vector.load %arg5[%swap3A, %swap3A_31] : memref<1000x128xf32, #tpu.memory_space<vmem>>, vector<1000x128xf32>
    tpu.vector_store %arg5[%swap3A, %swap3A_31], %max3A_30 {strides = array<i32>} : memref<1000x128xf32, #tpu.memory_space<vmem>>, vector<1000x128xf32>,
    return
  }
  func.func @transform_0(%arg0: i32) -> (i32, i32) {
    %c0_i32 = arith.constant 0 : i32
    %c0_i32_0 = arith.constant 0 : i32
    return %arg0, %c0_i32 : i32, i32
  }
  func.func @transform_1(%arg0: i32) -> (i32, i32) {
    %c0_i32 = arith.constant 0 : i32
    %c0_i32_0 = arith.constant 0 : i32
    return %arg0, %c0_i32 : i32, i32
  }
  func.func @transform_2(%arg0: i32) -> (i32, i32) {
    %add3A = arith.constant 10 : i32
    %add3A_0 = arith.addi %arg0, %add3A : i32
    %c0_i32 = arith.constant 0 : i32
    %c0_i32_1 = arith.constant 0 : i32
    return %add3A_0, %c0_i32 : i32, i32
  }
  func.func @transform_3(%arg0: i32) -> (i32, i32) {
    %c0_i32 = arith.constant 0 : i32
    %c0_i32_0 = arith.constant 0 : i32
    return %arg0, %c0_i32 : i32, i32
  }
  func.func @transform_4(%arg0: i32) -> (i32, i32) {
    %c0_i32 = arith.constant 0 : i32
    %c0_i32_0 = arith.constant 0 : i32
    return %arg0, %c0_i32 : i32, i32
  }
}

module attributes {stable_mosaic.version = 14 : i64} {
  func.func @_tc_head_body(%arg0: i32, %arg1: memref<2048x128xf32, #tpu.memory_space<vmem>>, %arg2: memref<2048x128xf32, #tpu.memory_space<vmem>>, %arg3: memref<2x128xf32, #tpu.memory_space<vmem>>, %arg4: memref<2x128xf32, #tpu.memory_space<vmem>>, %arg5: memref<1x2xf32, #tpu.memory_space<vmem>>, %arg6: memref<2048x2xf32, #tpu.memory_space<vmem>>) attributes {dimension_semantics = [#tpu.dimension_semantics<arbitrary>], iteration_bounds = array<i64: 8>, scalar_prefetch = 0 : i64, scratch_operands = 0 : i64, tpu.core_type = #tpu.core_type<tc>, window_params = [{transform_indices = @transform_0, window_bounds = array<i64: 2048, 128>}, {transform_indices = @transform_1, window_bounds = array<i64: 2048, 128>}, {pipeline_mode = #tpu.pipeline_mode<synchronous>, transform_indices = @transform_2, window_bounds = array<i64: 2, 128>}, {pipeline_mode = #tpu.pipeline_mode<synchronous>, transform_indices = @transform_3, window_bounds = array<i64: 2, 128>}, {pipeline_mode = #tpu.pipeline_mode<synchronous>, transform_indices = @transform_4, window_bounds = array<i64: 1, 2>}, {transform_indices = @transform_5, window_bounds = array<i64: 2048, 2>}]} {
    %get3A = arith.constant 0 : index
    %get3A_0 = arith.constant 0 : index
    %get3A_1 = vector.load %arg1[%get3A, %get3A_0] : memref<2048x128xf32, #tpu.memory_space<vmem>>, vector<2048x128xf32>
    %get3A_2 = arith.constant 0 : index
    %get3A_3 = arith.constant 0 : index
    %get3A_4 = vector.load %arg3[%get3A_2, %get3A_3] : memref<2x128xf32, #tpu.memory_space<vmem>>, vector<2x128xf32>
    %dot_general3A = arith.constant dense<0.000000e+00> : vector<2048x2xf32>
    %dot_general3A_5 = tpu.matmul %get3A_1, %get3A_4, %dot_general3A {dimension_numbers = #tpu.dot_dimension_numbers<[1], [1], [0], [0], [0, 0, 1, 0], [], []>, transpose_lhs_hint = false} : vector<2048x128xf32>, vector<2x128xf32>, vector<2048x2xf32> -> vector<2048x2xf32>
    %get3A_6 = arith.constant 0 : index
    %get3A_7 = arith.constant 0 : index
    %get3A_8 = vector.load %arg2[%get3A_6, %get3A_7] : memref<2048x128xf32, #tpu.memory_space<vmem>>, vector<2048x128xf32>
    %get3A_9 = arith.constant 0 : index
    %get3A_10 = arith.constant 0 : index
    %get3A_11 = vector.load %arg4[%get3A_9, %get3A_10] : memref<2x128xf32, #tpu.memory_space<vmem>>, vector<2x128xf32>
    %dot_general3A_12 = arith.constant dense<0.000000e+00> : vector<2048x2xf32>
    %dot_general3A_13 = tpu.matmul %get3A_8, %get3A_11, %dot_general3A_12 {dimension_numbers = #tpu.dot_dimension_numbers<[1], [1], [0], [0], [0, 0, 1, 0], [], []>, transpose_lhs_hint = false} : vector<2048x128xf32>, vector<2x128xf32>, vector<2048x2xf32> -> vector<2048x2xf32>
    %add3A = arith.addf %dot_general3A_5, %dot_general3A_13 : vector<2048x2xf32>
    %get3A_14 = arith.constant 0 : index
    %get3A_15 = arith.constant 0 : index
    %get3A_16 = vector.load %arg5[%get3A_14, %get3A_15] : memref<1x2xf32, #tpu.memory_space<vmem>>, vector<1x2xf32>
    %add3A_17 = vector.broadcast %get3A_16 : vector<1x2xf32> to vector<2048x2xf32>
    %add3A_18 = arith.addf %add3A, %add3A_17 : vector<2048x2xf32>
    %reduce_max3A = arith.constant dense<0xFF800000> : vector<2048xf32>
    %reduce_max3A_19 = vector.multi_reduction <maximumf>, %add3A_18, %reduce_max3A [1] : vector<2048x2xf32> to vector<2048xf32>
    %broadcast_in_dim3A = vector.shape_cast %reduce_max3A_19 : vector<2048xf32> to vector<2048x1xf32>
    %sub3A = vector.broadcast %broadcast_in_dim3A : vector<2048x1xf32> to vector<2048x2xf32>
    %sub3A_20 = arith.subf %add3A_18, %sub3A : vector<2048x2xf32>
    %exp3A = math.exp %sub3A_20 : vector<2048x2xf32>
    %reduce_sum3A = arith.constant dense<0.000000e+00> : vector<2048xf32>
    %reduce_sum3A_21 = vector.multi_reduction <add>, %exp3A, %reduce_sum3A [1] : vector<2048x2xf32> to vector<2048xf32>
    %broadcast_in_dim3A_22 = vector.shape_cast %reduce_sum3A_21 : vector<2048xf32> to vector<2048x1xf32>
    %log3A = math.log %broadcast_in_dim3A_22 : vector<2048x1xf32>
    %add3A_23 = arith.addf %broadcast_in_dim3A, %log3A : vector<2048x1xf32>
    %sub3A_24 = vector.broadcast %add3A_23 : vector<2048x1xf32> to vector<2048x2xf32>
    %sub3A_25 = arith.subf %add3A_18, %sub3A_24 : vector<2048x2xf32>
    %swap3A = arith.constant 0 : index
    %swap3A_26 = arith.constant 0 : index
    %swap3A_27 = vector.load %arg6[%swap3A, %swap3A_26] : memref<2048x2xf32, #tpu.memory_space<vmem>>, vector<2048x2xf32>
    tpu.vector_store %arg6[%swap3A, %swap3A_26], %sub3A_25 {strides = array<i32>} : memref<2048x2xf32, #tpu.memory_space<vmem>>, vector<2048x2xf32>,
    return
  }
  func.func @transform_0(%arg0: i32) -> (i32, i32) {
    %c0_i32 = arith.constant 0 : i32
    %c0_i32_0 = arith.constant 0 : i32
    return %arg0, %c0_i32 : i32, i32
  }
  func.func @transform_1(%arg0: i32) -> (i32, i32) {
    %add3A = arith.constant 8 : i32
    %add3A_0 = arith.addi %arg0, %add3A : i32
    %c0_i32 = arith.constant 0 : i32
    %c0_i32_1 = arith.constant 0 : i32
    return %add3A_0, %c0_i32 : i32, i32
  }
  func.func @transform_2(%arg0: i32) -> (i32, i32) {
    %c0_i32 = arith.constant 0 : i32
    %c0_i32_0 = arith.constant 0 : i32
    %c0_i32_1 = arith.constant 0 : i32
    return %c0_i32, %c0_i32_0 : i32, i32
  }
  func.func @transform_3(%arg0: i32) -> (i32, i32) {
    %c0_i32 = arith.constant 0 : i32
    %c0_i32_0 = arith.constant 0 : i32
    %c0_i32_1 = arith.constant 0 : i32
    return %c0_i32, %c0_i32_0 : i32, i32
  }
  func.func @transform_4(%arg0: i32) -> (i32, i32) {
    %c0_i32 = arith.constant 0 : i32
    %c0_i32_0 = arith.constant 0 : i32
    %c0_i32_1 = arith.constant 0 : i32
    return %c0_i32, %c0_i32_0 : i32, i32
  }
  func.func @transform_5(%arg0: i32) -> (i32, i32) {
    %c0_i32 = arith.constant 0 : i32
    %c0_i32_0 = arith.constant 0 : i32
    return %arg0, %c0_i32 : i32, i32
  }
}

</mosaic_0001>

<sc_bundles>
// kernel: kernel.10.cloned.1.call-start
scs
__scs_entry_jumppad:
0x0: {  	(pc) =	sbr.rel $0x88, $3  }
0x1: {  	(tag) =	ssettag $0x0;
	lr =	simm.s32 $0x1  }
0x2: {  	[smem:$0x3F98] =	sst lr;
	_ =	strace $0xD0000000  }
0x3: {  	_ = 	snop  }
0x4: {  	_ = 	snop  }
0x5: {  	_ = 	snop  }
0x6: {  	_ = 	snop  }
0x7: {  	_ = 	snop  }
__scs_overlays_trampoline_lowered:
0x8: {  	[smem:$0x3FA7] =	sst s0  }
0x9: {  	[smem:$0x3FA8] =	sst s1  }
0xa: {  	[smem:$0x3FA9] =	sst s2  }
0xb: {  	[smem:$0x3FAA] =	sst s3  }
0xc: {  	[smem:$0x3FAB] =	sst s4  }
0xd: {  	[smem:$0x3FAC] =	sst s5  }
0xe: {  	[smem:$0x3FAD] =	sst s6  }
0xf: {  	[smem:$0x3FAE] =	sst s7  }
0x10: {  	[smem:$0x3FAF] =	sst s8  }
0x11: {  	[smem:$0x3FB0] =	sst s9;
	s0 =	simm.s32 @!p0 $0x0  }
0x12: {  	s1 =	sld [smem:$0x3F96];
	s0 =	simm.s32 @p0 $0x1  }
0x13: {  	[smem:$0x3FB1] =	sst s0;
	s0 =	simm.s32 @!p1 $0x0  }
0x14: {  	s2 =	sld [smem:$0x3F95];
	s0 =	simm.s32 @p1 $0x1  }
0x15: {  	[smem:$0x3FB2] =	sst s0;
	s0 =	simm.s32 @!p2 $0x0  }
0x16: {  	s3 =	sld [smem:$0x3FDB];
	s0 =	simm.s32 @p2 $0x1  }
0x17: {  	s4 =	simm.s32 $0x1BF5;
	[smem:$0x3FB4] =	sst s0  }
0x18: {  	s0 =	sld [smem:$0x3F97];
	_ =	swait.ge [sflag:s4], $0x0  }
0x19: {  	s7 =	sld [smem:$0x3F98]  }
0x1a: {  	s8 =	sadd.s32 $0xFFFFE003, lr  }
0x1b: {  	s9 =	sadd.s32 $0xFFFFFEF7, lr;
	s5 =	simm.s32 $0xFFFFFFFF;
	p2 =	slt.u32 s8, $0xFFFFF086  }
0x1c: {  	p1 =	slt.u32 s9, $0xF7A;
	s5 =	simm.s32 @!p2 $0x0  }
0x1d: {  	s5 =	simm.s32 @p1 $0x1;
	p0 =	seq.s32 s7, s2  }
0x1e: {  	s7 =	smul.u32 @!p0 $0xF7A, s2;
	p2 =	seq.s32 @!p0 s5, $0x0  }
0x1f: {  	s9 =	smul.u32 $0xF7A, s1;
	s8 =	simm.s32 @!p0 $0x1BF5;
	p2 =	por !p2, p0  }
0x20: {  	[sflag:s8] =	ssyncset.s32 @!p0 $0xFFFFF086;
	s6 =	sadd.s32 @!p0 s3, s7;
	s7 =	simm.s32 @!p0 $0x108  }
0x21: {  	s3 =	sadd.s32 s3, s9;
	s6 =	sadd.s32 @!p0 $0x88, s6;
	s7 =	simm.s32 @p2 $0x1082  }
0x22: {  	[simem:s7], [sflag:s8] =	dma.local @!p0 [hbm:s6], $0xF7A  }
0x23: {  	s9 =	sor.u32 $0xD0000000, s2;
	s6 =	simm.s32 $0x108;
	_ =	swait.ge @!p0 [sflag:s8], $0x0  }
0x24: {  	s3 =	sadd.s32 $0x88, s3;
	s6 =	simm.s32 @!p1 $0x1082;
	[sflag:s4] =	ssyncset.s32 $0xFFFFF086  }
0x25: {  	[simem:s6], [sflag:s4] =	dma.local [hbm:s3], $0xF7A  }
0x26: {  	[smem:$0x3F98] =	sst s1;
	(tag) =	ssettag s2;
	_ =	strace s9  }
0x27: {  	s1 =	sld [smem:$0x3FA8]  }
0x28: {  	s2 =	sld [smem:$0x3FA9]  }
0x29: {  	s4 =	sld [smem:$0x3FAB]  }
0x2a: {  	p0 =	seq.s32 s5, $0x0;
	s5 =	sld [smem:$0x3FAC]  }
0x2b: {  	s6 =	sld [smem:$0x3FAD]  }
0x2c: {  	s7 =	sld [smem:$0x3FAE]  }
0x2d: {  	s3 =	simm.s32 $0x108;
	s8 =	sld [smem:$0x3FAF]  }
0x2e: {  	s3 =	simm.s32 @!p0 $0x1082;
	s9 =	sld [smem:$0x3FB0]  }
0x2f: {  	lr =	sadd.s32 s0, s3;
	s0 =	sld [smem:$0x3FA7]  }
0x30: {  	s3 =	sld [smem:$0x3FAA]  }
0x31: {  	[smem:$0x3FB3] =	sst s10  }
0x32: {  	s10 =	sld [smem:$0x3FB1];
	_ =	sdelay $0x3  }
0x33: {  	p0 =	seq.s32 s10, $0x1;
	s10 =	sld [smem:$0x3FB3];
	_ =	sdelay $0x3  }
0x34: {  	[smem:$0x3FB3] =	sst s10  }
0x35: {  	s10 =	sld [smem:$0x3FB2];
	_ =	sdelay $0x3  }
0x36: {  	p1 =	seq.s32 s10, $0x1;
	s10 =	sld [smem:$0x3FB3];
	_ =	sdelay $0x3  }
0x37: {  	[smem:$0x3FB3] =	sst s10  }
0x38: {  	s10 =	sld [smem:$0x3FB4]  }
0x39: {  	_ = 	snop;
	(pc) =	sbr.ind lr, $3  }
0x3a: {  	_ = 	snop  }
0x3b: {  	_ = 	snop  }
0x3c: {  	p2 =	seq.s32 s10, $0x1;
	s10 =	sld [smem:$0x3FB3]  }
0x3d: {  	_ =	shalt  }
0x3e: {  	_ =	shalt  }
0x3f: {  	_ =	shalt  }
0x40: {  	_ =	shalt  }
0x41: {  	_ =	shalt  }
0x42: {  	_ =	shalt  }
0x43: {  	_ =	shalt  }
0x44: {  	_ =	shalt  }
0x45: {  	_ =	shalt  }
0x46: {  	_ =	shalt  }
0x47: {  	_ =	shalt  }
0x48: {  	_ =	shalt  }
0x49: {  	_ =	shalt  }
0x4a: {  	_ =	shalt  }
0x4b: {  	_ =	shalt  }
0x4c: {  	_ =	shalt  }
0x4d: {  	_ =	shalt  }
0x4e: {  	_ =	shalt  }
0x4f: {  	_ =	shalt  }
0x50: {  	_ =	shalt  }
0x51: {  	_ =	shalt  }
0x52: {  	_ =	shalt  }
0x53: {  	_ =	shalt  }
0x54: {  	_ =	shalt  }
0x55: {  	_ =	shalt  }
0x56: {  	_ =	shalt  }
0x57: {  	_ =	shalt  }
0x58: {  	_ =	shalt  }
0x59: {  	_ =	shalt  }
0x5a: {  	_ =	shalt  }
0x5b: {  	_ =	shalt  }
0x5c: {  	_ =	shalt  }
0x5d: {  	_ =	shalt  }
0x5e: {  	_ =	shalt  }
0x5f: {  	_ =	shalt  }
0x60: {  	_ =	shalt  }
0x61: {  	_ =	shalt  }
0x62: {  	_ =	shalt  }
0x63: {  	_ =	shalt  }
0x64: {  	_ =	shalt  }
0x65: {  	_ =	shalt  }
0x66: {  	_ =	shalt  }
0x67: {  	_ =	shalt  }
0x68: {  	_ =	shalt  }
0x69: {  	_ =	shalt  }
0x6a: {  	_ =	shalt  }
0x6b: {  	_ =	shalt  }
0x6c: {  	_ =	shalt  }
0x6d: {  	_ =	shalt  }
0x6e: {  	_ =	shalt  }
0x6f: {  	_ =	shalt  }
0x70: {  	_ =	shalt  }
0x71: {  	_ =	shalt  }
0x72: {  	_ =	shalt  }
0x73: {  	_ =	shalt  }
0x74: {  	_ =	shalt  }
0x75: {  	_ =	shalt  }
0x76: {  	_ =	shalt  }
0x77: {  	_ =	shalt  }
0x78: {  	_ =	shalt  }
0x79: {  	_ =	shalt  }
0x7a: {  	_ =	shalt  }
0x7b: {  	_ =	shalt  }
0x7c: {  	_ =	shalt  }
0x7d: {  	_ =	shalt  }
0x7e: {  	_ =	shalt  }
0x7f: {  	_ =	shalt  }
0x80: {  	_ =	shalt  }
0x81: {  	_ =	shalt  }
0x82: {  	_ =	shalt  }
0x83: {  	_ =	shalt  }
0x84: {  	_ =	shalt  }
0x85: {  	_ =	shalt  }
0x86: {  	_ =	shalt  }
0x87: {  	_ =	shalt  }
.Lfunc_end0:
.L_simem_size_0:
called_computation_lowered:
.L_overlay_start_0:
0x88: {  	s2 =	sld [smem:$0x3FD9]  }
0x89: {  	s3 =	sld [smem:$0x3FFE];
	_ =	sdelay $0x1  }
0x8a: {  	s1 =	srdreg.scid  }
0x8b: {  	s0 =	sand.u32 $0x1, s1  }
0x8c: {  	s17 =	sshll.u32 s0, $0xA;
	s2 =	sadd.s32 s3, s2  }
0x8d: {  	s2 =	sadd.s32 s2, s17  }
0x8e: {  	[smem:$0x3FBF] =	sst s2  }
0x8f: {  	_ = 	snop  }
0x90: {  	s2 =	sld [smem:$0x3FD0];
	(tm) =	ssettm $0x1  }
0x91: {  	s18 =	sld [smem:$0x3FFB];
	_ =	sdelay $0x3  }
0x92: {  	_ =	strace s18  }
0x93: {  	s3 =	sld [smem:$0x3FFC];
	_ =	sdelay $0x3  }
0x94: {  	_ =	strace s3  }
0x95: {  	s3 =	sld [smem:$0x3FFD];
	_ =	sdelay $0x3  }
0x96: {  	_ =	strace s3  }
0x97: {  	_ =	strace $0x8FFFFFFF  }
0x98: {  	s19 =	sld [smem:$0x3FDB];
	_ =	sdelay $0x1  }
0x99: {  	s4 =	simm.s32 $_scs_section_size  }
0x9a: {  	s5 =	simm.s32 $_size__tile_overlayer_lowered;
	s6 =	simm.s32 $_tile_overlayer_lowered  }
0x9b: {  	s22 =	simm.s32 $0x1BFF;
	s21 =	sshll.u32 s6, $0x1;
	s3 =	sadd.s32 s4, s19  }
0x9c: {  	s7 =	simm.s32 $0x0;
	s20 =	sshll.u32 s5, $0x1;
	s5 =	sadd.s32 s21, s3  }
0x9d: {  	[timem:s7], [sflag:s22] =	dma.local [hbm:s5], s20  }
0x9e: {  	_ =	swait.ge [sflag:s22], s20  }
0x9f: {  	s4 =	ssub.s32 $0x0, s20;
	[sflag:s22] =	ssyncset.done $0x0  }
0xa0: {  	[sflag:s22] =	ssyncadd.s32 s4;
	_ =	sdelay $0x1  }
0xa1: {  	s23 =	simm.s32 $0x1B8B  }
0xa2: {  	_ =	swait.ge [sflag:s23], $0x1  }
0xa3: {  	[sflag:s23] =	ssyncset.done $0x0  }
0xa4: {  	s25 =	simm.s32 $0x1B8E;
	s24 =	sld [smem:$0x3FFE];
	[sflag:s23] =	ssyncadd.s32 $0xFFFFFFFF  }
0xa5: {  	s26 =	simm.s32 $execute0_lowered;
	[smem:$0x3FD2] =	sst s25  }
0xa6: {  	s5 =	sshll.u32 s26, $0x1;
	_ =	strace $0x80000046;
	[dreg:$0x1] =	wrdreg $0xFFFFFFFF  }
0xa7: {  	s28 =	simm.s32 $_size_execute0_lowered;
	s3 =	sadd.s32 s3, s5;
	[dreg:$0x0] =	wrdreg $0x0  }
0xa8: {  	s5 =	sshll.u32 s28, $0x1;
	[dreg:$0x2] =	wrdreg s3  }
0xa9: {  	[dreg:$0x3] =	wrdreg s5  }
0xaa: {  	[dreg:$0x4] =	wrdreg $0xC0  }
0xab: {  	_ =	task [dreg:s7], $0x5FFFF  }
0xac: {  	[dreg:$0x1] =	wrdreg $0xFFFFFFFF  }
0xad: {  	[dreg:$0x0] =	wrdreg $0x60  }
0xae: {  	[dreg:$0x2] =	wrdreg s24  }
0xaf: {  	[dreg:$0x3] =	wrdreg s2  }
0xb0: {  	[dreg:$0x4] =	wrdreg $0x43000  }
0xb1: {  	[dreg:$0x5] =	wrdreg $0x9  }
0xb2: {  	_ =	task.clear_ibuf [dreg:s7], $0x6FFFF;
	_ =	strace $0x90000046  }
0xb3: {  	s29 =	simm.s32 $0x9;
	_ =	strace $0x80000048  }
0xb4: {  	_ =	swait.ge [sflag:s29], $0x1  }
0xb5: {  	[sflag:s29] =	ssyncadd.s32 $0xFFFFFFFF  }
0xb6: {  	_ =	strace $0x90000048  }
0xb7: {  	_ =	sfence  }
0xb8: {  	s30 =	sld [smem:$0x0];
	_ =	sdelay $0x2  }
0xb9: {  	s31 =	sshll.u32 s1, $0xD;
	s1 =	sshrl.u32 s1, $0x2  }
0xba: {  	s3 =	sand.u32 $0x4000, s31;
	s1 =	sadd.s32 s1, s30  }
0xbb: {  	s0 =	sor.u32 s3, s0;
	s1 =	sshll.u32 s1, $0x11  }
0xbc: {  	s0 =	sor.u32 s1, s0  }
0xbd: {  	s0 =	sadd.s32 $0x8F2B, s0  }
0xbe: {  	[sflag:s0] =	ssyncadd.remote.s32 $0x1  }
0xbf: {  	_ =	sfence.sel $0xFFFF  }
0xc0: {  	[dreg:$0x0] =	wrdreg $0xFFFFFFFF;
	(pc) =	sbr.abs _section_cstart, $3  }
0xc1: {  	[dreg:$0x1] =	wrdreg $0xFFFFFFFF  }
0xc2: {  	_ =	task.clear_ibuf [dreg:s7], $0x2FFFF;
	_ =	strace $0x9FFFFFFF  }
0xc3: {  	(tm) =	ssettm $0x7FFFFFFF  }
tec
execute0_lowered:
.L_overlay_start_1:
0x0: {  	(tag) =	ssettag $0x1  }
0x1: {  	s4 =	rddreg [dreg:$0x0]  }
0x2: {  	s6 =	rddreg [dreg:$0x1]  }
0x3: {  	s2 =	rddreg [dreg:$0x2]  }
0x4: {  	s0 =	rddreg [dreg:$0x3]  }
0x5: {  	s5 =	srdreg.scid;
	s1 =	stileid.u32  }
0x6: {  	s3 =	simm.s32 $0x0;
	s11 =	simm.s32 $0x4000;
	s14 =	simm.s32 $0x0  }
0x7: {  	s5 =	sand.u32 $0x1, s5;
	s7 =	smul.u32 $0x280, s1;
	[smem:$0x7FF] =	sst s3  }
0x8: {  	s10 =	sshll.u32 s1, $0xC;
	s12 =	sshll.u32 s1, $0x6;
	s8 =	sshll.u32 s5, $0xB  }
0x9: {  	s9 =	smul.u32 $0x2800, s5;
	_ =	strace $0x80000047;
	s5 =	ssub.s32 $0x2, s5  }
0xa: {  	s12 =	sor.u32 $0x1C01, s12;
	s4 =	sadd.s32 s8, s4;
	s30 =	sshrl.u32 s5, $0x1  }
0xb: {  	s9 =	sadd.s32 s7, s9;
	s8 =	ssub.s32 s5, s30;
	s31 =	sadd.s32 s10, s4  }
0xc: {  	s4 =	sadd.s32 s7, s2;
	s10 =	simm.s32 $0x50;
	s9 =	sshrl.u32 s9, $0x3  }
0xd: {  	s5 =	sadd.s32 $0x13400, s31;
	s7 =	smax.u32 s8, $0x1;
	s8 =	simm.s32 $0x4080  }
0xe: {  	v0 =	vimm.f32 $1.000000000e+00;
	v1 =	vimm.f32 $0.0e+00;
	s13 =	sshrl.u32 s4, $0x3;
	s6 =	sadd.s32 s6, s9;
	s9 =	simm.s32 $0x1  }
.LBB2_1:
0xf: {  	[tilespmem:$0x4000] =	vst v0  }
0x10: {  	[tilespmem:$0x4010] =	vst v0  }
0x11: {  	[tilespmem:$0x4020] =	vst v0  }
0x12: {  	[tilespmem:$0x4030] =	vst v0  }
0x13: {  	[tilespmem:$0x4040] =	vst v0  }
0x14: {  	[tilespmem:$0x4080] =	vst v1  }
0x15: {  	[tilespmem:$0x4090] =	vst v1  }
0x16: {  	[tilespmem:$0x40A0] =	vst v1  }
0x17: {  	[tilespmem:$0x40B0] =	vst v1  }
0x18: {  	[tilespmem:$0x40C0] =	vst v1  }
0x19: {  	[tilespmem:$0x40D0] =	vst v1  }
0x1a: {  	[tilespmem:$0x40E0] =	vst v1  }
0x1b: {  	[tilespmem:$0x40F0] =	vst v1  }
0x1c: {  	[tilespmem:$0x4100] =	vst v1  }
0x1d: {  	[tilespmem:$0x4110] =	vst v1  }
0x1e: {  	[tilespmem:$0x4120] =	vst v1  }
0x1f: {  	[tilespmem:$0x4130] =	vst v1  }
0x20: {  	[tilespmem:$0x4140] =	vst v1  }
0x21: {  	[tilespmem:$0x4150] =	vst v1  }
0x22: {  	[tilespmem:$0x4160] =	vst v1  }
0x23: {  	[tilespmem:$0x4170] =	vst v1  }
0x24: {  	[tilespmem:$0x4180] =	vst v1  }
0x25: {  	[tilespmem:$0x4190] =	vst v1  }
0x26: {  	[tilespmem:$0x41A0] =	vst v1  }
0x27: {  	[tilespmem:$0x41B0] =	vst v1  }
0x28: {  	[tilespmem:$0x41C0] =	vst v1  }
0x29: {  	[tilespmem:$0x41D0] =	vst v1  }
0x2a: {  	[tilespmem:$0x41E0] =	vst v1  }
0x2b: {  	[tilespmem:$0x41F0] =	vst v1  }
0x2c: {  	[tilespmem:$0x4200] =	vst v1  }
0x2d: {  	[tilespmem:$0x4210] =	vst v1  }
0x2e: {  	[tilespmem:$0x4220] =	vst v1  }
0x2f: {  	[tilespmem:$0x4230] =	vst v1  }
0x30: {  	[tilespmem:$0x4240] =	vst v1  }
0x31: {  	[tilespmem:$0x4250] =	vst v1  }
0x32: {  	[tilespmem:$0x4260] =	vst v1  }
0x33: {  	[tilespmem:$0x4270] =	vst v1  }
0x34: {  	[tilespmem:$0x4280] =	vst v1  }
0x35: {  	[tilespmem:$0x4290] =	vst v1  }
0x36: {  	[tilespmem:$0x42A0] =	vst v1  }
0x37: {  	[tilespmem:$0x42B0] =	vst v1  }
0x38: {  	[tilespmem:$0x42C0] =	vst v1  }
0x39: {  	[tilespmem:$0x42D0] =	vst v1  }
0x3a: {  	[tilespmem:$0x42E0] =	vst v1  }
0x3b: {  	[tilespmem:$0x42F0] =	vst v1  }
0x3c: {  	[spmem:s4] =	stream.linear.scatter [tilespmem:s8], [sflag:$0x1], $0x280, $0x38;
	[tilespmem:$0x4580] =	vst v63  }
0x3d: {  	_ =	swait.ge [sflag:s9], $0x280  }
0x3e: {  	[sflag:s9] =	ssyncset.done $0x0  }
0x3f: {  	[sflag:s9] =	ssyncadd.s32 $0xFFFFFD80  }
0x40: {  	[tilespmem:s3], [sflag:$0x1] =	stream.linear.gather [hbm4b:s5+s3], $0x3E80, $0x38;
	[tilespmem:$0x4580] =	vst v63  }
0x41: {  	_ =	swait.ge [sflag:s9], $0x3E80  }
0x42: {  	[sflag:s9] =	ssyncset.done $0x0  }
0x43: {  	[sflag:s9] =	ssyncadd.s32 $0xFFFFC180  }
0x44: {  	s15 =	simm.s32 $0x0;
	[bflag:$0x0] =	sbarrier.arrive $0xFFFF  }
0x45: {  	[spmem:s2] =	stream.indirect.scatter.add.f32 [tilespmem:s11], [sflag:$0x1], $0x1, s15, s10, $0xb8;
	[tilespmem:$0x4580] =	vst v63  }
0x46: {  	_ =	swait.ge [sflag:s9], $0x50  }
0x47: {  	s15 =	simm.s32 $0x200;
	[sflag:s9] =	ssyncset.done $0x0  }
.LBB2_2:
0x48: {  	s16 =	sshra.s32 s15, $0x2;
	[sflag:s9] =	ssyncadd.s32 $0xFFFFFFB0;
	p0 =	sne.s32 s15, $0xF800  }
0x49: {  	[spmem:s2] =	stream.indirect.scatter.add.f32 [tilespmem:s11], [sflag:$0x1], $0x1, s16, s10, $0xb8;
	[tilespmem:$0x4580] =	vst v63  }
.Ltmp0:
0x4a: {  	_ = 	snop;
	(pc) =	sbr.rel @p0 .LBB2_2-.Ltmp0, $4  }
0x4b: {  	_ = 	snop  }
0x4c: {  	s15 =	sadd.s32 $0x200, s15  }
0x4d: {  	_ =	swait.ge [sflag:s9], $0x50  }
0x4e: {  	[sflag:s9] =	ssyncset.done $0x0  }
0x4f: {  	s14 =	sadd.s32 $0x1, s14  }
0x50: {  	[sflag:s9] =	ssyncadd.s32 $0xFFFFFFB0;
	p0 =	sne.s32 s14, s7  }
.Ltmp1:
0x51: {  	[bflag:$0x0] =	sbarrier.arrive $0xFFFF;
	(pc) =	sbr.rel @p0 .LBB2_1-.Ltmp1, $4  }
0x52: {  	[hbm:s6], [sflag:s12] =	dma.local [spmem:s13], $0x50  }
0x53: {  	_ =	swait.ge [sflag:s9], $0x50  }
0x54: {  	[sflag:s9] =	ssyncset.done $0x0  }
0x55: {  	[sflag:s9] =	ssyncadd.s32 $0xFFFFFFB0  }
0x56: {  	_ =	sfence.sel $0x180000  }
0x57: {  	[bflag:$0x0] =	sbarrier.arrive $0xFFFF  }
0x58: {  	p0 =	sne.s32 s1, $0x0;
	_ =	strace $0x90000047  }
0x59: {  	s0 =	sadd.s32 @!p0 $0x100000, s0;
	[bflag:$0x2] =	sbarrier.arrive $0xFFFF  }
0x5a: {  	[sflag:s0] =	ssyncadd.tile.s32 @!p0 $0x1;
	_ =	shalt  }
.Lfunc_end2:
_tile_overlayer_lowered:
.L_overlay_start_2:
0x5b: {  	(tag) =	ssettag $0x2  }
0x5c: {  	s0 =	rddreg [dreg:$0x0];
	s2 =	stileid.u32  }
0x5d: {  	s1 =	rddreg [dreg:$0x1];
	p0 =	sne.s32 s2, $0x0  }
0x5e: {  	s3 =	rddreg [dreg:$0x2];
	[bflag:$0x3] =	sbarrier.arrive $0xFFFF;
	s2 =	simm.s32 @!p0 $0x1C01  }
0x5f: {  	[timem:s3], [sflag:s2] =	dma.local @!p0 [hbm:s0], s1  }
0x60: {  	s0 =	simm.s32 @!p0 $0x1  }
0x61: {  	_ =	swait.ge @!p0 [sflag:s0], s1  }
0x62: {  	s1 =	ssub.s32 @!p0 $0x0, s1;
	[sflag:s0] =	ssyncset.done @!p0 $0x0  }
0x63: {  	[sflag:s0] =	ssyncadd.s32 @!p0 s1  }
0x64: {  	[bflag:$0x3] =	sbarrier.arrive $0xFFFF  }
0x65: {  	_ =	shalt  }

// kernel: kernel.13.cloned.1.call-start
scs
__scs_entry_jumppad:
0x0: {  	(pc) =	sbr.rel $0x88, $3  }
0x1: {  	(tag) =	ssettag $0x0;
	lr =	simm.s32 $0x1  }
0x2: {  	[smem:$0x3F98] =	sst lr;
	_ =	strace $0xD0000000  }
0x3: {  	_ = 	snop  }
0x4: {  	_ = 	snop  }
0x5: {  	_ = 	snop  }
0x6: {  	_ = 	snop  }
0x7: {  	_ = 	snop  }
__scs_overlays_trampoline_lowered:
0x8: {  	[smem:$0x3FA7] =	sst s0  }
0x9: {  	[smem:$0x3FA8] =	sst s1  }
0xa: {  	[smem:$0x3FA9] =	sst s2  }
0xb: {  	[smem:$0x3FAA] =	sst s3  }
0xc: {  	[smem:$0x3FAB] =	sst s4  }
0xd: {  	[smem:$0x3FAC] =	sst s5  }
0xe: {  	[smem:$0x3FAD] =	sst s6  }
0xf: {  	[smem:$0x3FAE] =	sst s7  }
0x10: {  	[smem:$0x3FAF] =	sst s8  }
0x11: {  	[smem:$0x3FB0] =	sst s9;
	s0 =	simm.s32 @!p0 $0x0  }
0x12: {  	s1 =	sld [smem:$0x3F96];
	s0 =	simm.s32 @p0 $0x1  }
0x13: {  	[smem:$0x3FB1] =	sst s0;
	s0 =	simm.s32 @!p1 $0x0  }
0x14: {  	s2 =	sld [smem:$0x3F95];
	s0 =	simm.s32 @p1 $0x1  }
0x15: {  	[smem:$0x3FB2] =	sst s0;
	s0 =	simm.s32 @!p2 $0x0  }
0x16: {  	s3 =	sld [smem:$0x3FDB];
	s0 =	simm.s32 @p2 $0x1  }
0x17: {  	s4 =	simm.s32 $0x1BF5;
	[smem:$0x3FB4] =	sst s0  }
0x18: {  	s0 =	sld [smem:$0x3F97];
	_ =	swait.ge [sflag:s4], $0x0  }
0x19: {  	s7 =	sld [smem:$0x3F98]  }
0x1a: {  	s8 =	sadd.s32 $0xFFFFE003, lr  }
0x1b: {  	s9 =	sadd.s32 $0xFFFFFEF7, lr;
	s5 =	simm.s32 $0xFFFFFFFF;
	p2 =	slt.u32 s8, $0xFFFFF086  }
0x1c: {  	p1 =	slt.u32 s9, $0xF7A;
	s5 =	simm.s32 @!p2 $0x0  }
0x1d: {  	s5 =	simm.s32 @p1 $0x1;
	p0 =	seq.s32 s7, s2  }
0x1e: {  	s7 =	smul.u32 @!p0 $0xF7A, s2;
	p2 =	seq.s32 @!p0 s5, $0x0  }
0x1f: {  	s9 =	smul.u32 $0xF7A, s1;
	s8 =	simm.s32 @!p0 $0x1BF5;
	p2 =	por !p2, p0  }
0x20: {  	[sflag:s8] =	ssyncset.s32 @!p0 $0xFFFFF086;
	s6 =	sadd.s32 @!p0 s3, s7;
	s7 =	simm.s32 @!p0 $0x108  }
0x21: {  	s3 =	sadd.s32 s3, s9;
	s6 =	sadd.s32 @!p0 $0x88, s6;
	s7 =	simm.s32 @p2 $0x1082  }
0x22: {  	[simem:s7], [sflag:s8] =	dma.local @!p0 [hbm:s6], $0xF7A  }
0x23: {  	s9 =	sor.u32 $0xD0000000, s2;
	s6 =	simm.s32 $0x108;
	_ =	swait.ge @!p0 [sflag:s8], $0x0  }
0x24: {  	s3 =	sadd.s32 $0x88, s3;
	s6 =	simm.s32 @!p1 $0x1082;
	[sflag:s4] =	ssyncset.s32 $0xFFFFF086  }
0x25: {  	[simem:s6], [sflag:s4] =	dma.local [hbm:s3], $0xF7A  }
0x26: {  	[smem:$0x3F98] =	sst s1;
	(tag) =	ssettag s2;
	_ =	strace s9  }
0x27: {  	s1 =	sld [smem:$0x3FA8]  }
0x28: {  	s2 =	sld [smem:$0x3FA9]  }
0x29: {  	s4 =	sld [smem:$0x3FAB]  }
0x2a: {  	p0 =	seq.s32 s5, $0x0;
	s5 =	sld [smem:$0x3FAC]  }
0x2b: {  	s6 =	sld [smem:$0x3FAD]  }
0x2c: {  	s7 =	sld [smem:$0x3FAE]  }
0x2d: {  	s3 =	simm.s32 $0x108;
	s8 =	sld [smem:$0x3FAF]  }
0x2e: {  	s3 =	simm.s32 @!p0 $0x1082;
	s9 =	sld [smem:$0x3FB0]  }
0x2f: {  	lr =	sadd.s32 s0, s3;
	s0 =	sld [smem:$0x3FA7]  }
0x30: {  	s3 =	sld [smem:$0x3FAA]  }
0x31: {  	[smem:$0x3FB3] =	sst s10  }
0x32: {  	s10 =	sld [smem:$0x3FB1];
	_ =	sdelay $0x3  }
0x33: {  	p0 =	seq.s32 s10, $0x1;
	s10 =	sld [smem:$0x3FB3];
	_ =	sdelay $0x3  }
0x34: {  	[smem:$0x3FB3] =	sst s10  }
0x35: {  	s10 =	sld [smem:$0x3FB2];
	_ =	sdelay $0x3  }
0x36: {  	p1 =	seq.s32 s10, $0x1;
	s10 =	sld [smem:$0x3FB3];
	_ =	sdelay $0x3  }
0x37: {  	[smem:$0x3FB3] =	sst s10  }
0x38: {  	s10 =	sld [smem:$0x3FB4]  }
0x39: {  	_ = 	snop;
	(pc) =	sbr.ind lr, $3  }
0x3a: {  	_ = 	snop  }
0x3b: {  	_ = 	snop  }
0x3c: {  	p2 =	seq.s32 s10, $0x1;
	s10 =	sld [smem:$0x3FB3]  }
0x3d: {  	_ =	shalt  }
0x3e: {  	_ =	shalt  }
0x3f: {  	_ =	shalt  }
0x40: {  	_ =	shalt  }
0x41: {  	_ =	shalt  }
0x42: {  	_ =	shalt  }
0x43: {  	_ =	shalt  }
0x44: {  	_ =	shalt  }
0x45: {  	_ =	shalt  }
0x46: {  	_ =	shalt  }
0x47: {  	_ =	shalt  }
0x48: {  	_ =	shalt  }
0x49: {  	_ =	shalt  }
0x4a: {  	_ =	shalt  }
0x4b: {  	_ =	shalt  }
0x4c: {  	_ =	shalt  }
0x4d: {  	_ =	shalt  }
0x4e: {  	_ =	shalt  }
0x4f: {  	_ =	shalt  }
0x50: {  	_ =	shalt  }
0x51: {  	_ =	shalt  }
0x52: {  	_ =	shalt  }
0x53: {  	_ =	shalt  }
0x54: {  	_ =	shalt  }
0x55: {  	_ =	shalt  }
0x56: {  	_ =	shalt  }
0x57: {  	_ =	shalt  }
0x58: {  	_ =	shalt  }
0x59: {  	_ =	shalt  }
0x5a: {  	_ =	shalt  }
0x5b: {  	_ =	shalt  }
0x5c: {  	_ =	shalt  }
0x5d: {  	_ =	shalt  }
0x5e: {  	_ =	shalt  }
0x5f: {  	_ =	shalt  }
0x60: {  	_ =	shalt  }
0x61: {  	_ =	shalt  }
0x62: {  	_ =	shalt  }
0x63: {  	_ =	shalt  }
0x64: {  	_ =	shalt  }
0x65: {  	_ =	shalt  }
0x66: {  	_ =	shalt  }
0x67: {  	_ =	shalt  }
0x68: {  	_ =	shalt  }
0x69: {  	_ =	shalt  }
0x6a: {  	_ =	shalt  }
0x6b: {  	_ =	shalt  }
0x6c: {  	_ =	shalt  }
0x6d: {  	_ =	shalt  }
0x6e: {  	_ =	shalt  }
0x6f: {  	_ =	shalt  }
0x70: {  	_ =	shalt  }
0x71: {  	_ =	shalt  }
0x72: {  	_ =	shalt  }
0x73: {  	_ =	shalt  }
0x74: {  	_ =	shalt  }
0x75: {  	_ =	shalt  }
0x76: {  	_ =	shalt  }
0x77: {  	_ =	shalt  }
0x78: {  	_ =	shalt  }
0x79: {  	_ =	shalt  }
0x7a: {  	_ =	shalt  }
0x7b: {  	_ =	shalt  }
0x7c: {  	_ =	shalt  }
0x7d: {  	_ =	shalt  }
0x7e: {  	_ =	shalt  }
0x7f: {  	_ =	shalt  }
0x80: {  	_ =	shalt  }
0x81: {  	_ =	shalt  }
0x82: {  	_ =	shalt  }
0x83: {  	_ =	shalt  }
0x84: {  	_ =	shalt  }
0x85: {  	_ =	shalt  }
0x86: {  	_ =	shalt  }
0x87: {  	_ =	shalt  }
.Lfunc_end0:
.L_simem_size_0:
called_computation.1_lowered:
.L_overlay_start_0:
0x88: {  	s2 =	sld [smem:$0x3FD9]  }
0x89: {  	s3 =	sld [smem:$0x3FFE];
	_ =	sdelay $0x1  }
0x8a: {  	s1 =	srdreg.scid  }
0x8b: {  	s0 =	sand.u32 $0x1, s1  }
0x8c: {  	s16 =	sshll.u32 s0, $0xA;
	s2 =	sadd.s32 s3, s2  }
0x8d: {  	s2 =	sadd.s32 s2, s16  }
0x8e: {  	[smem:$0x3FBF] =	sst s2  }
0x8f: {  	_ = 	snop  }
0x90: {  	(tm) =	ssettm $0x1  }
0x91: {  	s17 =	sld [smem:$0x3FFB];
	_ =	sdelay $0x3  }
0x92: {  	_ =	strace s17  }
0x93: {  	s2 =	sld [smem:$0x3FFC];
	_ =	sdelay $0x3  }
0x94: {  	_ =	strace s2  }
0x95: {  	s2 =	sld [smem:$0x3FFD];
	_ =	sdelay $0x3  }
0x96: {  	_ =	strace s2  }
0x97: {  	_ =	strace $0x8FFFFFFF  }
0x98: {  	s18 =	sld [smem:$0x3FDB];
	_ =	sdelay $0x1  }
0x99: {  	s19 =	simm.s32 $_scs_section_size  }
0x9a: {  	s4 =	simm.s32 $_size__tile_overlayer_lowered;
	s5 =	simm.s32 $_tile_overlayer_lowered  }
0x9b: {  	s22 =	simm.s32 $0x1BFF;
	s21 =	sshll.u32 s5, $0x1;
	s2 =	sadd.s32 s19, s18  }
0x9c: {  	s6 =	simm.s32 $0x0;
	s20 =	sshll.u32 s4, $0x1;
	s4 =	sadd.s32 s21, s2  }
0x9d: {  	[timem:s6], [sflag:s22] =	dma.local [hbm:s4], s20  }
0x9e: {  	_ =	swait.ge [sflag:s22], s20  }
0x9f: {  	s3 =	ssub.s32 $0x0, s20;
	[sflag:s22] =	ssyncset.done $0x0  }
0xa0: {  	[sflag:s22] =	ssyncadd.s32 s3;
	_ =	sdelay $0x1  }
0xa1: {  	s23 =	simm.s32 $0x1B8B  }
0xa2: {  	_ =	swait.ge [sflag:s23], $0x1  }
0xa3: {  	[sflag:s23] =	ssyncset.done $0x0  }
0xa4: {  	s25 =	simm.s32 $0x1B8E;
	s24 =	sld [smem:$0x3FFE];
	[sflag:s23] =	ssyncadd.s32 $0xFFFFFFFF  }
0xa5: {  	s26 =	simm.s32 $execute0_lowered;
	[smem:$0x3FD2] =	sst s25  }
0xa6: {  	s4 =	sshll.u32 s26, $0x1;
	_ =	strace $0x80000049;
	[dreg:$0x1] =	wrdreg $0xFFFFFFFF  }
0xa7: {  	s28 =	simm.s32 $_size_execute0_lowered;
	s2 =	sadd.s32 s2, s4;
	[dreg:$0x0] =	wrdreg $0x0  }
0xa8: {  	s4 =	sshll.u32 s28, $0x1;
	[dreg:$0x2] =	wrdreg s2  }
0xa9: {  	[dreg:$0x3] =	wrdreg s4  }
0xaa: {  	[dreg:$0x4] =	wrdreg $0xC0  }
0xab: {  	_ =	task [dreg:s6], $0x5FFFF  }
0xac: {  	[dreg:$0x1] =	wrdreg $0xFFFFFFFF  }
0xad: {  	[dreg:$0x0] =	wrdreg $0x60  }
0xae: {  	[dreg:$0x2] =	wrdreg s24  }
0xaf: {  	[dreg:$0x3] =	wrdreg $0xA8000  }
0xb0: {  	[dreg:$0x4] =	wrdreg $0x9  }
0xb1: {  	_ =	task.clear_ibuf [dreg:s6], $0x5FFFF;
	_ =	strace $0x90000049  }
0xb2: {  	s29 =	simm.s32 $0x9;
	_ =	strace $0x8000004B  }
0xb3: {  	_ =	swait.ge [sflag:s29], $0x1  }
0xb4: {  	[sflag:s29] =	ssyncadd.s32 $0xFFFFFFFF  }
0xb5: {  	_ =	strace $0x9000004B  }
0xb6: {  	_ =	sfence  }
0xb7: {  	s30 =	sld [smem:$0x0];
	_ =	sdelay $0x2  }
0xb8: {  	s31 =	sshll.u32 s1, $0xD;
	s1 =	sshrl.u32 s1, $0x2  }
0xb9: {  	s3 =	sand.u32 $0x4000, s31;
	s1 =	sadd.s32 s1, s30  }
0xba: {  	s0 =	sor.u32 s3, s0;
	s1 =	sshll.u32 s1, $0x11  }
0xbb: {  	s0 =	sor.u32 s1, s0  }
0xbc: {  	s0 =	sadd.s32 $0x8F2B, s0  }
0xbd: {  	[sflag:s0] =	ssyncadd.remote.s32 $0x1  }
0xbe: {  	_ =	sfence.sel $0xFFFF  }
0xbf: {  	[dreg:$0x0] =	wrdreg $0xFFFFFFFF;
	(pc) =	sbr.abs _section_cstart, $3  }
0xc0: {  	[dreg:$0x1] =	wrdreg $0xFFFFFFFF  }
0xc1: {  	_ =	task.clear_ibuf [dreg:s6], $0x2FFFF;
	_ =	strace $0x9FFFFFFF  }
0xc2: {  	(tm) =	ssettm $0x7FFFFFFF  }
0xc3: {  	_ =	shalt  }
tec
execute0_lowered:
.L_overlay_start_1:
0x0: {  	(tag) =	ssettag $0x1  }
0x1: {  	s0 =	rddreg [dreg:$0x0]  }
0x2: {  	s1 =	rddreg [dreg:$0x1];
	s2 =	simm.s32 $0x0  }
0x3: {  	s6 =	srdreg.scid;
	s15 =	stileid.u32;
	s29 =	simm.s32 $0x50  }
0x4: {  	s30 =	simm.s32 $0x800;
	s31 =	simm.s32 $0x180;
	s28 =	simm.s32 $0xE  }
0x5: {  	[smem:$0x7FF] =	sst s2;
	s4 =	sadd.s32 $0x36E00, s0;
	s5 =	sadd.s32 $0x23400, s0  }
0x6: {  	s3 =	sadd.s32 $0x5E000, s0;
	s7 =	sand.u32 $0x1, s6;
	s8 =	smul.u32 $0x50000, s15  }
0x7: {  	s16 =	sshll.u32 s15, $0x1;
	s10 =	smul.u32 $0x2800, s15;
	s12 =	sadd.s32 $0x12C000, s1  }
0x8: {  	s0 =	sadd.s32 $0x5C600, s0;
	p0 =	seq.s32 s15, $0xF;
	_ =	strace $0x8000004A  }
0x9: {  	s9 =	ssub.s32 $0x2, s7;
	s6 =	sor.u32 s7, s16;
	s14 =	smul.u32 $0x27100, s7  }
0xa: {  	[dreg:$0x4] =	wrdreg s0;
	s20 =	smul.u32 $0x138800, s7;
	s11 =	sshrl.u32 s9, $0x1  }
0xb: {  	s6 =	smul.u32 $0x2710, s6;
	s8 =	sshrl.u32 s8, $0x2;
	s17 =	sadd.s32 s4, s10  }
0xc: {  	s11 =	ssub.s32 s9, s11;
	s8 =	sadd.s32 s8, s1;
	[dreg:$0x3] =	wrdreg s17  }
0xd: {  	s25 =	sadd.s32 s10, s14;
	s0 =	sshrl.u32 s20, $0x3;
	s20 =	simm.s32 $0x7  }
0xe: {  	s9 =	sadd.s32 $0x4E200, s6;
	s18 =	sshrl.u32 s6, $0x3;
	s7 =	sadd.s32 s3, s25  }
0xf: {  	s0 =	sadd.s32 s3, s0;
	s26 =	smax.u32 s11, $0x1;
	s3 =	simm.s32 $0x2  }
0x10: {  	s11 =	simm.s32 $0x9;
	s13 =	sshrl.u32 s9, $0x3;
	[dreg:$0xb] =	wrdreg s7  }
0x11: {  	s16 =	sadd.s32 s5, s18;
	s0 =	sadd.s32 $0x25800, s0;
	[dreg:$0xd] =	wrdreg s26  }
0x12: {  	s7 =	simm.s32 $0x3000;
	s18 =	simm.s32 $0x3;
	[dreg:$0x5] =	wrdreg s16  }
0x13: {  	s26 =	simm.s32 $0x12;
	s19 =	sadd.s32 s5, s13;
	[dreg:$0xc] =	wrdreg s0  }
0x14: {  	s21 =	sadd.s32 $0xA, s16;
	s22 =	sadd.s32 $0x9C4A, s16;
	[dreg:$0x6] =	wrdreg s19  }
0x15: {  	s23 =	sadd.s32 $0x14, s16;
	s24 =	sadd.s32 $0x9C54, s16;
	[dreg:$0x7] =	wrdreg s21  }
0x16: {  	s0 =	sshll.u32 @!p0 s15, $0x6;
	s15 =	sshrl.u32 @p0 s12, $0x3;
	[dreg:$0x8] =	wrdreg s22  }
.Ltmp0:
0x17: {  	s13 =	simm.s32 $0x17;
	[dreg:$0x9] =	wrdreg s23;
	(pc) =	sbr.rel .LBB2_1-.Ltmp0, $4  }
0x18: {  	s12 =	simm.s32 $0xA;
	s16 =	simm.s32 $0x0;
	[dreg:$0xa] =	wrdreg s24  }
0x19: {  	s17 =	sor.u32 @!p0 $0x1C19, s0;
	s19 =	sshrl.u32 @!p0 s8, $0x3;
	[dreg:$0xe] =	wrdreg s15  }
0x1a: {  	s22 =	simm.s32 $0x400;
	s23 =	simm.s32 $0x80;
	[dreg:$0xf] =	wrdreg s17  }
0x1b: {  	s0 =	simm.s32 $0x580;
	s8 =	simm.s32 $0x11;
	[dreg:$0x10] =	wrdreg s19  }
.LBB2_37:
0x1c: {  	s10 =	simm.s32 $0x16  }
0x1d: {  	_ =	swait.ge [sflag:s10], $0x2800  }
0x1e: {  	[sflag:s10] =	ssyncset.done $0x0  }
0x1f: {  	[sflag:s10] =	ssyncadd.s32 $0xFFFFD800  }
0x20: {  	_ =	swait.ge [sflag:s13], $0x2800  }
0x21: {  	[sflag:s13] =	ssyncset.done $0x0  }
0x22: {  	s21 =	simm.s32 $0x18;
	[sflag:s13] =	ssyncadd.s32 $0xFFFFD800  }
0x23: {  	_ =	swait.ge [sflag:s21], $0x2800  }
0x24: {  	[sflag:s21] =	ssyncset.done $0x0  }
0x25: {  	s24 =	simm.s32 $0x15;
	[sflag:s21] =	ssyncadd.s32 $0xFFFFD800  }
0x26: {  	_ =	swait.ge [sflag:s24], $0x2800  }
0x27: {  	[sflag:s24] =	ssyncset.done $0x0  }
0x28: {  	[sflag:s24] =	ssyncadd.s32 $0xFFFFD800  }
0x29: {  	[bflag:$0x0] =	sbarrier.arrive $0xFFFF  }
0x2a: {  	s14 =	rddreg [dreg:$0xc]  }
0x2b: {  	s10 =	simm.s32 @p0 $0x1FD9;
	s15 =	rddreg [dreg:$0xe]  }
0x2c: {  	[hbm:s14], [sflag:s10] =	dma.local @p0 [spmem:s15], $0x1900  }
0x2d: {  	s10 =	simm.s32 @p0 $0x19  }
0x2e: {  	_ =	swait.ge @p0 [sflag:s10], $0x1900  }
0x2f: {  	s17 =	rddreg [dreg:$0xf]  }
0x30: {  	[sflag:s10] =	ssyncset.done @p0 $0x0;
	s19 =	rddreg [dreg:$0x10]  }
0x31: {  	[sflag:s10] =	ssyncadd.s32 @p0 $0xFFFFE700;
	s10 =	rddreg [dreg:$0xb]  }
0x32: {  	[hbm:s10], [sflag:s17] =	dma.local @!p0 [spmem:s19], $0x2800  }
0x33: {  	s10 =	simm.s32 @!p0 $0x19  }
0x34: {  	_ =	swait.ge @!p0 [sflag:s10], $0x2800  }
0x35: {  	s16 =	sadd.s32 $0x1, s16;
	s25 =	rddreg [dreg:$0xd]  }
0x36: {  	p1 =	sne.s32 s16, s25  }
.Ltmp1:
0x37: {  	_ = 	snop;
	(pc) =	sbr.rel @!p1 .LBB2_38-.Ltmp1, $3  }
0x38: {  	_ =	sdelay $0x1  }
0x39: {  	[sflag:s10] =	ssyncset.done @!p0 $0x0  }
0x3a: {  	[sflag:s10] =	ssyncadd.s32 @!p0 $0xFFFFD800  }
.LBB2_1:
0x3b: {  	s14 =	simm.s32 @p0 $0x1FD9;
	s10 =	rddreg [dreg:$0x4]  }
0x3c: {  	[spmem:s15], [sflag:s14] =	dma.local @p0 [hbm:s10], $0x1900  }
0x3d: {  	s14 =	simm.s32 @p0 $0x19  }
0x3e: {  	_ =	swait.ge @p0 [sflag:s14], $0x1900  }
0x3f: {  	[sflag:s14] =	ssyncset.done @p0 $0x0  }
0x40: {  	s10 =	rddreg [dreg:$0x3];
	[sflag:s14] =	ssyncadd.s32 @p0 $0xFFFFE700;
	s14 =	simm.s32 @!p0 $0x19  }
0x41: {  	[spmem:s19], [sflag:s17] =	dma.local @!p0 [hbm:s10], $0x2800  }
0x42: {  	_ =	swait.ge @!p0 [sflag:s14], $0x2800  }
0x43: {  	[sflag:s14] =	ssyncset.done @!p0 $0x0  }
0x44: {  	[sflag:s14] =	ssyncadd.s32 @!p0 $0xFFFFD800  }
0x45: {  	[bflag:$0x0] =	sbarrier.arrive $0xFFFF  }
0x46: {  	s21 =	rddreg [dreg:$0x5]  }
0x47: {  	[tilespmem:s2], [sflag:$0x1] =	stream.linear.gather [hbm4b:s21+s2], $0x50, $0x38;
	[tilespmem:$0x1E800] =	vst v63  }
0x48: {  	s24 =	rddreg [dreg:$0x6]  }
0x49: {  	[tilespmem:s22], [sflag:$0x9] =	stream.linear.gather [hbm4b:s24+s2], $0x50, $0x38;
	[tilespmem:$0x1E800] =	vst v63  }
0x4a: {  	s25 =	rddreg [dreg:$0x7]  }
0x4b: {  	[tilespmem:s23], [sflag:$0x2] =	stream.linear.gather [hbm4b:s25+s2], $0x50, $0x38;
	[tilespmem:$0x1E800] =	vst v63  }
0x4c: {  	s19 =	simm.s32 $0x480;
	s14 =	rddreg [dreg:$0x8]  }
0x4d: {  	[tilespmem:s19], [sflag:$0xA] =	stream.linear.gather [hbm4b:s14+s2], $0x50, $0x38;
	[tilespmem:$0x1E800] =	vst v63  }
0x4e: {  	s17 =	simm.s32 $0x100;
	s15 =	rddreg [dreg:$0x9]  }
0x4f: {  	[tilespmem:s17], [sflag:$0x3] =	stream.linear.gather [hbm4b:s15+s2], $0x50, $0x38;
	[tilespmem:$0x1E800] =	vst v63  }
0x50: {  	s21 =	rddreg [dreg:$0xa];
	s24 =	simm.s32 $0x500  }
0x51: {  	[tilespmem:s24], [sflag:$0xB] =	stream.linear.gather [hbm4b:s21+s2], $0x50, $0x38;
	[tilespmem:$0x1E800] =	vst v63  }
.Ltmp2:
0x52: {  	s25 =	simm.s32 $0x1;
	(pc) =	sbr.rel .LBB2_2-.Ltmp2, $4  }
0x53: {  	_ =	swait.ge [sflag:s25], $0x50  }
0x54: {  	[sflag:s25] =	ssyncset.done $0x0  }
0x55: {  	s24 =	simm.s32 $0x0;
	[sflag:s25] =	ssyncadd.s32 $0xFFFFFFB0  }
0x56: {  	[tilespmem:s30], [sflag:$0x11] =	stream.indirect.gather [hbm4b:s4+s29], $0x80, s2, s29, $0xb8;
	[tilespmem:$0x1E800] =	vst v63  }
.LBB2_3:
0x57: {  	s14 =	smul.u32 $0x50, s14;
	_ =	sdelay $0x1  }
0x58: {  	s15 =	sadd.s32 s6, s14  }
0x59: {  	s14 =	sadd.s32 s9, s14;
	s15 =	sshrl.u32 s15, $0x3  }
0x5a: {  	s14 =	sshrl.u32 s14, $0x3;
	s15 =	sadd.s32 s5, s15  }
0x5b: {  	[tilespmem:s31], [sflag:$0x4] =	stream.linear.gather [hbm4b:s15+s2], $0x50, $0x38;
	[tilespmem:$0x1E800] =	vst v63  }
0x5c: {  	s17 =	sor.u32 $0x1, s24;
	s14 =	sadd.s32 s5, s14  }
0x5d: {  	[tilespmem:s0], [sflag:$0xC] =	stream.linear.gather [hbm4b:s14+s2], $0x50, $0x38;
	[tilespmem:$0x1E800] =	vst v63  }
.LBB2_5:
0x5e: {  	p1 =	slt.u32 s24, $0x3  }
0x5f: {  	s14 =	simm.s32 @!p1 $0x16  }
0x60: {  	_ =	swait.ge @!p1 [sflag:s14], $0x2800  }
0x61: {  	[sflag:s14] =	ssyncset.done @!p1 $0x0  }
0x62: {  	[sflag:s14] =	ssyncadd.s32 @!p1 $0xFFFFD800  }
0x63: {  	_ =	swait.ge [sflag:s3], $0x50  }
0x64: {  	[sflag:s3] =	ssyncset.done $0x0  }
0x65: {  	[sflag:s3] =	ssyncadd.s32 $0xFFFFFFB0  }
0x66: {  	[tilespmem:s7], [sflag:$0x12] =	stream.indirect.gather [hbm4b:s4+s29], $0x80, s23, s29, $0xb8;
	[tilespmem:$0x1E800] =	vst v63  }
0x67: {  	_ =	swait.ge [sflag:s8], $0x2800  }
0x68: {  	[sflag:s8] =	ssyncset.done $0x0  }
0x69: {  	[sflag:s8] =	ssyncadd.s32 $0xFFFFD800  }
0x6a: {  	_ =	swait.ge [sflag:s11], $0x50  }
0x6b: {  	[sflag:s11] =	ssyncset.done $0x0  }
0x6c: {  	[sflag:s11] =	ssyncadd.s32 $0xFFFFFFB0  }
0x6d: {  	[spmem:s1] =	stream.indirect.scatter.add.f32 [tilespmem:s30], [sflag:$0x15], $0x80, s22, s29, $0xb8;
	[tilespmem:$0x1E800] =	vst v63  }
.LBB2_36:
0x6e: {  	p1 =	slt.u32 s17, $0x7D  }
.Ltmp3:
0x6f: {  	_ = 	snop;
	(pc) =	sbr.rel @!p1 .LBB2_37-.Ltmp3, $2  }
0x70: {  	_ =	sdelay $0x2  }
0x71: {  	s24 =	smov.u32 s17  }
.LBB2_2:
0x72: {  	s25 =	sand.u32 $0x7, s24;
	p1 =	sgt.u32 s24, $0x79  }
0x73: {  	p2 =	sne.s32 @!p1 s25, $0x0  }
0x74: {  	p2 =	por p1, p2  }
.Ltmp4:
0x75: {  	_ = 	snop;
	(pc) =	sbr.rel @!p2 .LBB2_3-.Ltmp4, $2  }
0x76: {  	_ =	sdelay $0x2  }
0x77: {  	s14 =	sadd.s32 $0x3, s24  }
0x78: {  	p2 =	sne.s32 s25, $0x0  }
.Ltmp5:
0x79: {  	_ = 	snop;
	(pc) =	sbr.rel @!p2 .LBB2_5-.Ltmp5, $2  }
0x7a: {  	_ =	sdelay $0x2  }
0x7b: {  	s17 =	sadd.s32 $0x1, s24  }
0x7c: {  	p2 =	sne.s32 @!p1 s25, $0x1  }
0x7d: {  	p3 =	por p1, p2  }
.Ltmp6:
0x7e: {  	_ = 	snop;
	(pc) =	sbr.rel @p3 .LBB2_8-.Ltmp6, $2  }
0x7f: {  	_ =	sdelay $0x2  }
0x80: {  	p2 =	sne.s32 s24, $0x7C  }
0x81: {  	s15 =	smul.u32 $0x50, s14;
	_ =	sdelay $0x1  }
0x82: {  	s21 =	sadd.s32 s6, s15  }
0x83: {  	s15 =	sadd.s32 s9, s15;
	s21 =	sshrl.u32 s21, $0x3  }
0x84: {  	s10 =	simm.s32 $0x200;
	s15 =	sshrl.u32 s15, $0x3;
	s21 =	sadd.s32 s5, s21  }
0x85: {  	[tilespmem:s10], [sflag:$0x5] =	stream.linear.gather [hbm4b:s21+s2], $0x50, $0x38;
	[tilespmem:$0x1E800] =	vst v63  }
0x86: {  	s15 =	sadd.s32 s5, s15;
	s21 =	simm.s32 $0x600  }
0x87: {  	[tilespmem:s21], [sflag:$0xD] =	stream.linear.gather [hbm4b:s15+s2], $0x50, $0x38;
	[tilespmem:$0x1E800] =	vst v63  }
.LBB2_9:
0x88: {  	p3 =	slt.u32 s24, $0x3  }
0x89: {  	s15 =	simm.s32 @!p3 $0x17  }
0x8a: {  	_ =	swait.ge @!p3 [sflag:s15], $0x2800  }
0x8b: {  	[sflag:s15] =	ssyncset.done @!p3 $0x0  }
0x8c: {  	[sflag:s15] =	ssyncadd.s32 @!p3 $0xFFFFD800  }
0x8d: {  	_ =	swait.ge [sflag:s18], $0x50  }
0x8e: {  	[sflag:s18] =	ssyncset.done $0x0  }
0x8f: {  	s10 =	simm.s32 $0x100;
	s21 =	simm.s32 $0x5800;
	[sflag:s18] =	ssyncadd.s32 $0xFFFFFFB0  }
0x90: {  	[tilespmem:s21], [sflag:$0x13] =	stream.indirect.gather [hbm4b:s4+s29], $0x80, s10, s29, $0xb8;
	[tilespmem:$0x1E800] =	vst v63  }
0x91: {  	_ =	swait.ge [sflag:s26], $0x2800  }
0x92: {  	[sflag:s26] =	ssyncset.done $0x0  }
0x93: {  	[sflag:s26] =	ssyncadd.s32 $0xFFFFD800  }
0x94: {  	_ =	swait.ge [sflag:s12], $0x50  }
0x95: {  	[sflag:s12] =	ssyncset.done $0x0  }
0x96: {  	p3 =	por $0x0, $0x0;
	[sflag:s12] =	ssyncadd.s32 $0xFFFFFFB0  }
0x97: {  	[spmem:s1] =	stream.indirect.scatter.add.f32 [tilespmem:s7], [sflag:$0x16], $0x80, s19, s29, $0xb8;
	[tilespmem:$0x1E800] =	vst v63  }
.LBB2_20:
0x98: {  	p2 =	por !p3, !p2  }
.Ltmp7:
0x99: {  	_ = 	snop;
	(pc) =	sbr.rel @p2 .LBB2_22-.Ltmp7, $1  }
0x9a: {  	_ =	sdelay $0x3  }
0x9b: {  	p2 =	slt.u32 s24, $0x3  }
0x9c: {  	s10 =	simm.s32 @!p2 $0x16  }
0x9d: {  	_ =	swait.ge @!p2 [sflag:s10], $0x2800  }
0x9e: {  	[sflag:s10] =	ssyncset.done @!p2 $0x0  }
.Ltmp8:
0x9f: {  	s21 =	simm.s32 $0x6;
	[sflag:s10] =	ssyncadd.s32 @!p2 $0xFFFFD800;
	(pc) =	sbr.rel @!p3 .LBB2_24-.Ltmp8, $4  }
0xa0: {  	_ =	swait.ge [sflag:s21], $0x50  }
0xa1: {  	[sflag:s21] =	ssyncset.done $0x0  }
0xa2: {  	s24 =	simm.s32 $0x280;
	[sflag:s21] =	ssyncadd.s32 $0xFFFFFFB0  }
0xa3: {  	[tilespmem:s7], [sflag:$0x12] =	stream.indirect.gather [hbm4b:s4+s29], $0x80, s24, s29, $0xb8;
	[tilespmem:$0x1E800] =	vst v63  }
.LBB2_23:
0xa4: {  	_ =	swait.ge [sflag:s8], $0x2800  }
0xa5: {  	[sflag:s8] =	ssyncset.done $0x0  }
0xa6: {  	s10 =	simm.s32 $0xD;
	[sflag:s8] =	ssyncadd.s32 $0xFFFFD800  }
0xa7: {  	_ =	swait.ge [sflag:s10], $0x50  }
0xa8: {  	[sflag:s10] =	ssyncset.done $0x0  }
0xa9: {  	s24 =	simm.s32 $0x600;
	[sflag:s10] =	ssyncadd.s32 $0xFFFFFFB0  }
0xaa: {  	[spmem:s1] =	stream.indirect.scatter.add.f32 [tilespmem:s30], [sflag:$0x15], $0x80, s24, s29, $0xb8;
	[tilespmem:$0x1E800] =	vst v63  }
.LBB2_24:
0xab: {  	p2 =	sne.s32 @!p1 s25, $0x5  }
0xac: {  	p2 =	por p1, p2  }
.Ltmp9:
0xad: {  	_ = 	snop;
	(pc) =	sbr.rel @p2 .LBB2_27-.Ltmp9, $1  }
0xae: {  	_ =	sdelay $0x3  }
0xaf: {  	s10 =	smul.u32 $0x50, s14;
	_ =	sdelay $0x1  }
0xb0: {  	s14 =	sadd.s32 s6, s10  }
0xb1: {  	s10 =	sadd.s32 s9, s10;
	s14 =	sshrl.u32 s14, $0x3  }
0xb2: {  	s10 =	sshrl.u32 s10, $0x3;
	s14 =	sadd.s32 s5, s14  }
0xb3: {  	[tilespmem:s2], [sflag:$0x1] =	stream.linear.gather [hbm4b:s14+s2], $0x50, $0x38;
	[tilespmem:$0x1E800] =	vst v63  }
0xb4: {  	s10 =	sadd.s32 s5, s10  }
0xb5: {  	[tilespmem:s22], [sflag:$0x9] =	stream.linear.gather [hbm4b:s10+s2], $0x50, $0x38;
	[tilespmem:$0x1E800] =	vst v63  }
.LBB2_26:
0xb6: {  	_ =	swait.ge [sflag:s13], $0x2800  }
0xb7: {  	[sflag:s13] =	ssyncset.done $0x0  }
0xb8: {  	[sflag:s13] =	ssyncadd.s32 $0xFFFFD800  }
0xb9: {  	_ =	swait.ge [sflag:s20], $0x50  }
0xba: {  	[sflag:s20] =	ssyncset.done $0x0  }
0xbb: {  	s10 =	simm.s32 $0x5800;
	s14 =	simm.s32 $0x300;
	[sflag:s20] =	ssyncadd.s32 $0xFFFFFFB0  }
0xbc: {  	[tilespmem:s10], [sflag:$0x13] =	stream.indirect.gather [hbm4b:s4+s29], $0x80, s14, s29, $0xb8;
	[tilespmem:$0x1E800] =	vst v63  }
0xbd: {  	_ =	swait.ge [sflag:s26], $0x2800  }
0xbe: {  	[sflag:s26] =	ssyncset.done $0x0  }
.Ltmp10:
0xbf: {  	[sflag:s26] =	ssyncadd.s32 $0xFFFFD800;
	(pc) =	sbr.rel .LBB2_36-.Ltmp10, $4  }
0xc0: {  	_ =	swait.ge [sflag:s28], $0x50  }
0xc1: {  	[sflag:s28] =	ssyncset.done $0x0  }
0xc2: {  	s25 =	simm.s32 $0x680;
	[sflag:s28] =	ssyncadd.s32 $0xFFFFFFB0  }
0xc3: {  	[spmem:s1] =	stream.indirect.scatter.add.f32 [tilespmem:s7], [sflag:$0x16], $0x80, s25, s29, $0xb8;
	[tilespmem:$0x1E800] =	vst v63  }
.LBB2_8:
0xc4: {  	p3 =	sne.s32 s25, $0x1  }
.Ltmp11:
0xc5: {  	_ = 	snop;
	(pc) =	sbr.rel @!p3 .LBB2_9-.Ltmp11, $1  }
0xc6: {  	_ =	sdelay $0x3  }
0xc7: {  	p3 =	seq.s32 @!p1 s25, $0x2  }
0xc8: {  	p3 =	por p1, !p3  }
.Ltmp12:
0xc9: {  	_ = 	snop;
	(pc) =	sbr.rel @p3 .LBB2_11-.Ltmp12, $3  }
0xca: {  	_ = 	snop  }
0xcb: {  	s15 =	smul.u32 $0x50, s14;
	_ =	sdelay $0x1  }
0xcc: {  	s21 =	sadd.s32 s6, s15  }
0xcd: {  	s10 =	sshrl.u32 s21, $0x3  }
0xce: {  	s19 =	simm.s32 $0x280;
	p3 =	slt.u32 s24, $0x3;
	s10 =	sadd.s32 s5, s10  }
0xcf: {  	[tilespmem:s19], [sflag:$0x6] =	stream.linear.gather [hbm4b:s10+s2], $0x50, $0x38;
	[tilespmem:$0x1E800] =	vst v63  }
.Ltmp13:
0xd0: {  	_ = 	snop;
	(pc) =	sbr.rel @p3 .LBB2_14-.Ltmp13, $4  }
.Ltmp14:
0xd1: {  	s19 =	sadd.s32 s9, s15;
	(pc) =	sbr.rel @!p3 .LBB2_13-.Ltmp14, $4  }
0xd2: {  	s10 =	sshrl.u32 s19, $0x3  }
0xd3: {  	s19 =	simm.s32 $0x680;
	s10 =	sadd.s32 s5, s10  }
0xd4: {  	[tilespmem:s19], [sflag:$0xE] =	stream.linear.gather [hbm4b:s10+s2], $0x50, $0x38;
	[tilespmem:$0x1E800] =	vst v63  }
0xd5: {  	_ = 	snop  }
.LBB2_22:
.Ltmp15:
0xd6: {  	(pc) =	sbr.rel @!p3 .LBB2_24-.Ltmp15, $4  }
.Ltmp16:
0xd7: {  	(pc) =	sbr.rel @p3 .LBB2_23-.Ltmp16, $4  }
0xd8: {  	_ = 	snop  }
0xd9: {  	_ = 	snop  }
0xda: {  	_ = 	snop  }
0xdb: {  	_ = 	snop  }
.LBB2_27:
0xdc: {  	p2 =	seq.s32 s25, $0x5  }
.Ltmp17:
0xdd: {  	_ = 	snop;
	(pc) =	sbr.rel @p2 .LBB2_26-.Ltmp17, $1  }
0xde: {  	_ =	sdelay $0x3  }
0xdf: {  	p2 =	seq.s32 @!p1 s25, $0x6  }
0xe0: {  	p2 =	por p1, !p2  }
.Ltmp18:
0xe1: {  	_ = 	snop;
	(pc) =	sbr.rel @p2 .LBB2_29-.Ltmp18, $1  }
0xe2: {  	_ =	sdelay $0x3  }
0xe3: {  	s10 =	smul.u32 $0x50, s14;
	_ =	sdelay $0x1  }
0xe4: {  	s15 =	sadd.s32 s6, s10  }
0xe5: {  	s10 =	sadd.s32 s9, s10;
	s15 =	sshrl.u32 s15, $0x3  }
0xe6: {  	s10 =	sshrl.u32 s10, $0x3;
	s15 =	sadd.s32 s5, s15  }
0xe7: {  	[tilespmem:s23], [sflag:$0x2] =	stream.linear.gather [hbm4b:s15+s2], $0x50, $0x38;
	[tilespmem:$0x1E800] =	vst v63  }
0xe8: {  	s10 =	sadd.s32 s5, s10  }
0xe9: {  	[tilespmem:s19], [sflag:$0xA] =	stream.linear.gather [hbm4b:s10+s2], $0x50, $0x38;
	[tilespmem:$0x1E800] =	vst v63  }
.LBB2_31:
0xea: {  	s10 =	simm.s32 $0x18  }
0xeb: {  	_ =	swait.ge [sflag:s10], $0x2800  }
0xec: {  	[sflag:s10] =	ssyncset.done $0x0  }
0xed: {  	s15 =	simm.s32 $0x8;
	[sflag:s10] =	ssyncadd.s32 $0xFFFFD800  }
0xee: {  	_ =	swait.ge [sflag:s15], $0x50  }
0xef: {  	s21 =	simm.s32 $0x380;
	[sflag:s15] =	ssyncset.done $0x0  }
0xf0: {  	s24 =	simm.s32 $0x13;
	[sflag:s15] =	ssyncadd.s32 $0xFFFFFFB0;
	s15 =	simm.s32 $0x8000  }
0xf1: {  	[tilespmem:s15], [sflag:$0x14] =	stream.indirect.gather [hbm4b:s4+s29], $0x80, s21, s29, $0xb8;
	[tilespmem:$0x1E800] =	vst v63  }
0xf2: {  	_ =	swait.ge [sflag:s24], $0x2800  }
0xf3: {  	[sflag:s24] =	ssyncset.done $0x0  }
0xf4: {  	s15 =	simm.s32 $0xF;
	[sflag:s24] =	ssyncadd.s32 $0xFFFFD800  }
0xf5: {  	_ =	swait.ge [sflag:s15], $0x50  }
0xf6: {  	[sflag:s15] =	ssyncset.done $0x0  }
0xf7: {  	s21 =	simm.s32 $0x5800;
	s24 =	simm.s32 $0x700;
	[sflag:s15] =	ssyncadd.s32 $0xFFFFFFB0  }
0xf8: {  	[spmem:s1] =	stream.indirect.scatter.add.f32 [tilespmem:s21], [sflag:$0x17], $0x80, s24, s29, $0xb8;
	[tilespmem:$0x1E800] =	vst v63  }
.LBB2_32:
0xf9: {  	p2 =	seq.s32 @!p1 s25, $0x7  }
0xfa: {  	p1 =	por p1, !p2  }
.Ltmp19:
0xfb: {  	_ = 	snop;
	(pc) =	sbr.rel @p1 .LBB2_33-.Ltmp19, $1  }
0xfc: {  	_ =	sdelay $0x3  }
0xfd: {  	s10 =	smul.u32 $0x50, s14;
	_ =	sdelay $0x1  }
0xfe: {  	s14 =	sadd.s32 s6, s10  }
0xff: {  	s10 =	sadd.s32 s9, s10;
	s14 =	sshrl.u32 s14, $0x3  }
0x100: {  	s15 =	simm.s32 $0x100;
	s10 =	sshrl.u32 s10, $0x3;
	s14 =	sadd.s32 s5, s14  }
0x101: {  	[tilespmem:s15], [sflag:$0x3] =	stream.linear.gather [hbm4b:s14+s2], $0x50, $0x38;
	[tilespmem:$0x1E800] =	vst v63  }
0x102: {  	s25 =	simm.s32 $0x500;
	s10 =	sadd.s32 s5, s10  }
0x103: {  	[tilespmem:s25], [sflag:$0xB] =	stream.linear.gather [hbm4b:s10+s2], $0x50, $0x38;
	[tilespmem:$0x1E800] =	vst v63  }
.LBB2_35:
0x104: {  	s10 =	simm.s32 $0x15  }
0x105: {  	_ =	swait.ge [sflag:s10], $0x2800  }
0x106: {  	[sflag:s10] =	ssyncset.done $0x0  }
0x107: {  	s15 =	simm.s32 $0x1;
	[sflag:s10] =	ssyncadd.s32 $0xFFFFD800  }
0x108: {  	_ =	swait.ge [sflag:s15], $0x50  }
0x109: {  	[sflag:s15] =	ssyncset.done $0x0  }
0x10a: {  	s21 =	simm.s32 $0x14;
	[sflag:s15] =	ssyncadd.s32 $0xFFFFFFB0  }
0x10b: {  	[tilespmem:s30], [sflag:$0x11] =	stream.indirect.gather [hbm4b:s4+s29], $0x80, s2, s29, $0xb8;
	[tilespmem:$0x1E800] =	vst v63  }
0x10c: {  	_ =	swait.ge [sflag:s21], $0x2800  }
0x10d: {  	[sflag:s21] =	ssyncset.done $0x0  }
.Ltmp20:
0x10e: {  	s24 =	simm.s32 $0x10;
	[sflag:s21] =	ssyncadd.s32 $0xFFFFD800;
	(pc) =	sbr.rel .LBB2_36-.Ltmp20, $4  }
0x10f: {  	_ =	swait.ge [sflag:s24], $0x50  }
0x110: {  	[sflag:s24] =	ssyncset.done $0x0  }
0x111: {  	s25 =	simm.s32 $0x8000;
	s14 =	simm.s32 $0x780;
	[sflag:s24] =	ssyncadd.s32 $0xFFFFFFB0  }
0x112: {  	[spmem:s1] =	stream.indirect.scatter.add.f32 [tilespmem:s25], [sflag:$0x18], $0x80, s14, s29, $0xb8;
	[tilespmem:$0x1E800] =	vst v63  }
.LBB2_11:
0x113: {  	p3 =	seq.s32 s25, $0x2  }
.Ltmp21:
0x114: {  	_ = 	snop;
	(pc) =	sbr.rel @!p3 .LBB2_15-.Ltmp21, $1  }
0x115: {  	_ =	sdelay $0x3  }
.LBB2_13:
0x116: {  	s10 =	simm.s32 $0x18  }
0x117: {  	_ =	swait.ge [sflag:s10], $0x2800  }
0x118: {  	[sflag:s10] =	ssyncset.done $0x0  }
0x119: {  	[sflag:s10] =	ssyncadd.s32 $0xFFFFD800  }
.LBB2_14:
0x11a: {  	s10 =	simm.s32 $0x4  }
0x11b: {  	_ =	swait.ge [sflag:s10], $0x50  }
0x11c: {  	[sflag:s10] =	ssyncset.done $0x0  }
0x11d: {  	s19 =	simm.s32 $0x8000;
	[sflag:s10] =	ssyncadd.s32 $0xFFFFFFB0  }
0x11e: {  	[tilespmem:s19], [sflag:$0x14] =	stream.indirect.gather [hbm4b:s4+s29], $0x80, s31, s29, $0xb8;
	[tilespmem:$0x1E800] =	vst v63  }
0x11f: {  	s19 =	simm.s32 $0x13  }
0x120: {  	_ =	swait.ge [sflag:s19], $0x2800  }
0x121: {  	[sflag:s19] =	ssyncset.done $0x0  }
0x122: {  	[sflag:s19] =	ssyncadd.s32 $0xFFFFD800;
	s19 =	simm.s32 $0xB  }
0x123: {  	_ =	swait.ge [sflag:s19], $0x50  }
0x124: {  	[sflag:s19] =	ssyncset.done $0x0  }
0x125: {  	s10 =	simm.s32 $0x500;
	[sflag:s19] =	ssyncadd.s32 $0xFFFFFFB0;
	s19 =	simm.s32 $0x5800  }
0x126: {  	[spmem:s1] =	stream.indirect.scatter.add.f32 [tilespmem:s19], [sflag:$0x17], $0x80, s10, s29, $0xb8;
	[tilespmem:$0x1E800] =	vst v63  }
.LBB2_15:
0x127: {  	p3 =	seq.s32 @!p1 s25, $0x3  }
0x128: {  	p3 =	por p1, !p3  }
.Ltmp22:
0x129: {  	_ = 	snop;
	(pc) =	sbr.rel @p3 .LBB2_16-.Ltmp22, $1  }
0x12a: {  	_ =	sdelay $0x3  }
0x12b: {  	s10 =	sshrl.u32 s21, $0x3  }
0x12c: {  	s19 =	simm.s32 $0x300;
	s10 =	sadd.s32 s5, s10  }
0x12d: {  	[tilespmem:s19], [sflag:$0x7] =	stream.linear.gather [hbm4b:s10+s2], $0x50, $0x38;
	[tilespmem:$0x1E800] =	vst v63  }
0x12e: {  	s19 =	sadd.s32 s9, s15  }
0x12f: {  	s10 =	sshrl.u32 s19, $0x3  }
0x130: {  	s21 =	simm.s32 $0x700;
	s10 =	sadd.s32 s5, s10  }
0x131: {  	[tilespmem:s21], [sflag:$0xF] =	stream.linear.gather [hbm4b:s10+s2], $0x50, $0x38;
	[tilespmem:$0x1E800] =	vst v63  }
.LBB2_18:
0x132: {  	s10 =	simm.s32 $0x15  }
0x133: {  	_ =	swait.ge [sflag:s10], $0x2800  }
0x134: {  	[sflag:s10] =	ssyncset.done $0x0  }
0x135: {  	s19 =	simm.s32 $0x5;
	[sflag:s10] =	ssyncadd.s32 $0xFFFFD800  }
0x136: {  	_ =	swait.ge [sflag:s19], $0x50  }
0x137: {  	[sflag:s19] =	ssyncset.done $0x0  }
0x138: {  	s21 =	simm.s32 $0x200;
	s15 =	simm.s32 $0x14;
	[sflag:s19] =	ssyncadd.s32 $0xFFFFFFB0  }
0x139: {  	[tilespmem:s30], [sflag:$0x11] =	stream.indirect.gather [hbm4b:s4+s29], $0x80, s21, s29, $0xb8;
	[tilespmem:$0x1E800] =	vst v63  }
0x13a: {  	_ =	swait.ge [sflag:s15], $0x2800  }
0x13b: {  	[sflag:s15] =	ssyncset.done $0x0  }
0x13c: {  	s19 =	simm.s32 $0xC;
	[sflag:s15] =	ssyncadd.s32 $0xFFFFD800  }
0x13d: {  	_ =	swait.ge [sflag:s19], $0x50  }
0x13e: {  	[sflag:s19] =	ssyncset.done $0x0  }
0x13f: {  	s21 =	simm.s32 $0x8000;
	[sflag:s19] =	ssyncadd.s32 $0xFFFFFFB0  }
0x140: {  	[spmem:s1] =	stream.indirect.scatter.add.f32 [tilespmem:s21], [sflag:$0x18], $0x80, s0, s29, $0xb8;
	[tilespmem:$0x1E800] =	vst v63  }
.LBB2_19:
0x141: {  	p4 =	sne.s32 @!p1 s25, $0x4  }
0x142: {  	p3 =	por p4, p1  }
0x143: {  	s10 =	smul.u32 @!p3 $0x50, s14;
	_ =	sdelay $0x1  }
0x144: {  	s21 =	simm.s32 @!p3 $0x0;
	s15 =	sadd.s32 @!p3 s6, s10  }
0x145: {  	s19 =	simm.s32 @!p3 $0x380;
	s10 =	sadd.s32 @!p3 s9, s10;
	s15 =	sshrl.u32 @!p3 s15, $0x3  }
0x146: {  	p5 =	por @!p3 $0x1, $0x1;
	s10 =	sshrl.u32 @!p3 s10, $0x3;
	s15 =	sadd.s32 @!p3 s5, s15  }
0x147: {  	[tilespmem:s19], [sflag:$0x8] =	stream.linear.gather @!p3 [hbm4b:s15+s21], $0x50, $0x38;
	[tilespmem:$0x1E800] =	vst v63  }
.Ltmp23:
0x148: {  	s10 =	sadd.s32 @!p3 s5, s10;
	s15 =	simm.s32 @!p3 $0x780;
	(pc) =	sbr.rel .LBB2_20-.Ltmp23, $4  }
0x149: {  	[tilespmem:s15], [sflag:$0x10] =	stream.linear.gather @!p3 [hbm4b:s10+s21], $0x50, $0x38;
	[tilespmem:$0x1E800] =	vst v63  }
0x14a: {  	p4 =	por !p4, p1;
	p6 =	por p5, p5;
	p3 =	seq.s32 s25, $0x4  }
0x14b: {  	p5 =	por @!p4 p2, p2;
	p6 =	por @!p4 p3, p3  }
0x14c: {  	p2 =	por @!p1 p5, p5;
	s19 =	simm.s32 $0x480;
	p3 =	por @!p1 p6, p6  }
.LBB2_29:
0x14d: {  	p2 =	seq.s32 s25, $0x6  }
.Ltmp24:
0x14e: {  	_ = 	snop;
	(pc) =	sbr.rel @p2 .LBB2_31-.Ltmp24, $4  }
.Ltmp25:
0x14f: {  	_ = 	snop;
	(pc) =	sbr.rel @!p2 .LBB2_32-.Ltmp25, $4  }
0x150: {  	_ = 	snop  }
0x151: {  	_ = 	snop  }
0x152: {  	_ = 	snop  }
0x153: {  	_ = 	snop  }
.LBB2_33:
0x154: {  	p1 =	seq.s32 s25, $0x7  }
.Ltmp26:
0x155: {  	_ = 	snop;
	(pc) =	sbr.rel @p1 .LBB2_35-.Ltmp26, $4  }
.Ltmp27:
0x156: {  	_ = 	snop;
	(pc) =	sbr.rel @!p1 .LBB2_36-.Ltmp27, $4  }
0x157: {  	_ = 	snop  }
0x158: {  	_ = 	snop  }
0x159: {  	_ = 	snop  }
0x15a: {  	_ = 	snop  }
.LBB2_16:
0x15b: {  	p3 =	seq.s32 s25, $0x3  }
.Ltmp28:
0x15c: {  	_ = 	snop;
	(pc) =	sbr.rel @p3 .LBB2_18-.Ltmp28, $4  }
.Ltmp29:
0x15d: {  	_ = 	snop;
	(pc) =	sbr.rel @!p3 .LBB2_19-.Ltmp29, $4  }
0x15e: {  	_ = 	snop  }
0x15f: {  	_ = 	snop  }
0x160: {  	_ = 	snop  }
0x161: {  	_ = 	snop  }
.LBB2_38:
0x162: {  	_ =	sfence.sel $0x180000  }
0x163: {  	[bflag:$0x0] =	sbarrier.arrive $0xFFFF  }
0x164: {  	_ =	strace $0x9000004A  }
0x165: {  	s0 =	stileid.u32;
	[bflag:$0x2] =	sbarrier.arrive $0xFFFF  }
0x166: {  	p0 =	sne.s32 s0, $0x0;
	s0 =	rddreg [dreg:$0x2]  }
0x167: {  	s0 =	sadd.s32 @!p0 $0x100000, s0  }
0x168: {  	[sflag:s0] =	ssyncadd.tile.s32 @!p0 $0x1;
	_ =	shalt  }
.Lfunc_end2:
_tile_overlayer_lowered:
.L_overlay_start_2:
0x169: {  	(tag) =	ssettag $0x2  }
0x16a: {  	s0 =	rddreg [dreg:$0x0];
	s2 =	stileid.u32  }
0x16b: {  	s1 =	rddreg [dreg:$0x1];
	p0 =	sne.s32 s2, $0x0  }
0x16c: {  	s3 =	rddreg [dreg:$0x2];
	[bflag:$0x3] =	sbarrier.arrive $0xFFFF;
	s2 =	simm.s32 @!p0 $0x1C19  }
0x16d: {  	[timem:s3], [sflag:s2] =	dma.local @!p0 [hbm:s0], s1  }
0x16e: {  	s0 =	simm.s32 @!p0 $0x19  }
0x16f: {  	_ =	swait.ge @!p0 [sflag:s0], s1  }
0x170: {  	s1 =	ssub.s32 @!p0 $0x0, s1;
	[sflag:s0] =	ssyncset.done @!p0 $0x0  }
0x171: {  	[sflag:s0] =	ssyncadd.s32 @!p0 s1  }
0x172: {  	[bflag:$0x3] =	sbarrier.arrive $0xFFFF  }
0x173: {  	_ =	shalt  }

// kernel: kernel.16.cloned.1.call-start
scs
__scs_entry_jumppad:
0x0: {  	(pc) =	sbr.rel $0x88, $3  }
0x1: {  	(tag) =	ssettag $0x0;
	lr =	simm.s32 $0x1  }
0x2: {  	[smem:$0x3F98] =	sst lr;
	_ =	strace $0xD0000000  }
0x3: {  	_ = 	snop  }
0x4: {  	_ = 	snop  }
0x5: {  	_ = 	snop  }
0x6: {  	_ = 	snop  }
0x7: {  	_ = 	snop  }
__scs_overlays_trampoline_lowered:
0x8: {  	[smem:$0x3FA7] =	sst s0  }
0x9: {  	[smem:$0x3FA8] =	sst s1  }
0xa: {  	[smem:$0x3FA9] =	sst s2  }
0xb: {  	[smem:$0x3FAA] =	sst s3  }
0xc: {  	[smem:$0x3FAB] =	sst s4  }
0xd: {  	[smem:$0x3FAC] =	sst s5  }
0xe: {  	[smem:$0x3FAD] =	sst s6  }
0xf: {  	[smem:$0x3FAE] =	sst s7  }
0x10: {  	[smem:$0x3FAF] =	sst s8  }
0x11: {  	[smem:$0x3FB0] =	sst s9;
	s0 =	simm.s32 @!p0 $0x0  }
0x12: {  	s1 =	sld [smem:$0x3F96];
	s0 =	simm.s32 @p0 $0x1  }
0x13: {  	[smem:$0x3FB1] =	sst s0;
	s0 =	simm.s32 @!p1 $0x0  }
0x14: {  	s2 =	sld [smem:$0x3F95];
	s0 =	simm.s32 @p1 $0x1  }
0x15: {  	[smem:$0x3FB2] =	sst s0;
	s0 =	simm.s32 @!p2 $0x0  }
0x16: {  	s3 =	sld [smem:$0x3FDB];
	s0 =	simm.s32 @p2 $0x1  }
0x17: {  	s4 =	simm.s32 $0x1BF5;
	[smem:$0x3FB4] =	sst s0  }
0x18: {  	s0 =	sld [smem:$0x3F97];
	_ =	swait.ge [sflag:s4], $0x0  }
0x19: {  	s7 =	sld [smem:$0x3F98]  }
0x1a: {  	s8 =	sadd.s32 $0xFFFFE003, lr  }
0x1b: {  	s9 =	sadd.s32 $0xFFFFFEF7, lr;
	s5 =	simm.s32 $0xFFFFFFFF;
	p2 =	slt.u32 s8, $0xFFFFF086  }
0x1c: {  	p1 =	slt.u32 s9, $0xF7A;
	s5 =	simm.s32 @!p2 $0x0  }
0x1d: {  	s5 =	simm.s32 @p1 $0x1;
	p0 =	seq.s32 s7, s2  }
0x1e: {  	s7 =	smul.u32 @!p0 $0xF7A, s2;
	p2 =	seq.s32 @!p0 s5, $0x0  }
0x1f: {  	s9 =	smul.u32 $0xF7A, s1;
	s8 =	simm.s32 @!p0 $0x1BF5;
	p2 =	por !p2, p0  }
0x20: {  	[sflag:s8] =	ssyncset.s32 @!p0 $0xFFFFF086;
	s6 =	sadd.s32 @!p0 s3, s7;
	s7 =	simm.s32 @!p0 $0x108  }
0x21: {  	s3 =	sadd.s32 s3, s9;
	s6 =	sadd.s32 @!p0 $0x88, s6;
	s7 =	simm.s32 @p2 $0x1082  }
0x22: {  	[simem:s7], [sflag:s8] =	dma.local @!p0 [hbm:s6], $0xF7A  }
0x23: {  	s9 =	sor.u32 $0xD0000000, s2;
	s6 =	simm.s32 $0x108;
	_ =	swait.ge @!p0 [sflag:s8], $0x0  }
0x24: {  	s3 =	sadd.s32 $0x88, s3;
	s6 =	simm.s32 @!p1 $0x1082;
	[sflag:s4] =	ssyncset.s32 $0xFFFFF086  }
0x25: {  	[simem:s6], [sflag:s4] =	dma.local [hbm:s3], $0xF7A  }
0x26: {  	[smem:$0x3F98] =	sst s1;
	(tag) =	ssettag s2;
	_ =	strace s9  }
0x27: {  	s1 =	sld [smem:$0x3FA8]  }
0x28: {  	s2 =	sld [smem:$0x3FA9]  }
0x29: {  	s4 =	sld [smem:$0x3FAB]  }
0x2a: {  	p0 =	seq.s32 s5, $0x0;
	s5 =	sld [smem:$0x3FAC]  }
0x2b: {  	s6 =	sld [smem:$0x3FAD]  }
0x2c: {  	s7 =	sld [smem:$0x3FAE]  }
0x2d: {  	s3 =	simm.s32 $0x108;
	s8 =	sld [smem:$0x3FAF]  }
0x2e: {  	s3 =	simm.s32 @!p0 $0x1082;
	s9 =	sld [smem:$0x3FB0]  }
0x2f: {  	lr =	sadd.s32 s0, s3;
	s0 =	sld [smem:$0x3FA7]  }
0x30: {  	s3 =	sld [smem:$0x3FAA]  }
0x31: {  	[smem:$0x3FB3] =	sst s10  }
0x32: {  	s10 =	sld [smem:$0x3FB1];
	_ =	sdelay $0x3  }
0x33: {  	p0 =	seq.s32 s10, $0x1;
	s10 =	sld [smem:$0x3FB3];
	_ =	sdelay $0x3  }
0x34: {  	[smem:$0x3FB3] =	sst s10  }
0x35: {  	s10 =	sld [smem:$0x3FB2];
	_ =	sdelay $0x3  }
0x36: {  	p1 =	seq.s32 s10, $0x1;
	s10 =	sld [smem:$0x3FB3];
	_ =	sdelay $0x3  }
0x37: {  	[smem:$0x3FB3] =	sst s10  }
0x38: {  	s10 =	sld [smem:$0x3FB4]  }
0x39: {  	_ = 	snop;
	(pc) =	sbr.ind lr, $3  }
0x3a: {  	_ = 	snop  }
0x3b: {  	_ = 	snop  }
0x3c: {  	p2 =	seq.s32 s10, $0x1;
	s10 =	sld [smem:$0x3FB3]  }
0x3d: {  	_ =	shalt  }
0x3e: {  	_ =	shalt  }
0x3f: {  	_ =	shalt  }
0x40: {  	_ =	shalt  }
0x41: {  	_ =	shalt  }
0x42: {  	_ =	shalt  }
0x43: {  	_ =	shalt  }
0x44: {  	_ =	shalt  }
0x45: {  	_ =	shalt  }
0x46: {  	_ =	shalt  }
0x47: {  	_ =	shalt  }
0x48: {  	_ =	shalt  }
0x49: {  	_ =	shalt  }
0x4a: {  	_ =	shalt  }
0x4b: {  	_ =	shalt  }
0x4c: {  	_ =	shalt  }
0x4d: {  	_ =	shalt  }
0x4e: {  	_ =	shalt  }
0x4f: {  	_ =	shalt  }
0x50: {  	_ =	shalt  }
0x51: {  	_ =	shalt  }
0x52: {  	_ =	shalt  }
0x53: {  	_ =	shalt  }
0x54: {  	_ =	shalt  }
0x55: {  	_ =	shalt  }
0x56: {  	_ =	shalt  }
0x57: {  	_ =	shalt  }
0x58: {  	_ =	shalt  }
0x59: {  	_ =	shalt  }
0x5a: {  	_ =	shalt  }
0x5b: {  	_ =	shalt  }
0x5c: {  	_ =	shalt  }
0x5d: {  	_ =	shalt  }
0x5e: {  	_ =	shalt  }
0x5f: {  	_ =	shalt  }
0x60: {  	_ =	shalt  }
0x61: {  	_ =	shalt  }
0x62: {  	_ =	shalt  }
0x63: {  	_ =	shalt  }
0x64: {  	_ =	shalt  }
0x65: {  	_ =	shalt  }
0x66: {  	_ =	shalt  }
0x67: {  	_ =	shalt  }
0x68: {  	_ =	shalt  }
0x69: {  	_ =	shalt  }
0x6a: {  	_ =	shalt  }
0x6b: {  	_ =	shalt  }
0x6c: {  	_ =	shalt  }
0x6d: {  	_ =	shalt  }
0x6e: {  	_ =	shalt  }
0x6f: {  	_ =	shalt  }
0x70: {  	_ =	shalt  }
0x71: {  	_ =	shalt  }
0x72: {  	_ =	shalt  }
0x73: {  	_ =	shalt  }
0x74: {  	_ =	shalt  }
0x75: {  	_ =	shalt  }
0x76: {  	_ =	shalt  }
0x77: {  	_ =	shalt  }
0x78: {  	_ =	shalt  }
0x79: {  	_ =	shalt  }
0x7a: {  	_ =	shalt  }
0x7b: {  	_ =	shalt  }
0x7c: {  	_ =	shalt  }
0x7d: {  	_ =	shalt  }
0x7e: {  	_ =	shalt  }
0x7f: {  	_ =	shalt  }
0x80: {  	_ =	shalt  }
0x81: {  	_ =	shalt  }
0x82: {  	_ =	shalt  }
0x83: {  	_ =	shalt  }
0x84: {  	_ =	shalt  }
0x85: {  	_ =	shalt  }
0x86: {  	_ =	shalt  }
0x87: {  	_ =	shalt  }
.Lfunc_end0:
.L_simem_size_0:
called_computation.2_lowered:
.L_overlay_start_0:
0x88: {  	s2 =	sld [smem:$0x3FD9]  }
0x89: {  	s3 =	sld [smem:$0x3FFE];
	_ =	sdelay $0x1  }
0x8a: {  	s1 =	srdreg.scid  }
0x8b: {  	s0 =	sand.u32 $0x1, s1  }
0x8c: {  	s16 =	sshll.u32 s0, $0xA;
	s2 =	sadd.s32 s3, s2  }
0x8d: {  	s2 =	sadd.s32 s2, s16  }
0x8e: {  	[smem:$0x3FBF] =	sst s2  }
0x8f: {  	_ = 	snop  }
0x90: {  	(tm) =	ssettm $0x1  }
0x91: {  	s17 =	sld [smem:$0x3FFB];
	_ =	sdelay $0x3  }
0x92: {  	_ =	strace s17  }
0x93: {  	s2 =	sld [smem:$0x3FFC];
	_ =	sdelay $0x3  }
0x94: {  	_ =	strace s2  }
0x95: {  	s2 =	sld [smem:$0x3FFD];
	_ =	sdelay $0x3  }
0x96: {  	_ =	strace s2  }
0x97: {  	_ =	strace $0x8FFFFFFF  }
0x98: {  	s18 =	sld [smem:$0x3FDB];
	_ =	sdelay $0x1  }
0x99: {  	s19 =	simm.s32 $_scs_section_size  }
0x9a: {  	s4 =	simm.s32 $_size__tile_overlayer_lowered;
	s5 =	simm.s32 $_tile_overlayer_lowered  }
0x9b: {  	s22 =	simm.s32 $0x1BFF;
	s21 =	sshll.u32 s5, $0x1;
	s2 =	sadd.s32 s19, s18  }
0x9c: {  	s6 =	simm.s32 $0x0;
	s20 =	sshll.u32 s4, $0x1;
	s4 =	sadd.s32 s21, s2  }
0x9d: {  	[timem:s6], [sflag:s22] =	dma.local [hbm:s4], s20  }
0x9e: {  	_ =	swait.ge [sflag:s22], s20  }
0x9f: {  	s3 =	ssub.s32 $0x0, s20;
	[sflag:s22] =	ssyncset.done $0x0  }
0xa0: {  	[sflag:s22] =	ssyncadd.s32 s3;
	_ =	sdelay $0x1  }
0xa1: {  	s23 =	simm.s32 $0x1B8B  }
0xa2: {  	_ =	swait.ge [sflag:s23], $0x1  }
0xa3: {  	[sflag:s23] =	ssyncset.done $0x0  }
0xa4: {  	s25 =	simm.s32 $0x1B8E;
	s24 =	sld [smem:$0x3FFE];
	[sflag:s23] =	ssyncadd.s32 $0xFFFFFFFF  }
0xa5: {  	s26 =	simm.s32 $execute0_lowered;
	[smem:$0x3FD2] =	sst s25  }
0xa6: {  	s4 =	sshll.u32 s26, $0x1;
	_ =	strace $0x8000004C;
	[dreg:$0x1] =	wrdreg $0xFFFFFFFF  }
0xa7: {  	s28 =	simm.s32 $_size_execute0_lowered;
	s2 =	sadd.s32 s2, s4;
	[dreg:$0x0] =	wrdreg $0x0  }
0xa8: {  	s4 =	sshll.u32 s28, $0x1;
	[dreg:$0x2] =	wrdreg s2  }
0xa9: {  	[dreg:$0x3] =	wrdreg s4  }
0xaa: {  	[dreg:$0x4] =	wrdreg $0xC0  }
0xab: {  	_ =	task [dreg:s6], $0x5FFFF  }
0xac: {  	[dreg:$0x1] =	wrdreg $0xFFFFFFFF  }
0xad: {  	[dreg:$0x0] =	wrdreg $0x60  }
0xae: {  	[dreg:$0x2] =	wrdreg s24  }
0xaf: {  	[dreg:$0x3] =	wrdreg $0xA8000  }
0xb0: {  	[dreg:$0x4] =	wrdreg $0x9  }
0xb1: {  	_ =	task.clear_ibuf [dreg:s6], $0x5FFFF;
	_ =	strace $0x9000004C  }
0xb2: {  	s29 =	simm.s32 $0x9;
	_ =	strace $0x8000004E  }
0xb3: {  	_ =	swait.ge [sflag:s29], $0x1  }
0xb4: {  	[sflag:s29] =	ssyncadd.s32 $0xFFFFFFFF  }
0xb5: {  	_ =	strace $0x9000004E  }
0xb6: {  	_ =	sfence  }
0xb7: {  	s30 =	sld [smem:$0x0];
	_ =	sdelay $0x2  }
0xb8: {  	s31 =	sshll.u32 s1, $0xD;
	s1 =	sshrl.u32 s1, $0x2  }
0xb9: {  	s3 =	sand.u32 $0x4000, s31;
	s1 =	sadd.s32 s1, s30  }
0xba: {  	s0 =	sor.u32 s3, s0;
	s1 =	sshll.u32 s1, $0x11  }
0xbb: {  	s0 =	sor.u32 s1, s0  }
0xbc: {  	s0 =	sadd.s32 $0x8F2B, s0  }
0xbd: {  	[sflag:s0] =	ssyncadd.remote.s32 $0x1  }
0xbe: {  	_ =	sfence.sel $0xFFFF  }
0xbf: {  	[dreg:$0x0] =	wrdreg $0xFFFFFFFF;
	(pc) =	sbr.abs _section_cstart, $3  }
0xc0: {  	[dreg:$0x1] =	wrdreg $0xFFFFFFFF  }
0xc1: {  	_ =	task.clear_ibuf [dreg:s6], $0x2FFFF;
	_ =	strace $0x9FFFFFFF  }
0xc2: {  	(tm) =	ssettm $0x7FFFFFFF  }
0xc3: {  	_ =	shalt  }
tec
execute0_lowered:
.L_overlay_start_1:
0x0: {  	(tag) =	ssettag $0x1  }
0x1: {  	s0 =	rddreg [dreg:$0x0]  }
0x2: {  	s1 =	rddreg [dreg:$0x1];
	s2 =	simm.s32 $0x0  }
0x3: {  	s6 =	srdreg.scid;
	s15 =	stileid.u32;
	s29 =	simm.s32 $0x50  }
0x4: {  	s30 =	simm.s32 $0x800;
	s31 =	simm.s32 $0x180;
	s28 =	simm.s32 $0xE  }
0x5: {  	[smem:$0x7FF] =	sst s2;
	s4 =	sadd.s32 $0x36E00, s0;
	s5 =	sadd.s32 $0x23400, s0  }
0x6: {  	s3 =	sadd.s32 $0x5E000, s0;
	s7 =	sand.u32 $0x1, s6;
	s8 =	smul.u32 $0x50000, s15  }
0x7: {  	s16 =	sshll.u32 s15, $0x1;
	s10 =	smul.u32 $0x2800, s15;
	s12 =	sadd.s32 $0x12C000, s1  }
0x8: {  	s0 =	sadd.s32 $0x5C600, s0;
	p0 =	seq.s32 s15, $0xF;
	_ =	strace $0x8000004D  }
0x9: {  	s9 =	ssub.s32 $0x2, s7;
	s6 =	sor.u32 s7, s16;
	s14 =	smul.u32 $0x27100, s7  }
0xa: {  	[dreg:$0x4] =	wrdreg s0;
	s20 =	smul.u32 $0x138800, s7;
	s11 =	sshrl.u32 s9, $0x1  }
0xb: {  	s6 =	smul.u32 $0x2710, s6;
	s8 =	sshrl.u32 s8, $0x2;
	s17 =	sadd.s32 s4, s10  }
0xc: {  	s11 =	ssub.s32 s9, s11;
	s8 =	sadd.s32 s8, s1;
	[dreg:$0x3] =	wrdreg s17  }
0xd: {  	s25 =	sadd.s32 s10, s14;
	s0 =	sshrl.u32 s20, $0x3;
	s20 =	simm.s32 $0x7  }
0xe: {  	s9 =	sadd.s32 $0x4E200, s6;
	s18 =	sshrl.u32 s6, $0x3;
	s7 =	sadd.s32 s3, s25  }
0xf: {  	s0 =	sadd.s32 s3, s0;
	s26 =	smax.u32 s11, $0x1;
	s3 =	simm.s32 $0x2  }
0x10: {  	s11 =	simm.s32 $0x9;
	s13 =	sshrl.u32 s9, $0x3;
	[dreg:$0xb] =	wrdreg s7  }
0x11: {  	s16 =	sadd.s32 s5, s18;
	s0 =	sadd.s32 $0x25800, s0;
	[dreg:$0xd] =	wrdreg s26  }
0x12: {  	s7 =	simm.s32 $0x3000;
	s18 =	simm.s32 $0x3;
	[dreg:$0x5] =	wrdreg s16  }
0x13: {  	s26 =	simm.s32 $0x12;
	s19 =	sadd.s32 s5, s13;
	[dreg:$0xc] =	wrdreg s0  }
0x14: {  	s21 =	sadd.s32 $0xA, s16;
	s22 =	sadd.s32 $0x9C4A, s16;
	[dreg:$0x6] =	wrdreg s19  }
0x15: {  	s23 =	sadd.s32 $0x14, s16;
	s24 =	sadd.s32 $0x9C54, s16;
	[dreg:$0x7] =	wrdreg s21  }
0x16: {  	s0 =	sshll.u32 @!p0 s15, $0x6;
	s15 =	sshrl.u32 @p0 s12, $0x3;
	[dreg:$0x8] =	wrdreg s22  }
.Ltmp0:
0x17: {  	s13 =	simm.s32 $0x17;
	[dreg:$0x9] =	wrdreg s23;
	(pc) =	sbr.rel .LBB2_1-.Ltmp0, $4  }
0x18: {  	s12 =	simm.s32 $0xA;
	s16 =	simm.s32 $0x0;
	[dreg:$0xa] =	wrdreg s24  }
0x19: {  	s17 =	sor.u32 @!p0 $0x1C19, s0;
	s19 =	sshrl.u32 @!p0 s8, $0x3;
	[dreg:$0xe] =	wrdreg s15  }
0x1a: {  	s22 =	simm.s32 $0x400;
	s23 =	simm.s32 $0x80;
	[dreg:$0xf] =	wrdreg s17  }
0x1b: {  	s0 =	simm.s32 $0x580;
	s8 =	simm.s32 $0x11;
	[dreg:$0x10] =	wrdreg s19  }
.LBB2_37:
0x1c: {  	s10 =	simm.s32 $0x16  }
0x1d: {  	_ =	swait.ge [sflag:s10], $0x2800  }
0x1e: {  	[sflag:s10] =	ssyncset.done $0x0  }
0x1f: {  	[sflag:s10] =	ssyncadd.s32 $0xFFFFD800  }
0x20: {  	_ =	swait.ge [sflag:s13], $0x2800  }
0x21: {  	[sflag:s13] =	ssyncset.done $0x0  }
0x22: {  	s21 =	simm.s32 $0x18;
	[sflag:s13] =	ssyncadd.s32 $0xFFFFD800  }
0x23: {  	_ =	swait.ge [sflag:s21], $0x2800  }
0x24: {  	[sflag:s21] =	ssyncset.done $0x0  }
0x25: {  	s24 =	simm.s32 $0x15;
	[sflag:s21] =	ssyncadd.s32 $0xFFFFD800  }
0x26: {  	_ =	swait.ge [sflag:s24], $0x2800  }
0x27: {  	[sflag:s24] =	ssyncset.done $0x0  }
0x28: {  	[sflag:s24] =	ssyncadd.s32 $0xFFFFD800  }
0x29: {  	[bflag:$0x0] =	sbarrier.arrive $0xFFFF  }
0x2a: {  	s14 =	rddreg [dreg:$0xc]  }
0x2b: {  	s10 =	simm.s32 @p0 $0x1FD9;
	s15 =	rddreg [dreg:$0xe]  }
0x2c: {  	[hbm:s14], [sflag:s10] =	dma.local @p0 [spmem:s15], $0x1900  }
0x2d: {  	s10 =	simm.s32 @p0 $0x19  }
0x2e: {  	_ =	swait.ge @p0 [sflag:s10], $0x1900  }
0x2f: {  	s17 =	rddreg [dreg:$0xf]  }
0x30: {  	[sflag:s10] =	ssyncset.done @p0 $0x0;
	s19 =	rddreg [dreg:$0x10]  }
0x31: {  	[sflag:s10] =	ssyncadd.s32 @p0 $0xFFFFE700;
	s10 =	rddreg [dreg:$0xb]  }
0x32: {  	[hbm:s10], [sflag:s17] =	dma.local @!p0 [spmem:s19], $0x2800  }
0x33: {  	s10 =	simm.s32 @!p0 $0x19  }
0x34: {  	_ =	swait.ge @!p0 [sflag:s10], $0x2800  }
0x35: {  	s16 =	sadd.s32 $0x1, s16;
	s25 =	rddreg [dreg:$0xd]  }
0x36: {  	p1 =	sne.s32 s16, s25  }
.Ltmp1:
0x37: {  	_ = 	snop;
	(pc) =	sbr.rel @!p1 .LBB2_38-.Ltmp1, $3  }
0x38: {  	_ =	sdelay $0x1  }
0x39: {  	[sflag:s10] =	ssyncset.done @!p0 $0x0  }
0x3a: {  	[sflag:s10] =	ssyncadd.s32 @!p0 $0xFFFFD800  }
.LBB2_1:
0x3b: {  	s14 =	simm.s32 @p0 $0x1FD9;
	s10 =	rddreg [dreg:$0x4]  }
0x3c: {  	[spmem:s15], [sflag:s14] =	dma.local @p0 [hbm:s10], $0x1900  }
0x3d: {  	s14 =	simm.s32 @p0 $0x19  }
0x3e: {  	_ =	swait.ge @p0 [sflag:s14], $0x1900  }
0x3f: {  	[sflag:s14] =	ssyncset.done @p0 $0x0  }
0x40: {  	s10 =	rddreg [dreg:$0x3];
	[sflag:s14] =	ssyncadd.s32 @p0 $0xFFFFE700;
	s14 =	simm.s32 @!p0 $0x19  }
0x41: {  	[spmem:s19], [sflag:s17] =	dma.local @!p0 [hbm:s10], $0x2800  }
0x42: {  	_ =	swait.ge @!p0 [sflag:s14], $0x2800  }
0x43: {  	[sflag:s14] =	ssyncset.done @!p0 $0x0  }
0x44: {  	[sflag:s14] =	ssyncadd.s32 @!p0 $0xFFFFD800  }
0x45: {  	[bflag:$0x0] =	sbarrier.arrive $0xFFFF  }
0x46: {  	s21 =	rddreg [dreg:$0x5]  }
0x47: {  	[tilespmem:s2], [sflag:$0x1] =	stream.linear.gather [hbm4b:s21+s2], $0x50, $0x38;
	[tilespmem:$0x1E800] =	vst v63  }
0x48: {  	s24 =	rddreg [dreg:$0x6]  }
0x49: {  	[tilespmem:s22], [sflag:$0x9] =	stream.linear.gather [hbm4b:s24+s2], $0x50, $0x38;
	[tilespmem:$0x1E800] =	vst v63  }
0x4a: {  	s25 =	rddreg [dreg:$0x7]  }
0x4b: {  	[tilespmem:s23], [sflag:$0x2] =	stream.linear.gather [hbm4b:s25+s2], $0x50, $0x38;
	[tilespmem:$0x1E800] =	vst v63  }
0x4c: {  	s19 =	simm.s32 $0x480;
	s14 =	rddreg [dreg:$0x8]  }
0x4d: {  	[tilespmem:s19], [sflag:$0xA] =	stream.linear.gather [hbm4b:s14+s2], $0x50, $0x38;
	[tilespmem:$0x1E800] =	vst v63  }
0x4e: {  	s17 =	simm.s32 $0x100;
	s15 =	rddreg [dreg:$0x9]  }
0x4f: {  	[tilespmem:s17], [sflag:$0x3] =	stream.linear.gather [hbm4b:s15+s2], $0x50, $0x38;
	[tilespmem:$0x1E800] =	vst v63  }
0x50: {  	s21 =	rddreg [dreg:$0xa];
	s24 =	simm.s32 $0x500  }
0x51: {  	[tilespmem:s24], [sflag:$0xB] =	stream.linear.gather [hbm4b:s21+s2], $0x50, $0x38;
	[tilespmem:$0x1E800] =	vst v63  }
.Ltmp2:
0x52: {  	s25 =	simm.s32 $0x1;
	(pc) =	sbr.rel .LBB2_2-.Ltmp2, $4  }
0x53: {  	_ =	swait.ge [sflag:s25], $0x50  }
0x54: {  	[sflag:s25] =	ssyncset.done $0x0  }
0x55: {  	s24 =	simm.s32 $0x0;
	[sflag:s25] =	ssyncadd.s32 $0xFFFFFFB0  }
0x56: {  	[tilespmem:s30], [sflag:$0x11] =	stream.indirect.gather [hbm4b:s4+s29], $0x80, s2, s29, $0xb8;
	[tilespmem:$0x1E800] =	vst v63  }
.LBB2_3:
0x57: {  	s14 =	smul.u32 $0x50, s14;
	_ =	sdelay $0x1  }
0x58: {  	s15 =	sadd.s32 s6, s14  }
0x59: {  	s14 =	sadd.s32 s9, s14;
	s15 =	sshrl.u32 s15, $0x3  }
0x5a: {  	s14 =	sshrl.u32 s14, $0x3;
	s15 =	sadd.s32 s5, s15  }
0x5b: {  	[tilespmem:s31], [sflag:$0x4] =	stream.linear.gather [hbm4b:s15+s2], $0x50, $0x38;
	[tilespmem:$0x1E800] =	vst v63  }
0x5c: {  	s17 =	sor.u32 $0x1, s24;
	s14 =	sadd.s32 s5, s14  }
0x5d: {  	[tilespmem:s0], [sflag:$0xC] =	stream.linear.gather [hbm4b:s14+s2], $0x50, $0x38;
	[tilespmem:$0x1E800] =	vst v63  }
.LBB2_5:
0x5e: {  	p1 =	slt.u32 s24, $0x3  }
0x5f: {  	s14 =	simm.s32 @!p1 $0x16  }
0x60: {  	_ =	swait.ge @!p1 [sflag:s14], $0x2800  }
0x61: {  	[sflag:s14] =	ssyncset.done @!p1 $0x0  }
0x62: {  	[sflag:s14] =	ssyncadd.s32 @!p1 $0xFFFFD800  }
0x63: {  	_ =	swait.ge [sflag:s3], $0x50  }
0x64: {  	[sflag:s3] =	ssyncset.done $0x0  }
0x65: {  	[sflag:s3] =	ssyncadd.s32 $0xFFFFFFB0  }
0x66: {  	[tilespmem:s7], [sflag:$0x12] =	stream.indirect.gather [hbm4b:s4+s29], $0x80, s23, s29, $0xb8;
	[tilespmem:$0x1E800] =	vst v63  }
0x67: {  	_ =	swait.ge [sflag:s8], $0x2800  }
0x68: {  	[sflag:s8] =	ssyncset.done $0x0  }
0x69: {  	[sflag:s8] =	ssyncadd.s32 $0xFFFFD800  }
0x6a: {  	_ =	swait.ge [sflag:s11], $0x50  }
0x6b: {  	[sflag:s11] =	ssyncset.done $0x0  }
0x6c: {  	[sflag:s11] =	ssyncadd.s32 $0xFFFFFFB0  }
0x6d: {  	[spmem:s1] =	stream.indirect.scatter.add.f32 [tilespmem:s30], [sflag:$0x15], $0x80, s22, s29, $0xb8;
	[tilespmem:$0x1E800] =	vst v63  }
.LBB2_36:
0x6e: {  	p1 =	slt.u32 s17, $0x7D  }
.Ltmp3:
0x6f: {  	_ = 	snop;
	(pc) =	sbr.rel @!p1 .LBB2_37-.Ltmp3, $2  }
0x70: {  	_ =	sdelay $0x2  }
0x71: {  	s24 =	smov.u32 s17  }
.LBB2_2:
0x72: {  	s25 =	sand.u32 $0x7, s24;
	p1 =	sgt.u32 s24, $0x79  }
0x73: {  	p2 =	sne.s32 @!p1 s25, $0x0  }
0x74: {  	p2 =	por p1, p2  }
.Ltmp4:
0x75: {  	_ = 	snop;
	(pc) =	sbr.rel @!p2 .LBB2_3-.Ltmp4, $2  }
0x76: {  	_ =	sdelay $0x2  }
0x77: {  	s14 =	sadd.s32 $0x3, s24  }
0x78: {  	p2 =	sne.s32 s25, $0x0  }
.Ltmp5:
0x79: {  	_ = 	snop;
	(pc) =	sbr.rel @!p2 .LBB2_5-.Ltmp5, $2  }
0x7a: {  	_ =	sdelay $0x2  }
0x7b: {  	s17 =	sadd.s32 $0x1, s24  }
0x7c: {  	p2 =	sne.s32 @!p1 s25, $0x1  }
0x7d: {  	p3 =	por p1, p2  }
.Ltmp6:
0x7e: {  	_ = 	snop;
	(pc) =	sbr.rel @p3 .LBB2_8-.Ltmp6, $2  }
0x7f: {  	_ =	sdelay $0x2  }
0x80: {  	p2 =	sne.s32 s24, $0x7C  }
0x81: {  	s15 =	smul.u32 $0x50, s14;
	_ =	sdelay $0x1  }
0x82: {  	s21 =	sadd.s32 s6, s15  }
0x83: {  	s15 =	sadd.s32 s9, s15;
	s21 =	sshrl.u32 s21, $0x3  }
0x84: {  	s10 =	simm.s32 $0x200;
	s15 =	sshrl.u32 s15, $0x3;
	s21 =	sadd.s32 s5, s21  }
0x85: {  	[tilespmem:s10], [sflag:$0x5] =	stream.linear.gather [hbm4b:s21+s2], $0x50, $0x38;
	[tilespmem:$0x1E800] =	vst v63  }
0x86: {  	s15 =	sadd.s32 s5, s15;
	s21 =	simm.s32 $0x600  }
0x87: {  	[tilespmem:s21], [sflag:$0xD] =	stream.linear.gather [hbm4b:s15+s2], $0x50, $0x38;
	[tilespmem:$0x1E800] =	vst v63  }
.LBB2_9:
0x88: {  	p3 =	slt.u32 s24, $0x3  }
0x89: {  	s15 =	simm.s32 @!p3 $0x17  }
0x8a: {  	_ =	swait.ge @!p3 [sflag:s15], $0x2800  }
0x8b: {  	[sflag:s15] =	ssyncset.done @!p3 $0x0  }
0x8c: {  	[sflag:s15] =	ssyncadd.s32 @!p3 $0xFFFFD800  }
0x8d: {  	_ =	swait.ge [sflag:s18], $0x50  }
0x8e: {  	[sflag:s18] =	ssyncset.done $0x0  }
0x8f: {  	s10 =	simm.s32 $0x100;
	s21 =	simm.s32 $0x5800;
	[sflag:s18] =	ssyncadd.s32 $0xFFFFFFB0  }
0x90: {  	[tilespmem:s21], [sflag:$0x13] =	stream.indirect.gather [hbm4b:s4+s29], $0x80, s10, s29, $0xb8;
	[tilespmem:$0x1E800] =	vst v63  }
0x91: {  	_ =	swait.ge [sflag:s26], $0x2800  }
0x92: {  	[sflag:s26] =	ssyncset.done $0x0  }
0x93: {  	[sflag:s26] =	ssyncadd.s32 $0xFFFFD800  }
0x94: {  	_ =	swait.ge [sflag:s12], $0x50  }
0x95: {  	[sflag:s12] =	ssyncset.done $0x0  }
0x96: {  	p3 =	por $0x0, $0x0;
	[sflag:s12] =	ssyncadd.s32 $0xFFFFFFB0  }
0x97: {  	[spmem:s1] =	stream.indirect.scatter.add.f32 [tilespmem:s7], [sflag:$0x16], $0x80, s19, s29, $0xb8;
	[tilespmem:$0x1E800] =	vst v63  }
.LBB2_20:
0x98: {  	p2 =	por !p3, !p2  }
.Ltmp7:
0x99: {  	_ = 	snop;
	(pc) =	sbr.rel @p2 .LBB2_22-.Ltmp7, $1  }
0x9a: {  	_ =	sdelay $0x3  }
0x9b: {  	p2 =	slt.u32 s24, $0x3  }
0x9c: {  	s10 =	simm.s32 @!p2 $0x16  }
0x9d: {  	_ =	swait.ge @!p2 [sflag:s10], $0x2800  }
0x9e: {  	[sflag:s10] =	ssyncset.done @!p2 $0x0  }
.Ltmp8:
0x9f: {  	s21 =	simm.s32 $0x6;
	[sflag:s10] =	ssyncadd.s32 @!p2 $0xFFFFD800;
	(pc) =	sbr.rel @!p3 .LBB2_24-.Ltmp8, $4  }
0xa0: {  	_ =	swait.ge [sflag:s21], $0x50  }
0xa1: {  	[sflag:s21] =	ssyncset.done $0x0  }
0xa2: {  	s24 =	simm.s32 $0x280;
	[sflag:s21] =	ssyncadd.s32 $0xFFFFFFB0  }
0xa3: {  	[tilespmem:s7], [sflag:$0x12] =	stream.indirect.gather [hbm4b:s4+s29], $0x80, s24, s29, $0xb8;
	[tilespmem:$0x1E800] =	vst v63  }
.LBB2_23:
0xa4: {  	_ =	swait.ge [sflag:s8], $0x2800  }
0xa5: {  	[sflag:s8] =	ssyncset.done $0x0  }
0xa6: {  	s10 =	simm.s32 $0xD;
	[sflag:s8] =	ssyncadd.s32 $0xFFFFD800  }
0xa7: {  	_ =	swait.ge [sflag:s10], $0x50  }
0xa8: {  	[sflag:s10] =	ssyncset.done $0x0  }
0xa9: {  	s24 =	simm.s32 $0x600;
	[sflag:s10] =	ssyncadd.s32 $0xFFFFFFB0  }
0xaa: {  	[spmem:s1] =	stream.indirect.scatter.add.f32 [tilespmem:s30], [sflag:$0x15], $0x80, s24, s29, $0xb8;
	[tilespmem:$0x1E800] =	vst v63  }
.LBB2_24:
0xab: {  	p2 =	sne.s32 @!p1 s25, $0x5  }
0xac: {  	p2 =	por p1, p2  }
.Ltmp9:
0xad: {  	_ = 	snop;
	(pc) =	sbr.rel @p2 .LBB2_27-.Ltmp9, $1  }
0xae: {  	_ =	sdelay $0x3  }
0xaf: {  	s10 =	smul.u32 $0x50, s14;
	_ =	sdelay $0x1  }
0xb0: {  	s14 =	sadd.s32 s6, s10  }
0xb1: {  	s10 =	sadd.s32 s9, s10;
	s14 =	sshrl.u32 s14, $0x3  }
0xb2: {  	s10 =	sshrl.u32 s10, $0x3;
	s14 =	sadd.s32 s5, s14  }
0xb3: {  	[tilespmem:s2], [sflag:$0x1] =	stream.linear.gather [hbm4b:s14+s2], $0x50, $0x38;
	[tilespmem:$0x1E800] =	vst v63  }
0xb4: {  	s10 =	sadd.s32 s5, s10  }
0xb5: {  	[tilespmem:s22], [sflag:$0x9] =	stream.linear.gather [hbm4b:s10+s2], $0x50, $0x38;
	[tilespmem:$0x1E800] =	vst v63  }
.LBB2_26:
0xb6: {  	_ =	swait.ge [sflag:s13], $0x2800  }
0xb7: {  	[sflag:s13] =	ssyncset.done $0x0  }
0xb8: {  	[sflag:s13] =	ssyncadd.s32 $0xFFFFD800  }
0xb9: {  	_ =	swait.ge [sflag:s20], $0x50  }
0xba: {  	[sflag:s20] =	ssyncset.done $0x0  }
0xbb: {  	s10 =	simm.s32 $0x5800;
	s14 =	simm.s32 $0x300;
	[sflag:s20] =	ssyncadd.s32 $0xFFFFFFB0  }
0xbc: {  	[tilespmem:s10], [sflag:$0x13] =	stream.indirect.gather [hbm4b:s4+s29], $0x80, s14, s29, $0xb8;
	[tilespmem:$0x1E800] =	vst v63  }
0xbd: {  	_ =	swait.ge [sflag:s26], $0x2800  }
0xbe: {  	[sflag:s26] =	ssyncset.done $0x0  }
.Ltmp10:
0xbf: {  	[sflag:s26] =	ssyncadd.s32 $0xFFFFD800;
	(pc) =	sbr.rel .LBB2_36-.Ltmp10, $4  }
0xc0: {  	_ =	swait.ge [sflag:s28], $0x50  }
0xc1: {  	[sflag:s28] =	ssyncset.done $0x0  }
0xc2: {  	s25 =	simm.s32 $0x680;
	[sflag:s28] =	ssyncadd.s32 $0xFFFFFFB0  }
0xc3: {  	[spmem:s1] =	stream.indirect.scatter.add.f32 [tilespmem:s7], [sflag:$0x16], $0x80, s25, s29, $0xb8;
	[tilespmem:$0x1E800] =	vst v63  }
.LBB2_8:
0xc4: {  	p3 =	sne.s32 s25, $0x1  }
.Ltmp11:
0xc5: {  	_ = 	snop;
	(pc) =	sbr.rel @!p3 .LBB2_9-.Ltmp11, $1  }
0xc6: {  	_ =	sdelay $0x3  }
0xc7: {  	p3 =	seq.s32 @!p1 s25, $0x2  }
0xc8: {  	p3 =	por p1, !p3  }
.Ltmp12:
0xc9: {  	_ = 	snop;
	(pc) =	sbr.rel @p3 .LBB2_11-.Ltmp12, $3  }
0xca: {  	_ = 	snop  }
0xcb: {  	s15 =	smul.u32 $0x50, s14;
	_ =	sdelay $0x1  }
0xcc: {  	s21 =	sadd.s32 s6, s15  }
0xcd: {  	s10 =	sshrl.u32 s21, $0x3  }
0xce: {  	s19 =	simm.s32 $0x280;
	p3 =	slt.u32 s24, $0x3;
	s10 =	sadd.s32 s5, s10  }
0xcf: {  	[tilespmem:s19], [sflag:$0x6] =	stream.linear.gather [hbm4b:s10+s2], $0x50, $0x38;
	[tilespmem:$0x1E800] =	vst v63  }
.Ltmp13:
0xd0: {  	_ = 	snop;
	(pc) =	sbr.rel @p3 .LBB2_14-.Ltmp13, $4  }
.Ltmp14:
0xd1: {  	s19 =	sadd.s32 s9, s15;
	(pc) =	sbr.rel @!p3 .LBB2_13-.Ltmp14, $4  }
0xd2: {  	s10 =	sshrl.u32 s19, $0x3  }
0xd3: {  	s19 =	simm.s32 $0x680;
	s10 =	sadd.s32 s5, s10  }
0xd4: {  	[tilespmem:s19], [sflag:$0xE] =	stream.linear.gather [hbm4b:s10+s2], $0x50, $0x38;
	[tilespmem:$0x1E800] =	vst v63  }
0xd5: {  	_ = 	snop  }
.LBB2_22:
.Ltmp15:
0xd6: {  	(pc) =	sbr.rel @!p3 .LBB2_24-.Ltmp15, $4  }
.Ltmp16:
0xd7: {  	(pc) =	sbr.rel @p3 .LBB2_23-.Ltmp16, $4  }
0xd8: {  	_ = 	snop  }
0xd9: {  	_ = 	snop  }
0xda: {  	_ = 	snop  }
0xdb: {  	_ = 	snop  }
.LBB2_27:
0xdc: {  	p2 =	seq.s32 s25, $0x5  }
.Ltmp17:
0xdd: {  	_ = 	snop;
	(pc) =	sbr.rel @p2 .LBB2_26-.Ltmp17, $1  }
0xde: {  	_ =	sdelay $0x3  }
0xdf: {  	p2 =	seq.s32 @!p1 s25, $0x6  }
0xe0: {  	p2 =	por p1, !p2  }
.Ltmp18:
0xe1: {  	_ = 	snop;
	(pc) =	sbr.rel @p2 .LBB2_29-.Ltmp18, $1  }
0xe2: {  	_ =	sdelay $0x3  }
0xe3: {  	s10 =	smul.u32 $0x50, s14;
	_ =	sdelay $0x1  }
0xe4: {  	s15 =	sadd.s32 s6, s10  }
0xe5: {  	s10 =	sadd.s32 s9, s10;
	s15 =	sshrl.u32 s15, $0x3  }
0xe6: {  	s10 =	sshrl.u32 s10, $0x3;
	s15 =	sadd.s32 s5, s15  }
0xe7: {  	[tilespmem:s23], [sflag:$0x2] =	stream.linear.gather [hbm4b:s15+s2], $0x50, $0x38;
	[tilespmem:$0x1E800] =	vst v63  }
0xe8: {  	s10 =	sadd.s32 s5, s10  }
0xe9: {  	[tilespmem:s19], [sflag:$0xA] =	stream.linear.gather [hbm4b:s10+s2], $0x50, $0x38;
	[tilespmem:$0x1E800] =	vst v63  }
.LBB2_31:
0xea: {  	s10 =	simm.s32 $0x18  }
0xeb: {  	_ =	swait.ge [sflag:s10], $0x2800  }
0xec: {  	[sflag:s10] =	ssyncset.done $0x0  }
0xed: {  	s15 =	simm.s32 $0x8;
	[sflag:s10] =	ssyncadd.s32 $0xFFFFD800  }
0xee: {  	_ =	swait.ge [sflag:s15], $0x50  }
0xef: {  	s21 =	simm.s32 $0x380;
	[sflag:s15] =	ssyncset.done $0x0  }
0xf0: {  	s24 =	simm.s32 $0x13;
	[sflag:s15] =	ssyncadd.s32 $0xFFFFFFB0;
	s15 =	simm.s32 $0x8000  }
0xf1: {  	[tilespmem:s15], [sflag:$0x14] =	stream.indirect.gather [hbm4b:s4+s29], $0x80, s21, s29, $0xb8;
	[tilespmem:$0x1E800] =	vst v63  }
0xf2: {  	_ =	swait.ge [sflag:s24], $0x2800  }
0xf3: {  	[sflag:s24] =	ssyncset.done $0x0  }
0xf4: {  	s15 =	simm.s32 $0xF;
	[sflag:s24] =	ssyncadd.s32 $0xFFFFD800  }
0xf5: {  	_ =	swait.ge [sflag:s15], $0x50  }
0xf6: {  	[sflag:s15] =	ssyncset.done $0x0  }
0xf7: {  	s21 =	simm.s32 $0x5800;
	s24 =	simm.s32 $0x700;
	[sflag:s15] =	ssyncadd.s32 $0xFFFFFFB0  }
0xf8: {  	[spmem:s1] =	stream.indirect.scatter.add.f32 [tilespmem:s21], [sflag:$0x17], $0x80, s24, s29, $0xb8;
	[tilespmem:$0x1E800] =	vst v63  }
.LBB2_32:
0xf9: {  	p2 =	seq.s32 @!p1 s25, $0x7  }
0xfa: {  	p1 =	por p1, !p2  }
.Ltmp19:
0xfb: {  	_ = 	snop;
	(pc) =	sbr.rel @p1 .LBB2_33-.Ltmp19, $1  }
0xfc: {  	_ =	sdelay $0x3  }
0xfd: {  	s10 =	smul.u32 $0x50, s14;
	_ =	sdelay $0x1  }
0xfe: {  	s14 =	sadd.s32 s6, s10  }
0xff: {  	s10 =	sadd.s32 s9, s10;
	s14 =	sshrl.u32 s14, $0x3  }
0x100: {  	s15 =	simm.s32 $0x100;
	s10 =	sshrl.u32 s10, $0x3;
	s14 =	sadd.s32 s5, s14  }
0x101: {  	[tilespmem:s15], [sflag:$0x3] =	stream.linear.gather [hbm4b:s14+s2], $0x50, $0x38;
	[tilespmem:$0x1E800] =	vst v63  }
0x102: {  	s25 =	simm.s32 $0x500;
	s10 =	sadd.s32 s5, s10  }
0x103: {  	[tilespmem:s25], [sflag:$0xB] =	stream.linear.gather [hbm4b:s10+s2], $0x50, $0x38;
	[tilespmem:$0x1E800] =	vst v63  }
.LBB2_35:
0x104: {  	s10 =	simm.s32 $0x15  }
0x105: {  	_ =	swait.ge [sflag:s10], $0x2800  }
0x106: {  	[sflag:s10] =	ssyncset.done $0x0  }
0x107: {  	s15 =	simm.s32 $0x1;
	[sflag:s10] =	ssyncadd.s32 $0xFFFFD800  }
0x108: {  	_ =	swait.ge [sflag:s15], $0x50  }
0x109: {  	[sflag:s15] =	ssyncset.done $0x0  }
0x10a: {  	s21 =	simm.s32 $0x14;
	[sflag:s15] =	ssyncadd.s32 $0xFFFFFFB0  }
0x10b: {  	[tilespmem:s30], [sflag:$0x11] =	stream.indirect.gather [hbm4b:s4+s29], $0x80, s2, s29, $0xb8;
	[tilespmem:$0x1E800] =	vst v63  }
0x10c: {  	_ =	swait.ge [sflag:s21], $0x2800  }
0x10d: {  	[sflag:s21] =	ssyncset.done $0x0  }
.Ltmp20:
0x10e: {  	s24 =	simm.s32 $0x10;
	[sflag:s21] =	ssyncadd.s32 $0xFFFFD800;
	(pc) =	sbr.rel .LBB2_36-.Ltmp20, $4  }
0x10f: {  	_ =	swait.ge [sflag:s24], $0x50  }
0x110: {  	[sflag:s24] =	ssyncset.done $0x0  }
0x111: {  	s25 =	simm.s32 $0x8000;
	s14 =	simm.s32 $0x780;
	[sflag:s24] =	ssyncadd.s32 $0xFFFFFFB0  }
0x112: {  	[spmem:s1] =	stream.indirect.scatter.add.f32 [tilespmem:s25], [sflag:$0x18], $0x80, s14, s29, $0xb8;
	[tilespmem:$0x1E800] =	vst v63  }
.LBB2_11:
0x113: {  	p3 =	seq.s32 s25, $0x2  }
.Ltmp21:
0x114: {  	_ = 	snop;
	(pc) =	sbr.rel @!p3 .LBB2_15-.Ltmp21, $1  }
0x115: {  	_ =	sdelay $0x3  }
.LBB2_13:
0x116: {  	s10 =	simm.s32 $0x18  }
0x117: {  	_ =	swait.ge [sflag:s10], $0x2800  }
0x118: {  	[sflag:s10] =	ssyncset.done $0x0  }
0x119: {  	[sflag:s10] =	ssyncadd.s32 $0xFFFFD800  }
.LBB2_14:
0x11a: {  	s10 =	simm.s32 $0x4  }
0x11b: {  	_ =	swait.ge [sflag:s10], $0x50  }
0x11c: {  	[sflag:s10] =	ssyncset.done $0x0  }
0x11d: {  	s19 =	simm.s32 $0x8000;
	[sflag:s10] =	ssyncadd.s32 $0xFFFFFFB0  }
0x11e: {  	[tilespmem:s19], [sflag:$0x14] =	stream.indirect.gather [hbm4b:s4+s29], $0x80, s31, s29, $0xb8;
	[tilespmem:$0x1E800] =	vst v63  }
0x11f: {  	s19 =	simm.s32 $0x13  }
0x120: {  	_ =	swait.ge [sflag:s19], $0x2800  }
0x121: {  	[sflag:s19] =	ssyncset.done $0x0  }
0x122: {  	[sflag:s19] =	ssyncadd.s32 $0xFFFFD800;
	s19 =	simm.s32 $0xB  }
0x123: {  	_ =	swait.ge [sflag:s19], $0x50  }
0x124: {  	[sflag:s19] =	ssyncset.done $0x0  }
0x125: {  	s10 =	simm.s32 $0x500;
	[sflag:s19] =	ssyncadd.s32 $0xFFFFFFB0;
	s19 =	simm.s32 $0x5800  }
0x126: {  	[spmem:s1] =	stream.indirect.scatter.add.f32 [tilespmem:s19], [sflag:$0x17], $0x80, s10, s29, $0xb8;
	[tilespmem:$0x1E800] =	vst v63  }
.LBB2_15:
0x127: {  	p3 =	seq.s32 @!p1 s25, $0x3  }
0x128: {  	p3 =	por p1, !p3  }
.Ltmp22:
0x129: {  	_ = 	snop;
	(pc) =	sbr.rel @p3 .LBB2_16-.Ltmp22, $1  }
0x12a: {  	_ =	sdelay $0x3  }
0x12b: {  	s10 =	sshrl.u32 s21, $0x3  }
0x12c: {  	s19 =	simm.s32 $0x300;
	s10 =	sadd.s32 s5, s10  }
0x12d: {  	[tilespmem:s19], [sflag:$0x7] =	stream.linear.gather [hbm4b:s10+s2], $0x50, $0x38;
	[tilespmem:$0x1E800] =	vst v63  }
0x12e: {  	s19 =	sadd.s32 s9, s15  }
0x12f: {  	s10 =	sshrl.u32 s19, $0x3  }
0x130: {  	s21 =	simm.s32 $0x700;
	s10 =	sadd.s32 s5, s10  }
0x131: {  	[tilespmem:s21], [sflag:$0xF] =	stream.linear.gather [hbm4b:s10+s2], $0x50, $0x38;
	[tilespmem:$0x1E800] =	vst v63  }
.LBB2_18:
0x132: {  	s10 =	simm.s32 $0x15  }
0x133: {  	_ =	swait.ge [sflag:s10], $0x2800  }
0x134: {  	[sflag:s10] =	ssyncset.done $0x0  }
0x135: {  	s19 =	simm.s32 $0x5;
	[sflag:s10] =	ssyncadd.s32 $0xFFFFD800  }
0x136: {  	_ =	swait.ge [sflag:s19], $0x50  }
0x137: {  	[sflag:s19] =	ssyncset.done $0x0  }
0x138: {  	s21 =	simm.s32 $0x200;
	s15 =	simm.s32 $0x14;
	[sflag:s19] =	ssyncadd.s32 $0xFFFFFFB0  }
0x139: {  	[tilespmem:s30], [sflag:$0x11] =	stream.indirect.gather [hbm4b:s4+s29], $0x80, s21, s29, $0xb8;
	[tilespmem:$0x1E800] =	vst v63  }
0x13a: {  	_ =	swait.ge [sflag:s15], $0x2800  }
0x13b: {  	[sflag:s15] =	ssyncset.done $0x0  }
0x13c: {  	s19 =	simm.s32 $0xC;
	[sflag:s15] =	ssyncadd.s32 $0xFFFFD800  }
0x13d: {  	_ =	swait.ge [sflag:s19], $0x50  }
0x13e: {  	[sflag:s19] =	ssyncset.done $0x0  }
0x13f: {  	s21 =	simm.s32 $0x8000;
	[sflag:s19] =	ssyncadd.s32 $0xFFFFFFB0  }
0x140: {  	[spmem:s1] =	stream.indirect.scatter.add.f32 [tilespmem:s21], [sflag:$0x18], $0x80, s0, s29, $0xb8;
	[tilespmem:$0x1E800] =	vst v63  }
.LBB2_19:
0x141: {  	p4 =	sne.s32 @!p1 s25, $0x4  }
0x142: {  	p3 =	por p4, p1  }
0x143: {  	s10 =	smul.u32 @!p3 $0x50, s14;
	_ =	sdelay $0x1  }
0x144: {  	s21 =	simm.s32 @!p3 $0x0;
	s15 =	sadd.s32 @!p3 s6, s10  }
0x145: {  	s19 =	simm.s32 @!p3 $0x380;
	s10 =	sadd.s32 @!p3 s9, s10;
	s15 =	sshrl.u32 @!p3 s15, $0x3  }
0x146: {  	p5 =	por @!p3 $0x1, $0x1;
	s10 =	sshrl.u32 @!p3 s10, $0x3;
	s15 =	sadd.s32 @!p3 s5, s15  }
0x147: {  	[tilespmem:s19], [sflag:$0x8] =	stream.linear.gather @!p3 [hbm4b:s15+s21], $0x50, $0x38;
	[tilespmem:$0x1E800] =	vst v63  }
.Ltmp23:
0x148: {  	s10 =	sadd.s32 @!p3 s5, s10;
	s15 =	simm.s32 @!p3 $0x780;
	(pc) =	sbr.rel .LBB2_20-.Ltmp23, $4  }
0x149: {  	[tilespmem:s15], [sflag:$0x10] =	stream.linear.gather @!p3 [hbm4b:s10+s21], $0x50, $0x38;
	[tilespmem:$0x1E800] =	vst v63  }
0x14a: {  	p4 =	por !p4, p1;
	p6 =	por p5, p5;
	p3 =	seq.s32 s25, $0x4  }
0x14b: {  	p5 =	por @!p4 p2, p2;
	p6 =	por @!p4 p3, p3  }
0x14c: {  	p2 =	por @!p1 p5, p5;
	s19 =	simm.s32 $0x480;
	p3 =	por @!p1 p6, p6  }
.LBB2_29:
0x14d: {  	p2 =	seq.s32 s25, $0x6  }
.Ltmp24:
0x14e: {  	_ = 	snop;
	(pc) =	sbr.rel @p2 .LBB2_31-.Ltmp24, $4  }
.Ltmp25:
0x14f: {  	_ = 	snop;
	(pc) =	sbr.rel @!p2 .LBB2_32-.Ltmp25, $4  }
0x150: {  	_ = 	snop  }
0x151: {  	_ = 	snop  }
0x152: {  	_ = 	snop  }
0x153: {  	_ = 	snop  }
.LBB2_33:
0x154: {  	p1 =	seq.s32 s25, $0x7  }
.Ltmp26:
0x155: {  	_ = 	snop;
	(pc) =	sbr.rel @p1 .LBB2_35-.Ltmp26, $4  }
.Ltmp27:
0x156: {  	_ = 	snop;
	(pc) =	sbr.rel @!p1 .LBB2_36-.Ltmp27, $4  }
0x157: {  	_ = 	snop  }
0x158: {  	_ = 	snop  }
0x159: {  	_ = 	snop  }
0x15a: {  	_ = 	snop  }
.LBB2_16:
0x15b: {  	p3 =	seq.s32 s25, $0x3  }
.Ltmp28:
0x15c: {  	_ = 	snop;
	(pc) =	sbr.rel @p3 .LBB2_18-.Ltmp28, $4  }
.Ltmp29:
0x15d: {  	_ = 	snop;
	(pc) =	sbr.rel @!p3 .LBB2_19-.Ltmp29, $4  }
0x15e: {  	_ = 	snop  }
0x15f: {  	_ = 	snop  }
0x160: {  	_ = 	snop  }
0x161: {  	_ = 	snop  }
.LBB2_38:
0x162: {  	_ =	sfence.sel $0x180000  }
0x163: {  	[bflag:$0x0] =	sbarrier.arrive $0xFFFF  }
0x164: {  	_ =	strace $0x9000004D  }
0x165: {  	s0 =	stileid.u32;
	[bflag:$0x2] =	sbarrier.arrive $0xFFFF  }
0x166: {  	p0 =	sne.s32 s0, $0x0;
	s0 =	rddreg [dreg:$0x2]  }
0x167: {  	s0 =	sadd.s32 @!p0 $0x100000, s0  }
0x168: {  	[sflag:s0] =	ssyncadd.tile.s32 @!p0 $0x1;
	_ =	shalt  }
.Lfunc_end2:
_tile_overlayer_lowered:
.L_overlay_start_2:
0x169: {  	(tag) =	ssettag $0x2  }
0x16a: {  	s0 =	rddreg [dreg:$0x0];
	s2 =	stileid.u32  }
0x16b: {  	s1 =	rddreg [dreg:$0x1];
	p0 =	sne.s32 s2, $0x0  }
0x16c: {  	s3 =	rddreg [dreg:$0x2];
	[bflag:$0x3] =	sbarrier.arrive $0xFFFF;
	s2 =	simm.s32 @!p0 $0x1C19  }
0x16d: {  	[timem:s3], [sflag:s2] =	dma.local @!p0 [hbm:s0], s1  }
0x16e: {  	s0 =	simm.s32 @!p0 $0x19  }
0x16f: {  	_ =	swait.ge @!p0 [sflag:s0], s1  }
0x170: {  	s1 =	ssub.s32 @!p0 $0x0, s1;
	[sflag:s0] =	ssyncset.done @!p0 $0x0  }
0x171: {  	[sflag:s0] =	ssyncadd.s32 @!p0 s1  }
0x172: {  	[bflag:$0x3] =	sbarrier.arrive $0xFFFF  }
0x173: {  	_ =	shalt  }

// kernel: kernel.19.cloned.1.call-start
scs
__scs_entry_jumppad:
0x0: {  	(pc) =	sbr.rel $0x88, $3  }
0x1: {  	(tag) =	ssettag $0x0;
	lr =	simm.s32 $0x1  }
0x2: {  	[smem:$0x3F98] =	sst lr;
	_ =	strace $0xD0000000  }
0x3: {  	_ = 	snop  }
0x4: {  	_ = 	snop  }
0x5: {  	_ = 	snop  }
0x6: {  	_ = 	snop  }
0x7: {  	_ = 	snop  }
__scs_overlays_trampoline_lowered:
0x8: {  	[smem:$0x3FA7] =	sst s0  }
0x9: {  	[smem:$0x3FA8] =	sst s1  }
0xa: {  	[smem:$0x3FA9] =	sst s2  }
0xb: {  	[smem:$0x3FAA] =	sst s3  }
0xc: {  	[smem:$0x3FAB] =	sst s4  }
0xd: {  	[smem:$0x3FAC] =	sst s5  }
0xe: {  	[smem:$0x3FAD] =	sst s6  }
0xf: {  	[smem:$0x3FAE] =	sst s7  }
0x10: {  	[smem:$0x3FAF] =	sst s8  }
0x11: {  	[smem:$0x3FB0] =	sst s9;
	s0 =	simm.s32 @!p0 $0x0  }
0x12: {  	s1 =	sld [smem:$0x3F96];
	s0 =	simm.s32 @p0 $0x1  }
0x13: {  	[smem:$0x3FB1] =	sst s0;
	s0 =	simm.s32 @!p1 $0x0  }
0x14: {  	s2 =	sld [smem:$0x3F95];
	s0 =	simm.s32 @p1 $0x1  }
0x15: {  	[smem:$0x3FB2] =	sst s0;
	s0 =	simm.s32 @!p2 $0x0  }
0x16: {  	s3 =	sld [smem:$0x3FDB];
	s0 =	simm.s32 @p2 $0x1  }
0x17: {  	s4 =	simm.s32 $0x1BF5;
	[smem:$0x3FB4] =	sst s0  }
0x18: {  	s0 =	sld [smem:$0x3F97];
	_ =	swait.ge [sflag:s4], $0x0  }
0x19: {  	s7 =	sld [smem:$0x3F98]  }
0x1a: {  	s8 =	sadd.s32 $0xFFFFE003, lr  }
0x1b: {  	s9 =	sadd.s32 $0xFFFFFEF7, lr;
	s5 =	simm.s32 $0xFFFFFFFF;
	p2 =	slt.u32 s8, $0xFFFFF086  }
0x1c: {  	p1 =	slt.u32 s9, $0xF7A;
	s5 =	simm.s32 @!p2 $0x0  }
0x1d: {  	s5 =	simm.s32 @p1 $0x1;
	p0 =	seq.s32 s7, s2  }
0x1e: {  	s7 =	smul.u32 @!p0 $0xF7A, s2;
	p2 =	seq.s32 @!p0 s5, $0x0  }
0x1f: {  	s9 =	smul.u32 $0xF7A, s1;
	s8 =	simm.s32 @!p0 $0x1BF5;
	p2 =	por !p2, p0  }
0x20: {  	[sflag:s8] =	ssyncset.s32 @!p0 $0xFFFFF086;
	s6 =	sadd.s32 @!p0 s3, s7;
	s7 =	simm.s32 @!p0 $0x108  }
0x21: {  	s3 =	sadd.s32 s3, s9;
	s6 =	sadd.s32 @!p0 $0x88, s6;
	s7 =	simm.s32 @p2 $0x1082  }
0x22: {  	[simem:s7], [sflag:s8] =	dma.local @!p0 [hbm:s6], $0xF7A  }
0x23: {  	s9 =	sor.u32 $0xD0000000, s2;
	s6 =	simm.s32 $0x108;
	_ =	swait.ge @!p0 [sflag:s8], $0x0  }
0x24: {  	s3 =	sadd.s32 $0x88, s3;
	s6 =	simm.s32 @!p1 $0x1082;
	[sflag:s4] =	ssyncset.s32 $0xFFFFF086  }
0x25: {  	[simem:s6], [sflag:s4] =	dma.local [hbm:s3], $0xF7A  }
0x26: {  	[smem:$0x3F98] =	sst s1;
	(tag) =	ssettag s2;
	_ =	strace s9  }
0x27: {  	s1 =	sld [smem:$0x3FA8]  }
0x28: {  	s2 =	sld [smem:$0x3FA9]  }
0x29: {  	s4 =	sld [smem:$0x3FAB]  }
0x2a: {  	p0 =	seq.s32 s5, $0x0;
	s5 =	sld [smem:$0x3FAC]  }
0x2b: {  	s6 =	sld [smem:$0x3FAD]  }
0x2c: {  	s7 =	sld [smem:$0x3FAE]  }
0x2d: {  	s3 =	simm.s32 $0x108;
	s8 =	sld [smem:$0x3FAF]  }
0x2e: {  	s3 =	simm.s32 @!p0 $0x1082;
	s9 =	sld [smem:$0x3FB0]  }
0x2f: {  	lr =	sadd.s32 s0, s3;
	s0 =	sld [smem:$0x3FA7]  }
0x30: {  	s3 =	sld [smem:$0x3FAA]  }
0x31: {  	[smem:$0x3FB3] =	sst s10  }
0x32: {  	s10 =	sld [smem:$0x3FB1];
	_ =	sdelay $0x3  }
0x33: {  	p0 =	seq.s32 s10, $0x1;
	s10 =	sld [smem:$0x3FB3];
	_ =	sdelay $0x3  }
0x34: {  	[smem:$0x3FB3] =	sst s10  }
0x35: {  	s10 =	sld [smem:$0x3FB2];
	_ =	sdelay $0x3  }
0x36: {  	p1 =	seq.s32 s10, $0x1;
	s10 =	sld [smem:$0x3FB3];
	_ =	sdelay $0x3  }
0x37: {  	[smem:$0x3FB3] =	sst s10  }
0x38: {  	s10 =	sld [smem:$0x3FB4]  }
0x39: {  	_ = 	snop;
	(pc) =	sbr.ind lr, $3  }
0x3a: {  	_ = 	snop  }
0x3b: {  	_ = 	snop  }
0x3c: {  	p2 =	seq.s32 s10, $0x1;
	s10 =	sld [smem:$0x3FB3]  }
0x3d: {  	_ =	shalt  }
0x3e: {  	_ =	shalt  }
0x3f: {  	_ =	shalt  }
0x40: {  	_ =	shalt  }
0x41: {  	_ =	shalt  }
0x42: {  	_ =	shalt  }
0x43: {  	_ =	shalt  }
0x44: {  	_ =	shalt  }
0x45: {  	_ =	shalt  }
0x46: {  	_ =	shalt  }
0x47: {  	_ =	shalt  }
0x48: {  	_ =	shalt  }
0x49: {  	_ =	shalt  }
0x4a: {  	_ =	shalt  }
0x4b: {  	_ =	shalt  }
0x4c: {  	_ =	shalt  }
0x4d: {  	_ =	shalt  }
0x4e: {  	_ =	shalt  }
0x4f: {  	_ =	shalt  }
0x50: {  	_ =	shalt  }
0x51: {  	_ =	shalt  }
0x52: {  	_ =	shalt  }
0x53: {  	_ =	shalt  }
0x54: {  	_ =	shalt  }
0x55: {  	_ =	shalt  }
0x56: {  	_ =	shalt  }
0x57: {  	_ =	shalt  }
0x58: {  	_ =	shalt  }
0x59: {  	_ =	shalt  }
0x5a: {  	_ =	shalt  }
0x5b: {  	_ =	shalt  }
0x5c: {  	_ =	shalt  }
0x5d: {  	_ =	shalt  }
0x5e: {  	_ =	shalt  }
0x5f: {  	_ =	shalt  }
0x60: {  	_ =	shalt  }
0x61: {  	_ =	shalt  }
0x62: {  	_ =	shalt  }
0x63: {  	_ =	shalt  }
0x64: {  	_ =	shalt  }
0x65: {  	_ =	shalt  }
0x66: {  	_ =	shalt  }
0x67: {  	_ =	shalt  }
0x68: {  	_ =	shalt  }
0x69: {  	_ =	shalt  }
0x6a: {  	_ =	shalt  }
0x6b: {  	_ =	shalt  }
0x6c: {  	_ =	shalt  }
0x6d: {  	_ =	shalt  }
0x6e: {  	_ =	shalt  }
0x6f: {  	_ =	shalt  }
0x70: {  	_ =	shalt  }
0x71: {  	_ =	shalt  }
0x72: {  	_ =	shalt  }
0x73: {  	_ =	shalt  }
0x74: {  	_ =	shalt  }
0x75: {  	_ =	shalt  }
0x76: {  	_ =	shalt  }
0x77: {  	_ =	shalt  }
0x78: {  	_ =	shalt  }
0x79: {  	_ =	shalt  }
0x7a: {  	_ =	shalt  }
0x7b: {  	_ =	shalt  }
0x7c: {  	_ =	shalt  }
0x7d: {  	_ =	shalt  }
0x7e: {  	_ =	shalt  }
0x7f: {  	_ =	shalt  }
0x80: {  	_ =	shalt  }
0x81: {  	_ =	shalt  }
0x82: {  	_ =	shalt  }
0x83: {  	_ =	shalt  }
0x84: {  	_ =	shalt  }
0x85: {  	_ =	shalt  }
0x86: {  	_ =	shalt  }
0x87: {  	_ =	shalt  }
.Lfunc_end0:
.L_simem_size_0:
called_computation.3_lowered:
.L_overlay_start_0:
0x88: {  	s2 =	sld [smem:$0x3FD9]  }
0x89: {  	s3 =	sld [smem:$0x3FFE];
	_ =	sdelay $0x1  }
0x8a: {  	s1 =	srdreg.scid  }
0x8b: {  	s0 =	sand.u32 $0x1, s1  }
0x8c: {  	s17 =	sshll.u32 s0, $0xA;
	s2 =	sadd.s32 s3, s2  }
0x8d: {  	s2 =	sadd.s32 s2, s17  }
0x8e: {  	[smem:$0x3FBF] =	sst s2  }
0x8f: {  	_ = 	snop  }
0x90: {  	s2 =	sld [smem:$0x3FD0];
	(tm) =	ssettm $0x1  }
0x91: {  	s18 =	sld [smem:$0x3FFB];
	_ =	sdelay $0x3  }
0x92: {  	_ =	strace s18  }
0x93: {  	s3 =	sld [smem:$0x3FFC];
	_ =	sdelay $0x3  }
0x94: {  	_ =	strace s3  }
0x95: {  	s3 =	sld [smem:$0x3FFD];
	_ =	sdelay $0x3  }
0x96: {  	_ =	strace s3  }
0x97: {  	_ =	strace $0x8FFFFFFF  }
0x98: {  	s19 =	sld [smem:$0x3FDB];
	_ =	sdelay $0x1  }
0x99: {  	s4 =	simm.s32 $_scs_section_size  }
0x9a: {  	s5 =	simm.s32 $_size__tile_overlayer_lowered;
	s6 =	simm.s32 $_tile_overlayer_lowered  }
0x9b: {  	s22 =	simm.s32 $0x1BFF;
	s21 =	sshll.u32 s6, $0x1;
	s3 =	sadd.s32 s4, s19  }
0x9c: {  	s7 =	simm.s32 $0x0;
	s20 =	sshll.u32 s5, $0x1;
	s5 =	sadd.s32 s21, s3  }
0x9d: {  	[timem:s7], [sflag:s22] =	dma.local [hbm:s5], s20  }
0x9e: {  	_ =	swait.ge [sflag:s22], s20  }
0x9f: {  	s4 =	ssub.s32 $0x0, s20;
	[sflag:s22] =	ssyncset.done $0x0  }
0xa0: {  	[sflag:s22] =	ssyncadd.s32 s4;
	_ =	sdelay $0x1  }
0xa1: {  	s23 =	simm.s32 $0x1B8B  }
0xa2: {  	_ =	swait.ge [sflag:s23], $0x1  }
0xa3: {  	[sflag:s23] =	ssyncset.done $0x0  }
0xa4: {  	s25 =	simm.s32 $0x1B8E;
	s24 =	sld [smem:$0x3FFE];
	[sflag:s23] =	ssyncadd.s32 $0xFFFFFFFF  }
0xa5: {  	s26 =	simm.s32 $execute0_lowered;
	[smem:$0x3FD2] =	sst s25  }
0xa6: {  	s5 =	sshll.u32 s26, $0x1;
	_ =	strace $0x8000004F;
	[dreg:$0x1] =	wrdreg $0xFFFFFFFF  }
0xa7: {  	s28 =	simm.s32 $_size_execute0_lowered;
	s3 =	sadd.s32 s3, s5;
	[dreg:$0x0] =	wrdreg $0x0  }
0xa8: {  	s5 =	sshll.u32 s28, $0x1;
	[dreg:$0x2] =	wrdreg s3  }
0xa9: {  	[dreg:$0x3] =	wrdreg s5  }
0xaa: {  	[dreg:$0x4] =	wrdreg $0xC0  }
0xab: {  	_ =	task [dreg:s7], $0x5FFFF  }
0xac: {  	[dreg:$0x1] =	wrdreg $0xFFFFFFFF  }
0xad: {  	[dreg:$0x0] =	wrdreg $0x60  }
0xae: {  	[dreg:$0x2] =	wrdreg s24  }
0xaf: {  	[dreg:$0x3] =	wrdreg s2  }
0xb0: {  	[dreg:$0x4] =	wrdreg $0x9  }
0xb1: {  	_ =	task.clear_ibuf [dreg:s7], $0x5FFFF;
	_ =	strace $0x9000004F  }
0xb2: {  	s29 =	simm.s32 $0x9;
	_ =	strace $0x80000051  }
0xb3: {  	_ =	swait.ge [sflag:s29], $0x1  }
0xb4: {  	[sflag:s29] =	ssyncadd.s32 $0xFFFFFFFF  }
0xb5: {  	_ =	strace $0x90000051  }
0xb6: {  	_ =	sfence  }
0xb7: {  	s30 =	sld [smem:$0x0];
	_ =	sdelay $0x2  }
0xb8: {  	s31 =	sshll.u32 s1, $0xD;
	s1 =	sshrl.u32 s1, $0x2  }
0xb9: {  	s3 =	sand.u32 $0x4000, s31;
	s1 =	sadd.s32 s1, s30  }
0xba: {  	s0 =	sor.u32 s3, s0;
	s1 =	sshll.u32 s1, $0x11  }
0xbb: {  	s0 =	sor.u32 s1, s0  }
0xbc: {  	s0 =	sadd.s32 $0x8F2B, s0  }
0xbd: {  	[sflag:s0] =	ssyncadd.remote.s32 $0x1  }
0xbe: {  	_ =	sfence.sel $0xFFFF  }
0xbf: {  	[dreg:$0x0] =	wrdreg $0xFFFFFFFF;
	(pc) =	sbr.abs _section_cstart, $3  }
0xc0: {  	[dreg:$0x1] =	wrdreg $0xFFFFFFFF  }
0xc1: {  	_ =	task.clear_ibuf [dreg:s7], $0x2FFFF;
	_ =	strace $0x9FFFFFFF  }
0xc2: {  	(tm) =	ssettm $0x7FFFFFFF  }
0xc3: {  	_ =	shalt  }
tec
execute0_lowered:
.L_overlay_start_1:
0x0: {  	(tag) =	ssettag $0x1  }
0x1: {  	s1 =	srdreg.scid  }
0x2: {  	s10 =	rddreg [dreg:$0x0];
	s0 =	stileid.u32;
	s25 =	sand.u32 $0x1, s1  }
0x3: {  	s3 =	rddreg [dreg:$0x1];
	s4 =	sshll.u32 s0, $0xB;
	s5 =	sshll.u32 s25, $0xA  }
0x4: {  	s2 =	simm.s32 $0x0;
	s1 =	rddreg [dreg:$0x2];
	s11 =	sor.u32 s5, s4  }
0x5: {  	[smem:$0x7FF] =	sst s2;
	s4 =	sshrl.u32 s11, $0x3  }
0x6: {  	_ =	strace $0x80000050;
	s4 =	sadd.s32 s3, s4;
	s3 =	simm.s32 $0x3  }
0x7: {  	[tilespmem:s2], [sflag:$0x3] =	stream.linear.gather [hbm4b:s4+s2], $0x400, $0x38;
	[tilespmem:$0x8400] =	vst v63  }
0x8: {  	_ =	swait.ge [sflag:s3], $0x400  }
0x9: {  	s6 =	simm.s32 $0x80;
	[sflag:s3] =	ssyncset.done $0x0  }
0xa: {  	s7 =	simm.s32 $0x400;
	s5 =	sadd.s32 $0x3400, s10;
	[sflag:s3] =	ssyncadd.s32 $0xFFFFFC00  }
0xb: {  	[tilespmem:s7], [sflag:$0x1] =	stream.indirect.gather [hbm4b:s5+s6], $0x80, s2, s6, $0xb8;
	[tilespmem:$0x8400] =	vst v63  }
0xc: {  	s8 =	simm.s32 $0x4400;
	s9 =	simm.s32 $0x1  }
0xd: {  	[tilespmem:s8], [sflag:$0x2] =	stream.indirect.gather [hbm4b:s5+s6], $0x80, s6, s6, $0xb8;
	[tilespmem:$0x8400] =	vst v63  }
0xe: {  	s11 =	sshll.u32 s11, $0x4;
	_ =	swait.ge [sflag:s9], $0x4000  }
0xf: {  	s26 =	sadd.s32 s11, s10;
	[sflag:s9] =	ssyncset.done $0x0  }
0x10: {  	s11 =	simm.s32 $0x4;
	s10 =	sadd.s32 $0x2A600, s26;
	[sflag:s9] =	ssyncadd.s32 $0xFFFFC000  }
0x11: {  	[hbm4b:s10+s2] =	stream.linear.scatter [tilespmem:s7], [sflag:$0x4], $0x4000, $0x38;
	[tilespmem:$0x8400] =	vst v63  }
0x12: {  	_ =	swait.ge [sflag:s11], $0x4000  }
0x13: {  	[sflag:s11] =	ssyncset.done $0x0  }
0x14: {  	s12 =	simm.s32 $0x100;
	s13 =	simm.s32 $0x2;
	[sflag:s11] =	ssyncadd.s32 $0xFFFFC000  }
0x15: {  	[tilespmem:s7], [sflag:$0x1] =	stream.indirect.gather [hbm4b:s5+s6], $0x80, s12, s6, $0xb8;
	[tilespmem:$0x8400] =	vst v63  }
0x16: {  	_ =	swait.ge [sflag:s13], $0x4000  }
0x17: {  	[sflag:s13] =	ssyncset.done $0x0  }
0x18: {  	s14 =	sadd.s32 $0x2AE00, s26;
	[sflag:s13] =	ssyncadd.s32 $0xFFFFC000  }
0x19: {  	[hbm4b:s14+s2] =	stream.linear.scatter [tilespmem:s8], [sflag:$0x3], $0x4000, $0x38;
	[tilespmem:$0x8400] =	vst v63  }
0x1a: {  	_ =	swait.ge [sflag:s3], $0x4000  }
0x1b: {  	[sflag:s3] =	ssyncset.done $0x0  }
0x1c: {  	s15 =	simm.s32 $0x180;
	[sflag:s3] =	ssyncadd.s32 $0xFFFFC000  }
0x1d: {  	[tilespmem:s8], [sflag:$0x2] =	stream.indirect.gather [hbm4b:s5+s6], $0x80, s15, s6, $0xb8;
	[tilespmem:$0x8400] =	vst v63  }
0x1e: {  	_ =	swait.ge [sflag:s9], $0x4000  }
0x1f: {  	[sflag:s9] =	ssyncset.done $0x0  }
0x20: {  	s16 =	sadd.s32 $0x2B600, s26;
	[sflag:s9] =	ssyncadd.s32 $0xFFFFC000  }
0x21: {  	[hbm4b:s16+s2] =	stream.linear.scatter [tilespmem:s7], [sflag:$0x4], $0x4000, $0x38;
	[tilespmem:$0x8400] =	vst v63  }
0x22: {  	_ =	swait.ge [sflag:s11], $0x4000  }
0x23: {  	[sflag:s11] =	ssyncset.done $0x0  }
0x24: {  	s17 =	simm.s32 $0x200;
	[sflag:s11] =	ssyncadd.s32 $0xFFFFC000  }
0x25: {  	[tilespmem:s7], [sflag:$0x1] =	stream.indirect.gather [hbm4b:s5+s6], $0x80, s17, s6, $0xb8;
	[tilespmem:$0x8400] =	vst v63  }
0x26: {  	_ =	swait.ge [sflag:s13], $0x4000  }
0x27: {  	[sflag:s13] =	ssyncset.done $0x0  }
0x28: {  	s18 =	sadd.s32 $0x2BE00, s26;
	[sflag:s13] =	ssyncadd.s32 $0xFFFFC000  }
0x29: {  	[hbm4b:s18+s2] =	stream.linear.scatter [tilespmem:s8], [sflag:$0x3], $0x4000, $0x38;
	[tilespmem:$0x8400] =	vst v63  }
0x2a: {  	_ =	swait.ge [sflag:s3], $0x4000  }
0x2b: {  	[sflag:s3] =	ssyncset.done $0x0  }
0x2c: {  	s19 =	simm.s32 $0x280;
	[sflag:s3] =	ssyncadd.s32 $0xFFFFC000  }
0x2d: {  	[tilespmem:s8], [sflag:$0x2] =	stream.indirect.gather [hbm4b:s5+s6], $0x80, s19, s6, $0xb8;
	[tilespmem:$0x8400] =	vst v63  }
0x2e: {  	_ =	swait.ge [sflag:s9], $0x4000  }
0x2f: {  	[sflag:s9] =	ssyncset.done $0x0  }
0x30: {  	s20 =	sadd.s32 $0x2C600, s26;
	[sflag:s9] =	ssyncadd.s32 $0xFFFFC000  }
0x31: {  	[hbm4b:s20+s2] =	stream.linear.scatter [tilespmem:s7], [sflag:$0x4], $0x4000, $0x38;
	[tilespmem:$0x8400] =	vst v63  }
0x32: {  	_ =	swait.ge [sflag:s11], $0x4000  }
0x33: {  	[sflag:s11] =	ssyncset.done $0x0  }
0x34: {  	s21 =	simm.s32 $0x300;
	[sflag:s11] =	ssyncadd.s32 $0xFFFFC000  }
0x35: {  	[tilespmem:s7], [sflag:$0x1] =	stream.indirect.gather [hbm4b:s5+s6], $0x80, s21, s6, $0xb8;
	[tilespmem:$0x8400] =	vst v63  }
0x36: {  	_ =	swait.ge [sflag:s13], $0x4000  }
0x37: {  	[sflag:s13] =	ssyncset.done $0x0  }
0x38: {  	s22 =	sadd.s32 $0x2CE00, s26;
	[sflag:s13] =	ssyncadd.s32 $0xFFFFC000  }
0x39: {  	[hbm4b:s22+s2] =	stream.linear.scatter [tilespmem:s8], [sflag:$0x3], $0x4000, $0x38;
	[tilespmem:$0x8400] =	vst v63  }
0x3a: {  	_ =	swait.ge [sflag:s3], $0x4000  }
0x3b: {  	[sflag:s3] =	ssyncset.done $0x0  }
0x3c: {  	s23 =	simm.s32 $0x380;
	[sflag:s3] =	ssyncadd.s32 $0xFFFFC000  }
0x3d: {  	[tilespmem:s8], [sflag:$0x2] =	stream.indirect.gather [hbm4b:s5+s6], $0x80, s23, s6, $0xb8;
	[tilespmem:$0x8400] =	vst v63  }
0x3e: {  	_ =	swait.ge [sflag:s9], $0x4000  }
0x3f: {  	[sflag:s9] =	ssyncset.done $0x0  }
0x40: {  	s25 =	ssub.s32 $0x2, s25;
	s24 =	sadd.s32 $0x2D600, s26;
	[sflag:s9] =	ssyncadd.s32 $0xFFFFC000  }
0x41: {  	[hbm4b:s24+s2] =	stream.linear.scatter [tilespmem:s7], [sflag:$0x4], $0x4000, $0x38;
	[tilespmem:$0x8400] =	vst v63  }
0x42: {  	s28 =	sshrl.u32 s25, $0x1;
	_ =	swait.ge [sflag:s11], $0x4000  }
0x43: {  	s25 =	ssub.s32 s25, s28;
	[sflag:s11] =	ssyncset.done $0x0  }
0x44: {  	s28 =	smax.u32 s25, $0x1;
	[sflag:s11] =	ssyncadd.s32 $0xFFFFC000  }
0x45: {  	p0 =	sne.s32 s28, $0x1;
	_ =	swait.ge [sflag:s13], $0x4000  }
.Ltmp0:
0x46: {  	[sflag:s13] =	ssyncset.done $0x0;
	(pc) =	sbr.rel @!p0 .LBB2_2-.Ltmp0, $4  }
0x47: {  	s25 =	sadd.s32 $0x2DE00, s26;
	[sflag:s13] =	ssyncadd.s32 $0xFFFFC000  }
0x48: {  	[hbm4b:s25+s2] =	stream.linear.scatter [tilespmem:s8], [sflag:$0x3], $0x4000, $0x38;
	[tilespmem:$0x8400] =	vst v63  }
0x49: {  	_ =	swait.ge [sflag:s3], $0x4000  }
0x4a: {  	s26 =	sadd.s32 $0xFFFFFFFF, s28;
	[sflag:s3] =	ssyncset.done $0x0  }
.LBB2_1:
0x4b: {  	p0 =	sne.s32 s26, $0x1;
	s26 =	sadd.s32 $0xFFFFFFFF, s26;
	[sflag:s3] =	ssyncadd.s32 $0xFFFFC000  }
0x4c: {  	[tilespmem:s2], [sflag:$0x3] =	stream.linear.gather [hbm4b:s4+s2], $0x400, $0x38;
	[tilespmem:$0x8400] =	vst v63  }
0x4d: {  	_ =	swait.ge [sflag:s3], $0x400  }
0x4e: {  	[sflag:s3] =	ssyncset.done $0x0  }
0x4f: {  	[sflag:s3] =	ssyncadd.s32 $0xFFFFFC00  }
0x50: {  	[tilespmem:s7], [sflag:$0x1] =	stream.indirect.gather [hbm4b:s5+s6], $0x80, s2, s6, $0xb8;
	[tilespmem:$0x8400] =	vst v63  }
0x51: {  	_ = 	snop  }
0x52: {  	[tilespmem:s8], [sflag:$0x2] =	stream.indirect.gather [hbm4b:s5+s6], $0x80, s6, s6, $0xb8;
	[tilespmem:$0x8400] =	vst v63  }
0x53: {  	_ =	swait.ge [sflag:s9], $0x4000  }
0x54: {  	[sflag:s9] =	ssyncset.done $0x0  }
0x55: {  	[sflag:s9] =	ssyncadd.s32 $0xFFFFC000  }
0x56: {  	[hbm4b:s10+s2] =	stream.linear.scatter [tilespmem:s7], [sflag:$0x4], $0x4000, $0x38;
	[tilespmem:$0x8400] =	vst v63  }
0x57: {  	_ =	swait.ge [sflag:s11], $0x4000  }
0x58: {  	[sflag:s11] =	ssyncset.done $0x0  }
0x59: {  	[sflag:s11] =	ssyncadd.s32 $0xFFFFC000  }
0x5a: {  	[tilespmem:s7], [sflag:$0x1] =	stream.indirect.gather [hbm4b:s5+s6], $0x80, s12, s6, $0xb8;
	[tilespmem:$0x8400] =	vst v63  }
0x5b: {  	_ =	swait.ge [sflag:s13], $0x4000  }
0x5c: {  	[sflag:s13] =	ssyncset.done $0x0  }
0x5d: {  	[sflag:s13] =	ssyncadd.s32 $0xFFFFC000  }
0x5e: {  	[hbm4b:s14+s2] =	stream.linear.scatter [tilespmem:s8], [sflag:$0x3], $0x4000, $0x38;
	[tilespmem:$0x8400] =	vst v63  }
0x5f: {  	_ =	swait.ge [sflag:s3], $0x4000  }
0x60: {  	[sflag:s3] =	ssyncset.done $0x0  }
0x61: {  	[sflag:s3] =	ssyncadd.s32 $0xFFFFC000  }
0x62: {  	[tilespmem:s8], [sflag:$0x2] =	stream.indirect.gather [hbm4b:s5+s6], $0x80, s15, s6, $0xb8;
	[tilespmem:$0x8400] =	vst v63  }
0x63: {  	_ =	swait.ge [sflag:s9], $0x4000  }
0x64: {  	[sflag:s9] =	ssyncset.done $0x0  }
0x65: {  	[sflag:s9] =	ssyncadd.s32 $0xFFFFC000  }
0x66: {  	[hbm4b:s16+s2] =	stream.linear.scatter [tilespmem:s7], [sflag:$0x4], $0x4000, $0x38;
	[tilespmem:$0x8400] =	vst v63  }
0x67: {  	_ =	swait.ge [sflag:s11], $0x4000  }
0x68: {  	[sflag:s11] =	ssyncset.done $0x0  }
0x69: {  	[sflag:s11] =	ssyncadd.s32 $0xFFFFC000  }
0x6a: {  	[tilespmem:s7], [sflag:$0x1] =	stream.indirect.gather [hbm4b:s5+s6], $0x80, s17, s6, $0xb8;
	[tilespmem:$0x8400] =	vst v63  }
0x6b: {  	_ =	swait.ge [sflag:s13], $0x4000  }
0x6c: {  	[sflag:s13] =	ssyncset.done $0x0  }
0x6d: {  	[sflag:s13] =	ssyncadd.s32 $0xFFFFC000  }
0x6e: {  	[hbm4b:s18+s2] =	stream.linear.scatter [tilespmem:s8], [sflag:$0x3], $0x4000, $0x38;
	[tilespmem:$0x8400] =	vst v63  }
0x6f: {  	_ =	swait.ge [sflag:s3], $0x4000  }
0x70: {  	[sflag:s3] =	ssyncset.done $0x0  }
0x71: {  	[sflag:s3] =	ssyncadd.s32 $0xFFFFC000  }
0x72: {  	[tilespmem:s8], [sflag:$0x2] =	stream.indirect.gather [hbm4b:s5+s6], $0x80, s19, s6, $0xb8;
	[tilespmem:$0x8400] =	vst v63  }
0x73: {  	_ =	swait.ge [sflag:s9], $0x4000  }
0x74: {  	[sflag:s9] =	ssyncset.done $0x0  }
0x75: {  	[sflag:s9] =	ssyncadd.s32 $0xFFFFC000  }
0x76: {  	[hbm4b:s20+s2] =	stream.linear.scatter [tilespmem:s7], [sflag:$0x4], $0x4000, $0x38;
	[tilespmem:$0x8400] =	vst v63  }
0x77: {  	_ =	swait.ge [sflag:s11], $0x4000  }
0x78: {  	[sflag:s11] =	ssyncset.done $0x0  }
0x79: {  	[sflag:s11] =	ssyncadd.s32 $0xFFFFC000  }
0x7a: {  	[tilespmem:s7], [sflag:$0x1] =	stream.indirect.gather [hbm4b:s5+s6], $0x80, s21, s6, $0xb8;
	[tilespmem:$0x8400] =	vst v63  }
0x7b: {  	_ =	swait.ge [sflag:s13], $0x4000  }
0x7c: {  	[sflag:s13] =	ssyncset.done $0x0  }
0x7d: {  	[sflag:s13] =	ssyncadd.s32 $0xFFFFC000  }
0x7e: {  	[hbm4b:s22+s2] =	stream.linear.scatter [tilespmem:s8], [sflag:$0x3], $0x4000, $0x38;
	[tilespmem:$0x8400] =	vst v63  }
0x7f: {  	_ =	swait.ge [sflag:s3], $0x4000  }
0x80: {  	[sflag:s3] =	ssyncset.done $0x0  }
0x81: {  	[sflag:s3] =	ssyncadd.s32 $0xFFFFC000  }
0x82: {  	[tilespmem:s8], [sflag:$0x2] =	stream.indirect.gather [hbm4b:s5+s6], $0x80, s23, s6, $0xb8;
	[tilespmem:$0x8400] =	vst v63  }
0x83: {  	_ =	swait.ge [sflag:s9], $0x4000  }
0x84: {  	[sflag:s9] =	ssyncset.done $0x0  }
0x85: {  	[sflag:s9] =	ssyncadd.s32 $0xFFFFC000  }
0x86: {  	[hbm4b:s24+s2] =	stream.linear.scatter [tilespmem:s7], [sflag:$0x4], $0x4000, $0x38;
	[tilespmem:$0x8400] =	vst v63  }
0x87: {  	_ =	swait.ge [sflag:s11], $0x4000  }
0x88: {  	[sflag:s11] =	ssyncset.done $0x0  }
0x89: {  	[sflag:s11] =	ssyncadd.s32 $0xFFFFC000  }
0x8a: {  	_ =	swait.ge [sflag:s13], $0x4000  }
.Ltmp1:
0x8b: {  	[sflag:s13] =	ssyncset.done $0x0;
	(pc) =	sbr.rel @p0 .LBB2_1-.Ltmp1, $4  }
0x8c: {  	[sflag:s13] =	ssyncadd.s32 $0xFFFFC000  }
0x8d: {  	[hbm4b:s25+s2] =	stream.linear.scatter [tilespmem:s8], [sflag:$0x3], $0x4000, $0x38;
	[tilespmem:$0x8400] =	vst v63  }
0x8e: {  	_ =	swait.ge [sflag:s3], $0x4000  }
0x8f: {  	[sflag:s3] =	ssyncset.done $0x0  }
.LBB2_2:
0x90: {  	[sflag:s3] =	ssyncadd.s32 $0xFFFFC000  }
0x91: {  	_ =	sfence.sel $0x180000  }
0x92: {  	[bflag:$0x0] =	sbarrier.arrive $0xFFFF  }
0x93: {  	p0 =	sne.s32 s0, $0x0;
	_ =	strace $0x90000050  }
0x94: {  	s0 =	sadd.s32 @!p0 $0x100000, s1;
	[bflag:$0x2] =	sbarrier.arrive $0xFFFF  }
0x95: {  	[sflag:s0] =	ssyncadd.tile.s32 @!p0 $0x1;
	_ =	shalt  }
.Lfunc_end2:
_tile_overlayer_lowered:
.L_overlay_start_2:
0x96: {  	(tag) =	ssettag $0x2  }
0x97: {  	s0 =	rddreg [dreg:$0x0];
	s2 =	stileid.u32  }
0x98: {  	s1 =	rddreg [dreg:$0x1];
	p0 =	sne.s32 s2, $0x0  }
0x99: {  	s3 =	rddreg [dreg:$0x2];
	[bflag:$0x3] =	sbarrier.arrive $0xFFFF;
	s2 =	simm.s32 @!p0 $0x1C03  }
0x9a: {  	[timem:s3], [sflag:s2] =	dma.local @!p0 [hbm:s0], s1  }
0x9b: {  	s0 =	simm.s32 @!p0 $0x3  }
0x9c: {  	_ =	swait.ge @!p0 [sflag:s0], s1  }
0x9d: {  	s1 =	ssub.s32 @!p0 $0x0, s1;
	[sflag:s0] =	ssyncset.done @!p0 $0x0  }
0x9e: {  	[sflag:s0] =	ssyncadd.s32 @!p0 s1  }
0x9f: {  	[bflag:$0x3] =	sbarrier.arrive $0xFFFF  }
0xa0: {  	_ =	shalt  }

</sc_bundles>
